<compile_context>
chip_gen: v7x
topology: tpu7x:2x2x1
jax: 0.10.2.dev20260603
libtpu: 0.0.44.dev20260713+nightly
codegen_flags: <defaults>
</compile_context>

<pallas_src>
import functools

import jax
import jax.numpy as jnp
from jax import lax
from jax.experimental import pallas as pl
from jax.experimental.pallas import tpu as pltpu
from jax.experimental.pallas import tpu_sc as plsc

N = 10000
E = 320000
D_OUT = 40

NPAD = 10240
ROWS_PER_TILE = NPAD // 16
CH = 128
NW = 32
SCH = 512
NSUP = 20
EPT = NSUP * SCH
EPAD = NW * EPT
L = N // 2
LPAD = NPAD // 2


def _vector_mesh():
    return plsc.VectorSubcoreMesh(core_axis_name="c", subcore_axis_name="s")


_SC_PARAMS = pltpu.CompilerParams(use_tc_tiling_on_sc=False)


def _sc_degree(dst_p):

    @functools.partial(
        pl.kernel,
        out_type=jax.ShapeDtypeStruct((2, NPAD), jnp.float32),
        mesh=_vector_mesh(),
        scratch_types=[
            pltpu.VMEM((NSUP, SCH), jnp.int32),
            pltpu.VMEM((SCH,), jnp.float32),
            pltpu.VMEM((ROWS_PER_TILE,), jnp.float32),
            pltpu.VMEM_SHARED((NPAD,), jnp.float32),
        ],
        compiler_params=_SC_PARAMS,
    )
    def k(dst_hbm, out_hbm, idx_v, ones_v, zbuf_v, acc):
        cid = lax.axis_index("c")
        sid = lax.axis_index("s")

        @pl.loop(0, SCH, step=16)
        def _(i):
            ones_v[pl.ds(i, 16)] = jnp.ones((16,), jnp.float32)

        @pl.loop(0, ROWS_PER_TILE, step=16)
        def _(i):
            zbuf_v[pl.ds(i, 16)] = jnp.zeros((16,), jnp.float32)

        pltpu.sync_copy(zbuf_v, acc.at[pl.ds(sid * ROWS_PER_TILE, ROWS_PER_TILE)])

        w = cid * 16 + sid
        pltpu.sync_copy(dst_hbm.at[pl.ds(w * NSUP, NSUP)], idx_v)
        plsc.subcore_barrier()

        @pl.loop(0, NSUP)
        def _(kk):
            pltpu.sync_copy(ones_v, acc.at[idx_v.at[kk]], add=True)

        plsc.subcore_barrier()
        pltpu.sync_copy(
            acc.at[pl.ds(sid * ROWS_PER_TILE, ROWS_PER_TILE)],
            out_hbm.at[cid, pl.ds(sid * ROWS_PER_TILE, ROWS_PER_TILE)],
        )

    return k(dst_p)


def _sc_aggregate(y_view, src_p, dst_p, d, idx_mul=1, idx_off=0):

    @functools.partial(
        pl.kernel,
        out_type=jax.ShapeDtypeStruct((2, NPAD, d), jnp.float32),
        mesh=_vector_mesh(),
        scratch_types=[
            pltpu.VMEM((NSUP, SCH), jnp.int32),
            pltpu.VMEM((NSUP, SCH), jnp.int32),
            pltpu.VMEM((SCH, d), jnp.float32),
            pltpu.VMEM((SCH, d), jnp.float32),
            pltpu.SemaphoreType.DMA,
            pltpu.SemaphoreType.DMA,
            pltpu.VMEM_SHARED((NPAD, d), jnp.float32),
        ],
        compiler_params=_SC_PARAMS,
    )
    def k(y_hbm, src_hbm, dst_hbm, out_hbm, srcs_v, dsts_v, bigA, bigB, sA, sB, acc):
        bufs = (bigA, bigB)
        sems = (sA, sB)
        cid = lax.axis_index("c")
        sid = lax.axis_index("s")

        @pl.loop(0, CH)
        def _(i):
            @pl.loop(0, d, step=16)
            def _(j):
                bigA[i, pl.ds(j, 16)] = jnp.zeros((16,), jnp.float32)

        row0 = sid * ROWS_PER_TILE
        for b in range(ROWS_PER_TILE // CH):
            pltpu.sync_copy(bigA.at[pl.ds(0, CH)], acc.at[pl.ds(row0 + b * CH, CH)])

        w = cid * 16 + sid
        pltpu.sync_copy(src_hbm.at[pl.ds(w * NSUP, NSUP)], srcs_v)
        pltpu.sync_copy(dst_hbm.at[pl.ds(w * NSUP, NSUP)], dsts_v)
        if idx_mul != 1 or idx_off != 0:
            @pl.loop(0, NSUP)
            def _(i):
                @pl.loop(0, SCH, step=16)
                def _(j):
                    srcs_v[i, pl.ds(j, 16)] = (
                        srcs_v[i, pl.ds(j, 16)] * idx_mul + idx_off
                    )
        plsc.subcore_barrier()

        for j in range(2):
            pltpu.sync_copy(y_hbm.at[srcs_v.at[j]], bufs[j])
            pltpu.async_copy(bufs[j], acc.at[dsts_v.at[j]], sems[j], add=True)

        @pl.loop(2, NSUP, step=2)
        def _(c):
            for j in range(2):
                pltpu.make_async_copy(bufs[j], acc.at[dsts_v.at[0]], sems[j]).wait()
                pltpu.sync_copy(y_hbm.at[srcs_v.at[c + j]], bufs[j])
                pltpu.async_copy(bufs[j], acc.at[dsts_v.at[c + j]], sems[j], add=True)

        for j in range(2):
            pltpu.make_async_copy(bufs[j], acc.at[dsts_v.at[0]], sems[j]).wait()

        plsc.subcore_barrier()
        pltpu.sync_copy(
            acc.at[pl.ds(row0, ROWS_PER_TILE)],
            out_hbm.at[cid, pl.ds(row0, ROWS_PER_TILE)],
        )

    return k(y_view, src_p, dst_p)


def _tc_mm_pair(xp, w):
    din = w.shape[0]
    dn = w.shape[1]

    def body(x_ref, w_ref, o_ref):
        xv = x_ref[...]
        ww = w_ref[...]
        hE = jnp.dot(xv[:, :din], ww, preferred_element_type=jnp.float32)
        hO = jnp.dot(xv[:, din:], ww, preferred_element_type=jnp.float32)
        o_ref[...] = jnp.concatenate([hE, hO], axis=1)

    return pl.pallas_call(
        body, out_shape=jax.ShapeDtypeStruct((xp.shape[0], 2 * dn), jnp.float32)
    )(xp, w)


def _tc_prep(hp, degl):
    w2 = hp.shape[1]

    def body(h_ref, deg_ref, dl_ref, y_ref):
        ds_ = deg_ref[0] + deg_ref[1] + 1.0
        dl = lax.rsqrt(ds_)
        dl_ref[...] = dl
        hv = h_ref[...]
        half = w2 // 2
        yE = dl[:L, 0:1] * hv[:, :half]
        yO = dl[:L, 1:2] * hv[:, half:]
        y_ref[pl.ds(0, L), :] = jnp.concatenate([yE, yO], axis=1)
        y_ref[pl.ds(L, LPAD - L), :] = jnp.zeros((LPAD - L, w2), jnp.float32)

    return pl.pallas_call(
        body,
        out_shape=[
            jax.ShapeDtypeStruct((LPAD, 2), jnp.float32),
            jax.ShapeDtypeStruct((LPAD, w2), jnp.float32),
        ],
    )(hp, degl)


def _tc_stage(zs, y, dl, b, g, be, a2, w):
    nz = len(zs)
    din = w.shape[0]
    dn = w.shape[1]

    def body(*refs):
        z_refs = refs[:nz]
        y_ref, dl_ref, b_ref, g_ref, be_ref, a_ref, w_ref, o_ref = refs[nz:]
        zsums = [zr[0] + zr[1] for zr in z_refs]
        if nz == 1:
            zE = zsums[0][:L, :64]
            zO = zsums[0][:L, 64:]
        else:
            zE = jnp.concatenate([zp[:L, :64] for zp in zsums], axis=1)
            zO = jnp.concatenate([zp[:L, 64:] for zp in zsums], axis=1)
        yv = y_ref[...]
        half = yv.shape[1] // 2
        dlv = dl_ref[...]
        dE = dlv[:L, 0:1]
        dO = dlv[:L, 1:2]
        bb = b_ref[...]
        tE = dE * (zE + yv[:L, :half]) + bb
        tO = dO * (zO + yv[:L, half:]) + bb
        m = (jnp.sum(tE, 0, keepdims=True) + jnp.sum(tO, 0, keepdims=True)) / N
        s2 = (jnp.sum(tE * tE, 0, keepdims=True)
              + jnp.sum(tO * tO, 0, keepdims=True)) / N
        rs = lax.rsqrt(s2 - m * m + 1e-5) * g_ref[...]
        bev = be_ref[...]
        av = a_ref[0, 0]
        tE = (tE - m) * rs + bev
        tO = (tO - m) * rs + bev
        tE = jnp.where(tE >= 0, tE, av * tE)
        tO = jnp.where(tO >= 0, tO, av * tO)
        ww = w_ref[...]
        hE = jnp.dot(tE, ww, preferred_element_type=jnp.float32)
        hO = jnp.dot(tO, ww, preferred_element_type=jnp.float32)
        yn = jnp.concatenate([dE * hE, dO * hO], axis=1)
        o_ref[pl.ds(0, L), :] = yn
        o_ref[pl.ds(L, LPAD - L), :] = jnp.zeros((LPAD - L, 2 * dn), jnp.float32)

    return pl.pallas_call(
        body, out_shape=jax.ShapeDtypeStruct((LPAD, 2 * dn), jnp.float32)
    )(*zs, y, dl, b, g, be, a2, w)


def _tc_final(z, y, dl, b):
    def body(z_ref, y_ref, dl_ref, b_ref, o_ref):
        zp = z_ref[0] + z_ref[1]
        yv = y_ref[...]
        dlv = dl_ref[...]
        bb = b_ref[...]
        tE = dlv[:L, 0:1] * (zp[:L, :64] + yv[:L, :64]) + bb
        tO = dlv[:L, 1:2] * (zp[:L, 64:] + yv[:L, 64:]) + bb
        tE = tE[:, :D_OUT]
        tO = tO[:, :D_OUT]
        mE = jnp.max(tE, axis=1, keepdims=True)
        mO = jnp.max(tO, axis=1, keepdims=True)
        sE = jnp.log(jnp.sum(jnp.exp(tE - mE), axis=1, keepdims=True))
        sO = jnp.log(jnp.sum(jnp.exp(tO - mO), axis=1, keepdims=True))
        o_ref[...] = jnp.concatenate([tE - mE - sE, tO - mO - sO], axis=1)

    return pl.pallas_call(
        body, out_shape=jax.ShapeDtypeStruct((L, 2 * D_OUT), jnp.float32)
    )(z, y, dl, b)


def kernel(x, edge_index, W1, b1, g1, be1, W2, b2, g2, be2, W3, b3, g3, be3, W4, b4, a):
    src = edge_index[0].astype(jnp.int32)
    dst = edge_index[1].astype(jnp.int32)
    pad_idx = N + (jnp.arange(EPAD - E, dtype=jnp.int32) % (NPAD - N))
    src_p = jnp.concatenate([src, pad_idx]).reshape(NW * NSUP, SCH)
    dst_p = jnp.concatenate([dst, pad_idx]).reshape(NW * NSUP, SCH)

    a2 = a.reshape(1, 1)
    b1r, g1r, be1r = b1.reshape(1, -1), g1.reshape(1, -1), be1.reshape(1, -1)
    b2r, g2r, be2r = b2.reshape(1, -1), g2.reshape(1, -1), be2.reshape(1, -1)
    W3p = jnp.pad(W3, ((0, 0), (0, 32)))
    b3p = jnp.pad(b3, (0, 32)).reshape(1, -1)
    g3p = jnp.pad(g3, (0, 32)).reshape(1, -1)
    be3p = jnp.pad(be3, (0, 32)).reshape(1, -1)
    W4p = jnp.pad(W4, ((0, 32), (0, 24)))
    b4p = jnp.pad(b4, (0, 24)).reshape(1, -1)

    xp = x.reshape(L, 256)
    degl = _sc_degree(dst_p).reshape(2, LPAD, 2)
    hp = _tc_mm_pair(xp, W1)
    dl, y1 = _tc_prep(hp, degl)

    y1v = y1.reshape(2 * NPAD, 64)
    z1a = _sc_aggregate(y1v, src_p, dst_p, 64, idx_mul=2, idx_off=0)
    z1b = _sc_aggregate(y1v, src_p, dst_p, 64, idx_mul=2, idx_off=1)
    zp1 = (z1a.reshape(2, LPAD, 128), z1b.reshape(2, LPAD, 128))
    y2 = _tc_stage(zp1, y1, dl, b1r, g1r, be1r, a2, W2)
    z2 = _sc_aggregate(y2.reshape(NPAD, 64), src_p, dst_p, 64)
    y3 = _tc_stage((z2.reshape(2, LPAD, 128),), y2, dl, b2r, g2r, be2r, a2, W3p)
    z3 = _sc_aggregate(y3.reshape(NPAD, 64), src_p, dst_p, 64)
    y4 = _tc_stage((z3.reshape(2, LPAD, 128),), y3, dl, b3p, g3p, be3p, a2, W4p)
    z4 = _sc_aggregate(y4.reshape(NPAD, 64), src_p, dst_p, 64)
    out = _tc_final(z4.reshape(2, LPAD, 128), y4, dl, b4p)
    return out.reshape(N, D_OUT)

# --- scband reference (transcript-rebuilt; emitter-appended) ---
"""Pipeline reference for scband-gcn-47579647705319 (READ-ONLY COPY).

The authoritative reference and input builder live on the scoring server;
editing this copy changes nothing except your own understanding.
"""

import jax, jax.numpy as jnp
import numpy as np

N = 10000
E = 320000
D_IN = 128
H = 32
D_OUT = 40


def gcn_layer(x, W, b, src, dst):
    n = x.shape[0]
    h = x @ W
    loop = jnp.arange(n)
    s = jnp.concatenate([src, loop])
    d = jnp.concatenate([dst, loop])
    deg = jnp.zeros((n,), dtype=h.dtype).at[d].add(1.0)
    dinv = jnp.where(deg > 0, jax.lax.rsqrt(deg), 0.0)
    coef = dinv[s] * dinv[d]
    msg = h[s] * coef[:, None]
    out = jnp.zeros_like(h).at[d].add(msg)
    return out + b


def batch_norm(x, g, be, eps=1e-5):
    m = jnp.mean(x, axis=0)
    v = jnp.var(x, axis=0)
    return (x - m) * jax.lax.rsqrt(v + eps) * g + be


def prelu(x, a):
    return jnp.where(x >= 0, x, a * x)


def setup_inputs(seed: int = 0):
    key = jax.random.key(seed)
    ks = jax.random.split(key, 20)
    x = jax.random.normal(ks[0], (N, D_IN), dtype=jnp.float32)
    edge_index = jax.random.randint(ks[1], (2, E), 0, N)
    W1 = jax.random.normal(ks[2], (D_IN, 4 * H), dtype=jnp.float32) * 0.05
    b1 = jnp.zeros((4 * H,), dtype=jnp.float32)
    g1 = jnp.ones((4 * H,), dtype=jnp.float32)
    be1 = jnp.zeros((4 * H,), dtype=jnp.float32)
    W2 = jax.random.normal(ks[3], (4 * H, 2 * H), dtype=jnp.float32) * 0.05
    b2 = jnp.zeros((2 * H,), dtype=jnp.float32)
    g2 = jnp.ones((2 * H,), dtype=jnp.float32)
    be2 = jnp.zeros((2 * H,), dtype=jnp.float32)
    W3 = jax.random.normal(ks[4], (2 * H, H), dtype=jnp.float32) * 0.05
    b3 = jnp.zeros((H,), dtype=jnp.float32)
    g3 = jnp.ones((H,), dtype=jnp.float32)
    be3 = jnp.zeros((H,), dtype=jnp.float32)
    W4 = jax.random.normal(ks[5], (H, D_OUT), dtype=jnp.float32) * 0.05
    b4 = jnp.zeros((D_OUT,), dtype=jnp.float32)
    a = jnp.array(0.25, dtype=jnp.float32)
    return {"x": x, "edge_index": edge_index, "W1": W1, "b1": b1, "g1": g1, "be1": be1, "W2": W2, "b2": b2, "g2": g2, "be2": be2, "W3": W3, "b3": b3, "g3": g3, "be3": be3, "W4": W4, "b4": b4, "a": a}


def reference(x, edge_index, W1, b1, g1, be1, W2, b2, g2, be2, W3, b3, g3, be3, W4, b4, a):
    src = edge_index[0]
    dst = edge_index[1]
    h = gcn_layer(x, W1, b1, src, dst)
    h = batch_norm(h, g1, be1)
    h = prelu(h, a)  # dropout is identity in eval mode
    h = gcn_layer(h, W2, b2, src, dst)
    h = batch_norm(h, g2, be2)
    h = prelu(h, a)
    h = gcn_layer(h, W3, b3, src, dst)
    h = batch_norm(h, g3, be3)
    h = prelu(h, a)
    h = gcn_layer(h, W4, b4, src, dst)
    return jax.nn.log_softmax(h, axis=1)

if __name__ == "__main__":
    import jax
    _d = setup_inputs()
    print(jax.jit(kernel)(*tuple(_d.values())))

</pallas_src>

<mosaic_0001>
#map = affine_map<(d0, d1) -> (0, 0)>
module attributes {stable_mosaic.version = 14 : i64} {
  func.func @k(%arg0: i32, %arg1: i32, %arg2: memref<640x512xi32, #tpu.memory_space<hbm>>, %arg3: memref<2x10240xf32, #tpu.memory_space<hbm>>, %arg4: memref<20x512xi32, #tpu.memory_space<vmem>>, %arg5: memref<512xf32, #tpu.memory_space<vmem>>, %arg6: memref<640xf32, #tpu.memory_space<vmem>>, %arg7: memref<10240xf32, #tpu.memory_space<vmem_shared>>) attributes {dimension_semantics = [#tpu.dimension_semantics<core_parallel>, #tpu.dimension_semantics<subcore_parallel>], iteration_bounds = array<i64: 2, 16>, scalar_prefetch = 0 : i64, scratch_operands = 4 : i64, tpu.core_type = #tpu.core_type<sc_vector_subcore>, window_params = [{transform_indices = #map}, {transform_indices = #map}]} {
    %scan3A = arith.constant 0 : i32
    %scan3A_0 = arith.constant 32 : i32
    %scan3A_1 = arith.addi %scan3A, %scan3A_0 : i32
    %scan3A_2 = arith.constant 1 : i32
    scf.for %scan3A_24 = %scan3A to %scan3A_1 step %scan3A_2  : i32 {
      %mul3A_25 = arith.constant 16 : i32
      %mul3A_26 = arith.muli %scan3A_24, %mul3A_25 : i32
      %add3A_27 = arith.constant 0 : i32
      %add3A_28 = arith.addi %add3A_27, %mul3A_26 : i32
      %broadcast_in_dim3A = arith.constant 1.000000e+00 : f32
      %broadcast_in_dim3A_29 = vector.broadcast %broadcast_in_dim3A : f32 to vector<16xf32>
      %swap3A = arith.index_cast %add3A_28 : i32 to index
      %swap3A_30 = tpu.vector_load %arg5[%swap3A] {strides = array<i32>} : memref<512xf32, #tpu.memory_space<vmem>>, vector<16xf32>,
      %swap3A_31 = vector.shape_cast %swap3A_30 : vector<16xf32> to vector<16xf32>
      %swap3A_32 = vector.shape_cast %broadcast_in_dim3A_29 : vector<16xf32> to vector<16xf32>
      tpu.vector_store %arg5[%swap3A], %swap3A_32 {strides = array<i32>} : memref<512xf32, #tpu.memory_space<vmem>>, vector<16xf32>,
    }
    %scan3A_3 = arith.constant 32 : i32
    %scan3A_4 = arith.constant 0 : i32
    %scan3A_5 = arith.constant 40 : i32
    %scan3A_6 = arith.addi %scan3A_4, %scan3A_5 : i32
    %scan3A_7 = arith.constant 1 : i32
    scf.for %scan3A_24 = %scan3A_4 to %scan3A_6 step %scan3A_7  : i32 {
      %mul3A_25 = arith.constant 16 : i32
      %mul3A_26 = arith.muli %scan3A_24, %mul3A_25 : i32
      %add3A_27 = arith.constant 0 : i32
      %add3A_28 = arith.addi %add3A_27, %mul3A_26 : i32
      %broadcast_in_dim3A = arith.constant 0.000000e+00 : f32
      %broadcast_in_dim3A_29 = vector.broadcast %broadcast_in_dim3A : f32 to vector<16xf32>
      %swap3A = arith.index_cast %add3A_28 : i32 to index
      %swap3A_30 = tpu.vector_load %arg6[%swap3A] {strides = array<i32>} : memref<640xf32, #tpu.memory_space<vmem>>, vector<16xf32>,
      %swap3A_31 = vector.shape_cast %swap3A_30 : vector<16xf32> to vector<16xf32>
      %swap3A_32 = vector.shape_cast %broadcast_in_dim3A_29 : vector<16xf32> to vector<16xf32>
      tpu.vector_store %arg6[%swap3A], %swap3A_32 {strides = array<i32>} : memref<640xf32, #tpu.memory_space<vmem>>, vector<16xf32>,
    }
    %scan3A_8 = arith.constant 40 : i32
    %mul3A = arith.constant 640 : i32
    %mul3A_9 = arith.muli %arg1, %mul3A : i32
    "tpu.region"() ({
      %run_scoped3A = tpu.sem_alloc : memref<!tpu.dma_semaphore, #tpu.memory_space<semaphore_mem>>
      %dma_start3A = tpu.memref_slice %arg7[%mul3A_9] : memref<10240xf32, #tpu.memory_space<vmem_shared>> -> memref<640xf32, #tpu.memory_space<vmem_shared>>
      %dma_start3A_24 = tpu.memref_slice %arg7[%mul3A_9] : memref<10240xf32, #tpu.memory_space<vmem_shared>> -> memref<640xf32, #tpu.memory_space<vmem_shared>>
      tpu.enqueue_dma source(%arg6 : memref<640xf32, #tpu.memory_space<vmem>>) target(%dma_start3A_24 : memref<640xf32, #tpu.memory_space<vmem_shared>>) target_semaphore(%run_scoped3A : memref<!tpu.dma_semaphore, #tpu.memory_space<semaphore_mem>>)
      %dma_wait3A = tpu.memref_slice %arg7[%mul3A_9] : memref<10240xf32, #tpu.memory_space<vmem_shared>> -> memref<640xf32, #tpu.memory_space<vmem_shared>>
      %dma_wait3A_25 = tpu.memref_slice %arg7[%mul3A_9] : memref<10240xf32, #tpu.memory_space<vmem_shared>> -> memref<640xf32, #tpu.memory_space<vmem_shared>>
      tpu.wait_dma2 semaphore(%run_scoped3A : memref<!tpu.dma_semaphore, #tpu.memory_space<semaphore_mem>>) src(%arg6 : memref<640xf32, #tpu.memory_space<vmem>>) dst(%dma_wait3A_25 : memref<640xf32, #tpu.memory_space<vmem_shared>>)
      tpu.yield
    }) : () -> ()
    %mul3A_10 = arith.constant 16 : i32
    %mul3A_11 = arith.muli %arg0, %mul3A_10 : i32
    %add3A = arith.addi %mul3A_11, %arg1 : i32
    %mul3A_12 = arith.constant 20 : i32
    %mul3A_13 = arith.muli %add3A, %mul3A_12 : i32
    "tpu.region"() ({
      %run_scoped3A = tpu.sem_alloc : memref<!tpu.dma_semaphore, #tpu.memory_space<semaphore_mem>>
      %dma_start3A = arith.constant 0 : i32
      %dma_start3A_24 = tpu.memref_slice %arg2[%mul3A_13, %dma_start3A] : memref<640x512xi32, #tpu.memory_space<hbm>> -> memref<20x512xi32, #tpu.memory_space<hbm>>
      %dma_start3A_25 = arith.constant 0 : i32
      %dma_start3A_26 = tpu.memref_slice %arg2[%mul3A_13, %dma_start3A_25] : memref<640x512xi32, #tpu.memory_space<hbm>> -> memref<20x512xi32, #tpu.memory_space<hbm>>
      tpu.enqueue_dma source(%dma_start3A_26 : memref<20x512xi32, #tpu.memory_space<hbm>>) target(%arg4 : memref<20x512xi32, #tpu.memory_space<vmem>>) target_semaphore(%run_scoped3A : memref<!tpu.dma_semaphore, #tpu.memory_space<semaphore_mem>>)
      %dma_wait3A = arith.constant 0 : i32
      %dma_wait3A_27 = tpu.memref_slice %arg2[%mul3A_13, %dma_wait3A] : memref<640x512xi32, #tpu.memory_space<hbm>> -> memref<20x512xi32, #tpu.memory_space<hbm>>
      %dma_wait3A_28 = arith.constant 0 : i32
      %dma_wait3A_29 = tpu.memref_slice %arg2[%mul3A_13, %dma_wait3A_28] : memref<640x512xi32, #tpu.memory_space<hbm>> -> memref<20x512xi32, #tpu.memory_space<hbm>>
      tpu.wait_dma2 semaphore(%run_scoped3A : memref<!tpu.dma_semaphore, #tpu.memory_space<semaphore_mem>>) src(%dma_wait3A_29 : memref<20x512xi32, #tpu.memory_space<hbm>>) dst(%arg4 : memref<20x512xi32, #tpu.memory_space<vmem>>)
      tpu.yield
    }) : () -> ()
    %barrier3A = arith.constant 0 : index
    tpu.barrier barrier_id(%barrier3A)
    %scan3A_14 = arith.constant 0 : i32
    %scan3A_15 = arith.constant 20 : i32
    %scan3A_16 = arith.addi %scan3A_14, %scan3A_15 : i32
    %scan3A_17 = arith.constant 1 : i32
    scf.for %scan3A_24 = %scan3A_14 to %scan3A_16 step %scan3A_17  : i32 {
      %mul3A_25 = arith.constant 1 : i32
      %mul3A_26 = arith.muli %scan3A_24, %mul3A_25 : i32
      %add3A_27 = arith.constant 0 : i32
      %add3A_28 = arith.addi %add3A_27, %mul3A_26 : i32
      "tpu.region"() ({
        %run_scoped3A = tpu.sem_alloc : memref<!tpu.dma_semaphore, #tpu.memory_space<semaphore_mem>>
        %dma_start3A = arith.constant 0 : i32
        %dma_start3A_29 = tpu.memref_slice %arg4[%add3A_28, %dma_start3A] : memref<20x512xi32, #tpu.memory_space<vmem>> -> memref<1x512xi32, #tpu.memory_space<vmem>>
        %dma_start3A_30 = tpu.memref_squeeze %dma_start3A_29 : memref<1x512xi32, #tpu.memory_space<vmem>> -> memref<512xi32, #tpu.memory_space<vmem>>
        %dma_start3A_31 = arith.constant 0 : i32
        %dma_start3A_32 = tpu.memref_slice %arg7[%dma_start3A_31] : memref<10240xf32, #tpu.memory_space<vmem_shared>> -> memref<10240xf32, #tpu.memory_space<vmem_shared>>
        tpu.enqueue_indirect_dma source(%arg5 : memref<512xf32, #tpu.memory_space<vmem>>) target(%dma_start3A_32 : memref<10240xf32, #tpu.memory_space<vmem_shared>>) offsets(%dma_start3A_30 : memref<512xi32, #tpu.memory_space<vmem>>) semaphore(%run_scoped3A : memref<!tpu.dma_semaphore, #tpu.memory_space<semaphore_mem>>) {add = true}
        %dma_wait3A = arith.constant 0 : i32
        %dma_wait3A_33 = tpu.memref_slice %arg4[%add3A_28, %dma_wait3A] : memref<20x512xi32, #tpu.memory_space<vmem>> -> memref<1x512xi32, #tpu.memory_space<vmem>>
        %dma_wait3A_34 = tpu.memref_squeeze %dma_wait3A_33 : memref<1x512xi32, #tpu.memory_space<vmem>> -> memref<512xi32, #tpu.memory_space<vmem>>
        %dma_wait3A_35 = arith.constant 0 : i32
        %dma_wait3A_36 = tpu.memref_slice %arg7[%dma_wait3A_35] : memref<10240xf32, #tpu.memory_space<vmem_shared>> -> memref<10240xf32, #tpu.memory_space<vmem_shared>>
        tpu.wait_indirect_dma semaphore(%run_scoped3A : memref<!tpu.dma_semaphore, #tpu.memory_space<semaphore_mem>>) src(%arg5 : memref<512xf32, #tpu.memory_space<vmem>>) dst(%dma_wait3A_36 : memref<10240xf32, #tpu.memory_space<vmem_shared>>)
        tpu.yield
      }) : () -> ()
    }
    %scan3A_18 = arith.constant 20 : i32
    %barrier3A_19 = arith.constant 0 : index
    tpu.barrier barrier_id(%barrier3A_19)
    %mul3A_20 = arith.constant 640 : i32
    %mul3A_21 = arith.muli %arg1, %mul3A_20 : i32
    %mul3A_22 = arith.constant 640 : i32
    %mul3A_23 = arith.muli %arg1, %mul3A_22 : i32
    "tpu.region"() ({
      %run_scoped3A = tpu.sem_alloc : memref<!tpu.dma_semaphore, #tpu.memory_space<semaphore_mem>>
      %dma_start3A = tpu.memref_slice %arg3[%arg0, %mul3A_23] : memref<2x10240xf32, #tpu.memory_space<hbm>> -> memref<1x640xf32, #tpu.memory_space<hbm>>
      %dma_start3A_24 = tpu.memref_squeeze %dma_start3A : memref<1x640xf32, #tpu.memory_space<hbm>> -> memref<640xf32, #tpu.memory_space<hbm>>
      %dma_start3A_25 = tpu.memref_slice %arg7[%mul3A_21] : memref<10240xf32, #tpu.memory_space<vmem_shared>> -> memref<640xf32, #tpu.memory_space<vmem_shared>>
      tpu.enqueue_dma source(%dma_start3A_25 : memref<640xf32, #tpu.memory_space<vmem_shared>>) target(%dma_start3A_24 : memref<640xf32, #tpu.memory_space<hbm>>) target_semaphore(%run_scoped3A : memref<!tpu.dma_semaphore, #tpu.memory_space<semaphore_mem>>)
      %dma_wait3A = tpu.memref_slice %arg3[%arg0, %mul3A_23] : memref<2x10240xf32, #tpu.memory_space<hbm>> -> memref<1x640xf32, #tpu.memory_space<hbm>>
      %dma_wait3A_26 = tpu.memref_squeeze %dma_wait3A : memref<1x640xf32, #tpu.memory_space<hbm>> -> memref<640xf32, #tpu.memory_space<hbm>>
      %dma_wait3A_27 = tpu.memref_slice %arg7[%mul3A_21] : memref<10240xf32, #tpu.memory_space<vmem_shared>> -> memref<640xf32, #tpu.memory_space<vmem_shared>>
      tpu.wait_dma2 semaphore(%run_scoped3A : memref<!tpu.dma_semaphore, #tpu.memory_space<semaphore_mem>>) src(%dma_wait3A_27 : memref<640xf32, #tpu.memory_space<vmem_shared>>) dst(%dma_wait3A_26 : memref<640xf32, #tpu.memory_space<hbm>>)
      tpu.yield
    }) : () -> ()
    return
  }
}

#map = affine_map<(d0, d1) -> (0, 0)>
#map1 = affine_map<(d0, d1) -> (0, 0, 0)>
module attributes {stable_mosaic.version = 14 : i64} {
  func.func @k(%arg0: i32, %arg1: i32, %arg2: memref<10240x64xf32, #tpu.memory_space<hbm>>, %arg3: memref<640x512xi32, #tpu.memory_space<hbm>>, %arg4: memref<640x512xi32, #tpu.memory_space<hbm>>, %arg5: memref<2x10240x64xf32, #tpu.memory_space<hbm>>, %arg6: memref<20x512xi32, #tpu.memory_space<vmem>>, %arg7: memref<20x512xi32, #tpu.memory_space<vmem>>, %arg8: memref<512x64xf32, #tpu.memory_space<vmem>>, %arg9: memref<512x64xf32, #tpu.memory_space<vmem>>, %arg10: memref<!tpu.dma_semaphore, #tpu.memory_space<semaphore_mem>>, %arg11: memref<!tpu.dma_semaphore, #tpu.memory_space<semaphore_mem>>, %arg12: memref<10240x64xf32, #tpu.memory_space<vmem_shared>>) attributes {dimension_semantics = [#tpu.dimension_semantics<core_parallel>, #tpu.dimension_semantics<subcore_parallel>], iteration_bounds = array<i64: 2, 16>, scalar_prefetch = 0 : i64, scratch_operands = 7 : i64, tpu.core_type = #tpu.core_type<sc_vector_subcore>, window_params = [{transform_indices = #map}, {transform_indices = #map}, {transform_indices = #map}, {transform_indices = #map1}]} {
    %scan3A = arith.constant 0 : i32
    %scan3A_0 = arith.constant 128 : i32
    %scan3A_1 = arith.addi %scan3A, %scan3A_0 : i32
    %scan3A_2 = arith.constant 1 : i32
    scf.for %scan3A_54 = %scan3A to %scan3A_1 step %scan3A_2  : i32 {
      %mul3A_55 = arith.constant 1 : i32
      %mul3A_56 = arith.muli %scan3A_54, %mul3A_55 : i32
      %add3A_57 = arith.constant 0 : i32
      %add3A_58 = arith.addi %add3A_57, %mul3A_56 : i32
      %scan3A_59 = arith.constant 0 : i32
      %scan3A_60 = arith.constant 4 : i32
      %scan3A_61 = arith.addi %scan3A_59, %scan3A_60 : i32
      %scan3A_62 = arith.constant 1 : i32
      scf.for %scan3A_64 = %scan3A_59 to %scan3A_61 step %scan3A_62  : i32 {
        %mul3A_65 = arith.constant 16 : i32
        %mul3A_66 = arith.muli %scan3A_64, %mul3A_65 : i32
        %add3A_67 = arith.constant 0 : i32
        %add3A_68 = arith.addi %add3A_67, %mul3A_66 : i32
        %broadcast_in_dim3A = arith.constant 0.000000e+00 : f32
        %broadcast_in_dim3A_69 = vector.broadcast %broadcast_in_dim3A : f32 to vector<16xf32>
        %swap3A = arith.index_cast %add3A_58 : i32 to index
        %swap3A_70 = arith.index_cast %add3A_68 : i32 to index
        %swap3A_71 = tpu.vector_load %arg8[%swap3A, %swap3A_70] {strides = array<i32>} : memref<512x64xf32, #tpu.memory_space<vmem>>, vector<1x16xf32>,
        %swap3A_72 = vector.shape_cast %swap3A_71 : vector<1x16xf32> to vector<16xf32>
        %swap3A_73 = vector.shape_cast %broadcast_in_dim3A_69 : vector<16xf32> to vector<1x16xf32>
        tpu.vector_store %arg8[%swap3A, %swap3A_70], %swap3A_73 {strides = array<i32>} : memref<512x64xf32, #tpu.memory_space<vmem>>, vector<1x16xf32>,
      }
      %scan3A_63 = arith.constant 4 : i32
    }
    %scan3A_3 = arith.constant 128 : i32
    %mul3A = arith.constant 640 : i32
    %mul3A_4 = arith.muli %arg1, %mul3A : i32
    %add3A = arith.constant 0 : i32
    %add3A_5 = arith.addi %mul3A_4, %add3A : i32
    "tpu.region"() ({
      %run_scoped3A_54 = tpu.sem_alloc : memref<!tpu.dma_semaphore, #tpu.memory_space<semaphore_mem>>
      %dma_start3A_55 = arith.constant 0 : i32
      %dma_start3A_56 = arith.constant 0 : i32
      %dma_start3A_57 = tpu.memref_slice %arg8[%dma_start3A_55, %dma_start3A_56] : memref<512x64xf32, #tpu.memory_space<vmem>> -> memref<128x64xf32, #tpu.memory_space<vmem>>
      %dma_start3A_58 = arith.constant 0 : i32
      %dma_start3A_59 = tpu.memref_slice %arg12[%add3A_5, %dma_start3A_58] : memref<10240x64xf32, #tpu.memory_space<vmem_shared>> -> memref<128x64xf32, #tpu.memory_space<vmem_shared>>
      %dma_start3A_60 = arith.constant 0 : i32
      %dma_start3A_61 = tpu.memref_slice %arg12[%add3A_5, %dma_start3A_60] : memref<10240x64xf32, #tpu.memory_space<vmem_shared>> -> memref<128x64xf32, #tpu.memory_space<vmem_shared>>
      %dma_start3A_62 = arith.constant 0 : i32
      %dma_start3A_63 = arith.constant 0 : i32
      %dma_start3A_64 = tpu.memref_slice %arg8[%dma_start3A_62, %dma_start3A_63] : memref<512x64xf32, #tpu.memory_space<vmem>> -> memref<128x64xf32, #tpu.memory_space<vmem>>
      tpu.enqueue_dma source(%dma_start3A_64 : memref<128x64xf32, #tpu.memory_space<vmem>>) target(%dma_start3A_61 : memref<128x64xf32, #tpu.memory_space<vmem_shared>>) target_semaphore(%run_scoped3A_54 : memref<!tpu.dma_semaphore, #tpu.memory_space<semaphore_mem>>)
      %dma_wait3A_65 = arith.constant 0 : i32
      %dma_wait3A_66 = arith.constant 0 : i32
      %dma_wait3A_67 = tpu.memref_slice %arg8[%dma_wait3A_65, %dma_wait3A_66] : memref<512x64xf32, #tpu.memory_space<vmem>> -> memref<128x64xf32, #tpu.memory_space<vmem>>
      %dma_wait3A_68 = arith.constant 0 : i32
      %dma_wait3A_69 = tpu.memref_slice %arg12[%add3A_5, %dma_wait3A_68] : memref<10240x64xf32, #tpu.memory_space<vmem_shared>> -> memref<128x64xf32, #tpu.memory_space<vmem_shared>>
      %dma_wait3A_70 = arith.constant 0 : i32
      %dma_wait3A_71 = tpu.memref_slice %arg12[%add3A_5, %dma_wait3A_70] : memref<10240x64xf32, #tpu.memory_space<vmem_shared>> -> memref<128x64xf32, #tpu.memory_space<vmem_shared>>
      %dma_wait3A_72 = arith.constant 0 : i32
      %dma_wait3A_73 = arith.constant 0 : i32
      %dma_wait3A_74 = tpu.memref_slice %arg8[%dma_wait3A_72, %dma_wait3A_73] : memref<512x64xf32, #tpu.memory_space<vmem>> -> memref<128x64xf32, #tpu.memory_space<vmem>>
      tpu.wait_dma2 semaphore(%run_scoped3A_54 : memref<!tpu.dma_semaphore, #tpu.memory_space<semaphore_mem>>) src(%dma_wait3A_74 : memref<128x64xf32, #tpu.memory_space<vmem>>) dst(%dma_wait3A_71 : memref<128x64xf32, #tpu.memory_space<vmem_shared>>)
      tpu.yield
    }) : () -> ()
    %add3A_6 = arith.constant 128 : i32
    %add3A_7 = arith.addi %mul3A_4, %add3A_6 : i32
    "tpu.region"() ({
      %run_scoped3A_54 = tpu.sem_alloc : memref<!tpu.dma_semaphore, #tpu.memory_space<semaphore_mem>>
      %dma_start3A_55 = arith.constant 0 : i32
      %dma_start3A_56 = arith.constant 0 : i32
      %dma_start3A_57 = tpu.memref_slice %arg8[%dma_start3A_55, %dma_start3A_56] : memref<512x64xf32, #tpu.memory_space<vmem>> -> memref<128x64xf32, #tpu.memory_space<vmem>>
      %dma_start3A_58 = arith.constant 0 : i32
      %dma_start3A_59 = tpu.memref_slice %arg12[%add3A_7, %dma_start3A_58] : memref<10240x64xf32, #tpu.memory_space<vmem_shared>> -> memref<128x64xf32, #tpu.memory_space<vmem_shared>>
      %dma_start3A_60 = arith.constant 0 : i32
      %dma_start3A_61 = tpu.memref_slice %arg12[%add3A_7, %dma_start3A_60] : memref<10240x64xf32, #tpu.memory_space<vmem_shared>> -> memref<128x64xf32, #tpu.memory_space<vmem_shared>>
      %dma_start3A_62 = arith.constant 0 : i32
      %dma_start3A_63 = arith.constant 0 : i32
      %dma_start3A_64 = tpu.memref_slice %arg8[%dma_start3A_62, %dma_start3A_63] : memref<512x64xf32, #tpu.memory_space<vmem>> -> memref<128x64xf32, #tpu.memory_space<vmem>>
      tpu.enqueue_dma source(%dma_start3A_64 : memref<128x64xf32, #tpu.memory_space<vmem>>) target(%dma_start3A_61 : memref<128x64xf32, #tpu.memory_space<vmem_shared>>) target_semaphore(%run_scoped3A_54 : memref<!tpu.dma_semaphore, #tpu.memory_space<semaphore_mem>>)
      %dma_wait3A_65 = arith.constant 0 : i32
      %dma_wait3A_66 = arith.constant 0 : i32
      %dma_wait3A_67 = tpu.memref_slice %arg8[%dma_wait3A_65, %dma_wait3A_66] : memref<512x64xf32, #tpu.memory_space<vmem>> -> memref<128x64xf32, #tpu.memory_space<vmem>>
      %dma_wait3A_68 = arith.constant 0 : i32
      %dma_wait3A_69 = tpu.memref_slice %arg12[%add3A_7, %dma_wait3A_68] : memref<10240x64xf32, #tpu.memory_space<vmem_shared>> -> memref<128x64xf32, #tpu.memory_space<vmem_shared>>
      %dma_wait3A_70 = arith.constant 0 : i32
      %dma_wait3A_71 = tpu.memref_slice %arg12[%add3A_7, %dma_wait3A_70] : memref<10240x64xf32, #tpu.memory_space<vmem_shared>> -> memref<128x64xf32, #tpu.memory_space<vmem_shared>>
      %dma_wait3A_72 = arith.constant 0 : i32
      %dma_wait3A_73 = arith.constant 0 : i32
      %dma_wait3A_74 = tpu.memref_slice %arg8[%dma_wait3A_72, %dma_wait3A_73] : memref<512x64xf32, #tpu.memory_space<vmem>> -> memref<128x64xf32, #tpu.memory_space<vmem>>
      tpu.wait_dma2 semaphore(%run_scoped3A_54 : memref<!tpu.dma_semaphore, #tpu.memory_space<semaphore_mem>>) src(%dma_wait3A_74 : memref<128x64xf32, #tpu.memory_space<vmem>>) dst(%dma_wait3A_71 : memref<128x64xf32, #tpu.memory_space<vmem_shared>>)
      tpu.yield
    }) : () -> ()
    %add3A_8 = arith.constant 256 : i32
    %add3A_9 = arith.addi %mul3A_4, %add3A_8 : i32
    "tpu.region"() ({
      %run_scoped3A_54 = tpu.sem_alloc : memref<!tpu.dma_semaphore, #tpu.memory_space<semaphore_mem>>
      %dma_start3A_55 = arith.constant 0 : i32
      %dma_start3A_56 = arith.constant 0 : i32
      %dma_start3A_57 = tpu.memref_slice %arg8[%dma_start3A_55, %dma_start3A_56] : memref<512x64xf32, #tpu.memory_space<vmem>> -> memref<128x64xf32, #tpu.memory_space<vmem>>
      %dma_start3A_58 = arith.constant 0 : i32
      %dma_start3A_59 = tpu.memref_slice %arg12[%add3A_9, %dma_start3A_58] : memref<10240x64xf32, #tpu.memory_space<vmem_shared>> -> memref<128x64xf32, #tpu.memory_space<vmem_shared>>
      %dma_start3A_60 = arith.constant 0 : i32
      %dma_start3A_61 = tpu.memref_slice %arg12[%add3A_9, %dma_start3A_60] : memref<10240x64xf32, #tpu.memory_space<vmem_shared>> -> memref<128x64xf32, #tpu.memory_space<vmem_shared>>
      %dma_start3A_62 = arith.constant 0 : i32
      %dma_start3A_63 = arith.constant 0 : i32
      %dma_start3A_64 = tpu.memref_slice %arg8[%dma_start3A_62, %dma_start3A_63] : memref<512x64xf32, #tpu.memory_space<vmem>> -> memref<128x64xf32, #tpu.memory_space<vmem>>
      tpu.enqueue_dma source(%dma_start3A_64 : memref<128x64xf32, #tpu.memory_space<vmem>>) target(%dma_start3A_61 : memref<128x64xf32, #tpu.memory_space<vmem_shared>>) target_semaphore(%run_scoped3A_54 : memref<!tpu.dma_semaphore, #tpu.memory_space<semaphore_mem>>)
      %dma_wait3A_65 = arith.constant 0 : i32
      %dma_wait3A_66 = arith.constant 0 : i32
      %dma_wait3A_67 = tpu.memref_slice %arg8[%dma_wait3A_65, %dma_wait3A_66] : memref<512x64xf32, #tpu.memory_space<vmem>> -> memref<128x64xf32, #tpu.memory_space<vmem>>
      %dma_wait3A_68 = arith.constant 0 : i32
      %dma_wait3A_69 = tpu.memref_slice %arg12[%add3A_9, %dma_wait3A_68] : memref<10240x64xf32, #tpu.memory_space<vmem_shared>> -> memref<128x64xf32, #tpu.memory_space<vmem_shared>>
      %dma_wait3A_70 = arith.constant 0 : i32
      %dma_wait3A_71 = tpu.memref_slice %arg12[%add3A_9, %dma_wait3A_70] : memref<10240x64xf32, #tpu.memory_space<vmem_shared>> -> memref<128x64xf32, #tpu.memory_space<vmem_shared>>
      %dma_wait3A_72 = arith.constant 0 : i32
      %dma_wait3A_73 = arith.constant 0 : i32
      %dma_wait3A_74 = tpu.memref_slice %arg8[%dma_wait3A_72, %dma_wait3A_73] : memref<512x64xf32, #tpu.memory_space<vmem>> -> memref<128x64xf32, #tpu.memory_space<vmem>>
      tpu.wait_dma2 semaphore(%run_scoped3A_54 : memref<!tpu.dma_semaphore, #tpu.memory_space<semaphore_mem>>) src(%dma_wait3A_74 : memref<128x64xf32, #tpu.memory_space<vmem>>) dst(%dma_wait3A_71 : memref<128x64xf32, #tpu.memory_space<vmem_shared>>)
      tpu.yield
    }) : () -> ()
    %add3A_10 = arith.constant 384 : i32
    %add3A_11 = arith.addi %mul3A_4, %add3A_10 : i32
    "tpu.region"() ({
      %run_scoped3A_54 = tpu.sem_alloc : memref<!tpu.dma_semaphore, #tpu.memory_space<semaphore_mem>>
      %dma_start3A_55 = arith.constant 0 : i32
      %dma_start3A_56 = arith.constant 0 : i32
      %dma_start3A_57 = tpu.memref_slice %arg8[%dma_start3A_55, %dma_start3A_56] : memref<512x64xf32, #tpu.memory_space<vmem>> -> memref<128x64xf32, #tpu.memory_space<vmem>>
      %dma_start3A_58 = arith.constant 0 : i32
      %dma_start3A_59 = tpu.memref_slice %arg12[%add3A_11, %dma_start3A_58] : memref<10240x64xf32, #tpu.memory_space<vmem_shared>> -> memref<128x64xf32, #tpu.memory_space<vmem_shared>>
      %dma_start3A_60 = arith.constant 0 : i32
      %dma_start3A_61 = tpu.memref_slice %arg12[%add3A_11, %dma_start3A_60] : memref<10240x64xf32, #tpu.memory_space<vmem_shared>> -> memref<128x64xf32, #tpu.memory_space<vmem_shared>>
      %dma_start3A_62 = arith.constant 0 : i32
      %dma_start3A_63 = arith.constant 0 : i32
      %dma_start3A_64 = tpu.memref_slice %arg8[%dma_start3A_62, %dma_start3A_63] : memref<512x64xf32, #tpu.memory_space<vmem>> -> memref<128x64xf32, #tpu.memory_space<vmem>>
      tpu.enqueue_dma source(%dma_start3A_64 : memref<128x64xf32, #tpu.memory_space<vmem>>) target(%dma_start3A_61 : memref<128x64xf32, #tpu.memory_space<vmem_shared>>) target_semaphore(%run_scoped3A_54 : memref<!tpu.dma_semaphore, #tpu.memory_space<semaphore_mem>>)
      %dma_wait3A_65 = arith.constant 0 : i32
      %dma_wait3A_66 = arith.constant 0 : i32
      %dma_wait3A_67 = tpu.memref_slice %arg8[%dma_wait3A_65, %dma_wait3A_66] : memref<512x64xf32, #tpu.memory_space<vmem>> -> memref<128x64xf32, #tpu.memory_space<vmem>>
      %dma_wait3A_68 = arith.constant 0 : i32
      %dma_wait3A_69 = tpu.memref_slice %arg12[%add3A_11, %dma_wait3A_68] : memref<10240x64xf32, #tpu.memory_space<vmem_shared>> -> memref<128x64xf32, #tpu.memory_space<vmem_shared>>
      %dma_wait3A_70 = arith.constant 0 : i32
      %dma_wait3A_71 = tpu.memref_slice %arg12[%add3A_11, %dma_wait3A_70] : memref<10240x64xf32, #tpu.memory_space<vmem_shared>> -> memref<128x64xf32, #tpu.memory_space<vmem_shared>>
      %dma_wait3A_72 = arith.constant 0 : i32
      %dma_wait3A_73 = arith.constant 0 : i32
      %dma_wait3A_74 = tpu.memref_slice %arg8[%dma_wait3A_72, %dma_wait3A_73] : memref<512x64xf32, #tpu.memory_space<vmem>> -> memref<128x64xf32, #tpu.memory_space<vmem>>
      tpu.wait_dma2 semaphore(%run_scoped3A_54 : memref<!tpu.dma_semaphore, #tpu.memory_space<semaphore_mem>>) src(%dma_wait3A_74 : memref<128x64xf32, #tpu.memory_space<vmem>>) dst(%dma_wait3A_71 : memref<128x64xf32, #tpu.memory_space<vmem_shared>>)
      tpu.yield
    }) : () -> ()
    %add3A_12 = arith.constant 512 : i32
    %add3A_13 = arith.addi %mul3A_4, %add3A_12 : i32
    "tpu.region"() ({
      %run_scoped3A_54 = tpu.sem_alloc : memref<!tpu.dma_semaphore, #tpu.memory_space<semaphore_mem>>
      %dma_start3A_55 = arith.constant 0 : i32
      %dma_start3A_56 = arith.constant 0 : i32
      %dma_start3A_57 = tpu.memref_slice %arg8[%dma_start3A_55, %dma_start3A_56] : memref<512x64xf32, #tpu.memory_space<vmem>> -> memref<128x64xf32, #tpu.memory_space<vmem>>
      %dma_start3A_58 = arith.constant 0 : i32
      %dma_start3A_59 = tpu.memref_slice %arg12[%add3A_13, %dma_start3A_58] : memref<10240x64xf32, #tpu.memory_space<vmem_shared>> -> memref<128x64xf32, #tpu.memory_space<vmem_shared>>
      %dma_start3A_60 = arith.constant 0 : i32
      %dma_start3A_61 = tpu.memref_slice %arg12[%add3A_13, %dma_start3A_60] : memref<10240x64xf32, #tpu.memory_space<vmem_shared>> -> memref<128x64xf32, #tpu.memory_space<vmem_shared>>
      %dma_start3A_62 = arith.constant 0 : i32
      %dma_start3A_63 = arith.constant 0 : i32
      %dma_start3A_64 = tpu.memref_slice %arg8[%dma_start3A_62, %dma_start3A_63] : memref<512x64xf32, #tpu.memory_space<vmem>> -> memref<128x64xf32, #tpu.memory_space<vmem>>
      tpu.enqueue_dma source(%dma_start3A_64 : memref<128x64xf32, #tpu.memory_space<vmem>>) target(%dma_start3A_61 : memref<128x64xf32, #tpu.memory_space<vmem_shared>>) target_semaphore(%run_scoped3A_54 : memref<!tpu.dma_semaphore, #tpu.memory_space<semaphore_mem>>)
      %dma_wait3A_65 = arith.constant 0 : i32
      %dma_wait3A_66 = arith.constant 0 : i32
      %dma_wait3A_67 = tpu.memref_slice %arg8[%dma_wait3A_65, %dma_wait3A_66] : memref<512x64xf32, #tpu.memory_space<vmem>> -> memref<128x64xf32, #tpu.memory_space<vmem>>
      %dma_wait3A_68 = arith.constant 0 : i32
      %dma_wait3A_69 = tpu.memref_slice %arg12[%add3A_13, %dma_wait3A_68] : memref<10240x64xf32, #tpu.memory_space<vmem_shared>> -> memref<128x64xf32, #tpu.memory_space<vmem_shared>>
      %dma_wait3A_70 = arith.constant 0 : i32
      %dma_wait3A_71 = tpu.memref_slice %arg12[%add3A_13, %dma_wait3A_70] : memref<10240x64xf32, #tpu.memory_space<vmem_shared>> -> memref<128x64xf32, #tpu.memory_space<vmem_shared>>
      %dma_wait3A_72 = arith.constant 0 : i32
      %dma_wait3A_73 = arith.constant 0 : i32
      %dma_wait3A_74 = tpu.memref_slice %arg8[%dma_wait3A_72, %dma_wait3A_73] : memref<512x64xf32, #tpu.memory_space<vmem>> -> memref<128x64xf32, #tpu.memory_space<vmem>>
      tpu.wait_dma2 semaphore(%run_scoped3A_54 : memref<!tpu.dma_semaphore, #tpu.memory_space<semaphore_mem>>) src(%dma_wait3A_74 : memref<128x64xf32, #tpu.memory_space<vmem>>) dst(%dma_wait3A_71 : memref<128x64xf32, #tpu.memory_space<vmem_shared>>)
      tpu.yield
    }) : () -> ()
    %mul3A_14 = arith.constant 16 : i32
    %mul3A_15 = arith.muli %arg0, %mul3A_14 : i32
    %add3A_16 = arith.addi %mul3A_15, %arg1 : i32
    %mul3A_17 = arith.constant 20 : i32
    %mul3A_18 = arith.muli %add3A_16, %mul3A_17 : i32
    "tpu.region"() ({
      %run_scoped3A_54 = tpu.sem_alloc : memref<!tpu.dma_semaphore, #tpu.memory_space<semaphore_mem>>
      %dma_start3A_55 = arith.constant 0 : i32
      %dma_start3A_56 = tpu.memref_slice %arg3[%mul3A_18, %dma_start3A_55] : memref<640x512xi32, #tpu.memory_space<hbm>> -> memref<20x512xi32, #tpu.memory_space<hbm>>
      %dma_start3A_57 = arith.constant 0 : i32
      %dma_start3A_58 = tpu.memref_slice %arg3[%mul3A_18, %dma_start3A_57] : memref<640x512xi32, #tpu.memory_space<hbm>> -> memref<20x512xi32, #tpu.memory_space<hbm>>
      tpu.enqueue_dma source(%dma_start3A_58 : memref<20x512xi32, #tpu.memory_space<hbm>>) target(%arg6 : memref<20x512xi32, #tpu.memory_space<vmem>>) target_semaphore(%run_scoped3A_54 : memref<!tpu.dma_semaphore, #tpu.memory_space<semaphore_mem>>)
      %dma_wait3A_59 = arith.constant 0 : i32
      %dma_wait3A_60 = tpu.memref_slice %arg3[%mul3A_18, %dma_wait3A_59] : memref<640x512xi32, #tpu.memory_space<hbm>> -> memref<20x512xi32, #tpu.memory_space<hbm>>
      %dma_wait3A_61 = arith.constant 0 : i32
      %dma_wait3A_62 = tpu.memref_slice %arg3[%mul3A_18, %dma_wait3A_61] : memref<640x512xi32, #tpu.memory_space<hbm>> -> memref<20x512xi32, #tpu.memory_space<hbm>>
      tpu.wait_dma2 semaphore(%run_scoped3A_54 : memref<!tpu.dma_semaphore, #tpu.memory_space<semaphore_mem>>) src(%dma_wait3A_62 : memref<20x512xi32, #tpu.memory_space<hbm>>) dst(%arg6 : memref<20x512xi32, #tpu.memory_space<vmem>>)
      tpu.yield
    }) : () -> ()
    %mul3A_19 = arith.constant 20 : i32
    %mul3A_20 = arith.muli %add3A_16, %mul3A_19 : i32
    "tpu.region"() ({
      %run_scoped3A_54 = tpu.sem_alloc : memref<!tpu.dma_semaphore, #tpu.memory_space<semaphore_mem>>
      %dma_start3A_55 = arith.constant 0 : i32
      %dma_start3A_56 = tpu.memref_slice %arg4[%mul3A_20, %dma_start3A_55] : memref<640x512xi32, #tpu.memory_space<hbm>> -> memref<20x512xi32, #tpu.memory_space<hbm>>
      %dma_start3A_57 = arith.constant 0 : i32
      %dma_start3A_58 = tpu.memref_slice %arg4[%mul3A_20, %dma_start3A_57] : memref<640x512xi32, #tpu.memory_space<hbm>> -> memref<20x512xi32, #tpu.memory_space<hbm>>
      tpu.enqueue_dma source(%dma_start3A_58 : memref<20x512xi32, #tpu.memory_space<hbm>>) target(%arg7 : memref<20x512xi32, #tpu.memory_space<vmem>>) target_semaphore(%run_scoped3A_54 : memref<!tpu.dma_semaphore, #tpu.memory_space<semaphore_mem>>)
      %dma_wait3A_59 = arith.constant 0 : i32
      %dma_wait3A_60 = tpu.memref_slice %arg4[%mul3A_20, %dma_wait3A_59] : memref<640x512xi32, #tpu.memory_space<hbm>> -> memref<20x512xi32, #tpu.memory_space<hbm>>
      %dma_wait3A_61 = arith.constant 0 : i32
      %dma_wait3A_62 = tpu.memref_slice %arg4[%mul3A_20, %dma_wait3A_61] : memref<640x512xi32, #tpu.memory_space<hbm>> -> memref<20x512xi32, #tpu.memory_space<hbm>>
      tpu.wait_dma2 semaphore(%run_scoped3A_54 : memref<!tpu.dma_semaphore, #tpu.memory_space<semaphore_mem>>) src(%dma_wait3A_62 : memref<20x512xi32, #tpu.memory_space<hbm>>) dst(%arg7 : memref<20x512xi32, #tpu.memory_space<vmem>>)
      tpu.yield
    }) : () -> ()
    %barrier3A = arith.constant 0 : index
    tpu.barrier barrier_id(%barrier3A)
    %run_scoped3A = arith.constant 0 : i32
    "tpu.region"() ({
      %run_scoped3A_54 = tpu.sem_alloc : memref<!tpu.dma_semaphore, #tpu.memory_space<semaphore_mem>>
      %dma_start3A_55 = arith.constant 0 : i32
      %dma_start3A_56 = tpu.memref_slice %arg6[%run_scoped3A, %dma_start3A_55] : memref<20x512xi32, #tpu.memory_space<vmem>> -> memref<1x512xi32, #tpu.memory_space<vmem>>
      %dma_start3A_57 = tpu.memref_squeeze %dma_start3A_56 : memref<1x512xi32, #tpu.memory_space<vmem>> -> memref<512xi32, #tpu.memory_space<vmem>>
      %dma_start3A_58 = arith.constant 0 : i32
      %dma_start3A_59 = arith.constant 0 : i32
      %dma_start3A_60 = tpu.memref_slice %arg2[%dma_start3A_58, %dma_start3A_59] : memref<10240x64xf32, #tpu.memory_space<hbm>> -> memref<10240x64xf32, #tpu.memory_space<hbm>>
      tpu.enqueue_indirect_dma source(%dma_start3A_60 : memref<10240x64xf32, #tpu.memory_space<hbm>>) target(%arg8 : memref<512x64xf32, #tpu.memory_space<vmem>>) offsets(%dma_start3A_57 : memref<512xi32, #tpu.memory_space<vmem>>) semaphore(%run_scoped3A_54 : memref<!tpu.dma_semaphore, #tpu.memory_space<semaphore_mem>>)
      %dma_wait3A_61 = arith.constant 0 : i32
      %dma_wait3A_62 = tpu.memref_slice %arg6[%run_scoped3A, %dma_wait3A_61] : memref<20x512xi32, #tpu.memory_space<vmem>> -> memref<1x512xi32, #tpu.memory_space<vmem>>
      %dma_wait3A_63 = tpu.memref_squeeze %dma_wait3A_62 : memref<1x512xi32, #tpu.memory_space<vmem>> -> memref<512xi32, #tpu.memory_space<vmem>>
      %dma_wait3A_64 = arith.constant 0 : i32
      %dma_wait3A_65 = arith.constant 0 : i32
      %dma_wait3A_66 = tpu.memref_slice %arg2[%dma_wait3A_64, %dma_wait3A_65] : memref<10240x64xf32, #tpu.memory_space<hbm>> -> memref<10240x64xf32, #tpu.memory_space<hbm>>
      tpu.wait_indirect_dma semaphore(%run_scoped3A_54 : memref<!tpu.dma_semaphore, #tpu.memory_space<semaphore_mem>>) src(%dma_wait3A_66 : memref<10240x64xf32, #tpu.memory_space<hbm>>) dst(%arg8 : memref<512x64xf32, #tpu.memory_space<vmem>>)
      tpu.yield
    }) : () -> ()
    %dma_start3A = arith.constant 0 : i32
    %dma_start3A_21 = arith.constant 0 : i32
    %dma_start3A_22 = tpu.memref_slice %arg7[%dma_start3A, %dma_start3A_21] : memref<20x512xi32, #tpu.memory_space<vmem>> -> memref<1x512xi32, #tpu.memory_space<vmem>>
    %dma_start3A_23 = tpu.memref_squeeze %dma_start3A_22 : memref<1x512xi32, #tpu.memory_space<vmem>> -> memref<512xi32, #tpu.memory_space<vmem>>
    %dma_start3A_24 = arith.constant 0 : i32
    %dma_start3A_25 = arith.constant 0 : i32
    %dma_start3A_26 = tpu.memref_slice %arg12[%dma_start3A_24, %dma_start3A_25] : memref<10240x64xf32, #tpu.memory_space<vmem_shared>> -> memref<10240x64xf32, #tpu.memory_space<vmem_shared>>
    tpu.enqueue_indirect_dma source(%arg8 : memref<512x64xf32, #tpu.memory_space<vmem>>) target(%dma_start3A_26 : memref<10240x64xf32, #tpu.memory_space<vmem_shared>>) offsets(%dma_start3A_23 : memref<512xi32, #tpu.memory_space<vmem>>) semaphore(%arg10 : memref<!tpu.dma_semaphore, #tpu.memory_space<semaphore_mem>>) {add = true}
    %run_scoped3A_27 = arith.constant 1 : i32
    "tpu.region"() ({
      %run_scoped3A_54 = tpu.sem_alloc : memref<!tpu.dma_semaphore, #tpu.memory_space<semaphore_mem>>
      %dma_start3A_55 = arith.constant 0 : i32
      %dma_start3A_56 = tpu.memref_slice %arg6[%run_scoped3A_27, %dma_start3A_55] : memref<20x512xi32, #tpu.memory_space<vmem>> -> memref<1x512xi32, #tpu.memory_space<vmem>>
      %dma_start3A_57 = tpu.memref_squeeze %dma_start3A_56 : memref<1x512xi32, #tpu.memory_space<vmem>> -> memref<512xi32, #tpu.memory_space<vmem>>
      %dma_start3A_58 = arith.constant 0 : i32
      %dma_start3A_59 = arith.constant 0 : i32
      %dma_start3A_60 = tpu.memref_slice %arg2[%dma_start3A_58, %dma_start3A_59] : memref<10240x64xf32, #tpu.memory_space<hbm>> -> memref<10240x64xf32, #tpu.memory_space<hbm>>
      tpu.enqueue_indirect_dma source(%dma_start3A_60 : memref<10240x64xf32, #tpu.memory_space<hbm>>) target(%arg9 : memref<512x64xf32, #tpu.memory_space<vmem>>) offsets(%dma_start3A_57 : memref<512xi32, #tpu.memory_space<vmem>>) semaphore(%run_scoped3A_54 : memref<!tpu.dma_semaphore, #tpu.memory_space<semaphore_mem>>)
      %dma_wait3A_61 = arith.constant 0 : i32
      %dma_wait3A_62 = tpu.memref_slice %arg6[%run_scoped3A_27, %dma_wait3A_61] : memref<20x512xi32, #tpu.memory_space<vmem>> -> memref<1x512xi32, #tpu.memory_space<vmem>>
      %dma_wait3A_63 = tpu.memref_squeeze %dma_wait3A_62 : memref<1x512xi32, #tpu.memory_space<vmem>> -> memref<512xi32, #tpu.memory_space<vmem>>
      %dma_wait3A_64 = arith.constant 0 : i32
      %dma_wait3A_65 = arith.constant 0 : i32
      %dma_wait3A_66 = tpu.memref_slice %arg2[%dma_wait3A_64, %dma_wait3A_65] : memref<10240x64xf32, #tpu.memory_space<hbm>> -> memref<10240x64xf32, #tpu.memory_space<hbm>>
      tpu.wait_indirect_dma semaphore(%run_scoped3A_54 : memref<!tpu.dma_semaphore, #tpu.memory_space<semaphore_mem>>) src(%dma_wait3A_66 : memref<10240x64xf32, #tpu.memory_space<hbm>>) dst(%arg9 : memref<512x64xf32, #tpu.memory_space<vmem>>)
      tpu.yield
    }) : () -> ()
    %dma_start3A_28 = arith.constant 1 : i32
    %dma_start3A_29 = arith.constant 0 : i32
    %dma_start3A_30 = tpu.memref_slice %arg7[%dma_start3A_28, %dma_start3A_29] : memref<20x512xi32, #tpu.memory_space<vmem>> -> memref<1x512xi32, #tpu.memory_space<vmem>>
    %dma_start3A_31 = tpu.memref_squeeze %dma_start3A_30 : memref<1x512xi32, #tpu.memory_space<vmem>> -> memref<512xi32, #tpu.memory_space<vmem>>
    %dma_start3A_32 = arith.constant 0 : i32
    %dma_start3A_33 = arith.constant 0 : i32
    %dma_start3A_34 = tpu.memref_slice %arg12[%dma_start3A_32, %dma_start3A_33] : memref<10240x64xf32, #tpu.memory_space<vmem_shared>> -> memref<10240x64xf32, #tpu.memory_space<vmem_shared>>
    tpu.enqueue_indirect_dma source(%arg9 : memref<512x64xf32, #tpu.memory_space<vmem>>) target(%dma_start3A_34 : memref<10240x64xf32, #tpu.memory_space<vmem_shared>>) offsets(%dma_start3A_31 : memref<512xi32, #tpu.memory_space<vmem>>) semaphore(%arg11 : memref<!tpu.dma_semaphore, #tpu.memory_space<semaphore_mem>>) {add = true}
    %scan3A_35 = arith.constant 0 : i32
    %scan3A_36 = arith.constant 9 : i32
    %scan3A_37 = arith.addi %scan3A_35, %scan3A_36 : i32
    %scan3A_38 = arith.constant 1 : i32
    scf.for %scan3A_54 = %scan3A_35 to %scan3A_37 step %scan3A_38  : i32 {
      %mul3A_55 = arith.constant 2 : i32
      %mul3A_56 = arith.muli %scan3A_54, %mul3A_55 : i32
      %add3A_57 = arith.constant 2 : i32
      %add3A_58 = arith.addi %add3A_57, %mul3A_56 : i32
      %dma_wait3A_59 = arith.constant 0 : i32
      %dma_wait3A_60 = arith.constant 0 : i32
      %dma_wait3A_61 = tpu.memref_slice %arg7[%dma_wait3A_59, %dma_wait3A_60] : memref<20x512xi32, #tpu.memory_space<vmem>> -> memref<1x512xi32, #tpu.memory_space<vmem>>
      %dma_wait3A_62 = tpu.memref_squeeze %dma_wait3A_61 : memref<1x512xi32, #tpu.memory_space<vmem>> -> memref<512xi32, #tpu.memory_space<vmem>>
      %dma_wait3A_63 = arith.constant 0 : i32
      %dma_wait3A_64 = arith.constant 0 : i32
      %dma_wait3A_65 = tpu.memref_slice %arg12[%dma_wait3A_63, %dma_wait3A_64] : memref<10240x64xf32, #tpu.memory_space<vmem_shared>> -> memref<10240x64xf32, #tpu.memory_space<vmem_shared>>
      tpu.wait_indirect_dma semaphore(%arg10 : memref<!tpu.dma_semaphore, #tpu.memory_space<semaphore_mem>>) src(%arg8 : memref<512x64xf32, #tpu.memory_space<vmem>>) dst(%dma_wait3A_65 : memref<10240x64xf32, #tpu.memory_space<vmem_shared>>)
      %add3A_66 = arith.constant 0 : i32
      %add3A_67 = arith.addi %add3A_58, %add3A_66 : i32
      "tpu.region"() ({
        %run_scoped3A_93 = tpu.sem_alloc : memref<!tpu.dma_semaphore, #tpu.memory_space<semaphore_mem>>
        %dma_start3A_94 = arith.constant 0 : i32
        %dma_start3A_95 = tpu.memref_slice %arg6[%add3A_67, %dma_start3A_94] : memref<20x512xi32, #tpu.memory_space<vmem>> -> memref<1x512xi32, #tpu.memory_space<vmem>>
        %dma_start3A_96 = tpu.memref_squeeze %dma_start3A_95 : memref<1x512xi32, #tpu.memory_space<vmem>> -> memref<512xi32, #tpu.memory_space<vmem>>
        %dma_start3A_97 = arith.constant 0 : i32
        %dma_start3A_98 = arith.constant 0 : i32
        %dma_start3A_99 = tpu.memref_slice %arg2[%dma_start3A_97, %dma_start3A_98] : memref<10240x64xf32, #tpu.memory_space<hbm>> -> memref<10240x64xf32, #tpu.memory_space<hbm>>
        tpu.enqueue_indirect_dma source(%dma_start3A_99 : memref<10240x64xf32, #tpu.memory_space<hbm>>) target(%arg8 : memref<512x64xf32, #tpu.memory_space<vmem>>) offsets(%dma_start3A_96 : memref<512xi32, #tpu.memory_space<vmem>>) semaphore(%run_scoped3A_93 : memref<!tpu.dma_semaphore, #tpu.memory_space<semaphore_mem>>)
        %dma_wait3A_100 = arith.constant 0 : i32
        %dma_wait3A_101 = tpu.memref_slice %arg6[%add3A_67, %dma_wait3A_100] : memref<20x512xi32, #tpu.memory_space<vmem>> -> memref<1x512xi32, #tpu.memory_space<vmem>>
        %dma_wait3A_102 = tpu.memref_squeeze %dma_wait3A_101 : memref<1x512xi32, #tpu.memory_space<vmem>> -> memref<512xi32, #tpu.memory_space<vmem>>
        %dma_wait3A_103 = arith.constant 0 : i32
        %dma_wait3A_104 = arith.constant 0 : i32
        %dma_wait3A_105 = tpu.memref_slice %arg2[%dma_wait3A_103, %dma_wait3A_104] : memref<10240x64xf32, #tpu.memory_space<hbm>> -> memref<10240x64xf32, #tpu.memory_space<hbm>>
        tpu.wait_indirect_dma semaphore(%run_scoped3A_93 : memref<!tpu.dma_semaphore, #tpu.memory_space<semaphore_mem>>) src(%dma_wait3A_105 : memref<10240x64xf32, #tpu.memory_space<hbm>>) dst(%arg8 : memref<512x64xf32, #tpu.memory_space<vmem>>)
        tpu.yield
      }) : () -> ()
      %add3A_68 = arith.constant 0 : i32
      %add3A_69 = arith.addi %add3A_58, %add3A_68 : i32
      %dma_start3A_70 = arith.constant 0 : i32
      %dma_start3A_71 = tpu.memref_slice %arg7[%add3A_69, %dma_start3A_70] : memref<20x512xi32, #tpu.memory_space<vmem>> -> memref<1x512xi32, #tpu.memory_space<vmem>>
      %dma_start3A_72 = tpu.memref_squeeze %dma_start3A_71 : memref<1x512xi32, #tpu.memory_space<vmem>> -> memref<512xi32, #tpu.memory_space<vmem>>
      %dma_start3A_73 = arith.constant 0 : i32
      %dma_start3A_74 = arith.constant 0 : i32
      %dma_start3A_75 = tpu.memref_slice %arg12[%dma_start3A_73, %dma_start3A_74] : memref<10240x64xf32, #tpu.memory_space<vmem_shared>> -> memref<10240x64xf32, #tpu.memory_space<vmem_shared>>
      tpu.enqueue_indirect_dma source(%arg8 : memref<512x64xf32, #tpu.memory_space<vmem>>) target(%dma_start3A_75 : memref<10240x64xf32, #tpu.memory_space<vmem_shared>>) offsets(%dma_start3A_72 : memref<512xi32, #tpu.memory_space<vmem>>) semaphore(%arg10 : memref<!tpu.dma_semaphore, #tpu.memory_space<semaphore_mem>>) {add = true}
      %dma_wait3A_76 = arith.constant 0 : i32
      %dma_wait3A_77 = arith.constant 0 : i32
      %dma_wait3A_78 = tpu.memref_slice %arg7[%dma_wait3A_76, %dma_wait3A_77] : memref<20x512xi32, #tpu.memory_space<vmem>> -> memref<1x512xi32, #tpu.memory_space<vmem>>
      %dma_wait3A_79 = tpu.memref_squeeze %dma_wait3A_78 : memref<1x512xi32, #tpu.memory_space<vmem>> -> memref<512xi32, #tpu.memory_space<vmem>>
      %dma_wait3A_80 = arith.constant 0 : i32
      %dma_wait3A_81 = arith.constant 0 : i32
      %dma_wait3A_82 = tpu.memref_slice %arg12[%dma_wait3A_80, %dma_wait3A_81] : memref<10240x64xf32, #tpu.memory_space<vmem_shared>> -> memref<10240x64xf32, #tpu.memory_space<vmem_shared>>
      tpu.wait_indirect_dma semaphore(%arg11 : memref<!tpu.dma_semaphore, #tpu.memory_space<semaphore_mem>>) src(%arg9 : memref<512x64xf32, #tpu.memory_space<vmem>>) dst(%dma_wait3A_82 : memref<10240x64xf32, #tpu.memory_space<vmem_shared>>)
      %add3A_83 = arith.constant 1 : i32
      %add3A_84 = arith.addi %add3A_58, %add3A_83 : i32
      "tpu.region"() ({
        %run_scoped3A_93 = tpu.sem_alloc : memref<!tpu.dma_semaphore, #tpu.memory_space<semaphore_mem>>
        %dma_start3A_94 = arith.constant 0 : i32
        %dma_start3A_95 = tpu.memref_slice %arg6[%add3A_84, %dma_start3A_94] : memref<20x512xi32, #tpu.memory_space<vmem>> -> memref<1x512xi32, #tpu.memory_space<vmem>>
        %dma_start3A_96 = tpu.memref_squeeze %dma_start3A_95 : memref<1x512xi32, #tpu.memory_space<vmem>> -> memref<512xi32, #tpu.memory_space<vmem>>
        %dma_start3A_97 = arith.constant 0 : i32
        %dma_start3A_98 = arith.constant 0 : i32
        %dma_start3A_99 = tpu.memref_slice %arg2[%dma_start3A_97, %dma_start3A_98] : memref<10240x64xf32, #tpu.memory_space<hbm>> -> memref<10240x64xf32, #tpu.memory_space<hbm>>
        tpu.enqueue_indirect_dma source(%dma_start3A_99 : memref<10240x64xf32, #tpu.memory_space<hbm>>) target(%arg9 : memref<512x64xf32, #tpu.memory_space<vmem>>) offsets(%dma_start3A_96 : memref<512xi32, #tpu.memory_space<vmem>>) semaphore(%run_scoped3A_93 : memref<!tpu.dma_semaphore, #tpu.memory_space<semaphore_mem>>)
        %dma_wait3A_100 = arith.constant 0 : i32
        %dma_wait3A_101 = tpu.memref_slice %arg6[%add3A_84, %dma_wait3A_100] : memref<20x512xi32, #tpu.memory_space<vmem>> -> memref<1x512xi32, #tpu.memory_space<vmem>>
        %dma_wait3A_102 = tpu.memref_squeeze %dma_wait3A_101 : memref<1x512xi32, #tpu.memory_space<vmem>> -> memref<512xi32, #tpu.memory_space<vmem>>
        %dma_wait3A_103 = arith.constant 0 : i32
        %dma_wait3A_104 = arith.constant 0 : i32
        %dma_wait3A_105 = tpu.memref_slice %arg2[%dma_wait3A_103, %dma_wait3A_104] : memref<10240x64xf32, #tpu.memory_space<hbm>> -> memref<10240x64xf32, #tpu.memory_space<hbm>>
        tpu.wait_indirect_dma semaphore(%run_scoped3A_93 : memref<!tpu.dma_semaphore, #tpu.memory_space<semaphore_mem>>) src(%dma_wait3A_105 : memref<10240x64xf32, #tpu.memory_space<hbm>>) dst(%arg9 : memref<512x64xf32, #tpu.memory_space<vmem>>)
        tpu.yield
      }) : () -> ()
      %add3A_85 = arith.constant 1 : i32
      %add3A_86 = arith.addi %add3A_58, %add3A_85 : i32
      %dma_start3A_87 = arith.constant 0 : i32
      %dma_start3A_88 = tpu.memref_slice %arg7[%add3A_86, %dma_start3A_87] : memref<20x512xi32, #tpu.memory_space<vmem>> -> memref<1x512xi32, #tpu.memory_space<vmem>>
      %dma_start3A_89 = tpu.memref_squeeze %dma_start3A_88 : memref<1x512xi32, #tpu.memory_space<vmem>> -> memref<512xi32, #tpu.memory_space<vmem>>
      %dma_start3A_90 = arith.constant 0 : i32
      %dma_start3A_91 = arith.constant 0 : i32
      %dma_start3A_92 = tpu.memref_slice %arg12[%dma_start3A_90, %dma_start3A_91] : memref<10240x64xf32, #tpu.memory_space<vmem_shared>> -> memref<10240x64xf32, #tpu.memory_space<vmem_shared>>
      tpu.enqueue_indirect_dma source(%arg9 : memref<512x64xf32, #tpu.memory_space<vmem>>) target(%dma_start3A_92 : memref<10240x64xf32, #tpu.memory_space<vmem_shared>>) offsets(%dma_start3A_89 : memref<512xi32, #tpu.memory_space<vmem>>) semaphore(%arg11 : memref<!tpu.dma_semaphore, #tpu.memory_space<semaphore_mem>>) {add = true}
    }
    %scan3A_39 = arith.constant 9 : i32
    %dma_wait3A = arith.constant 0 : i32
    %dma_wait3A_40 = arith.constant 0 : i32
    %dma_wait3A_41 = tpu.memref_slice %arg7[%dma_wait3A, %dma_wait3A_40] : memref<20x512xi32, #tpu.memory_space<vmem>> -> memref<1x512xi32, #tpu.memory_space<vmem>>
    %dma_wait3A_42 = tpu.memref_squeeze %dma_wait3A_41 : memref<1x512xi32, #tpu.memory_space<vmem>> -> memref<512xi32, #tpu.memory_space<vmem>>
    %dma_wait3A_43 = arith.constant 0 : i32
    %dma_wait3A_44 = arith.constant 0 : i32
    %dma_wait3A_45 = tpu.memref_slice %arg12[%dma_wait3A_43, %dma_wait3A_44] : memref<10240x64xf32, #tpu.memory_space<vmem_shared>> -> memref<10240x64xf32, #tpu.memory_space<vmem_shared>>
    tpu.wait_indirect_dma semaphore(%arg10 : memref<!tpu.dma_semaphore, #tpu.memory_space<semaphore_mem>>) src(%arg8 : memref<512x64xf32, #tpu.memory_space<vmem>>) dst(%dma_wait3A_45 : memref<10240x64xf32, #tpu.memory_space<vmem_shared>>)
    %dma_wait3A_46 = arith.constant 0 : i32
    %dma_wait3A_47 = arith.constant 0 : i32
    %dma_wait3A_48 = tpu.memref_slice %arg7[%dma_wait3A_46, %dma_wait3A_47] : memref<20x512xi32, #tpu.memory_space<vmem>> -> memref<1x512xi32, #tpu.memory_space<vmem>>
    %dma_wait3A_49 = tpu.memref_squeeze %dma_wait3A_48 : memref<1x512xi32, #tpu.memory_space<vmem>> -> memref<512xi32, #tpu.memory_space<vmem>>
    %dma_wait3A_50 = arith.constant 0 : i32
    %dma_wait3A_51 = arith.constant 0 : i32
    %dma_wait3A_52 = tpu.memref_slice %arg12[%dma_wait3A_50, %dma_wait3A_51] : memref<10240x64xf32, #tpu.memory_space<vmem_shared>> -> memref<10240x64xf32, #tpu.memory_space<vmem_shared>>
    tpu.wait_indirect_dma semaphore(%arg11 : memref<!tpu.dma_semaphore, #tpu.memory_space<semaphore_mem>>) src(%arg9 : memref<512x64xf32, #tpu.memory_space<vmem>>) dst(%dma_wait3A_52 : memref<10240x64xf32, #tpu.memory_space<vmem_shared>>)
    %barrier3A_53 = arith.constant 0 : index
    tpu.barrier barrier_id(%barrier3A_53)
    "tpu.region"() ({
      %run_scoped3A_54 = tpu.sem_alloc : memref<!tpu.dma_semaphore, #tpu.memory_space<semaphore_mem>>
      %dma_start3A_55 = arith.constant 0 : i32
      %dma_start3A_56 = tpu.memref_slice %arg5[%arg0, %mul3A_4, %dma_start3A_55] : memref<2x10240x64xf32, #tpu.memory_space<hbm>> -> memref<1x640x64xf32, #tpu.memory_space<hbm>>
      %dma_start3A_57 = tpu.memref_squeeze %dma_start3A_56 : memref<1x640x64xf32, #tpu.memory_space<hbm>> -> memref<640x64xf32, #tpu.memory_space<hbm>>
      %dma_start3A_58 = arith.constant 0 : i32
      %dma_start3A_59 = tpu.memref_slice %arg12[%mul3A_4, %dma_start3A_58] : memref<10240x64xf32, #tpu.memory_space<vmem_shared>> -> memref<640x64xf32, #tpu.memory_space<vmem_shared>>
      tpu.enqueue_dma source(%dma_start3A_59 : memref<640x64xf32, #tpu.memory_space<vmem_shared>>) target(%dma_start3A_57 : memref<640x64xf32, #tpu.memory_space<hbm>>) target_semaphore(%run_scoped3A_54 : memref<!tpu.dma_semaphore, #tpu.memory_space<semaphore_mem>>)
      %dma_wait3A_60 = arith.constant 0 : i32
      %dma_wait3A_61 = tpu.memref_slice %arg5[%arg0, %mul3A_4, %dma_wait3A_60] : memref<2x10240x64xf32, #tpu.memory_space<hbm>> -> memref<1x640x64xf32, #tpu.memory_space<hbm>>
      %dma_wait3A_62 = tpu.memref_squeeze %dma_wait3A_61 : memref<1x640x64xf32, #tpu.memory_space<hbm>> -> memref<640x64xf32, #tpu.memory_space<hbm>>
      %dma_wait3A_63 = arith.constant 0 : i32
      %dma_wait3A_64 = tpu.memref_slice %arg12[%mul3A_4, %dma_wait3A_63] : memref<10240x64xf32, #tpu.memory_space<vmem_shared>> -> memref<640x64xf32, #tpu.memory_space<vmem_shared>>
      tpu.wait_dma2 semaphore(%run_scoped3A_54 : memref<!tpu.dma_semaphore, #tpu.memory_space<semaphore_mem>>) src(%dma_wait3A_64 : memref<640x64xf32, #tpu.memory_space<vmem_shared>>) dst(%dma_wait3A_62 : memref<640x64xf32, #tpu.memory_space<hbm>>)
      tpu.yield
    }) : () -> ()
    return
  }
}

#map = affine_map<(d0, d1) -> (0, 0)>
#map1 = affine_map<(d0, d1) -> (0, 0, 0)>
module attributes {stable_mosaic.version = 14 : i64} {
  func.func @k(%arg0: i32, %arg1: i32, %arg2: memref<20480x64xf32, #tpu.memory_space<hbm>>, %arg3: memref<640x512xi32, #tpu.memory_space<hbm>>, %arg4: memref<640x512xi32, #tpu.memory_space<hbm>>, %arg5: memref<2x10240x64xf32, #tpu.memory_space<hbm>>, %arg6: memref<20x512xi32, #tpu.memory_space<vmem>>, %arg7: memref<20x512xi32, #tpu.memory_space<vmem>>, %arg8: memref<512x64xf32, #tpu.memory_space<vmem>>, %arg9: memref<512x64xf32, #tpu.memory_space<vmem>>, %arg10: memref<!tpu.dma_semaphore, #tpu.memory_space<semaphore_mem>>, %arg11: memref<!tpu.dma_semaphore, #tpu.memory_space<semaphore_mem>>, %arg12: memref<10240x64xf32, #tpu.memory_space<vmem_shared>>) attributes {dimension_semantics = [#tpu.dimension_semantics<core_parallel>, #tpu.dimension_semantics<subcore_parallel>], iteration_bounds = array<i64: 2, 16>, scalar_prefetch = 0 : i64, scratch_operands = 7 : i64, tpu.core_type = #tpu.core_type<sc_vector_subcore>, window_params = [{transform_indices = #map}, {transform_indices = #map}, {transform_indices = #map}, {transform_indices = #map1}]} {
    %scan3A = arith.constant 0 : i32
    %scan3A_0 = arith.constant 128 : i32
    %scan3A_1 = arith.addi %scan3A, %scan3A_0 : i32
    %scan3A_2 = arith.constant 1 : i32
    scf.for %scan3A_59 = %scan3A to %scan3A_1 step %scan3A_2  : i32 {
      %mul3A_60 = arith.constant 1 : i32
      %mul3A_61 = arith.muli %scan3A_59, %mul3A_60 : i32
      %add3A_62 = arith.constant 0 : i32
      %add3A_63 = arith.addi %add3A_62, %mul3A_61 : i32
      %scan3A_64 = arith.constant 0 : i32
      %scan3A_65 = arith.constant 4 : i32
      %scan3A_66 = arith.addi %scan3A_64, %scan3A_65 : i32
      %scan3A_67 = arith.constant 1 : i32
      scf.for %scan3A_69 = %scan3A_64 to %scan3A_66 step %scan3A_67  : i32 {
        %mul3A_70 = arith.constant 16 : i32
        %mul3A_71 = arith.muli %scan3A_69, %mul3A_70 : i32
        %add3A_72 = arith.constant 0 : i32
        %add3A_73 = arith.addi %add3A_72, %mul3A_71 : i32
        %broadcast_in_dim3A = arith.constant 0.000000e+00 : f32
        %broadcast_in_dim3A_74 = vector.broadcast %broadcast_in_dim3A : f32 to vector<16xf32>
        %swap3A = arith.index_cast %add3A_63 : i32 to index
        %swap3A_75 = arith.index_cast %add3A_73 : i32 to index
        %swap3A_76 = tpu.vector_load %arg8[%swap3A, %swap3A_75] {strides = array<i32>} : memref<512x64xf32, #tpu.memory_space<vmem>>, vector<1x16xf32>,
        %swap3A_77 = vector.shape_cast %swap3A_76 : vector<1x16xf32> to vector<16xf32>
        %swap3A_78 = vector.shape_cast %broadcast_in_dim3A_74 : vector<16xf32> to vector<1x16xf32>
        tpu.vector_store %arg8[%swap3A, %swap3A_75], %swap3A_78 {strides = array<i32>} : memref<512x64xf32, #tpu.memory_space<vmem>>, vector<1x16xf32>,
      }
      %scan3A_68 = arith.constant 4 : i32
    }
    %scan3A_3 = arith.constant 128 : i32
    %mul3A = arith.constant 640 : i32
    %mul3A_4 = arith.muli %arg1, %mul3A : i32
    %add3A = arith.constant 0 : i32
    %add3A_5 = arith.addi %mul3A_4, %add3A : i32
    "tpu.region"() ({
      %run_scoped3A_59 = tpu.sem_alloc : memref<!tpu.dma_semaphore, #tpu.memory_space<semaphore_mem>>
      %dma_start3A_60 = arith.constant 0 : i32
      %dma_start3A_61 = arith.constant 0 : i32
      %dma_start3A_62 = tpu.memref_slice %arg8[%dma_start3A_60, %dma_start3A_61] : memref<512x64xf32, #tpu.memory_space<vmem>> -> memref<128x64xf32, #tpu.memory_space<vmem>>
      %dma_start3A_63 = arith.constant 0 : i32
      %dma_start3A_64 = tpu.memref_slice %arg12[%add3A_5, %dma_start3A_63] : memref<10240x64xf32, #tpu.memory_space<vmem_shared>> -> memref<128x64xf32, #tpu.memory_space<vmem_shared>>
      %dma_start3A_65 = arith.constant 0 : i32
      %dma_start3A_66 = tpu.memref_slice %arg12[%add3A_5, %dma_start3A_65] : memref<10240x64xf32, #tpu.memory_space<vmem_shared>> -> memref<128x64xf32, #tpu.memory_space<vmem_shared>>
      %dma_start3A_67 = arith.constant 0 : i32
      %dma_start3A_68 = arith.constant 0 : i32
      %dma_start3A_69 = tpu.memref_slice %arg8[%dma_start3A_67, %dma_start3A_68] : memref<512x64xf32, #tpu.memory_space<vmem>> -> memref<128x64xf32, #tpu.memory_space<vmem>>
      tpu.enqueue_dma source(%dma_start3A_69 : memref<128x64xf32, #tpu.memory_space<vmem>>) target(%dma_start3A_66 : memref<128x64xf32, #tpu.memory_space<vmem_shared>>) target_semaphore(%run_scoped3A_59 : memref<!tpu.dma_semaphore, #tpu.memory_space<semaphore_mem>>)
      %dma_wait3A_70 = arith.constant 0 : i32
      %dma_wait3A_71 = arith.constant 0 : i32
      %dma_wait3A_72 = tpu.memref_slice %arg8[%dma_wait3A_70, %dma_wait3A_71] : memref<512x64xf32, #tpu.memory_space<vmem>> -> memref<128x64xf32, #tpu.memory_space<vmem>>
      %dma_wait3A_73 = arith.constant 0 : i32
      %dma_wait3A_74 = tpu.memref_slice %arg12[%add3A_5, %dma_wait3A_73] : memref<10240x64xf32, #tpu.memory_space<vmem_shared>> -> memref<128x64xf32, #tpu.memory_space<vmem_shared>>
      %dma_wait3A_75 = arith.constant 0 : i32
      %dma_wait3A_76 = tpu.memref_slice %arg12[%add3A_5, %dma_wait3A_75] : memref<10240x64xf32, #tpu.memory_space<vmem_shared>> -> memref<128x64xf32, #tpu.memory_space<vmem_shared>>
      %dma_wait3A_77 = arith.constant 0 : i32
      %dma_wait3A_78 = arith.constant 0 : i32
      %dma_wait3A_79 = tpu.memref_slice %arg8[%dma_wait3A_77, %dma_wait3A_78] : memref<512x64xf32, #tpu.memory_space<vmem>> -> memref<128x64xf32, #tpu.memory_space<vmem>>
      tpu.wait_dma2 semaphore(%run_scoped3A_59 : memref<!tpu.dma_semaphore, #tpu.memory_space<semaphore_mem>>) src(%dma_wait3A_79 : memref<128x64xf32, #tpu.memory_space<vmem>>) dst(%dma_wait3A_76 : memref<128x64xf32, #tpu.memory_space<vmem_shared>>)
      tpu.yield
    }) : () -> ()
    %add3A_6 = arith.constant 128 : i32
    %add3A_7 = arith.addi %mul3A_4, %add3A_6 : i32
    "tpu.region"() ({
      %run_scoped3A_59 = tpu.sem_alloc : memref<!tpu.dma_semaphore, #tpu.memory_space<semaphore_mem>>
      %dma_start3A_60 = arith.constant 0 : i32
      %dma_start3A_61 = arith.constant 0 : i32
      %dma_start3A_62 = tpu.memref_slice %arg8[%dma_start3A_60, %dma_start3A_61] : memref<512x64xf32, #tpu.memory_space<vmem>> -> memref<128x64xf32, #tpu.memory_space<vmem>>
      %dma_start3A_63 = arith.constant 0 : i32
      %dma_start3A_64 = tpu.memref_slice %arg12[%add3A_7, %dma_start3A_63] : memref<10240x64xf32, #tpu.memory_space<vmem_shared>> -> memref<128x64xf32, #tpu.memory_space<vmem_shared>>
      %dma_start3A_65 = arith.constant 0 : i32
      %dma_start3A_66 = tpu.memref_slice %arg12[%add3A_7, %dma_start3A_65] : memref<10240x64xf32, #tpu.memory_space<vmem_shared>> -> memref<128x64xf32, #tpu.memory_space<vmem_shared>>
      %dma_start3A_67 = arith.constant 0 : i32
      %dma_start3A_68 = arith.constant 0 : i32
      %dma_start3A_69 = tpu.memref_slice %arg8[%dma_start3A_67, %dma_start3A_68] : memref<512x64xf32, #tpu.memory_space<vmem>> -> memref<128x64xf32, #tpu.memory_space<vmem>>
      tpu.enqueue_dma source(%dma_start3A_69 : memref<128x64xf32, #tpu.memory_space<vmem>>) target(%dma_start3A_66 : memref<128x64xf32, #tpu.memory_space<vmem_shared>>) target_semaphore(%run_scoped3A_59 : memref<!tpu.dma_semaphore, #tpu.memory_space<semaphore_mem>>)
      %dma_wait3A_70 = arith.constant 0 : i32
      %dma_wait3A_71 = arith.constant 0 : i32
      %dma_wait3A_72 = tpu.memref_slice %arg8[%dma_wait3A_70, %dma_wait3A_71] : memref<512x64xf32, #tpu.memory_space<vmem>> -> memref<128x64xf32, #tpu.memory_space<vmem>>
      %dma_wait3A_73 = arith.constant 0 : i32
      %dma_wait3A_74 = tpu.memref_slice %arg12[%add3A_7, %dma_wait3A_73] : memref<10240x64xf32, #tpu.memory_space<vmem_shared>> -> memref<128x64xf32, #tpu.memory_space<vmem_shared>>
      %dma_wait3A_75 = arith.constant 0 : i32
      %dma_wait3A_76 = tpu.memref_slice %arg12[%add3A_7, %dma_wait3A_75] : memref<10240x64xf32, #tpu.memory_space<vmem_shared>> -> memref<128x64xf32, #tpu.memory_space<vmem_shared>>
      %dma_wait3A_77 = arith.constant 0 : i32
      %dma_wait3A_78 = arith.constant 0 : i32
      %dma_wait3A_79 = tpu.memref_slice %arg8[%dma_wait3A_77, %dma_wait3A_78] : memref<512x64xf32, #tpu.memory_space<vmem>> -> memref<128x64xf32, #tpu.memory_space<vmem>>
      tpu.wait_dma2 semaphore(%run_scoped3A_59 : memref<!tpu.dma_semaphore, #tpu.memory_space<semaphore_mem>>) src(%dma_wait3A_79 : memref<128x64xf32, #tpu.memory_space<vmem>>) dst(%dma_wait3A_76 : memref<128x64xf32, #tpu.memory_space<vmem_shared>>)
      tpu.yield
    }) : () -> ()
    %add3A_8 = arith.constant 256 : i32
    %add3A_9 = arith.addi %mul3A_4, %add3A_8 : i32
    "tpu.region"() ({
      %run_scoped3A_59 = tpu.sem_alloc : memref<!tpu.dma_semaphore, #tpu.memory_space<semaphore_mem>>
      %dma_start3A_60 = arith.constant 0 : i32
      %dma_start3A_61 = arith.constant 0 : i32
      %dma_start3A_62 = tpu.memref_slice %arg8[%dma_start3A_60, %dma_start3A_61] : memref<512x64xf32, #tpu.memory_space<vmem>> -> memref<128x64xf32, #tpu.memory_space<vmem>>
      %dma_start3A_63 = arith.constant 0 : i32
      %dma_start3A_64 = tpu.memref_slice %arg12[%add3A_9, %dma_start3A_63] : memref<10240x64xf32, #tpu.memory_space<vmem_shared>> -> memref<128x64xf32, #tpu.memory_space<vmem_shared>>
      %dma_start3A_65 = arith.constant 0 : i32
      %dma_start3A_66 = tpu.memref_slice %arg12[%add3A_9, %dma_start3A_65] : memref<10240x64xf32, #tpu.memory_space<vmem_shared>> -> memref<128x64xf32, #tpu.memory_space<vmem_shared>>
      %dma_start3A_67 = arith.constant 0 : i32
      %dma_start3A_68 = arith.constant 0 : i32
      %dma_start3A_69 = tpu.memref_slice %arg8[%dma_start3A_67, %dma_start3A_68] : memref<512x64xf32, #tpu.memory_space<vmem>> -> memref<128x64xf32, #tpu.memory_space<vmem>>
      tpu.enqueue_dma source(%dma_start3A_69 : memref<128x64xf32, #tpu.memory_space<vmem>>) target(%dma_start3A_66 : memref<128x64xf32, #tpu.memory_space<vmem_shared>>) target_semaphore(%run_scoped3A_59 : memref<!tpu.dma_semaphore, #tpu.memory_space<semaphore_mem>>)
      %dma_wait3A_70 = arith.constant 0 : i32
      %dma_wait3A_71 = arith.constant 0 : i32
      %dma_wait3A_72 = tpu.memref_slice %arg8[%dma_wait3A_70, %dma_wait3A_71] : memref<512x64xf32, #tpu.memory_space<vmem>> -> memref<128x64xf32, #tpu.memory_space<vmem>>
      %dma_wait3A_73 = arith.constant 0 : i32
      %dma_wait3A_74 = tpu.memref_slice %arg12[%add3A_9, %dma_wait3A_73] : memref<10240x64xf32, #tpu.memory_space<vmem_shared>> -> memref<128x64xf32, #tpu.memory_space<vmem_shared>>
      %dma_wait3A_75 = arith.constant 0 : i32
      %dma_wait3A_76 = tpu.memref_slice %arg12[%add3A_9, %dma_wait3A_75] : memref<10240x64xf32, #tpu.memory_space<vmem_shared>> -> memref<128x64xf32, #tpu.memory_space<vmem_shared>>
      %dma_wait3A_77 = arith.constant 0 : i32
      %dma_wait3A_78 = arith.constant 0 : i32
      %dma_wait3A_79 = tpu.memref_slice %arg8[%dma_wait3A_77, %dma_wait3A_78] : memref<512x64xf32, #tpu.memory_space<vmem>> -> memref<128x64xf32, #tpu.memory_space<vmem>>
      tpu.wait_dma2 semaphore(%run_scoped3A_59 : memref<!tpu.dma_semaphore, #tpu.memory_space<semaphore_mem>>) src(%dma_wait3A_79 : memref<128x64xf32, #tpu.memory_space<vmem>>) dst(%dma_wait3A_76 : memref<128x64xf32, #tpu.memory_space<vmem_shared>>)
      tpu.yield
    }) : () -> ()
    %add3A_10 = arith.constant 384 : i32
    %add3A_11 = arith.addi %mul3A_4, %add3A_10 : i32
    "tpu.region"() ({
      %run_scoped3A_59 = tpu.sem_alloc : memref<!tpu.dma_semaphore, #tpu.memory_space<semaphore_mem>>
      %dma_start3A_60 = arith.constant 0 : i32
      %dma_start3A_61 = arith.constant 0 : i32
      %dma_start3A_62 = tpu.memref_slice %arg8[%dma_start3A_60, %dma_start3A_61] : memref<512x64xf32, #tpu.memory_space<vmem>> -> memref<128x64xf32, #tpu.memory_space<vmem>>
      %dma_start3A_63 = arith.constant 0 : i32
      %dma_start3A_64 = tpu.memref_slice %arg12[%add3A_11, %dma_start3A_63] : memref<10240x64xf32, #tpu.memory_space<vmem_shared>> -> memref<128x64xf32, #tpu.memory_space<vmem_shared>>
      %dma_start3A_65 = arith.constant 0 : i32
      %dma_start3A_66 = tpu.memref_slice %arg12[%add3A_11, %dma_start3A_65] : memref<10240x64xf32, #tpu.memory_space<vmem_shared>> -> memref<128x64xf32, #tpu.memory_space<vmem_shared>>
      %dma_start3A_67 = arith.constant 0 : i32
      %dma_start3A_68 = arith.constant 0 : i32
      %dma_start3A_69 = tpu.memref_slice %arg8[%dma_start3A_67, %dma_start3A_68] : memref<512x64xf32, #tpu.memory_space<vmem>> -> memref<128x64xf32, #tpu.memory_space<vmem>>
      tpu.enqueue_dma source(%dma_start3A_69 : memref<128x64xf32, #tpu.memory_space<vmem>>) target(%dma_start3A_66 : memref<128x64xf32, #tpu.memory_space<vmem_shared>>) target_semaphore(%run_scoped3A_59 : memref<!tpu.dma_semaphore, #tpu.memory_space<semaphore_mem>>)
      %dma_wait3A_70 = arith.constant 0 : i32
      %dma_wait3A_71 = arith.constant 0 : i32
      %dma_wait3A_72 = tpu.memref_slice %arg8[%dma_wait3A_70, %dma_wait3A_71] : memref<512x64xf32, #tpu.memory_space<vmem>> -> memref<128x64xf32, #tpu.memory_space<vmem>>
      %dma_wait3A_73 = arith.constant 0 : i32
      %dma_wait3A_74 = tpu.memref_slice %arg12[%add3A_11, %dma_wait3A_73] : memref<10240x64xf32, #tpu.memory_space<vmem_shared>> -> memref<128x64xf32, #tpu.memory_space<vmem_shared>>
      %dma_wait3A_75 = arith.constant 0 : i32
      %dma_wait3A_76 = tpu.memref_slice %arg12[%add3A_11, %dma_wait3A_75] : memref<10240x64xf32, #tpu.memory_space<vmem_shared>> -> memref<128x64xf32, #tpu.memory_space<vmem_shared>>
      %dma_wait3A_77 = arith.constant 0 : i32
      %dma_wait3A_78 = arith.constant 0 : i32
      %dma_wait3A_79 = tpu.memref_slice %arg8[%dma_wait3A_77, %dma_wait3A_78] : memref<512x64xf32, #tpu.memory_space<vmem>> -> memref<128x64xf32, #tpu.memory_space<vmem>>
      tpu.wait_dma2 semaphore(%run_scoped3A_59 : memref<!tpu.dma_semaphore, #tpu.memory_space<semaphore_mem>>) src(%dma_wait3A_79 : memref<128x64xf32, #tpu.memory_space<vmem>>) dst(%dma_wait3A_76 : memref<128x64xf32, #tpu.memory_space<vmem_shared>>)
      tpu.yield
    }) : () -> ()
    %add3A_12 = arith.constant 512 : i32
    %add3A_13 = arith.addi %mul3A_4, %add3A_12 : i32
    "tpu.region"() ({
      %run_scoped3A_59 = tpu.sem_alloc : memref<!tpu.dma_semaphore, #tpu.memory_space<semaphore_mem>>
      %dma_start3A_60 = arith.constant 0 : i32
      %dma_start3A_61 = arith.constant 0 : i32
      %dma_start3A_62 = tpu.memref_slice %arg8[%dma_start3A_60, %dma_start3A_61] : memref<512x64xf32, #tpu.memory_space<vmem>> -> memref<128x64xf32, #tpu.memory_space<vmem>>
      %dma_start3A_63 = arith.constant 0 : i32
      %dma_start3A_64 = tpu.memref_slice %arg12[%add3A_13, %dma_start3A_63] : memref<10240x64xf32, #tpu.memory_space<vmem_shared>> -> memref<128x64xf32, #tpu.memory_space<vmem_shared>>
      %dma_start3A_65 = arith.constant 0 : i32
      %dma_start3A_66 = tpu.memref_slice %arg12[%add3A_13, %dma_start3A_65] : memref<10240x64xf32, #tpu.memory_space<vmem_shared>> -> memref<128x64xf32, #tpu.memory_space<vmem_shared>>
      %dma_start3A_67 = arith.constant 0 : i32
      %dma_start3A_68 = arith.constant 0 : i32
      %dma_start3A_69 = tpu.memref_slice %arg8[%dma_start3A_67, %dma_start3A_68] : memref<512x64xf32, #tpu.memory_space<vmem>> -> memref<128x64xf32, #tpu.memory_space<vmem>>
      tpu.enqueue_dma source(%dma_start3A_69 : memref<128x64xf32, #tpu.memory_space<vmem>>) target(%dma_start3A_66 : memref<128x64xf32, #tpu.memory_space<vmem_shared>>) target_semaphore(%run_scoped3A_59 : memref<!tpu.dma_semaphore, #tpu.memory_space<semaphore_mem>>)
      %dma_wait3A_70 = arith.constant 0 : i32
      %dma_wait3A_71 = arith.constant 0 : i32
      %dma_wait3A_72 = tpu.memref_slice %arg8[%dma_wait3A_70, %dma_wait3A_71] : memref<512x64xf32, #tpu.memory_space<vmem>> -> memref<128x64xf32, #tpu.memory_space<vmem>>
      %dma_wait3A_73 = arith.constant 0 : i32
      %dma_wait3A_74 = tpu.memref_slice %arg12[%add3A_13, %dma_wait3A_73] : memref<10240x64xf32, #tpu.memory_space<vmem_shared>> -> memref<128x64xf32, #tpu.memory_space<vmem_shared>>
      %dma_wait3A_75 = arith.constant 0 : i32
      %dma_wait3A_76 = tpu.memref_slice %arg12[%add3A_13, %dma_wait3A_75] : memref<10240x64xf32, #tpu.memory_space<vmem_shared>> -> memref<128x64xf32, #tpu.memory_space<vmem_shared>>
      %dma_wait3A_77 = arith.constant 0 : i32
      %dma_wait3A_78 = arith.constant 0 : i32
      %dma_wait3A_79 = tpu.memref_slice %arg8[%dma_wait3A_77, %dma_wait3A_78] : memref<512x64xf32, #tpu.memory_space<vmem>> -> memref<128x64xf32, #tpu.memory_space<vmem>>
      tpu.wait_dma2 semaphore(%run_scoped3A_59 : memref<!tpu.dma_semaphore, #tpu.memory_space<semaphore_mem>>) src(%dma_wait3A_79 : memref<128x64xf32, #tpu.memory_space<vmem>>) dst(%dma_wait3A_76 : memref<128x64xf32, #tpu.memory_space<vmem_shared>>)
      tpu.yield
    }) : () -> ()
    %mul3A_14 = arith.constant 16 : i32
    %mul3A_15 = arith.muli %arg0, %mul3A_14 : i32
    %add3A_16 = arith.addi %mul3A_15, %arg1 : i32
    %mul3A_17 = arith.constant 20 : i32
    %mul3A_18 = arith.muli %add3A_16, %mul3A_17 : i32
    "tpu.region"() ({
      %run_scoped3A_59 = tpu.sem_alloc : memref<!tpu.dma_semaphore, #tpu.memory_space<semaphore_mem>>
      %dma_start3A_60 = arith.constant 0 : i32
      %dma_start3A_61 = tpu.memref_slice %arg3[%mul3A_18, %dma_start3A_60] : memref<640x512xi32, #tpu.memory_space<hbm>> -> memref<20x512xi32, #tpu.memory_space<hbm>>
      %dma_start3A_62 = arith.constant 0 : i32
      %dma_start3A_63 = tpu.memref_slice %arg3[%mul3A_18, %dma_start3A_62] : memref<640x512xi32, #tpu.memory_space<hbm>> -> memref<20x512xi32, #tpu.memory_space<hbm>>
      tpu.enqueue_dma source(%dma_start3A_63 : memref<20x512xi32, #tpu.memory_space<hbm>>) target(%arg6 : memref<20x512xi32, #tpu.memory_space<vmem>>) target_semaphore(%run_scoped3A_59 : memref<!tpu.dma_semaphore, #tpu.memory_space<semaphore_mem>>)
      %dma_wait3A_64 = arith.constant 0 : i32
      %dma_wait3A_65 = tpu.memref_slice %arg3[%mul3A_18, %dma_wait3A_64] : memref<640x512xi32, #tpu.memory_space<hbm>> -> memref<20x512xi32, #tpu.memory_space<hbm>>
      %dma_wait3A_66 = arith.constant 0 : i32
      %dma_wait3A_67 = tpu.memref_slice %arg3[%mul3A_18, %dma_wait3A_66] : memref<640x512xi32, #tpu.memory_space<hbm>> -> memref<20x512xi32, #tpu.memory_space<hbm>>
      tpu.wait_dma2 semaphore(%run_scoped3A_59 : memref<!tpu.dma_semaphore, #tpu.memory_space<semaphore_mem>>) src(%dma_wait3A_67 : memref<20x512xi32, #tpu.memory_space<hbm>>) dst(%arg6 : memref<20x512xi32, #tpu.memory_space<vmem>>)
      tpu.yield
    }) : () -> ()
    %mul3A_19 = arith.constant 20 : i32
    %mul3A_20 = arith.muli %add3A_16, %mul3A_19 : i32
    "tpu.region"() ({
      %run_scoped3A_59 = tpu.sem_alloc : memref<!tpu.dma_semaphore, #tpu.memory_space<semaphore_mem>>
      %dma_start3A_60 = arith.constant 0 : i32
      %dma_start3A_61 = tpu.memref_slice %arg4[%mul3A_20, %dma_start3A_60] : memref<640x512xi32, #tpu.memory_space<hbm>> -> memref<20x512xi32, #tpu.memory_space<hbm>>
      %dma_start3A_62 = arith.constant 0 : i32
      %dma_start3A_63 = tpu.memref_slice %arg4[%mul3A_20, %dma_start3A_62] : memref<640x512xi32, #tpu.memory_space<hbm>> -> memref<20x512xi32, #tpu.memory_space<hbm>>
      tpu.enqueue_dma source(%dma_start3A_63 : memref<20x512xi32, #tpu.memory_space<hbm>>) target(%arg7 : memref<20x512xi32, #tpu.memory_space<vmem>>) target_semaphore(%run_scoped3A_59 : memref<!tpu.dma_semaphore, #tpu.memory_space<semaphore_mem>>)
      %dma_wait3A_64 = arith.constant 0 : i32
      %dma_wait3A_65 = tpu.memref_slice %arg4[%mul3A_20, %dma_wait3A_64] : memref<640x512xi32, #tpu.memory_space<hbm>> -> memref<20x512xi32, #tpu.memory_space<hbm>>
      %dma_wait3A_66 = arith.constant 0 : i32
      %dma_wait3A_67 = tpu.memref_slice %arg4[%mul3A_20, %dma_wait3A_66] : memref<640x512xi32, #tpu.memory_space<hbm>> -> memref<20x512xi32, #tpu.memory_space<hbm>>
      tpu.wait_dma2 semaphore(%run_scoped3A_59 : memref<!tpu.dma_semaphore, #tpu.memory_space<semaphore_mem>>) src(%dma_wait3A_67 : memref<20x512xi32, #tpu.memory_space<hbm>>) dst(%arg7 : memref<20x512xi32, #tpu.memory_space<vmem>>)
      tpu.yield
    }) : () -> ()
    %scan3A_21 = arith.constant 0 : i32
    %scan3A_22 = arith.constant 20 : i32
    %scan3A_23 = arith.addi %scan3A_21, %scan3A_22 : i32
    %scan3A_24 = arith.constant 1 : i32
    scf.for %scan3A_59 = %scan3A_21 to %scan3A_23 step %scan3A_24  : i32 {
      %mul3A_60 = arith.constant 1 : i32
      %mul3A_61 = arith.muli %scan3A_59, %mul3A_60 : i32
      %add3A_62 = arith.constant 0 : i32
      %add3A_63 = arith.addi %add3A_62, %mul3A_61 : i32
      %scan3A_64 = arith.constant 0 : i32
      %scan3A_65 = arith.constant 32 : i32
      %scan3A_66 = arith.addi %scan3A_64, %scan3A_65 : i32
      %scan3A_67 = arith.constant 1 : i32
      scf.for %scan3A_69 = %scan3A_64 to %scan3A_66 step %scan3A_67  : i32 {
        %mul3A_70 = arith.constant 16 : i32
        %mul3A_71 = arith.muli %scan3A_69, %mul3A_70 : i32
        %add3A_72 = arith.constant 0 : i32
        %add3A_73 = arith.addi %add3A_72, %mul3A_71 : i32
        %get3A = arith.index_cast %add3A_63 : i32 to index
        %get3A_74 = arith.index_cast %add3A_73 : i32 to index
        %get3A_75 = tpu.vector_load %arg6[%get3A, %get3A_74] {strides = array<i32>} : memref<20x512xi32, #tpu.memory_space<vmem>>, vector<1x16xi32>,
        %get3A_76 = vector.shape_cast %get3A_75 : vector<1x16xi32> to vector<16xi32>
        %mul3A_77 = arith.constant 2 : i32
        %mul3A_78 = vector.broadcast %mul3A_77 : i32 to vector<16xi32>
        %mul3A_79 = arith.muli %get3A_76, %mul3A_78 : vector<16xi32>
        %add3A_80 = arith.constant 1 : i32
        %add3A_81 = vector.broadcast %add3A_80 : i32 to vector<16xi32>
        %add3A_82 = arith.addi %mul3A_79, %add3A_81 : vector<16xi32>
        %swap3A = arith.index_cast %add3A_63 : i32 to index
        %swap3A_83 = arith.index_cast %add3A_73 : i32 to index
        %swap3A_84 = tpu.vector_load %arg6[%swap3A, %swap3A_83] {strides = array<i32>} : memref<20x512xi32, #tpu.memory_space<vmem>>, vector<1x16xi32>,
        %swap3A_85 = vector.shape_cast %swap3A_84 : vector<1x16xi32> to vector<16xi32>
        %swap3A_86 = vector.shape_cast %add3A_82 : vector<16xi32> to vector<1x16xi32>
        tpu.vector_store %arg6[%swap3A, %swap3A_83], %swap3A_86 {strides = array<i32>} : memref<20x512xi32, #tpu.memory_space<vmem>>, vector<1x16xi32>,
      }
      %scan3A_68 = arith.constant 32 : i32
    }
    %scan3A_25 = arith.constant 20 : i32
    %barrier3A = arith.constant 0 : index
    tpu.barrier barrier_id(%barrier3A)
    %run_scoped3A = arith.constant 0 : i32
    "tpu.region"() ({
      %run_scoped3A_59 = tpu.sem_alloc : memref<!tpu.dma_semaphore, #tpu.memory_space<semaphore_mem>>
      %dma_start3A_60 = arith.constant 0 : i32
      %dma_start3A_61 = tpu.memref_slice %arg6[%run_scoped3A, %dma_start3A_60] : memref<20x512xi32, #tpu.memory_space<vmem>> -> memref<1x512xi32, #tpu.memory_space<vmem>>
      %dma_start3A_62 = tpu.memref_squeeze %dma_start3A_61 : memref<1x512xi32, #tpu.memory_space<vmem>> -> memref<512xi32, #tpu.memory_space<vmem>>
      %dma_start3A_63 = arith.constant 0 : i32
      %dma_start3A_64 = arith.constant 0 : i32
      %dma_start3A_65 = tpu.memref_slice %arg2[%dma_start3A_63, %dma_start3A_64] : memref<20480x64xf32, #tpu.memory_space<hbm>> -> memref<20480x64xf32, #tpu.memory_space<hbm>>
      tpu.enqueue_indirect_dma source(%dma_start3A_65 : memref<20480x64xf32, #tpu.memory_space<hbm>>) target(%arg8 : memref<512x64xf32, #tpu.memory_space<vmem>>) offsets(%dma_start3A_62 : memref<512xi32, #tpu.memory_space<vmem>>) semaphore(%run_scoped3A_59 : memref<!tpu.dma_semaphore, #tpu.memory_space<semaphore_mem>>)
      %dma_wait3A_66 = arith.constant 0 : i32
      %dma_wait3A_67 = tpu.memref_slice %arg6[%run_scoped3A, %dma_wait3A_66] : memref<20x512xi32, #tpu.memory_space<vmem>> -> memref<1x512xi32, #tpu.memory_space<vmem>>
      %dma_wait3A_68 = tpu.memref_squeeze %dma_wait3A_67 : memref<1x512xi32, #tpu.memory_space<vmem>> -> memref<512xi32, #tpu.memory_space<vmem>>
      %dma_wait3A_69 = arith.constant 0 : i32
      %dma_wait3A_70 = arith.constant 0 : i32
      %dma_wait3A_71 = tpu.memref_slice %arg2[%dma_wait3A_69, %dma_wait3A_70] : memref<20480x64xf32, #tpu.memory_space<hbm>> -> memref<20480x64xf32, #tpu.memory_space<hbm>>
      tpu.wait_indirect_dma semaphore(%run_scoped3A_59 : memref<!tpu.dma_semaphore, #tpu.memory_space<semaphore_mem>>) src(%dma_wait3A_71 : memref<20480x64xf32, #tpu.memory_space<hbm>>) dst(%arg8 : memref<512x64xf32, #tpu.memory_space<vmem>>)
      tpu.yield
    }) : () -> ()
    %dma_start3A = arith.constant 0 : i32
    %dma_start3A_26 = arith.constant 0 : i32
    %dma_start3A_27 = tpu.memref_slice %arg7[%dma_start3A, %dma_start3A_26] : memref<20x512xi32, #tpu.memory_space<vmem>> -> memref<1x512xi32, #tpu.memory_space<vmem>>
    %dma_start3A_28 = tpu.memref_squeeze %dma_start3A_27 : memref<1x512xi32, #tpu.memory_space<vmem>> -> memref<512xi32, #tpu.memory_space<vmem>>
    %dma_start3A_29 = arith.constant 0 : i32
    %dma_start3A_30 = arith.constant 0 : i32
    %dma_start3A_31 = tpu.memref_slice %arg12[%dma_start3A_29, %dma_start3A_30] : memref<10240x64xf32, #tpu.memory_space<vmem_shared>> -> memref<10240x64xf32, #tpu.memory_space<vmem_shared>>
    tpu.enqueue_indirect_dma source(%arg8 : memref<512x64xf32, #tpu.memory_space<vmem>>) target(%dma_start3A_31 : memref<10240x64xf32, #tpu.memory_space<vmem_shared>>) offsets(%dma_start3A_28 : memref<512xi32, #tpu.memory_space<vmem>>) semaphore(%arg10 : memref<!tpu.dma_semaphore, #tpu.memory_space<semaphore_mem>>) {add = true}
    %run_scoped3A_32 = arith.constant 1 : i32
    "tpu.region"() ({
      %run_scoped3A_59 = tpu.sem_alloc : memref<!tpu.dma_semaphore, #tpu.memory_space<semaphore_mem>>
      %dma_start3A_60 = arith.constant 0 : i32
      %dma_start3A_61 = tpu.memref_slice %arg6[%run_scoped3A_32, %dma_start3A_60] : memref<20x512xi32, #tpu.memory_space<vmem>> -> memref<1x512xi32, #tpu.memory_space<vmem>>
      %dma_start3A_62 = tpu.memref_squeeze %dma_start3A_61 : memref<1x512xi32, #tpu.memory_space<vmem>> -> memref<512xi32, #tpu.memory_space<vmem>>
      %dma_start3A_63 = arith.constant 0 : i32
      %dma_start3A_64 = arith.constant 0 : i32
      %dma_start3A_65 = tpu.memref_slice %arg2[%dma_start3A_63, %dma_start3A_64] : memref<20480x64xf32, #tpu.memory_space<hbm>> -> memref<20480x64xf32, #tpu.memory_space<hbm>>
      tpu.enqueue_indirect_dma source(%dma_start3A_65 : memref<20480x64xf32, #tpu.memory_space<hbm>>) target(%arg9 : memref<512x64xf32, #tpu.memory_space<vmem>>) offsets(%dma_start3A_62 : memref<512xi32, #tpu.memory_space<vmem>>) semaphore(%run_scoped3A_59 : memref<!tpu.dma_semaphore, #tpu.memory_space<semaphore_mem>>)
      %dma_wait3A_66 = arith.constant 0 : i32
      %dma_wait3A_67 = tpu.memref_slice %arg6[%run_scoped3A_32, %dma_wait3A_66] : memref<20x512xi32, #tpu.memory_space<vmem>> -> memref<1x512xi32, #tpu.memory_space<vmem>>
      %dma_wait3A_68 = tpu.memref_squeeze %dma_wait3A_67 : memref<1x512xi32, #tpu.memory_space<vmem>> -> memref<512xi32, #tpu.memory_space<vmem>>
      %dma_wait3A_69 = arith.constant 0 : i32
      %dma_wait3A_70 = arith.constant 0 : i32
      %dma_wait3A_71 = tpu.memref_slice %arg2[%dma_wait3A_69, %dma_wait3A_70] : memref<20480x64xf32, #tpu.memory_space<hbm>> -> memref<20480x64xf32, #tpu.memory_space<hbm>>
      tpu.wait_indirect_dma semaphore(%run_scoped3A_59 : memref<!tpu.dma_semaphore, #tpu.memory_space<semaphore_mem>>) src(%dma_wait3A_71 : memref<20480x64xf32, #tpu.memory_space<hbm>>) dst(%arg9 : memref<512x64xf32, #tpu.memory_space<vmem>>)
      tpu.yield
    }) : () -> ()
    %dma_start3A_33 = arith.constant 1 : i32
    %dma_start3A_34 = arith.constant 0 : i32
    %dma_start3A_35 = tpu.memref_slice %arg7[%dma_start3A_33, %dma_start3A_34] : memref<20x512xi32, #tpu.memory_space<vmem>> -> memref<1x512xi32, #tpu.memory_space<vmem>>
    %dma_start3A_36 = tpu.memref_squeeze %dma_start3A_35 : memref<1x512xi32, #tpu.memory_space<vmem>> -> memref<512xi32, #tpu.memory_space<vmem>>
    %dma_start3A_37 = arith.constant 0 : i32
    %dma_start3A_38 = arith.constant 0 : i32
    %dma_start3A_39 = tpu.memref_slice %arg12[%dma_start3A_37, %dma_start3A_38] : memref<10240x64xf32, #tpu.memory_space<vmem_shared>> -> memref<10240x64xf32, #tpu.memory_space<vmem_shared>>
    tpu.enqueue_indirect_dma source(%arg9 : memref<512x64xf32, #tpu.memory_space<vmem>>) target(%dma_start3A_39 : memref<10240x64xf32, #tpu.memory_space<vmem_shared>>) offsets(%dma_start3A_36 : memref<512xi32, #tpu.memory_space<vmem>>) semaphore(%arg11 : memref<!tpu.dma_semaphore, #tpu.memory_space<semaphore_mem>>) {add = true}
    %scan3A_40 = arith.constant 0 : i32
    %scan3A_41 = arith.constant 9 : i32
    %scan3A_42 = arith.addi %scan3A_40, %scan3A_41 : i32
    %scan3A_43 = arith.constant 1 : i32
    scf.for %scan3A_59 = %scan3A_40 to %scan3A_42 step %scan3A_43  : i32 {
      %mul3A_60 = arith.constant 2 : i32
      %mul3A_61 = arith.muli %scan3A_59, %mul3A_60 : i32
      %add3A_62 = arith.constant 2 : i32
      %add3A_63 = arith.addi %add3A_62, %mul3A_61 : i32
      %dma_wait3A_64 = arith.constant 0 : i32
      %dma_wait3A_65 = arith.constant 0 : i32
      %dma_wait3A_66 = tpu.memref_slice %arg7[%dma_wait3A_64, %dma_wait3A_65] : memref<20x512xi32, #tpu.memory_space<vmem>> -> memref<1x512xi32, #tpu.memory_space<vmem>>
      %dma_wait3A_67 = tpu.memref_squeeze %dma_wait3A_66 : memref<1x512xi32, #tpu.memory_space<vmem>> -> memref<512xi32, #tpu.memory_space<vmem>>
      %dma_wait3A_68 = arith.constant 0 : i32
      %dma_wait3A_69 = arith.constant 0 : i32
      %dma_wait3A_70 = tpu.memref_slice %arg12[%dma_wait3A_68, %dma_wait3A_69] : memref<10240x64xf32, #tpu.memory_space<vmem_shared>> -> memref<10240x64xf32, #tpu.memory_space<vmem_shared>>
      tpu.wait_indirect_dma semaphore(%arg10 : memref<!tpu.dma_semaphore, #tpu.memory_space<semaphore_mem>>) src(%arg8 : memref<512x64xf32, #tpu.memory_space<vmem>>) dst(%dma_wait3A_70 : memref<10240x64xf32, #tpu.memory_space<vmem_shared>>)
      %add3A_71 = arith.constant 0 : i32
      %add3A_72 = arith.addi %add3A_63, %add3A_71 : i32
      "tpu.region"() ({
        %run_scoped3A_98 = tpu.sem_alloc : memref<!tpu.dma_semaphore, #tpu.memory_space<semaphore_mem>>
        %dma_start3A_99 = arith.constant 0 : i32
        %dma_start3A_100 = tpu.memref_slice %arg6[%add3A_72, %dma_start3A_99] : memref<20x512xi32, #tpu.memory_space<vmem>> -> memref<1x512xi32, #tpu.memory_space<vmem>>
        %dma_start3A_101 = tpu.memref_squeeze %dma_start3A_100 : memref<1x512xi32, #tpu.memory_space<vmem>> -> memref<512xi32, #tpu.memory_space<vmem>>
        %dma_start3A_102 = arith.constant 0 : i32
        %dma_start3A_103 = arith.constant 0 : i32
        %dma_start3A_104 = tpu.memref_slice %arg2[%dma_start3A_102, %dma_start3A_103] : memref<20480x64xf32, #tpu.memory_space<hbm>> -> memref<20480x64xf32, #tpu.memory_space<hbm>>
        tpu.enqueue_indirect_dma source(%dma_start3A_104 : memref<20480x64xf32, #tpu.memory_space<hbm>>) target(%arg8 : memref<512x64xf32, #tpu.memory_space<vmem>>) offsets(%dma_start3A_101 : memref<512xi32, #tpu.memory_space<vmem>>) semaphore(%run_scoped3A_98 : memref<!tpu.dma_semaphore, #tpu.memory_space<semaphore_mem>>)
        %dma_wait3A_105 = arith.constant 0 : i32
        %dma_wait3A_106 = tpu.memref_slice %arg6[%add3A_72, %dma_wait3A_105] : memref<20x512xi32, #tpu.memory_space<vmem>> -> memref<1x512xi32, #tpu.memory_space<vmem>>
        %dma_wait3A_107 = tpu.memref_squeeze %dma_wait3A_106 : memref<1x512xi32, #tpu.memory_space<vmem>> -> memref<512xi32, #tpu.memory_space<vmem>>
        %dma_wait3A_108 = arith.constant 0 : i32
        %dma_wait3A_109 = arith.constant 0 : i32
        %dma_wait3A_110 = tpu.memref_slice %arg2[%dma_wait3A_108, %dma_wait3A_109] : memref<20480x64xf32, #tpu.memory_space<hbm>> -> memref<20480x64xf32, #tpu.memory_space<hbm>>
        tpu.wait_indirect_dma semaphore(%run_scoped3A_98 : memref<!tpu.dma_semaphore, #tpu.memory_space<semaphore_mem>>) src(%dma_wait3A_110 : memref<20480x64xf32, #tpu.memory_space<hbm>>) dst(%arg8 : memref<512x64xf32, #tpu.memory_space<vmem>>)
        tpu.yield
      }) : () -> ()
      %add3A_73 = arith.constant 0 : i32
      %add3A_74 = arith.addi %add3A_63, %add3A_73 : i32
      %dma_start3A_75 = arith.constant 0 : i32
      %dma_start3A_76 = tpu.memref_slice %arg7[%add3A_74, %dma_start3A_75] : memref<20x512xi32, #tpu.memory_space<vmem>> -> memref<1x512xi32, #tpu.memory_space<vmem>>
      %dma_start3A_77 = tpu.memref_squeeze %dma_start3A_76 : memref<1x512xi32, #tpu.memory_space<vmem>> -> memref<512xi32, #tpu.memory_space<vmem>>
      %dma_start3A_78 = arith.constant 0 : i32
      %dma_start3A_79 = arith.constant 0 : i32
      %dma_start3A_80 = tpu.memref_slice %arg12[%dma_start3A_78, %dma_start3A_79] : memref<10240x64xf32, #tpu.memory_space<vmem_shared>> -> memref<10240x64xf32, #tpu.memory_space<vmem_shared>>
      tpu.enqueue_indirect_dma source(%arg8 : memref<512x64xf32, #tpu.memory_space<vmem>>) target(%dma_start3A_80 : memref<10240x64xf32, #tpu.memory_space<vmem_shared>>) offsets(%dma_start3A_77 : memref<512xi32, #tpu.memory_space<vmem>>) semaphore(%arg10 : memref<!tpu.dma_semaphore, #tpu.memory_space<semaphore_mem>>) {add = true}
      %dma_wait3A_81 = arith.constant 0 : i32
      %dma_wait3A_82 = arith.constant 0 : i32
      %dma_wait3A_83 = tpu.memref_slice %arg7[%dma_wait3A_81, %dma_wait3A_82] : memref<20x512xi32, #tpu.memory_space<vmem>> -> memref<1x512xi32, #tpu.memory_space<vmem>>
      %dma_wait3A_84 = tpu.memref_squeeze %dma_wait3A_83 : memref<1x512xi32, #tpu.memory_space<vmem>> -> memref<512xi32, #tpu.memory_space<vmem>>
      %dma_wait3A_85 = arith.constant 0 : i32
      %dma_wait3A_86 = arith.constant 0 : i32
      %dma_wait3A_87 = tpu.memref_slice %arg12[%dma_wait3A_85, %dma_wait3A_86] : memref<10240x64xf32, #tpu.memory_space<vmem_shared>> -> memref<10240x64xf32, #tpu.memory_space<vmem_shared>>
      tpu.wait_indirect_dma semaphore(%arg11 : memref<!tpu.dma_semaphore, #tpu.memory_space<semaphore_mem>>) src(%arg9 : memref<512x64xf32, #tpu.memory_space<vmem>>) dst(%dma_wait3A_87 : memref<10240x64xf32, #tpu.memory_space<vmem_shared>>)
      %add3A_88 = arith.constant 1 : i32
      %add3A_89 = arith.addi %add3A_63, %add3A_88 : i32
      "tpu.region"() ({
        %run_scoped3A_98 = tpu.sem_alloc : memref<!tpu.dma_semaphore, #tpu.memory_space<semaphore_mem>>
        %dma_start3A_99 = arith.constant 0 : i32
        %dma_start3A_100 = tpu.memref_slice %arg6[%add3A_89, %dma_start3A_99] : memref<20x512xi32, #tpu.memory_space<vmem>> -> memref<1x512xi32, #tpu.memory_space<vmem>>
        %dma_start3A_101 = tpu.memref_squeeze %dma_start3A_100 : memref<1x512xi32, #tpu.memory_space<vmem>> -> memref<512xi32, #tpu.memory_space<vmem>>
        %dma_start3A_102 = arith.constant 0 : i32
        %dma_start3A_103 = arith.constant 0 : i32
        %dma_start3A_104 = tpu.memref_slice %arg2[%dma_start3A_102, %dma_start3A_103] : memref<20480x64xf32, #tpu.memory_space<hbm>> -> memref<20480x64xf32, #tpu.memory_space<hbm>>
        tpu.enqueue_indirect_dma source(%dma_start3A_104 : memref<20480x64xf32, #tpu.memory_space<hbm>>) target(%arg9 : memref<512x64xf32, #tpu.memory_space<vmem>>) offsets(%dma_start3A_101 : memref<512xi32, #tpu.memory_space<vmem>>) semaphore(%run_scoped3A_98 : memref<!tpu.dma_semaphore, #tpu.memory_space<semaphore_mem>>)
        %dma_wait3A_105 = arith.constant 0 : i32
        %dma_wait3A_106 = tpu.memref_slice %arg6[%add3A_89, %dma_wait3A_105] : memref<20x512xi32, #tpu.memory_space<vmem>> -> memref<1x512xi32, #tpu.memory_space<vmem>>
        %dma_wait3A_107 = tpu.memref_squeeze %dma_wait3A_106 : memref<1x512xi32, #tpu.memory_space<vmem>> -> memref<512xi32, #tpu.memory_space<vmem>>
        %dma_wait3A_108 = arith.constant 0 : i32
        %dma_wait3A_109 = arith.constant 0 : i32
        %dma_wait3A_110 = tpu.memref_slice %arg2[%dma_wait3A_108, %dma_wait3A_109] : memref<20480x64xf32, #tpu.memory_space<hbm>> -> memref<20480x64xf32, #tpu.memory_space<hbm>>
        tpu.wait_indirect_dma semaphore(%run_scoped3A_98 : memref<!tpu.dma_semaphore, #tpu.memory_space<semaphore_mem>>) src(%dma_wait3A_110 : memref<20480x64xf32, #tpu.memory_space<hbm>>) dst(%arg9 : memref<512x64xf32, #tpu.memory_space<vmem>>)
        tpu.yield
      }) : () -> ()
      %add3A_90 = arith.constant 1 : i32
      %add3A_91 = arith.addi %add3A_63, %add3A_90 : i32
      %dma_start3A_92 = arith.constant 0 : i32
      %dma_start3A_93 = tpu.memref_slice %arg7[%add3A_91, %dma_start3A_92] : memref<20x512xi32, #tpu.memory_space<vmem>> -> memref<1x512xi32, #tpu.memory_space<vmem>>
      %dma_start3A_94 = tpu.memref_squeeze %dma_start3A_93 : memref<1x512xi32, #tpu.memory_space<vmem>> -> memref<512xi32, #tpu.memory_space<vmem>>
      %dma_start3A_95 = arith.constant 0 : i32
      %dma_start3A_96 = arith.constant 0 : i32
      %dma_start3A_97 = tpu.memref_slice %arg12[%dma_start3A_95, %dma_start3A_96] : memref<10240x64xf32, #tpu.memory_space<vmem_shared>> -> memref<10240x64xf32, #tpu.memory_space<vmem_shared>>
      tpu.enqueue_indirect_dma source(%arg9 : memref<512x64xf32, #tpu.memory_space<vmem>>) target(%dma_start3A_97 : memref<10240x64xf32, #tpu.memory_space<vmem_shared>>) offsets(%dma_start3A_94 : memref<512xi32, #tpu.memory_space<vmem>>) semaphore(%arg11 : memref<!tpu.dma_semaphore, #tpu.memory_space<semaphore_mem>>) {add = true}
    }
    %scan3A_44 = arith.constant 9 : i32
    %dma_wait3A = arith.constant 0 : i32
    %dma_wait3A_45 = arith.constant 0 : i32
    %dma_wait3A_46 = tpu.memref_slice %arg7[%dma_wait3A, %dma_wait3A_45] : memref<20x512xi32, #tpu.memory_space<vmem>> -> memref<1x512xi32, #tpu.memory_space<vmem>>
    %dma_wait3A_47 = tpu.memref_squeeze %dma_wait3A_46 : memref<1x512xi32, #tpu.memory_space<vmem>> -> memref<512xi32, #tpu.memory_space<vmem>>
    %dma_wait3A_48 = arith.constant 0 : i32
    %dma_wait3A_49 = arith.constant 0 : i32
    %dma_wait3A_50 = tpu.memref_slice %arg12[%dma_wait3A_48, %dma_wait3A_49] : memref<10240x64xf32, #tpu.memory_space<vmem_shared>> -> memref<10240x64xf32, #tpu.memory_space<vmem_shared>>
    tpu.wait_indirect_dma semaphore(%arg10 : memref<!tpu.dma_semaphore, #tpu.memory_space<semaphore_mem>>) src(%arg8 : memref<512x64xf32, #tpu.memory_space<vmem>>) dst(%dma_wait3A_50 : memref<10240x64xf32, #tpu.memory_space<vmem_shared>>)
    %dma_wait3A_51 = arith.constant 0 : i32
    %dma_wait3A_52 = arith.constant 0 : i32
    %dma_wait3A_53 = tpu.memref_slice %arg7[%dma_wait3A_51, %dma_wait3A_52] : memref<20x512xi32, #tpu.memory_space<vmem>> -> memref<1x512xi32, #tpu.memory_space<vmem>>
    %dma_wait3A_54 = tpu.memref_squeeze %dma_wait3A_53 : memref<1x512xi32, #tpu.memory_space<vmem>> -> memref<512xi32, #tpu.memory_space<vmem>>
    %dma_wait3A_55 = arith.constant 0 : i32
    %dma_wait3A_56 = arith.constant 0 : i32
    %dma_wait3A_57 = tpu.memref_slice %arg12[%dma_wait3A_55, %dma_wait3A_56] : memref<10240x64xf32, #tpu.memory_space<vmem_shared>> -> memref<10240x64xf32, #tpu.memory_space<vmem_shared>>
    tpu.wait_indirect_dma semaphore(%arg11 : memref<!tpu.dma_semaphore, #tpu.memory_space<semaphore_mem>>) src(%arg9 : memref<512x64xf32, #tpu.memory_space<vmem>>) dst(%dma_wait3A_57 : memref<10240x64xf32, #tpu.memory_space<vmem_shared>>)
    %barrier3A_58 = arith.constant 0 : index
    tpu.barrier barrier_id(%barrier3A_58)
    "tpu.region"() ({
      %run_scoped3A_59 = tpu.sem_alloc : memref<!tpu.dma_semaphore, #tpu.memory_space<semaphore_mem>>
      %dma_start3A_60 = arith.constant 0 : i32
      %dma_start3A_61 = tpu.memref_slice %arg5[%arg0, %mul3A_4, %dma_start3A_60] : memref<2x10240x64xf32, #tpu.memory_space<hbm>> -> memref<1x640x64xf32, #tpu.memory_space<hbm>>
      %dma_start3A_62 = tpu.memref_squeeze %dma_start3A_61 : memref<1x640x64xf32, #tpu.memory_space<hbm>> -> memref<640x64xf32, #tpu.memory_space<hbm>>
      %dma_start3A_63 = arith.constant 0 : i32
      %dma_start3A_64 = tpu.memref_slice %arg12[%mul3A_4, %dma_start3A_63] : memref<10240x64xf32, #tpu.memory_space<vmem_shared>> -> memref<640x64xf32, #tpu.memory_space<vmem_shared>>
      tpu.enqueue_dma source(%dma_start3A_64 : memref<640x64xf32, #tpu.memory_space<vmem_shared>>) target(%dma_start3A_62 : memref<640x64xf32, #tpu.memory_space<hbm>>) target_semaphore(%run_scoped3A_59 : memref<!tpu.dma_semaphore, #tpu.memory_space<semaphore_mem>>)
      %dma_wait3A_65 = arith.constant 0 : i32
      %dma_wait3A_66 = tpu.memref_slice %arg5[%arg0, %mul3A_4, %dma_wait3A_65] : memref<2x10240x64xf32, #tpu.memory_space<hbm>> -> memref<1x640x64xf32, #tpu.memory_space<hbm>>
      %dma_wait3A_67 = tpu.memref_squeeze %dma_wait3A_66 : memref<1x640x64xf32, #tpu.memory_space<hbm>> -> memref<640x64xf32, #tpu.memory_space<hbm>>
      %dma_wait3A_68 = arith.constant 0 : i32
      %dma_wait3A_69 = tpu.memref_slice %arg12[%mul3A_4, %dma_wait3A_68] : memref<10240x64xf32, #tpu.memory_space<vmem_shared>> -> memref<640x64xf32, #tpu.memory_space<vmem_shared>>
      tpu.wait_dma2 semaphore(%run_scoped3A_59 : memref<!tpu.dma_semaphore, #tpu.memory_space<semaphore_mem>>) src(%dma_wait3A_69 : memref<640x64xf32, #tpu.memory_space<vmem_shared>>) dst(%dma_wait3A_67 : memref<640x64xf32, #tpu.memory_space<hbm>>)
      tpu.yield
    }) : () -> ()
    return
  }
}

#map = affine_map<(d0, d1) -> (0, 0)>
#map1 = affine_map<(d0, d1) -> (0, 0, 0)>
module attributes {stable_mosaic.version = 14 : i64} {
  func.func @k(%arg0: i32, %arg1: i32, %arg2: memref<20480x64xf32, #tpu.memory_space<hbm>>, %arg3: memref<640x512xi32, #tpu.memory_space<hbm>>, %arg4: memref<640x512xi32, #tpu.memory_space<hbm>>, %arg5: memref<2x10240x64xf32, #tpu.memory_space<hbm>>, %arg6: memref<20x512xi32, #tpu.memory_space<vmem>>, %arg7: memref<20x512xi32, #tpu.memory_space<vmem>>, %arg8: memref<512x64xf32, #tpu.memory_space<vmem>>, %arg9: memref<512x64xf32, #tpu.memory_space<vmem>>, %arg10: memref<!tpu.dma_semaphore, #tpu.memory_space<semaphore_mem>>, %arg11: memref<!tpu.dma_semaphore, #tpu.memory_space<semaphore_mem>>, %arg12: memref<10240x64xf32, #tpu.memory_space<vmem_shared>>) attributes {dimension_semantics = [#tpu.dimension_semantics<core_parallel>, #tpu.dimension_semantics<subcore_parallel>], iteration_bounds = array<i64: 2, 16>, scalar_prefetch = 0 : i64, scratch_operands = 7 : i64, tpu.core_type = #tpu.core_type<sc_vector_subcore>, window_params = [{transform_indices = #map}, {transform_indices = #map}, {transform_indices = #map}, {transform_indices = #map1}]} {
    %scan3A = arith.constant 0 : i32
    %scan3A_0 = arith.constant 128 : i32
    %scan3A_1 = arith.addi %scan3A, %scan3A_0 : i32
    %scan3A_2 = arith.constant 1 : i32
    scf.for %scan3A_59 = %scan3A to %scan3A_1 step %scan3A_2  : i32 {
      %mul3A_60 = arith.constant 1 : i32
      %mul3A_61 = arith.muli %scan3A_59, %mul3A_60 : i32
      %add3A_62 = arith.constant 0 : i32
      %add3A_63 = arith.addi %add3A_62, %mul3A_61 : i32
      %scan3A_64 = arith.constant 0 : i32
      %scan3A_65 = arith.constant 4 : i32
      %scan3A_66 = arith.addi %scan3A_64, %scan3A_65 : i32
      %scan3A_67 = arith.constant 1 : i32
      scf.for %scan3A_69 = %scan3A_64 to %scan3A_66 step %scan3A_67  : i32 {
        %mul3A_70 = arith.constant 16 : i32
        %mul3A_71 = arith.muli %scan3A_69, %mul3A_70 : i32
        %add3A_72 = arith.constant 0 : i32
        %add3A_73 = arith.addi %add3A_72, %mul3A_71 : i32
        %broadcast_in_dim3A = arith.constant 0.000000e+00 : f32
        %broadcast_in_dim3A_74 = vector.broadcast %broadcast_in_dim3A : f32 to vector<16xf32>
        %swap3A = arith.index_cast %add3A_63 : i32 to index
        %swap3A_75 = arith.index_cast %add3A_73 : i32 to index
        %swap3A_76 = tpu.vector_load %arg8[%swap3A, %swap3A_75] {strides = array<i32>} : memref<512x64xf32, #tpu.memory_space<vmem>>, vector<1x16xf32>,
        %swap3A_77 = vector.shape_cast %swap3A_76 : vector<1x16xf32> to vector<16xf32>
        %swap3A_78 = vector.shape_cast %broadcast_in_dim3A_74 : vector<16xf32> to vector<1x16xf32>
        tpu.vector_store %arg8[%swap3A, %swap3A_75], %swap3A_78 {strides = array<i32>} : memref<512x64xf32, #tpu.memory_space<vmem>>, vector<1x16xf32>,
      }
      %scan3A_68 = arith.constant 4 : i32
    }
    %scan3A_3 = arith.constant 128 : i32
    %mul3A = arith.constant 640 : i32
    %mul3A_4 = arith.muli %arg1, %mul3A : i32
    %add3A = arith.constant 0 : i32
    %add3A_5 = arith.addi %mul3A_4, %add3A : i32
    "tpu.region"() ({
      %run_scoped3A_59 = tpu.sem_alloc : memref<!tpu.dma_semaphore, #tpu.memory_space<semaphore_mem>>
      %dma_start3A_60 = arith.constant 0 : i32
      %dma_start3A_61 = arith.constant 0 : i32
      %dma_start3A_62 = tpu.memref_slice %arg8[%dma_start3A_60, %dma_start3A_61] : memref<512x64xf32, #tpu.memory_space<vmem>> -> memref<128x64xf32, #tpu.memory_space<vmem>>
      %dma_start3A_63 = arith.constant 0 : i32
      %dma_start3A_64 = tpu.memref_slice %arg12[%add3A_5, %dma_start3A_63] : memref<10240x64xf32, #tpu.memory_space<vmem_shared>> -> memref<128x64xf32, #tpu.memory_space<vmem_shared>>
      %dma_start3A_65 = arith.constant 0 : i32
      %dma_start3A_66 = tpu.memref_slice %arg12[%add3A_5, %dma_start3A_65] : memref<10240x64xf32, #tpu.memory_space<vmem_shared>> -> memref<128x64xf32, #tpu.memory_space<vmem_shared>>
      %dma_start3A_67 = arith.constant 0 : i32
      %dma_start3A_68 = arith.constant 0 : i32
      %dma_start3A_69 = tpu.memref_slice %arg8[%dma_start3A_67, %dma_start3A_68] : memref<512x64xf32, #tpu.memory_space<vmem>> -> memref<128x64xf32, #tpu.memory_space<vmem>>
      tpu.enqueue_dma source(%dma_start3A_69 : memref<128x64xf32, #tpu.memory_space<vmem>>) target(%dma_start3A_66 : memref<128x64xf32, #tpu.memory_space<vmem_shared>>) target_semaphore(%run_scoped3A_59 : memref<!tpu.dma_semaphore, #tpu.memory_space<semaphore_mem>>)
      %dma_wait3A_70 = arith.constant 0 : i32
      %dma_wait3A_71 = arith.constant 0 : i32
      %dma_wait3A_72 = tpu.memref_slice %arg8[%dma_wait3A_70, %dma_wait3A_71] : memref<512x64xf32, #tpu.memory_space<vmem>> -> memref<128x64xf32, #tpu.memory_space<vmem>>
      %dma_wait3A_73 = arith.constant 0 : i32
      %dma_wait3A_74 = tpu.memref_slice %arg12[%add3A_5, %dma_wait3A_73] : memref<10240x64xf32, #tpu.memory_space<vmem_shared>> -> memref<128x64xf32, #tpu.memory_space<vmem_shared>>
      %dma_wait3A_75 = arith.constant 0 : i32
      %dma_wait3A_76 = tpu.memref_slice %arg12[%add3A_5, %dma_wait3A_75] : memref<10240x64xf32, #tpu.memory_space<vmem_shared>> -> memref<128x64xf32, #tpu.memory_space<vmem_shared>>
      %dma_wait3A_77 = arith.constant 0 : i32
      %dma_wait3A_78 = arith.constant 0 : i32
      %dma_wait3A_79 = tpu.memref_slice %arg8[%dma_wait3A_77, %dma_wait3A_78] : memref<512x64xf32, #tpu.memory_space<vmem>> -> memref<128x64xf32, #tpu.memory_space<vmem>>
      tpu.wait_dma2 semaphore(%run_scoped3A_59 : memref<!tpu.dma_semaphore, #tpu.memory_space<semaphore_mem>>) src(%dma_wait3A_79 : memref<128x64xf32, #tpu.memory_space<vmem>>) dst(%dma_wait3A_76 : memref<128x64xf32, #tpu.memory_space<vmem_shared>>)
      tpu.yield
    }) : () -> ()
    %add3A_6 = arith.constant 128 : i32
    %add3A_7 = arith.addi %mul3A_4, %add3A_6 : i32
    "tpu.region"() ({
      %run_scoped3A_59 = tpu.sem_alloc : memref<!tpu.dma_semaphore, #tpu.memory_space<semaphore_mem>>
      %dma_start3A_60 = arith.constant 0 : i32
      %dma_start3A_61 = arith.constant 0 : i32
      %dma_start3A_62 = tpu.memref_slice %arg8[%dma_start3A_60, %dma_start3A_61] : memref<512x64xf32, #tpu.memory_space<vmem>> -> memref<128x64xf32, #tpu.memory_space<vmem>>
      %dma_start3A_63 = arith.constant 0 : i32
      %dma_start3A_64 = tpu.memref_slice %arg12[%add3A_7, %dma_start3A_63] : memref<10240x64xf32, #tpu.memory_space<vmem_shared>> -> memref<128x64xf32, #tpu.memory_space<vmem_shared>>
      %dma_start3A_65 = arith.constant 0 : i32
      %dma_start3A_66 = tpu.memref_slice %arg12[%add3A_7, %dma_start3A_65] : memref<10240x64xf32, #tpu.memory_space<vmem_shared>> -> memref<128x64xf32, #tpu.memory_space<vmem_shared>>
      %dma_start3A_67 = arith.constant 0 : i32
      %dma_start3A_68 = arith.constant 0 : i32
      %dma_start3A_69 = tpu.memref_slice %arg8[%dma_start3A_67, %dma_start3A_68] : memref<512x64xf32, #tpu.memory_space<vmem>> -> memref<128x64xf32, #tpu.memory_space<vmem>>
      tpu.enqueue_dma source(%dma_start3A_69 : memref<128x64xf32, #tpu.memory_space<vmem>>) target(%dma_start3A_66 : memref<128x64xf32, #tpu.memory_space<vmem_shared>>) target_semaphore(%run_scoped3A_59 : memref<!tpu.dma_semaphore, #tpu.memory_space<semaphore_mem>>)
      %dma_wait3A_70 = arith.constant 0 : i32
      %dma_wait3A_71 = arith.constant 0 : i32
      %dma_wait3A_72 = tpu.memref_slice %arg8[%dma_wait3A_70, %dma_wait3A_71] : memref<512x64xf32, #tpu.memory_space<vmem>> -> memref<128x64xf32, #tpu.memory_space<vmem>>
      %dma_wait3A_73 = arith.constant 0 : i32
      %dma_wait3A_74 = tpu.memref_slice %arg12[%add3A_7, %dma_wait3A_73] : memref<10240x64xf32, #tpu.memory_space<vmem_shared>> -> memref<128x64xf32, #tpu.memory_space<vmem_shared>>
      %dma_wait3A_75 = arith.constant 0 : i32
      %dma_wait3A_76 = tpu.memref_slice %arg12[%add3A_7, %dma_wait3A_75] : memref<10240x64xf32, #tpu.memory_space<vmem_shared>> -> memref<128x64xf32, #tpu.memory_space<vmem_shared>>
      %dma_wait3A_77 = arith.constant 0 : i32
      %dma_wait3A_78 = arith.constant 0 : i32
      %dma_wait3A_79 = tpu.memref_slice %arg8[%dma_wait3A_77, %dma_wait3A_78] : memref<512x64xf32, #tpu.memory_space<vmem>> -> memref<128x64xf32, #tpu.memory_space<vmem>>
      tpu.wait_dma2 semaphore(%run_scoped3A_59 : memref<!tpu.dma_semaphore, #tpu.memory_space<semaphore_mem>>) src(%dma_wait3A_79 : memref<128x64xf32, #tpu.memory_space<vmem>>) dst(%dma_wait3A_76 : memref<128x64xf32, #tpu.memory_space<vmem_shared>>)
      tpu.yield
    }) : () -> ()
    %add3A_8 = arith.constant 256 : i32
    %add3A_9 = arith.addi %mul3A_4, %add3A_8 : i32
    "tpu.region"() ({
      %run_scoped3A_59 = tpu.sem_alloc : memref<!tpu.dma_semaphore, #tpu.memory_space<semaphore_mem>>
      %dma_start3A_60 = arith.constant 0 : i32
      %dma_start3A_61 = arith.constant 0 : i32
      %dma_start3A_62 = tpu.memref_slice %arg8[%dma_start3A_60, %dma_start3A_61] : memref<512x64xf32, #tpu.memory_space<vmem>> -> memref<128x64xf32, #tpu.memory_space<vmem>>
      %dma_start3A_63 = arith.constant 0 : i32
      %dma_start3A_64 = tpu.memref_slice %arg12[%add3A_9, %dma_start3A_63] : memref<10240x64xf32, #tpu.memory_space<vmem_shared>> -> memref<128x64xf32, #tpu.memory_space<vmem_shared>>
      %dma_start3A_65 = arith.constant 0 : i32
      %dma_start3A_66 = tpu.memref_slice %arg12[%add3A_9, %dma_start3A_65] : memref<10240x64xf32, #tpu.memory_space<vmem_shared>> -> memref<128x64xf32, #tpu.memory_space<vmem_shared>>
      %dma_start3A_67 = arith.constant 0 : i32
      %dma_start3A_68 = arith.constant 0 : i32
      %dma_start3A_69 = tpu.memref_slice %arg8[%dma_start3A_67, %dma_start3A_68] : memref<512x64xf32, #tpu.memory_space<vmem>> -> memref<128x64xf32, #tpu.memory_space<vmem>>
      tpu.enqueue_dma source(%dma_start3A_69 : memref<128x64xf32, #tpu.memory_space<vmem>>) target(%dma_start3A_66 : memref<128x64xf32, #tpu.memory_space<vmem_shared>>) target_semaphore(%run_scoped3A_59 : memref<!tpu.dma_semaphore, #tpu.memory_space<semaphore_mem>>)
      %dma_wait3A_70 = arith.constant 0 : i32
      %dma_wait3A_71 = arith.constant 0 : i32
      %dma_wait3A_72 = tpu.memref_slice %arg8[%dma_wait3A_70, %dma_wait3A_71] : memref<512x64xf32, #tpu.memory_space<vmem>> -> memref<128x64xf32, #tpu.memory_space<vmem>>
      %dma_wait3A_73 = arith.constant 0 : i32
      %dma_wait3A_74 = tpu.memref_slice %arg12[%add3A_9, %dma_wait3A_73] : memref<10240x64xf32, #tpu.memory_space<vmem_shared>> -> memref<128x64xf32, #tpu.memory_space<vmem_shared>>
      %dma_wait3A_75 = arith.constant 0 : i32
      %dma_wait3A_76 = tpu.memref_slice %arg12[%add3A_9, %dma_wait3A_75] : memref<10240x64xf32, #tpu.memory_space<vmem_shared>> -> memref<128x64xf32, #tpu.memory_space<vmem_shared>>
      %dma_wait3A_77 = arith.constant 0 : i32
      %dma_wait3A_78 = arith.constant 0 : i32
      %dma_wait3A_79 = tpu.memref_slice %arg8[%dma_wait3A_77, %dma_wait3A_78] : memref<512x64xf32, #tpu.memory_space<vmem>> -> memref<128x64xf32, #tpu.memory_space<vmem>>
      tpu.wait_dma2 semaphore(%run_scoped3A_59 : memref<!tpu.dma_semaphore, #tpu.memory_space<semaphore_mem>>) src(%dma_wait3A_79 : memref<128x64xf32, #tpu.memory_space<vmem>>) dst(%dma_wait3A_76 : memref<128x64xf32, #tpu.memory_space<vmem_shared>>)
      tpu.yield
    }) : () -> ()
    %add3A_10 = arith.constant 384 : i32
    %add3A_11 = arith.addi %mul3A_4, %add3A_10 : i32
    "tpu.region"() ({
      %run_scoped3A_59 = tpu.sem_alloc : memref<!tpu.dma_semaphore, #tpu.memory_space<semaphore_mem>>
      %dma_start3A_60 = arith.constant 0 : i32
      %dma_start3A_61 = arith.constant 0 : i32
      %dma_start3A_62 = tpu.memref_slice %arg8[%dma_start3A_60, %dma_start3A_61] : memref<512x64xf32, #tpu.memory_space<vmem>> -> memref<128x64xf32, #tpu.memory_space<vmem>>
      %dma_start3A_63 = arith.constant 0 : i32
      %dma_start3A_64 = tpu.memref_slice %arg12[%add3A_11, %dma_start3A_63] : memref<10240x64xf32, #tpu.memory_space<vmem_shared>> -> memref<128x64xf32, #tpu.memory_space<vmem_shared>>
      %dma_start3A_65 = arith.constant 0 : i32
      %dma_start3A_66 = tpu.memref_slice %arg12[%add3A_11, %dma_start3A_65] : memref<10240x64xf32, #tpu.memory_space<vmem_shared>> -> memref<128x64xf32, #tpu.memory_space<vmem_shared>>
      %dma_start3A_67 = arith.constant 0 : i32
      %dma_start3A_68 = arith.constant 0 : i32
      %dma_start3A_69 = tpu.memref_slice %arg8[%dma_start3A_67, %dma_start3A_68] : memref<512x64xf32, #tpu.memory_space<vmem>> -> memref<128x64xf32, #tpu.memory_space<vmem>>
      tpu.enqueue_dma source(%dma_start3A_69 : memref<128x64xf32, #tpu.memory_space<vmem>>) target(%dma_start3A_66 : memref<128x64xf32, #tpu.memory_space<vmem_shared>>) target_semaphore(%run_scoped3A_59 : memref<!tpu.dma_semaphore, #tpu.memory_space<semaphore_mem>>)
      %dma_wait3A_70 = arith.constant 0 : i32
      %dma_wait3A_71 = arith.constant 0 : i32
      %dma_wait3A_72 = tpu.memref_slice %arg8[%dma_wait3A_70, %dma_wait3A_71] : memref<512x64xf32, #tpu.memory_space<vmem>> -> memref<128x64xf32, #tpu.memory_space<vmem>>
      %dma_wait3A_73 = arith.constant 0 : i32
      %dma_wait3A_74 = tpu.memref_slice %arg12[%add3A_11, %dma_wait3A_73] : memref<10240x64xf32, #tpu.memory_space<vmem_shared>> -> memref<128x64xf32, #tpu.memory_space<vmem_shared>>
      %dma_wait3A_75 = arith.constant 0 : i32
      %dma_wait3A_76 = tpu.memref_slice %arg12[%add3A_11, %dma_wait3A_75] : memref<10240x64xf32, #tpu.memory_space<vmem_shared>> -> memref<128x64xf32, #tpu.memory_space<vmem_shared>>
      %dma_wait3A_77 = arith.constant 0 : i32
      %dma_wait3A_78 = arith.constant 0 : i32
      %dma_wait3A_79 = tpu.memref_slice %arg8[%dma_wait3A_77, %dma_wait3A_78] : memref<512x64xf32, #tpu.memory_space<vmem>> -> memref<128x64xf32, #tpu.memory_space<vmem>>
      tpu.wait_dma2 semaphore(%run_scoped3A_59 : memref<!tpu.dma_semaphore, #tpu.memory_space<semaphore_mem>>) src(%dma_wait3A_79 : memref<128x64xf32, #tpu.memory_space<vmem>>) dst(%dma_wait3A_76 : memref<128x64xf32, #tpu.memory_space<vmem_shared>>)
      tpu.yield
    }) : () -> ()
    %add3A_12 = arith.constant 512 : i32
    %add3A_13 = arith.addi %mul3A_4, %add3A_12 : i32
    "tpu.region"() ({
      %run_scoped3A_59 = tpu.sem_alloc : memref<!tpu.dma_semaphore, #tpu.memory_space<semaphore_mem>>
      %dma_start3A_60 = arith.constant 0 : i32
      %dma_start3A_61 = arith.constant 0 : i32
      %dma_start3A_62 = tpu.memref_slice %arg8[%dma_start3A_60, %dma_start3A_61] : memref<512x64xf32, #tpu.memory_space<vmem>> -> memref<128x64xf32, #tpu.memory_space<vmem>>
      %dma_start3A_63 = arith.constant 0 : i32
      %dma_start3A_64 = tpu.memref_slice %arg12[%add3A_13, %dma_start3A_63] : memref<10240x64xf32, #tpu.memory_space<vmem_shared>> -> memref<128x64xf32, #tpu.memory_space<vmem_shared>>
      %dma_start3A_65 = arith.constant 0 : i32
      %dma_start3A_66 = tpu.memref_slice %arg12[%add3A_13, %dma_start3A_65] : memref<10240x64xf32, #tpu.memory_space<vmem_shared>> -> memref<128x64xf32, #tpu.memory_space<vmem_shared>>
      %dma_start3A_67 = arith.constant 0 : i32
      %dma_start3A_68 = arith.constant 0 : i32
      %dma_start3A_69 = tpu.memref_slice %arg8[%dma_start3A_67, %dma_start3A_68] : memref<512x64xf32, #tpu.memory_space<vmem>> -> memref<128x64xf32, #tpu.memory_space<vmem>>
      tpu.enqueue_dma source(%dma_start3A_69 : memref<128x64xf32, #tpu.memory_space<vmem>>) target(%dma_start3A_66 : memref<128x64xf32, #tpu.memory_space<vmem_shared>>) target_semaphore(%run_scoped3A_59 : memref<!tpu.dma_semaphore, #tpu.memory_space<semaphore_mem>>)
      %dma_wait3A_70 = arith.constant 0 : i32
      %dma_wait3A_71 = arith.constant 0 : i32
      %dma_wait3A_72 = tpu.memref_slice %arg8[%dma_wait3A_70, %dma_wait3A_71] : memref<512x64xf32, #tpu.memory_space<vmem>> -> memref<128x64xf32, #tpu.memory_space<vmem>>
      %dma_wait3A_73 = arith.constant 0 : i32
      %dma_wait3A_74 = tpu.memref_slice %arg12[%add3A_13, %dma_wait3A_73] : memref<10240x64xf32, #tpu.memory_space<vmem_shared>> -> memref<128x64xf32, #tpu.memory_space<vmem_shared>>
      %dma_wait3A_75 = arith.constant 0 : i32
      %dma_wait3A_76 = tpu.memref_slice %arg12[%add3A_13, %dma_wait3A_75] : memref<10240x64xf32, #tpu.memory_space<vmem_shared>> -> memref<128x64xf32, #tpu.memory_space<vmem_shared>>
      %dma_wait3A_77 = arith.constant 0 : i32
      %dma_wait3A_78 = arith.constant 0 : i32
      %dma_wait3A_79 = tpu.memref_slice %arg8[%dma_wait3A_77, %dma_wait3A_78] : memref<512x64xf32, #tpu.memory_space<vmem>> -> memref<128x64xf32, #tpu.memory_space<vmem>>
      tpu.wait_dma2 semaphore(%run_scoped3A_59 : memref<!tpu.dma_semaphore, #tpu.memory_space<semaphore_mem>>) src(%dma_wait3A_79 : memref<128x64xf32, #tpu.memory_space<vmem>>) dst(%dma_wait3A_76 : memref<128x64xf32, #tpu.memory_space<vmem_shared>>)
      tpu.yield
    }) : () -> ()
    %mul3A_14 = arith.constant 16 : i32
    %mul3A_15 = arith.muli %arg0, %mul3A_14 : i32
    %add3A_16 = arith.addi %mul3A_15, %arg1 : i32
    %mul3A_17 = arith.constant 20 : i32
    %mul3A_18 = arith.muli %add3A_16, %mul3A_17 : i32
    "tpu.region"() ({
      %run_scoped3A_59 = tpu.sem_alloc : memref<!tpu.dma_semaphore, #tpu.memory_space<semaphore_mem>>
      %dma_start3A_60 = arith.constant 0 : i32
      %dma_start3A_61 = tpu.memref_slice %arg3[%mul3A_18, %dma_start3A_60] : memref<640x512xi32, #tpu.memory_space<hbm>> -> memref<20x512xi32, #tpu.memory_space<hbm>>
      %dma_start3A_62 = arith.constant 0 : i32
      %dma_start3A_63 = tpu.memref_slice %arg3[%mul3A_18, %dma_start3A_62] : memref<640x512xi32, #tpu.memory_space<hbm>> -> memref<20x512xi32, #tpu.memory_space<hbm>>
      tpu.enqueue_dma source(%dma_start3A_63 : memref<20x512xi32, #tpu.memory_space<hbm>>) target(%arg6 : memref<20x512xi32, #tpu.memory_space<vmem>>) target_semaphore(%run_scoped3A_59 : memref<!tpu.dma_semaphore, #tpu.memory_space<semaphore_mem>>)
      %dma_wait3A_64 = arith.constant 0 : i32
      %dma_wait3A_65 = tpu.memref_slice %arg3[%mul3A_18, %dma_wait3A_64] : memref<640x512xi32, #tpu.memory_space<hbm>> -> memref<20x512xi32, #tpu.memory_space<hbm>>
      %dma_wait3A_66 = arith.constant 0 : i32
      %dma_wait3A_67 = tpu.memref_slice %arg3[%mul3A_18, %dma_wait3A_66] : memref<640x512xi32, #tpu.memory_space<hbm>> -> memref<20x512xi32, #tpu.memory_space<hbm>>
      tpu.wait_dma2 semaphore(%run_scoped3A_59 : memref<!tpu.dma_semaphore, #tpu.memory_space<semaphore_mem>>) src(%dma_wait3A_67 : memref<20x512xi32, #tpu.memory_space<hbm>>) dst(%arg6 : memref<20x512xi32, #tpu.memory_space<vmem>>)
      tpu.yield
    }) : () -> ()
    %mul3A_19 = arith.constant 20 : i32
    %mul3A_20 = arith.muli %add3A_16, %mul3A_19 : i32
    "tpu.region"() ({
      %run_scoped3A_59 = tpu.sem_alloc : memref<!tpu.dma_semaphore, #tpu.memory_space<semaphore_mem>>
      %dma_start3A_60 = arith.constant 0 : i32
      %dma_start3A_61 = tpu.memref_slice %arg4[%mul3A_20, %dma_start3A_60] : memref<640x512xi32, #tpu.memory_space<hbm>> -> memref<20x512xi32, #tpu.memory_space<hbm>>
      %dma_start3A_62 = arith.constant 0 : i32
      %dma_start3A_63 = tpu.memref_slice %arg4[%mul3A_20, %dma_start3A_62] : memref<640x512xi32, #tpu.memory_space<hbm>> -> memref<20x512xi32, #tpu.memory_space<hbm>>
      tpu.enqueue_dma source(%dma_start3A_63 : memref<20x512xi32, #tpu.memory_space<hbm>>) target(%arg7 : memref<20x512xi32, #tpu.memory_space<vmem>>) target_semaphore(%run_scoped3A_59 : memref<!tpu.dma_semaphore, #tpu.memory_space<semaphore_mem>>)
      %dma_wait3A_64 = arith.constant 0 : i32
      %dma_wait3A_65 = tpu.memref_slice %arg4[%mul3A_20, %dma_wait3A_64] : memref<640x512xi32, #tpu.memory_space<hbm>> -> memref<20x512xi32, #tpu.memory_space<hbm>>
      %dma_wait3A_66 = arith.constant 0 : i32
      %dma_wait3A_67 = tpu.memref_slice %arg4[%mul3A_20, %dma_wait3A_66] : memref<640x512xi32, #tpu.memory_space<hbm>> -> memref<20x512xi32, #tpu.memory_space<hbm>>
      tpu.wait_dma2 semaphore(%run_scoped3A_59 : memref<!tpu.dma_semaphore, #tpu.memory_space<semaphore_mem>>) src(%dma_wait3A_67 : memref<20x512xi32, #tpu.memory_space<hbm>>) dst(%arg7 : memref<20x512xi32, #tpu.memory_space<vmem>>)
      tpu.yield
    }) : () -> ()
    %scan3A_21 = arith.constant 0 : i32
    %scan3A_22 = arith.constant 20 : i32
    %scan3A_23 = arith.addi %scan3A_21, %scan3A_22 : i32
    %scan3A_24 = arith.constant 1 : i32
    scf.for %scan3A_59 = %scan3A_21 to %scan3A_23 step %scan3A_24  : i32 {
      %mul3A_60 = arith.constant 1 : i32
      %mul3A_61 = arith.muli %scan3A_59, %mul3A_60 : i32
      %add3A_62 = arith.constant 0 : i32
      %add3A_63 = arith.addi %add3A_62, %mul3A_61 : i32
      %scan3A_64 = arith.constant 0 : i32
      %scan3A_65 = arith.constant 32 : i32
      %scan3A_66 = arith.addi %scan3A_64, %scan3A_65 : i32
      %scan3A_67 = arith.constant 1 : i32
      scf.for %scan3A_69 = %scan3A_64 to %scan3A_66 step %scan3A_67  : i32 {
        %mul3A_70 = arith.constant 16 : i32
        %mul3A_71 = arith.muli %scan3A_69, %mul3A_70 : i32
        %add3A_72 = arith.constant 0 : i32
        %add3A_73 = arith.addi %add3A_72, %mul3A_71 : i32
        %get3A = arith.index_cast %add3A_63 : i32 to index
        %get3A_74 = arith.index_cast %add3A_73 : i32 to index
        %get3A_75 = tpu.vector_load %arg6[%get3A, %get3A_74] {strides = array<i32>} : memref<20x512xi32, #tpu.memory_space<vmem>>, vector<1x16xi32>,
        %get3A_76 = vector.shape_cast %get3A_75 : vector<1x16xi32> to vector<16xi32>
        %mul3A_77 = arith.constant 2 : i32
        %mul3A_78 = vector.broadcast %mul3A_77 : i32 to vector<16xi32>
        %mul3A_79 = arith.muli %get3A_76, %mul3A_78 : vector<16xi32>
        %add3A_80 = arith.constant 0 : i32
        %add3A_81 = vector.broadcast %add3A_80 : i32 to vector<16xi32>
        %add3A_82 = arith.addi %mul3A_79, %add3A_81 : vector<16xi32>
        %swap3A = arith.index_cast %add3A_63 : i32 to index
        %swap3A_83 = arith.index_cast %add3A_73 : i32 to index
        %swap3A_84 = tpu.vector_load %arg6[%swap3A, %swap3A_83] {strides = array<i32>} : memref<20x512xi32, #tpu.memory_space<vmem>>, vector<1x16xi32>,
        %swap3A_85 = vector.shape_cast %swap3A_84 : vector<1x16xi32> to vector<16xi32>
        %swap3A_86 = vector.shape_cast %add3A_82 : vector<16xi32> to vector<1x16xi32>
        tpu.vector_store %arg6[%swap3A, %swap3A_83], %swap3A_86 {strides = array<i32>} : memref<20x512xi32, #tpu.memory_space<vmem>>, vector<1x16xi32>,
      }
      %scan3A_68 = arith.constant 32 : i32
    }
    %scan3A_25 = arith.constant 20 : i32
    %barrier3A = arith.constant 0 : index
    tpu.barrier barrier_id(%barrier3A)
    %run_scoped3A = arith.constant 0 : i32
    "tpu.region"() ({
      %run_scoped3A_59 = tpu.sem_alloc : memref<!tpu.dma_semaphore, #tpu.memory_space<semaphore_mem>>
      %dma_start3A_60 = arith.constant 0 : i32
      %dma_start3A_61 = tpu.memref_slice %arg6[%run_scoped3A, %dma_start3A_60] : memref<20x512xi32, #tpu.memory_space<vmem>> -> memref<1x512xi32, #tpu.memory_space<vmem>>
      %dma_start3A_62 = tpu.memref_squeeze %dma_start3A_61 : memref<1x512xi32, #tpu.memory_space<vmem>> -> memref<512xi32, #tpu.memory_space<vmem>>
      %dma_start3A_63 = arith.constant 0 : i32
      %dma_start3A_64 = arith.constant 0 : i32
      %dma_start3A_65 = tpu.memref_slice %arg2[%dma_start3A_63, %dma_start3A_64] : memref<20480x64xf32, #tpu.memory_space<hbm>> -> memref<20480x64xf32, #tpu.memory_space<hbm>>
      tpu.enqueue_indirect_dma source(%dma_start3A_65 : memref<20480x64xf32, #tpu.memory_space<hbm>>) target(%arg8 : memref<512x64xf32, #tpu.memory_space<vmem>>) offsets(%dma_start3A_62 : memref<512xi32, #tpu.memory_space<vmem>>) semaphore(%run_scoped3A_59 : memref<!tpu.dma_semaphore, #tpu.memory_space<semaphore_mem>>)
      %dma_wait3A_66 = arith.constant 0 : i32
      %dma_wait3A_67 = tpu.memref_slice %arg6[%run_scoped3A, %dma_wait3A_66] : memref<20x512xi32, #tpu.memory_space<vmem>> -> memref<1x512xi32, #tpu.memory_space<vmem>>
      %dma_wait3A_68 = tpu.memref_squeeze %dma_wait3A_67 : memref<1x512xi32, #tpu.memory_space<vmem>> -> memref<512xi32, #tpu.memory_space<vmem>>
      %dma_wait3A_69 = arith.constant 0 : i32
      %dma_wait3A_70 = arith.constant 0 : i32
      %dma_wait3A_71 = tpu.memref_slice %arg2[%dma_wait3A_69, %dma_wait3A_70] : memref<20480x64xf32, #tpu.memory_space<hbm>> -> memref<20480x64xf32, #tpu.memory_space<hbm>>
      tpu.wait_indirect_dma semaphore(%run_scoped3A_59 : memref<!tpu.dma_semaphore, #tpu.memory_space<semaphore_mem>>) src(%dma_wait3A_71 : memref<20480x64xf32, #tpu.memory_space<hbm>>) dst(%arg8 : memref<512x64xf32, #tpu.memory_space<vmem>>)
      tpu.yield
    }) : () -> ()
    %dma_start3A = arith.constant 0 : i32
    %dma_start3A_26 = arith.constant 0 : i32
    %dma_start3A_27 = tpu.memref_slice %arg7[%dma_start3A, %dma_start3A_26] : memref<20x512xi32, #tpu.memory_space<vmem>> -> memref<1x512xi32, #tpu.memory_space<vmem>>
    %dma_start3A_28 = tpu.memref_squeeze %dma_start3A_27 : memref<1x512xi32, #tpu.memory_space<vmem>> -> memref<512xi32, #tpu.memory_space<vmem>>
    %dma_start3A_29 = arith.constant 0 : i32
    %dma_start3A_30 = arith.constant 0 : i32
    %dma_start3A_31 = tpu.memref_slice %arg12[%dma_start3A_29, %dma_start3A_30] : memref<10240x64xf32, #tpu.memory_space<vmem_shared>> -> memref<10240x64xf32, #tpu.memory_space<vmem_shared>>
    tpu.enqueue_indirect_dma source(%arg8 : memref<512x64xf32, #tpu.memory_space<vmem>>) target(%dma_start3A_31 : memref<10240x64xf32, #tpu.memory_space<vmem_shared>>) offsets(%dma_start3A_28 : memref<512xi32, #tpu.memory_space<vmem>>) semaphore(%arg10 : memref<!tpu.dma_semaphore, #tpu.memory_space<semaphore_mem>>) {add = true}
    %run_scoped3A_32 = arith.constant 1 : i32
    "tpu.region"() ({
      %run_scoped3A_59 = tpu.sem_alloc : memref<!tpu.dma_semaphore, #tpu.memory_space<semaphore_mem>>
      %dma_start3A_60 = arith.constant 0 : i32
      %dma_start3A_61 = tpu.memref_slice %arg6[%run_scoped3A_32, %dma_start3A_60] : memref<20x512xi32, #tpu.memory_space<vmem>> -> memref<1x512xi32, #tpu.memory_space<vmem>>
      %dma_start3A_62 = tpu.memref_squeeze %dma_start3A_61 : memref<1x512xi32, #tpu.memory_space<vmem>> -> memref<512xi32, #tpu.memory_space<vmem>>
      %dma_start3A_63 = arith.constant 0 : i32
      %dma_start3A_64 = arith.constant 0 : i32
      %dma_start3A_65 = tpu.memref_slice %arg2[%dma_start3A_63, %dma_start3A_64] : memref<20480x64xf32, #tpu.memory_space<hbm>> -> memref<20480x64xf32, #tpu.memory_space<hbm>>
      tpu.enqueue_indirect_dma source(%dma_start3A_65 : memref<20480x64xf32, #tpu.memory_space<hbm>>) target(%arg9 : memref<512x64xf32, #tpu.memory_space<vmem>>) offsets(%dma_start3A_62 : memref<512xi32, #tpu.memory_space<vmem>>) semaphore(%run_scoped3A_59 : memref<!tpu.dma_semaphore, #tpu.memory_space<semaphore_mem>>)
      %dma_wait3A_66 = arith.constant 0 : i32
      %dma_wait3A_67 = tpu.memref_slice %arg6[%run_scoped3A_32, %dma_wait3A_66] : memref<20x512xi32, #tpu.memory_space<vmem>> -> memref<1x512xi32, #tpu.memory_space<vmem>>
      %dma_wait3A_68 = tpu.memref_squeeze %dma_wait3A_67 : memref<1x512xi32, #tpu.memory_space<vmem>> -> memref<512xi32, #tpu.memory_space<vmem>>
      %dma_wait3A_69 = arith.constant 0 : i32
      %dma_wait3A_70 = arith.constant 0 : i32
      %dma_wait3A_71 = tpu.memref_slice %arg2[%dma_wait3A_69, %dma_wait3A_70] : memref<20480x64xf32, #tpu.memory_space<hbm>> -> memref<20480x64xf32, #tpu.memory_space<hbm>>
      tpu.wait_indirect_dma semaphore(%run_scoped3A_59 : memref<!tpu.dma_semaphore, #tpu.memory_space<semaphore_mem>>) src(%dma_wait3A_71 : memref<20480x64xf32, #tpu.memory_space<hbm>>) dst(%arg9 : memref<512x64xf32, #tpu.memory_space<vmem>>)
      tpu.yield
    }) : () -> ()
    %dma_start3A_33 = arith.constant 1 : i32
    %dma_start3A_34 = arith.constant 0 : i32
    %dma_start3A_35 = tpu.memref_slice %arg7[%dma_start3A_33, %dma_start3A_34] : memref<20x512xi32, #tpu.memory_space<vmem>> -> memref<1x512xi32, #tpu.memory_space<vmem>>
    %dma_start3A_36 = tpu.memref_squeeze %dma_start3A_35 : memref<1x512xi32, #tpu.memory_space<vmem>> -> memref<512xi32, #tpu.memory_space<vmem>>
    %dma_start3A_37 = arith.constant 0 : i32
    %dma_start3A_38 = arith.constant 0 : i32
    %dma_start3A_39 = tpu.memref_slice %arg12[%dma_start3A_37, %dma_start3A_38] : memref<10240x64xf32, #tpu.memory_space<vmem_shared>> -> memref<10240x64xf32, #tpu.memory_space<vmem_shared>>
    tpu.enqueue_indirect_dma source(%arg9 : memref<512x64xf32, #tpu.memory_space<vmem>>) target(%dma_start3A_39 : memref<10240x64xf32, #tpu.memory_space<vmem_shared>>) offsets(%dma_start3A_36 : memref<512xi32, #tpu.memory_space<vmem>>) semaphore(%arg11 : memref<!tpu.dma_semaphore, #tpu.memory_space<semaphore_mem>>) {add = true}
    %scan3A_40 = arith.constant 0 : i32
    %scan3A_41 = arith.constant 9 : i32
    %scan3A_42 = arith.addi %scan3A_40, %scan3A_41 : i32
    %scan3A_43 = arith.constant 1 : i32
    scf.for %scan3A_59 = %scan3A_40 to %scan3A_42 step %scan3A_43  : i32 {
      %mul3A_60 = arith.constant 2 : i32
      %mul3A_61 = arith.muli %scan3A_59, %mul3A_60 : i32
      %add3A_62 = arith.constant 2 : i32
      %add3A_63 = arith.addi %add3A_62, %mul3A_61 : i32
      %dma_wait3A_64 = arith.constant 0 : i32
      %dma_wait3A_65 = arith.constant 0 : i32
      %dma_wait3A_66 = tpu.memref_slice %arg7[%dma_wait3A_64, %dma_wait3A_65] : memref<20x512xi32, #tpu.memory_space<vmem>> -> memref<1x512xi32, #tpu.memory_space<vmem>>
      %dma_wait3A_67 = tpu.memref_squeeze %dma_wait3A_66 : memref<1x512xi32, #tpu.memory_space<vmem>> -> memref<512xi32, #tpu.memory_space<vmem>>
      %dma_wait3A_68 = arith.constant 0 : i32
      %dma_wait3A_69 = arith.constant 0 : i32
      %dma_wait3A_70 = tpu.memref_slice %arg12[%dma_wait3A_68, %dma_wait3A_69] : memref<10240x64xf32, #tpu.memory_space<vmem_shared>> -> memref<10240x64xf32, #tpu.memory_space<vmem_shared>>
      tpu.wait_indirect_dma semaphore(%arg10 : memref<!tpu.dma_semaphore, #tpu.memory_space<semaphore_mem>>) src(%arg8 : memref<512x64xf32, #tpu.memory_space<vmem>>) dst(%dma_wait3A_70 : memref<10240x64xf32, #tpu.memory_space<vmem_shared>>)
      %add3A_71 = arith.constant 0 : i32
      %add3A_72 = arith.addi %add3A_63, %add3A_71 : i32
      "tpu.region"() ({
        %run_scoped3A_98 = tpu.sem_alloc : memref<!tpu.dma_semaphore, #tpu.memory_space<semaphore_mem>>
        %dma_start3A_99 = arith.constant 0 : i32
        %dma_start3A_100 = tpu.memref_slice %arg6[%add3A_72, %dma_start3A_99] : memref<20x512xi32, #tpu.memory_space<vmem>> -> memref<1x512xi32, #tpu.memory_space<vmem>>
        %dma_start3A_101 = tpu.memref_squeeze %dma_start3A_100 : memref<1x512xi32, #tpu.memory_space<vmem>> -> memref<512xi32, #tpu.memory_space<vmem>>
        %dma_start3A_102 = arith.constant 0 : i32
        %dma_start3A_103 = arith.constant 0 : i32
        %dma_start3A_104 = tpu.memref_slice %arg2[%dma_start3A_102, %dma_start3A_103] : memref<20480x64xf32, #tpu.memory_space<hbm>> -> memref<20480x64xf32, #tpu.memory_space<hbm>>
        tpu.enqueue_indirect_dma source(%dma_start3A_104 : memref<20480x64xf32, #tpu.memory_space<hbm>>) target(%arg8 : memref<512x64xf32, #tpu.memory_space<vmem>>) offsets(%dma_start3A_101 : memref<512xi32, #tpu.memory_space<vmem>>) semaphore(%run_scoped3A_98 : memref<!tpu.dma_semaphore, #tpu.memory_space<semaphore_mem>>)
        %dma_wait3A_105 = arith.constant 0 : i32
        %dma_wait3A_106 = tpu.memref_slice %arg6[%add3A_72, %dma_wait3A_105] : memref<20x512xi32, #tpu.memory_space<vmem>> -> memref<1x512xi32, #tpu.memory_space<vmem>>
        %dma_wait3A_107 = tpu.memref_squeeze %dma_wait3A_106 : memref<1x512xi32, #tpu.memory_space<vmem>> -> memref<512xi32, #tpu.memory_space<vmem>>
        %dma_wait3A_108 = arith.constant 0 : i32
        %dma_wait3A_109 = arith.constant 0 : i32
        %dma_wait3A_110 = tpu.memref_slice %arg2[%dma_wait3A_108, %dma_wait3A_109] : memref<20480x64xf32, #tpu.memory_space<hbm>> -> memref<20480x64xf32, #tpu.memory_space<hbm>>
        tpu.wait_indirect_dma semaphore(%run_scoped3A_98 : memref<!tpu.dma_semaphore, #tpu.memory_space<semaphore_mem>>) src(%dma_wait3A_110 : memref<20480x64xf32, #tpu.memory_space<hbm>>) dst(%arg8 : memref<512x64xf32, #tpu.memory_space<vmem>>)
        tpu.yield
      }) : () -> ()
      %add3A_73 = arith.constant 0 : i32
      %add3A_74 = arith.addi %add3A_63, %add3A_73 : i32
      %dma_start3A_75 = arith.constant 0 : i32
      %dma_start3A_76 = tpu.memref_slice %arg7[%add3A_74, %dma_start3A_75] : memref<20x512xi32, #tpu.memory_space<vmem>> -> memref<1x512xi32, #tpu.memory_space<vmem>>
      %dma_start3A_77 = tpu.memref_squeeze %dma_start3A_76 : memref<1x512xi32, #tpu.memory_space<vmem>> -> memref<512xi32, #tpu.memory_space<vmem>>
      %dma_start3A_78 = arith.constant 0 : i32
      %dma_start3A_79 = arith.constant 0 : i32
      %dma_start3A_80 = tpu.memref_slice %arg12[%dma_start3A_78, %dma_start3A_79] : memref<10240x64xf32, #tpu.memory_space<vmem_shared>> -> memref<10240x64xf32, #tpu.memory_space<vmem_shared>>
      tpu.enqueue_indirect_dma source(%arg8 : memref<512x64xf32, #tpu.memory_space<vmem>>) target(%dma_start3A_80 : memref<10240x64xf32, #tpu.memory_space<vmem_shared>>) offsets(%dma_start3A_77 : memref<512xi32, #tpu.memory_space<vmem>>) semaphore(%arg10 : memref<!tpu.dma_semaphore, #tpu.memory_space<semaphore_mem>>) {add = true}
      %dma_wait3A_81 = arith.constant 0 : i32
      %dma_wait3A_82 = arith.constant 0 : i32
      %dma_wait3A_83 = tpu.memref_slice %arg7[%dma_wait3A_81, %dma_wait3A_82] : memref<20x512xi32, #tpu.memory_space<vmem>> -> memref<1x512xi32, #tpu.memory_space<vmem>>
      %dma_wait3A_84 = tpu.memref_squeeze %dma_wait3A_83 : memref<1x512xi32, #tpu.memory_space<vmem>> -> memref<512xi32, #tpu.memory_space<vmem>>
      %dma_wait3A_85 = arith.constant 0 : i32
      %dma_wait3A_86 = arith.constant 0 : i32
      %dma_wait3A_87 = tpu.memref_slice %arg12[%dma_wait3A_85, %dma_wait3A_86] : memref<10240x64xf32, #tpu.memory_space<vmem_shared>> -> memref<10240x64xf32, #tpu.memory_space<vmem_shared>>
      tpu.wait_indirect_dma semaphore(%arg11 : memref<!tpu.dma_semaphore, #tpu.memory_space<semaphore_mem>>) src(%arg9 : memref<512x64xf32, #tpu.memory_space<vmem>>) dst(%dma_wait3A_87 : memref<10240x64xf32, #tpu.memory_space<vmem_shared>>)
      %add3A_88 = arith.constant 1 : i32
      %add3A_89 = arith.addi %add3A_63, %add3A_88 : i32
      "tpu.region"() ({
        %run_scoped3A_98 = tpu.sem_alloc : memref<!tpu.dma_semaphore, #tpu.memory_space<semaphore_mem>>
        %dma_start3A_99 = arith.constant 0 : i32
        %dma_start3A_100 = tpu.memref_slice %arg6[%add3A_89, %dma_start3A_99] : memref<20x512xi32, #tpu.memory_space<vmem>> -> memref<1x512xi32, #tpu.memory_space<vmem>>
        %dma_start3A_101 = tpu.memref_squeeze %dma_start3A_100 : memref<1x512xi32, #tpu.memory_space<vmem>> -> memref<512xi32, #tpu.memory_space<vmem>>
        %dma_start3A_102 = arith.constant 0 : i32
        %dma_start3A_103 = arith.constant 0 : i32
        %dma_start3A_104 = tpu.memref_slice %arg2[%dma_start3A_102, %dma_start3A_103] : memref<20480x64xf32, #tpu.memory_space<hbm>> -> memref<20480x64xf32, #tpu.memory_space<hbm>>
        tpu.enqueue_indirect_dma source(%dma_start3A_104 : memref<20480x64xf32, #tpu.memory_space<hbm>>) target(%arg9 : memref<512x64xf32, #tpu.memory_space<vmem>>) offsets(%dma_start3A_101 : memref<512xi32, #tpu.memory_space<vmem>>) semaphore(%run_scoped3A_98 : memref<!tpu.dma_semaphore, #tpu.memory_space<semaphore_mem>>)
        %dma_wait3A_105 = arith.constant 0 : i32
        %dma_wait3A_106 = tpu.memref_slice %arg6[%add3A_89, %dma_wait3A_105] : memref<20x512xi32, #tpu.memory_space<vmem>> -> memref<1x512xi32, #tpu.memory_space<vmem>>
        %dma_wait3A_107 = tpu.memref_squeeze %dma_wait3A_106 : memref<1x512xi32, #tpu.memory_space<vmem>> -> memref<512xi32, #tpu.memory_space<vmem>>
        %dma_wait3A_108 = arith.constant 0 : i32
        %dma_wait3A_109 = arith.constant 0 : i32
        %dma_wait3A_110 = tpu.memref_slice %arg2[%dma_wait3A_108, %dma_wait3A_109] : memref<20480x64xf32, #tpu.memory_space<hbm>> -> memref<20480x64xf32, #tpu.memory_space<hbm>>
        tpu.wait_indirect_dma semaphore(%run_scoped3A_98 : memref<!tpu.dma_semaphore, #tpu.memory_space<semaphore_mem>>) src(%dma_wait3A_110 : memref<20480x64xf32, #tpu.memory_space<hbm>>) dst(%arg9 : memref<512x64xf32, #tpu.memory_space<vmem>>)
        tpu.yield
      }) : () -> ()
      %add3A_90 = arith.constant 1 : i32
      %add3A_91 = arith.addi %add3A_63, %add3A_90 : i32
      %dma_start3A_92 = arith.constant 0 : i32
      %dma_start3A_93 = tpu.memref_slice %arg7[%add3A_91, %dma_start3A_92] : memref<20x512xi32, #tpu.memory_space<vmem>> -> memref<1x512xi32, #tpu.memory_space<vmem>>
      %dma_start3A_94 = tpu.memref_squeeze %dma_start3A_93 : memref<1x512xi32, #tpu.memory_space<vmem>> -> memref<512xi32, #tpu.memory_space<vmem>>
      %dma_start3A_95 = arith.constant 0 : i32
      %dma_start3A_96 = arith.constant 0 : i32
      %dma_start3A_97 = tpu.memref_slice %arg12[%dma_start3A_95, %dma_start3A_96] : memref<10240x64xf32, #tpu.memory_space<vmem_shared>> -> memref<10240x64xf32, #tpu.memory_space<vmem_shared>>
      tpu.enqueue_indirect_dma source(%arg9 : memref<512x64xf32, #tpu.memory_space<vmem>>) target(%dma_start3A_97 : memref<10240x64xf32, #tpu.memory_space<vmem_shared>>) offsets(%dma_start3A_94 : memref<512xi32, #tpu.memory_space<vmem>>) semaphore(%arg11 : memref<!tpu.dma_semaphore, #tpu.memory_space<semaphore_mem>>) {add = true}
    }
    %scan3A_44 = arith.constant 9 : i32
    %dma_wait3A = arith.constant 0 : i32
    %dma_wait3A_45 = arith.constant 0 : i32
    %dma_wait3A_46 = tpu.memref_slice %arg7[%dma_wait3A, %dma_wait3A_45] : memref<20x512xi32, #tpu.memory_space<vmem>> -> memref<1x512xi32, #tpu.memory_space<vmem>>
    %dma_wait3A_47 = tpu.memref_squeeze %dma_wait3A_46 : memref<1x512xi32, #tpu.memory_space<vmem>> -> memref<512xi32, #tpu.memory_space<vmem>>
    %dma_wait3A_48 = arith.constant 0 : i32
    %dma_wait3A_49 = arith.constant 0 : i32
    %dma_wait3A_50 = tpu.memref_slice %arg12[%dma_wait3A_48, %dma_wait3A_49] : memref<10240x64xf32, #tpu.memory_space<vmem_shared>> -> memref<10240x64xf32, #tpu.memory_space<vmem_shared>>
    tpu.wait_indirect_dma semaphore(%arg10 : memref<!tpu.dma_semaphore, #tpu.memory_space<semaphore_mem>>) src(%arg8 : memref<512x64xf32, #tpu.memory_space<vmem>>) dst(%dma_wait3A_50 : memref<10240x64xf32, #tpu.memory_space<vmem_shared>>)
    %dma_wait3A_51 = arith.constant 0 : i32
    %dma_wait3A_52 = arith.constant 0 : i32
    %dma_wait3A_53 = tpu.memref_slice %arg7[%dma_wait3A_51, %dma_wait3A_52] : memref<20x512xi32, #tpu.memory_space<vmem>> -> memref<1x512xi32, #tpu.memory_space<vmem>>
    %dma_wait3A_54 = tpu.memref_squeeze %dma_wait3A_53 : memref<1x512xi32, #tpu.memory_space<vmem>> -> memref<512xi32, #tpu.memory_space<vmem>>
    %dma_wait3A_55 = arith.constant 0 : i32
    %dma_wait3A_56 = arith.constant 0 : i32
    %dma_wait3A_57 = tpu.memref_slice %arg12[%dma_wait3A_55, %dma_wait3A_56] : memref<10240x64xf32, #tpu.memory_space<vmem_shared>> -> memref<10240x64xf32, #tpu.memory_space<vmem_shared>>
    tpu.wait_indirect_dma semaphore(%arg11 : memref<!tpu.dma_semaphore, #tpu.memory_space<semaphore_mem>>) src(%arg9 : memref<512x64xf32, #tpu.memory_space<vmem>>) dst(%dma_wait3A_57 : memref<10240x64xf32, #tpu.memory_space<vmem_shared>>)
    %barrier3A_58 = arith.constant 0 : index
    tpu.barrier barrier_id(%barrier3A_58)
    "tpu.region"() ({
      %run_scoped3A_59 = tpu.sem_alloc : memref<!tpu.dma_semaphore, #tpu.memory_space<semaphore_mem>>
      %dma_start3A_60 = arith.constant 0 : i32
      %dma_start3A_61 = tpu.memref_slice %arg5[%arg0, %mul3A_4, %dma_start3A_60] : memref<2x10240x64xf32, #tpu.memory_space<hbm>> -> memref<1x640x64xf32, #tpu.memory_space<hbm>>
      %dma_start3A_62 = tpu.memref_squeeze %dma_start3A_61 : memref<1x640x64xf32, #tpu.memory_space<hbm>> -> memref<640x64xf32, #tpu.memory_space<hbm>>
      %dma_start3A_63 = arith.constant 0 : i32
      %dma_start3A_64 = tpu.memref_slice %arg12[%mul3A_4, %dma_start3A_63] : memref<10240x64xf32, #tpu.memory_space<vmem_shared>> -> memref<640x64xf32, #tpu.memory_space<vmem_shared>>
      tpu.enqueue_dma source(%dma_start3A_64 : memref<640x64xf32, #tpu.memory_space<vmem_shared>>) target(%dma_start3A_62 : memref<640x64xf32, #tpu.memory_space<hbm>>) target_semaphore(%run_scoped3A_59 : memref<!tpu.dma_semaphore, #tpu.memory_space<semaphore_mem>>)
      %dma_wait3A_65 = arith.constant 0 : i32
      %dma_wait3A_66 = tpu.memref_slice %arg5[%arg0, %mul3A_4, %dma_wait3A_65] : memref<2x10240x64xf32, #tpu.memory_space<hbm>> -> memref<1x640x64xf32, #tpu.memory_space<hbm>>
      %dma_wait3A_67 = tpu.memref_squeeze %dma_wait3A_66 : memref<1x640x64xf32, #tpu.memory_space<hbm>> -> memref<640x64xf32, #tpu.memory_space<hbm>>
      %dma_wait3A_68 = arith.constant 0 : i32
      %dma_wait3A_69 = tpu.memref_slice %arg12[%mul3A_4, %dma_wait3A_68] : memref<10240x64xf32, #tpu.memory_space<vmem_shared>> -> memref<640x64xf32, #tpu.memory_space<vmem_shared>>
      tpu.wait_dma2 semaphore(%run_scoped3A_59 : memref<!tpu.dma_semaphore, #tpu.memory_space<semaphore_mem>>) src(%dma_wait3A_69 : memref<640x64xf32, #tpu.memory_space<vmem_shared>>) dst(%dma_wait3A_67 : memref<640x64xf32, #tpu.memory_space<hbm>>)
      tpu.yield
    }) : () -> ()
    return
  }
}

#map = affine_map<(d0, d1) -> (0, 0)>
#map1 = affine_map<(d0, d1) -> (0, 0, 0)>
module attributes {stable_mosaic.version = 14 : i64} {
  func.func @k(%arg0: i32, %arg1: i32, %arg2: memref<10240x64xf32, #tpu.memory_space<hbm>>, %arg3: memref<640x512xi32, #tpu.memory_space<hbm>>, %arg4: memref<640x512xi32, #tpu.memory_space<hbm>>, %arg5: memref<2x10240x64xf32, #tpu.memory_space<hbm>>, %arg6: memref<20x512xi32, #tpu.memory_space<vmem>>, %arg7: memref<20x512xi32, #tpu.memory_space<vmem>>, %arg8: memref<512x64xf32, #tpu.memory_space<vmem>>, %arg9: memref<512x64xf32, #tpu.memory_space<vmem>>, %arg10: memref<!tpu.dma_semaphore, #tpu.memory_space<semaphore_mem>>, %arg11: memref<!tpu.dma_semaphore, #tpu.memory_space<semaphore_mem>>, %arg12: memref<10240x64xf32, #tpu.memory_space<vmem_shared>>) attributes {dimension_semantics = [#tpu.dimension_semantics<core_parallel>, #tpu.dimension_semantics<subcore_parallel>], iteration_bounds = array<i64: 2, 16>, scalar_prefetch = 0 : i64, scratch_operands = 7 : i64, tpu.core_type = #tpu.core_type<sc_vector_subcore>, window_params = [{transform_indices = #map}, {transform_indices = #map}, {transform_indices = #map}, {transform_indices = #map1}]} {
    %scan3A = arith.constant 0 : i32
    %scan3A_0 = arith.constant 128 : i32
    %scan3A_1 = arith.addi %scan3A, %scan3A_0 : i32
    %scan3A_2 = arith.constant 1 : i32
    scf.for %scan3A_54 = %scan3A to %scan3A_1 step %scan3A_2  : i32 {
      %mul3A_55 = arith.constant 1 : i32
      %mul3A_56 = arith.muli %scan3A_54, %mul3A_55 : i32
      %add3A_57 = arith.constant 0 : i32
      %add3A_58 = arith.addi %add3A_57, %mul3A_56 : i32
      %scan3A_59 = arith.constant 0 : i32
      %scan3A_60 = arith.constant 4 : i32
      %scan3A_61 = arith.addi %scan3A_59, %scan3A_60 : i32
      %scan3A_62 = arith.constant 1 : i32
      scf.for %scan3A_64 = %scan3A_59 to %scan3A_61 step %scan3A_62  : i32 {
        %mul3A_65 = arith.constant 16 : i32
        %mul3A_66 = arith.muli %scan3A_64, %mul3A_65 : i32
        %add3A_67 = arith.constant 0 : i32
        %add3A_68 = arith.addi %add3A_67, %mul3A_66 : i32
        %broadcast_in_dim3A = arith.constant 0.000000e+00 : f32
        %broadcast_in_dim3A_69 = vector.broadcast %broadcast_in_dim3A : f32 to vector<16xf32>
        %swap3A = arith.index_cast %add3A_58 : i32 to index
        %swap3A_70 = arith.index_cast %add3A_68 : i32 to index
        %swap3A_71 = tpu.vector_load %arg8[%swap3A, %swap3A_70] {strides = array<i32>} : memref<512x64xf32, #tpu.memory_space<vmem>>, vector<1x16xf32>,
        %swap3A_72 = vector.shape_cast %swap3A_71 : vector<1x16xf32> to vector<16xf32>
        %swap3A_73 = vector.shape_cast %broadcast_in_dim3A_69 : vector<16xf32> to vector<1x16xf32>
        tpu.vector_store %arg8[%swap3A, %swap3A_70], %swap3A_73 {strides = array<i32>} : memref<512x64xf32, #tpu.memory_space<vmem>>, vector<1x16xf32>,
      }
      %scan3A_63 = arith.constant 4 : i32
    }
    %scan3A_3 = arith.constant 128 : i32
    %mul3A = arith.constant 640 : i32
    %mul3A_4 = arith.muli %arg1, %mul3A : i32
    %add3A = arith.constant 0 : i32
    %add3A_5 = arith.addi %mul3A_4, %add3A : i32
    "tpu.region"() ({
      %run_scoped3A_54 = tpu.sem_alloc : memref<!tpu.dma_semaphore, #tpu.memory_space<semaphore_mem>>
      %dma_start3A_55 = arith.constant 0 : i32
      %dma_start3A_56 = arith.constant 0 : i32
      %dma_start3A_57 = tpu.memref_slice %arg8[%dma_start3A_55, %dma_start3A_56] : memref<512x64xf32, #tpu.memory_space<vmem>> -> memref<128x64xf32, #tpu.memory_space<vmem>>
      %dma_start3A_58 = arith.constant 0 : i32
      %dma_start3A_59 = tpu.memref_slice %arg12[%add3A_5, %dma_start3A_58] : memref<10240x64xf32, #tpu.memory_space<vmem_shared>> -> memref<128x64xf32, #tpu.memory_space<vmem_shared>>
      %dma_start3A_60 = arith.constant 0 : i32
      %dma_start3A_61 = tpu.memref_slice %arg12[%add3A_5, %dma_start3A_60] : memref<10240x64xf32, #tpu.memory_space<vmem_shared>> -> memref<128x64xf32, #tpu.memory_space<vmem_shared>>
      %dma_start3A_62 = arith.constant 0 : i32
      %dma_start3A_63 = arith.constant 0 : i32
      %dma_start3A_64 = tpu.memref_slice %arg8[%dma_start3A_62, %dma_start3A_63] : memref<512x64xf32, #tpu.memory_space<vmem>> -> memref<128x64xf32, #tpu.memory_space<vmem>>
      tpu.enqueue_dma source(%dma_start3A_64 : memref<128x64xf32, #tpu.memory_space<vmem>>) target(%dma_start3A_61 : memref<128x64xf32, #tpu.memory_space<vmem_shared>>) target_semaphore(%run_scoped3A_54 : memref<!tpu.dma_semaphore, #tpu.memory_space<semaphore_mem>>)
      %dma_wait3A_65 = arith.constant 0 : i32
      %dma_wait3A_66 = arith.constant 0 : i32
      %dma_wait3A_67 = tpu.memref_slice %arg8[%dma_wait3A_65, %dma_wait3A_66] : memref<512x64xf32, #tpu.memory_space<vmem>> -> memref<128x64xf32, #tpu.memory_space<vmem>>
      %dma_wait3A_68 = arith.constant 0 : i32
      %dma_wait3A_69 = tpu.memref_slice %arg12[%add3A_5, %dma_wait3A_68] : memref<10240x64xf32, #tpu.memory_space<vmem_shared>> -> memref<128x64xf32, #tpu.memory_space<vmem_shared>>
      %dma_wait3A_70 = arith.constant 0 : i32
      %dma_wait3A_71 = tpu.memref_slice %arg12[%add3A_5, %dma_wait3A_70] : memref<10240x64xf32, #tpu.memory_space<vmem_shared>> -> memref<128x64xf32, #tpu.memory_space<vmem_shared>>
      %dma_wait3A_72 = arith.constant 0 : i32
      %dma_wait3A_73 = arith.constant 0 : i32
      %dma_wait3A_74 = tpu.memref_slice %arg8[%dma_wait3A_72, %dma_wait3A_73] : memref<512x64xf32, #tpu.memory_space<vmem>> -> memref<128x64xf32, #tpu.memory_space<vmem>>
      tpu.wait_dma2 semaphore(%run_scoped3A_54 : memref<!tpu.dma_semaphore, #tpu.memory_space<semaphore_mem>>) src(%dma_wait3A_74 : memref<128x64xf32, #tpu.memory_space<vmem>>) dst(%dma_wait3A_71 : memref<128x64xf32, #tpu.memory_space<vmem_shared>>)
      tpu.yield
    }) : () -> ()
    %add3A_6 = arith.constant 128 : i32
    %add3A_7 = arith.addi %mul3A_4, %add3A_6 : i32
    "tpu.region"() ({
      %run_scoped3A_54 = tpu.sem_alloc : memref<!tpu.dma_semaphore, #tpu.memory_space<semaphore_mem>>
      %dma_start3A_55 = arith.constant 0 : i32
      %dma_start3A_56 = arith.constant 0 : i32
      %dma_start3A_57 = tpu.memref_slice %arg8[%dma_start3A_55, %dma_start3A_56] : memref<512x64xf32, #tpu.memory_space<vmem>> -> memref<128x64xf32, #tpu.memory_space<vmem>>
      %dma_start3A_58 = arith.constant 0 : i32
      %dma_start3A_59 = tpu.memref_slice %arg12[%add3A_7, %dma_start3A_58] : memref<10240x64xf32, #tpu.memory_space<vmem_shared>> -> memref<128x64xf32, #tpu.memory_space<vmem_shared>>
      %dma_start3A_60 = arith.constant 0 : i32
      %dma_start3A_61 = tpu.memref_slice %arg12[%add3A_7, %dma_start3A_60] : memref<10240x64xf32, #tpu.memory_space<vmem_shared>> -> memref<128x64xf32, #tpu.memory_space<vmem_shared>>
      %dma_start3A_62 = arith.constant 0 : i32
      %dma_start3A_63 = arith.constant 0 : i32
      %dma_start3A_64 = tpu.memref_slice %arg8[%dma_start3A_62, %dma_start3A_63] : memref<512x64xf32, #tpu.memory_space<vmem>> -> memref<128x64xf32, #tpu.memory_space<vmem>>
      tpu.enqueue_dma source(%dma_start3A_64 : memref<128x64xf32, #tpu.memory_space<vmem>>) target(%dma_start3A_61 : memref<128x64xf32, #tpu.memory_space<vmem_shared>>) target_semaphore(%run_scoped3A_54 : memref<!tpu.dma_semaphore, #tpu.memory_space<semaphore_mem>>)
      %dma_wait3A_65 = arith.constant 0 : i32
      %dma_wait3A_66 = arith.constant 0 : i32
      %dma_wait3A_67 = tpu.memref_slice %arg8[%dma_wait3A_65, %dma_wait3A_66] : memref<512x64xf32, #tpu.memory_space<vmem>> -> memref<128x64xf32, #tpu.memory_space<vmem>>
      %dma_wait3A_68 = arith.constant 0 : i32
      %dma_wait3A_69 = tpu.memref_slice %arg12[%add3A_7, %dma_wait3A_68] : memref<10240x64xf32, #tpu.memory_space<vmem_shared>> -> memref<128x64xf32, #tpu.memory_space<vmem_shared>>
      %dma_wait3A_70 = arith.constant 0 : i32
      %dma_wait3A_71 = tpu.memref_slice %arg12[%add3A_7, %dma_wait3A_70] : memref<10240x64xf32, #tpu.memory_space<vmem_shared>> -> memref<128x64xf32, #tpu.memory_space<vmem_shared>>
      %dma_wait3A_72 = arith.constant 0 : i32
      %dma_wait3A_73 = arith.constant 0 : i32
      %dma_wait3A_74 = tpu.memref_slice %arg8[%dma_wait3A_72, %dma_wait3A_73] : memref<512x64xf32, #tpu.memory_space<vmem>> -> memref<128x64xf32, #tpu.memory_space<vmem>>
      tpu.wait_dma2 semaphore(%run_scoped3A_54 : memref<!tpu.dma_semaphore, #tpu.memory_space<semaphore_mem>>) src(%dma_wait3A_74 : memref<128x64xf32, #tpu.memory_space<vmem>>) dst(%dma_wait3A_71 : memref<128x64xf32, #tpu.memory_space<vmem_shared>>)
      tpu.yield
    }) : () -> ()
    %add3A_8 = arith.constant 256 : i32
    %add3A_9 = arith.addi %mul3A_4, %add3A_8 : i32
    "tpu.region"() ({
      %run_scoped3A_54 = tpu.sem_alloc : memref<!tpu.dma_semaphore, #tpu.memory_space<semaphore_mem>>
      %dma_start3A_55 = arith.constant 0 : i32
      %dma_start3A_56 = arith.constant 0 : i32
      %dma_start3A_57 = tpu.memref_slice %arg8[%dma_start3A_55, %dma_start3A_56] : memref<512x64xf32, #tpu.memory_space<vmem>> -> memref<128x64xf32, #tpu.memory_space<vmem>>
      %dma_start3A_58 = arith.constant 0 : i32
      %dma_start3A_59 = tpu.memref_slice %arg12[%add3A_9, %dma_start3A_58] : memref<10240x64xf32, #tpu.memory_space<vmem_shared>> -> memref<128x64xf32, #tpu.memory_space<vmem_shared>>
      %dma_start3A_60 = arith.constant 0 : i32
      %dma_start3A_61 = tpu.memref_slice %arg12[%add3A_9, %dma_start3A_60] : memref<10240x64xf32, #tpu.memory_space<vmem_shared>> -> memref<128x64xf32, #tpu.memory_space<vmem_shared>>
      %dma_start3A_62 = arith.constant 0 : i32
      %dma_start3A_63 = arith.constant 0 : i32
      %dma_start3A_64 = tpu.memref_slice %arg8[%dma_start3A_62, %dma_start3A_63] : memref<512x64xf32, #tpu.memory_space<vmem>> -> memref<128x64xf32, #tpu.memory_space<vmem>>
      tpu.enqueue_dma source(%dma_start3A_64 : memref<128x64xf32, #tpu.memory_space<vmem>>) target(%dma_start3A_61 : memref<128x64xf32, #tpu.memory_space<vmem_shared>>) target_semaphore(%run_scoped3A_54 : memref<!tpu.dma_semaphore, #tpu.memory_space<semaphore_mem>>)
      %dma_wait3A_65 = arith.constant 0 : i32
      %dma_wait3A_66 = arith.constant 0 : i32
      %dma_wait3A_67 = tpu.memref_slice %arg8[%dma_wait3A_65, %dma_wait3A_66] : memref<512x64xf32, #tpu.memory_space<vmem>> -> memref<128x64xf32, #tpu.memory_space<vmem>>
      %dma_wait3A_68 = arith.constant 0 : i32
      %dma_wait3A_69 = tpu.memref_slice %arg12[%add3A_9, %dma_wait3A_68] : memref<10240x64xf32, #tpu.memory_space<vmem_shared>> -> memref<128x64xf32, #tpu.memory_space<vmem_shared>>
      %dma_wait3A_70 = arith.constant 0 : i32
      %dma_wait3A_71 = tpu.memref_slice %arg12[%add3A_9, %dma_wait3A_70] : memref<10240x64xf32, #tpu.memory_space<vmem_shared>> -> memref<128x64xf32, #tpu.memory_space<vmem_shared>>
      %dma_wait3A_72 = arith.constant 0 : i32
      %dma_wait3A_73 = arith.constant 0 : i32
      %dma_wait3A_74 = tpu.memref_slice %arg8[%dma_wait3A_72, %dma_wait3A_73] : memref<512x64xf32, #tpu.memory_space<vmem>> -> memref<128x64xf32, #tpu.memory_space<vmem>>
      tpu.wait_dma2 semaphore(%run_scoped3A_54 : memref<!tpu.dma_semaphore, #tpu.memory_space<semaphore_mem>>) src(%dma_wait3A_74 : memref<128x64xf32, #tpu.memory_space<vmem>>) dst(%dma_wait3A_71 : memref<128x64xf32, #tpu.memory_space<vmem_shared>>)
      tpu.yield
    }) : () -> ()
    %add3A_10 = arith.constant 384 : i32
    %add3A_11 = arith.addi %mul3A_4, %add3A_10 : i32
    "tpu.region"() ({
      %run_scoped3A_54 = tpu.sem_alloc : memref<!tpu.dma_semaphore, #tpu.memory_space<semaphore_mem>>
      %dma_start3A_55 = arith.constant 0 : i32
      %dma_start3A_56 = arith.constant 0 : i32
      %dma_start3A_57 = tpu.memref_slice %arg8[%dma_start3A_55, %dma_start3A_56] : memref<512x64xf32, #tpu.memory_space<vmem>> -> memref<128x64xf32, #tpu.memory_space<vmem>>
      %dma_start3A_58 = arith.constant 0 : i32
      %dma_start3A_59 = tpu.memref_slice %arg12[%add3A_11, %dma_start3A_58] : memref<10240x64xf32, #tpu.memory_space<vmem_shared>> -> memref<128x64xf32, #tpu.memory_space<vmem_shared>>
      %dma_start3A_60 = arith.constant 0 : i32
      %dma_start3A_61 = tpu.memref_slice %arg12[%add3A_11, %dma_start3A_60] : memref<10240x64xf32, #tpu.memory_space<vmem_shared>> -> memref<128x64xf32, #tpu.memory_space<vmem_shared>>
      %dma_start3A_62 = arith.constant 0 : i32
      %dma_start3A_63 = arith.constant 0 : i32
      %dma_start3A_64 = tpu.memref_slice %arg8[%dma_start3A_62, %dma_start3A_63] : memref<512x64xf32, #tpu.memory_space<vmem>> -> memref<128x64xf32, #tpu.memory_space<vmem>>
      tpu.enqueue_dma source(%dma_start3A_64 : memref<128x64xf32, #tpu.memory_space<vmem>>) target(%dma_start3A_61 : memref<128x64xf32, #tpu.memory_space<vmem_shared>>) target_semaphore(%run_scoped3A_54 : memref<!tpu.dma_semaphore, #tpu.memory_space<semaphore_mem>>)
      %dma_wait3A_65 = arith.constant 0 : i32
      %dma_wait3A_66 = arith.constant 0 : i32
      %dma_wait3A_67 = tpu.memref_slice %arg8[%dma_wait3A_65, %dma_wait3A_66] : memref<512x64xf32, #tpu.memory_space<vmem>> -> memref<128x64xf32, #tpu.memory_space<vmem>>
      %dma_wait3A_68 = arith.constant 0 : i32
      %dma_wait3A_69 = tpu.memref_slice %arg12[%add3A_11, %dma_wait3A_68] : memref<10240x64xf32, #tpu.memory_space<vmem_shared>> -> memref<128x64xf32, #tpu.memory_space<vmem_shared>>
      %dma_wait3A_70 = arith.constant 0 : i32
      %dma_wait3A_71 = tpu.memref_slice %arg12[%add3A_11, %dma_wait3A_70] : memref<10240x64xf32, #tpu.memory_space<vmem_shared>> -> memref<128x64xf32, #tpu.memory_space<vmem_shared>>
      %dma_wait3A_72 = arith.constant 0 : i32
      %dma_wait3A_73 = arith.constant 0 : i32
      %dma_wait3A_74 = tpu.memref_slice %arg8[%dma_wait3A_72, %dma_wait3A_73] : memref<512x64xf32, #tpu.memory_space<vmem>> -> memref<128x64xf32, #tpu.memory_space<vmem>>
      tpu.wait_dma2 semaphore(%run_scoped3A_54 : memref<!tpu.dma_semaphore, #tpu.memory_space<semaphore_mem>>) src(%dma_wait3A_74 : memref<128x64xf32, #tpu.memory_space<vmem>>) dst(%dma_wait3A_71 : memref<128x64xf32, #tpu.memory_space<vmem_shared>>)
      tpu.yield
    }) : () -> ()
    %add3A_12 = arith.constant 512 : i32
    %add3A_13 = arith.addi %mul3A_4, %add3A_12 : i32
    "tpu.region"() ({
      %run_scoped3A_54 = tpu.sem_alloc : memref<!tpu.dma_semaphore, #tpu.memory_space<semaphore_mem>>
      %dma_start3A_55 = arith.constant 0 : i32
      %dma_start3A_56 = arith.constant 0 : i32
      %dma_start3A_57 = tpu.memref_slice %arg8[%dma_start3A_55, %dma_start3A_56] : memref<512x64xf32, #tpu.memory_space<vmem>> -> memref<128x64xf32, #tpu.memory_space<vmem>>
      %dma_start3A_58 = arith.constant 0 : i32
      %dma_start3A_59 = tpu.memref_slice %arg12[%add3A_13, %dma_start3A_58] : memref<10240x64xf32, #tpu.memory_space<vmem_shared>> -> memref<128x64xf32, #tpu.memory_space<vmem_shared>>
      %dma_start3A_60 = arith.constant 0 : i32
      %dma_start3A_61 = tpu.memref_slice %arg12[%add3A_13, %dma_start3A_60] : memref<10240x64xf32, #tpu.memory_space<vmem_shared>> -> memref<128x64xf32, #tpu.memory_space<vmem_shared>>
      %dma_start3A_62 = arith.constant 0 : i32
      %dma_start3A_63 = arith.constant 0 : i32
      %dma_start3A_64 = tpu.memref_slice %arg8[%dma_start3A_62, %dma_start3A_63] : memref<512x64xf32, #tpu.memory_space<vmem>> -> memref<128x64xf32, #tpu.memory_space<vmem>>
      tpu.enqueue_dma source(%dma_start3A_64 : memref<128x64xf32, #tpu.memory_space<vmem>>) target(%dma_start3A_61 : memref<128x64xf32, #tpu.memory_space<vmem_shared>>) target_semaphore(%run_scoped3A_54 : memref<!tpu.dma_semaphore, #tpu.memory_space<semaphore_mem>>)
      %dma_wait3A_65 = arith.constant 0 : i32
      %dma_wait3A_66 = arith.constant 0 : i32
      %dma_wait3A_67 = tpu.memref_slice %arg8[%dma_wait3A_65, %dma_wait3A_66] : memref<512x64xf32, #tpu.memory_space<vmem>> -> memref<128x64xf32, #tpu.memory_space<vmem>>
      %dma_wait3A_68 = arith.constant 0 : i32
      %dma_wait3A_69 = tpu.memref_slice %arg12[%add3A_13, %dma_wait3A_68] : memref<10240x64xf32, #tpu.memory_space<vmem_shared>> -> memref<128x64xf32, #tpu.memory_space<vmem_shared>>
      %dma_wait3A_70 = arith.constant 0 : i32
      %dma_wait3A_71 = tpu.memref_slice %arg12[%add3A_13, %dma_wait3A_70] : memref<10240x64xf32, #tpu.memory_space<vmem_shared>> -> memref<128x64xf32, #tpu.memory_space<vmem_shared>>
      %dma_wait3A_72 = arith.constant 0 : i32
      %dma_wait3A_73 = arith.constant 0 : i32
      %dma_wait3A_74 = tpu.memref_slice %arg8[%dma_wait3A_72, %dma_wait3A_73] : memref<512x64xf32, #tpu.memory_space<vmem>> -> memref<128x64xf32, #tpu.memory_space<vmem>>
      tpu.wait_dma2 semaphore(%run_scoped3A_54 : memref<!tpu.dma_semaphore, #tpu.memory_space<semaphore_mem>>) src(%dma_wait3A_74 : memref<128x64xf32, #tpu.memory_space<vmem>>) dst(%dma_wait3A_71 : memref<128x64xf32, #tpu.memory_space<vmem_shared>>)
      tpu.yield
    }) : () -> ()
    %mul3A_14 = arith.constant 16 : i32
    %mul3A_15 = arith.muli %arg0, %mul3A_14 : i32
    %add3A_16 = arith.addi %mul3A_15, %arg1 : i32
    %mul3A_17 = arith.constant 20 : i32
    %mul3A_18 = arith.muli %add3A_16, %mul3A_17 : i32
    "tpu.region"() ({
      %run_scoped3A_54 = tpu.sem_alloc : memref<!tpu.dma_semaphore, #tpu.memory_space<semaphore_mem>>
      %dma_start3A_55 = arith.constant 0 : i32
      %dma_start3A_56 = tpu.memref_slice %arg3[%mul3A_18, %dma_start3A_55] : memref<640x512xi32, #tpu.memory_space<hbm>> -> memref<20x512xi32, #tpu.memory_space<hbm>>
      %dma_start3A_57 = arith.constant 0 : i32
      %dma_start3A_58 = tpu.memref_slice %arg3[%mul3A_18, %dma_start3A_57] : memref<640x512xi32, #tpu.memory_space<hbm>> -> memref<20x512xi32, #tpu.memory_space<hbm>>
      tpu.enqueue_dma source(%dma_start3A_58 : memref<20x512xi32, #tpu.memory_space<hbm>>) target(%arg6 : memref<20x512xi32, #tpu.memory_space<vmem>>) target_semaphore(%run_scoped3A_54 : memref<!tpu.dma_semaphore, #tpu.memory_space<semaphore_mem>>)
      %dma_wait3A_59 = arith.constant 0 : i32
      %dma_wait3A_60 = tpu.memref_slice %arg3[%mul3A_18, %dma_wait3A_59] : memref<640x512xi32, #tpu.memory_space<hbm>> -> memref<20x512xi32, #tpu.memory_space<hbm>>
      %dma_wait3A_61 = arith.constant 0 : i32
      %dma_wait3A_62 = tpu.memref_slice %arg3[%mul3A_18, %dma_wait3A_61] : memref<640x512xi32, #tpu.memory_space<hbm>> -> memref<20x512xi32, #tpu.memory_space<hbm>>
      tpu.wait_dma2 semaphore(%run_scoped3A_54 : memref<!tpu.dma_semaphore, #tpu.memory_space<semaphore_mem>>) src(%dma_wait3A_62 : memref<20x512xi32, #tpu.memory_space<hbm>>) dst(%arg6 : memref<20x512xi32, #tpu.memory_space<vmem>>)
      tpu.yield
    }) : () -> ()
    %mul3A_19 = arith.constant 20 : i32
    %mul3A_20 = arith.muli %add3A_16, %mul3A_19 : i32
    "tpu.region"() ({
      %run_scoped3A_54 = tpu.sem_alloc : memref<!tpu.dma_semaphore, #tpu.memory_space<semaphore_mem>>
      %dma_start3A_55 = arith.constant 0 : i32
      %dma_start3A_56 = tpu.memref_slice %arg4[%mul3A_20, %dma_start3A_55] : memref<640x512xi32, #tpu.memory_space<hbm>> -> memref<20x512xi32, #tpu.memory_space<hbm>>
      %dma_start3A_57 = arith.constant 0 : i32
      %dma_start3A_58 = tpu.memref_slice %arg4[%mul3A_20, %dma_start3A_57] : memref<640x512xi32, #tpu.memory_space<hbm>> -> memref<20x512xi32, #tpu.memory_space<hbm>>
      tpu.enqueue_dma source(%dma_start3A_58 : memref<20x512xi32, #tpu.memory_space<hbm>>) target(%arg7 : memref<20x512xi32, #tpu.memory_space<vmem>>) target_semaphore(%run_scoped3A_54 : memref<!tpu.dma_semaphore, #tpu.memory_space<semaphore_mem>>)
      %dma_wait3A_59 = arith.constant 0 : i32
      %dma_wait3A_60 = tpu.memref_slice %arg4[%mul3A_20, %dma_wait3A_59] : memref<640x512xi32, #tpu.memory_space<hbm>> -> memref<20x512xi32, #tpu.memory_space<hbm>>
      %dma_wait3A_61 = arith.constant 0 : i32
      %dma_wait3A_62 = tpu.memref_slice %arg4[%mul3A_20, %dma_wait3A_61] : memref<640x512xi32, #tpu.memory_space<hbm>> -> memref<20x512xi32, #tpu.memory_space<hbm>>
      tpu.wait_dma2 semaphore(%run_scoped3A_54 : memref<!tpu.dma_semaphore, #tpu.memory_space<semaphore_mem>>) src(%dma_wait3A_62 : memref<20x512xi32, #tpu.memory_space<hbm>>) dst(%arg7 : memref<20x512xi32, #tpu.memory_space<vmem>>)
      tpu.yield
    }) : () -> ()
    %barrier3A = arith.constant 0 : index
    tpu.barrier barrier_id(%barrier3A)
    %run_scoped3A = arith.constant 0 : i32
    "tpu.region"() ({
      %run_scoped3A_54 = tpu.sem_alloc : memref<!tpu.dma_semaphore, #tpu.memory_space<semaphore_mem>>
      %dma_start3A_55 = arith.constant 0 : i32
      %dma_start3A_56 = tpu.memref_slice %arg6[%run_scoped3A, %dma_start3A_55] : memref<20x512xi32, #tpu.memory_space<vmem>> -> memref<1x512xi32, #tpu.memory_space<vmem>>
      %dma_start3A_57 = tpu.memref_squeeze %dma_start3A_56 : memref<1x512xi32, #tpu.memory_space<vmem>> -> memref<512xi32, #tpu.memory_space<vmem>>
      %dma_start3A_58 = arith.constant 0 : i32
      %dma_start3A_59 = arith.constant 0 : i32
      %dma_start3A_60 = tpu.memref_slice %arg2[%dma_start3A_58, %dma_start3A_59] : memref<10240x64xf32, #tpu.memory_space<hbm>> -> memref<10240x64xf32, #tpu.memory_space<hbm>>
      tpu.enqueue_indirect_dma source(%dma_start3A_60 : memref<10240x64xf32, #tpu.memory_space<hbm>>) target(%arg8 : memref<512x64xf32, #tpu.memory_space<vmem>>) offsets(%dma_start3A_57 : memref<512xi32, #tpu.memory_space<vmem>>) semaphore(%run_scoped3A_54 : memref<!tpu.dma_semaphore, #tpu.memory_space<semaphore_mem>>)
      %dma_wait3A_61 = arith.constant 0 : i32
      %dma_wait3A_62 = tpu.memref_slice %arg6[%run_scoped3A, %dma_wait3A_61] : memref<20x512xi32, #tpu.memory_space<vmem>> -> memref<1x512xi32, #tpu.memory_space<vmem>>
      %dma_wait3A_63 = tpu.memref_squeeze %dma_wait3A_62 : memref<1x512xi32, #tpu.memory_space<vmem>> -> memref<512xi32, #tpu.memory_space<vmem>>
      %dma_wait3A_64 = arith.constant 0 : i32
      %dma_wait3A_65 = arith.constant 0 : i32
      %dma_wait3A_66 = tpu.memref_slice %arg2[%dma_wait3A_64, %dma_wait3A_65] : memref<10240x64xf32, #tpu.memory_space<hbm>> -> memref<10240x64xf32, #tpu.memory_space<hbm>>
      tpu.wait_indirect_dma semaphore(%run_scoped3A_54 : memref<!tpu.dma_semaphore, #tpu.memory_space<semaphore_mem>>) src(%dma_wait3A_66 : memref<10240x64xf32, #tpu.memory_space<hbm>>) dst(%arg8 : memref<512x64xf32, #tpu.memory_space<vmem>>)
      tpu.yield
    }) : () -> ()
    %dma_start3A = arith.constant 0 : i32
    %dma_start3A_21 = arith.constant 0 : i32
    %dma_start3A_22 = tpu.memref_slice %arg7[%dma_start3A, %dma_start3A_21] : memref<20x512xi32, #tpu.memory_space<vmem>> -> memref<1x512xi32, #tpu.memory_space<vmem>>
    %dma_start3A_23 = tpu.memref_squeeze %dma_start3A_22 : memref<1x512xi32, #tpu.memory_space<vmem>> -> memref<512xi32, #tpu.memory_space<vmem>>
    %dma_start3A_24 = arith.constant 0 : i32
    %dma_start3A_25 = arith.constant 0 : i32
    %dma_start3A_26 = tpu.memref_slice %arg12[%dma_start3A_24, %dma_start3A_25] : memref<10240x64xf32, #tpu.memory_space<vmem_shared>> -> memref<10240x64xf32, #tpu.memory_space<vmem_shared>>
    tpu.enqueue_indirect_dma source(%arg8 : memref<512x64xf32, #tpu.memory_space<vmem>>) target(%dma_start3A_26 : memref<10240x64xf32, #tpu.memory_space<vmem_shared>>) offsets(%dma_start3A_23 : memref<512xi32, #tpu.memory_space<vmem>>) semaphore(%arg10 : memref<!tpu.dma_semaphore, #tpu.memory_space<semaphore_mem>>) {add = true}
    %run_scoped3A_27 = arith.constant 1 : i32
    "tpu.region"() ({
      %run_scoped3A_54 = tpu.sem_alloc : memref<!tpu.dma_semaphore, #tpu.memory_space<semaphore_mem>>
      %dma_start3A_55 = arith.constant 0 : i32
      %dma_start3A_56 = tpu.memref_slice %arg6[%run_scoped3A_27, %dma_start3A_55] : memref<20x512xi32, #tpu.memory_space<vmem>> -> memref<1x512xi32, #tpu.memory_space<vmem>>
      %dma_start3A_57 = tpu.memref_squeeze %dma_start3A_56 : memref<1x512xi32, #tpu.memory_space<vmem>> -> memref<512xi32, #tpu.memory_space<vmem>>
      %dma_start3A_58 = arith.constant 0 : i32
      %dma_start3A_59 = arith.constant 0 : i32
      %dma_start3A_60 = tpu.memref_slice %arg2[%dma_start3A_58, %dma_start3A_59] : memref<10240x64xf32, #tpu.memory_space<hbm>> -> memref<10240x64xf32, #tpu.memory_space<hbm>>
      tpu.enqueue_indirect_dma source(%dma_start3A_60 : memref<10240x64xf32, #tpu.memory_space<hbm>>) target(%arg9 : memref<512x64xf32, #tpu.memory_space<vmem>>) offsets(%dma_start3A_57 : memref<512xi32, #tpu.memory_space<vmem>>) semaphore(%run_scoped3A_54 : memref<!tpu.dma_semaphore, #tpu.memory_space<semaphore_mem>>)
      %dma_wait3A_61 = arith.constant 0 : i32
      %dma_wait3A_62 = tpu.memref_slice %arg6[%run_scoped3A_27, %dma_wait3A_61] : memref<20x512xi32, #tpu.memory_space<vmem>> -> memref<1x512xi32, #tpu.memory_space<vmem>>
      %dma_wait3A_63 = tpu.memref_squeeze %dma_wait3A_62 : memref<1x512xi32, #tpu.memory_space<vmem>> -> memref<512xi32, #tpu.memory_space<vmem>>
      %dma_wait3A_64 = arith.constant 0 : i32
      %dma_wait3A_65 = arith.constant 0 : i32
      %dma_wait3A_66 = tpu.memref_slice %arg2[%dma_wait3A_64, %dma_wait3A_65] : memref<10240x64xf32, #tpu.memory_space<hbm>> -> memref<10240x64xf32, #tpu.memory_space<hbm>>
      tpu.wait_indirect_dma semaphore(%run_scoped3A_54 : memref<!tpu.dma_semaphore, #tpu.memory_space<semaphore_mem>>) src(%dma_wait3A_66 : memref<10240x64xf32, #tpu.memory_space<hbm>>) dst(%arg9 : memref<512x64xf32, #tpu.memory_space<vmem>>)
      tpu.yield
    }) : () -> ()
    %dma_start3A_28 = arith.constant 1 : i32
    %dma_start3A_29 = arith.constant 0 : i32
    %dma_start3A_30 = tpu.memref_slice %arg7[%dma_start3A_28, %dma_start3A_29] : memref<20x512xi32, #tpu.memory_space<vmem>> -> memref<1x512xi32, #tpu.memory_space<vmem>>
    %dma_start3A_31 = tpu.memref_squeeze %dma_start3A_30 : memref<1x512xi32, #tpu.memory_space<vmem>> -> memref<512xi32, #tpu.memory_space<vmem>>
    %dma_start3A_32 = arith.constant 0 : i32
    %dma_start3A_33 = arith.constant 0 : i32
    %dma_start3A_34 = tpu.memref_slice %arg12[%dma_start3A_32, %dma_start3A_33] : memref<10240x64xf32, #tpu.memory_space<vmem_shared>> -> memref<10240x64xf32, #tpu.memory_space<vmem_shared>>
    tpu.enqueue_indirect_dma source(%arg9 : memref<512x64xf32, #tpu.memory_space<vmem>>) target(%dma_start3A_34 : memref<10240x64xf32, #tpu.memory_space<vmem_shared>>) offsets(%dma_start3A_31 : memref<512xi32, #tpu.memory_space<vmem>>) semaphore(%arg11 : memref<!tpu.dma_semaphore, #tpu.memory_space<semaphore_mem>>) {add = true}
    %scan3A_35 = arith.constant 0 : i32
    %scan3A_36 = arith.constant 9 : i32
    %scan3A_37 = arith.addi %scan3A_35, %scan3A_36 : i32
    %scan3A_38 = arith.constant 1 : i32
    scf.for %scan3A_54 = %scan3A_35 to %scan3A_37 step %scan3A_38  : i32 {
      %mul3A_55 = arith.constant 2 : i32
      %mul3A_56 = arith.muli %scan3A_54, %mul3A_55 : i32
      %add3A_57 = arith.constant 2 : i32
      %add3A_58 = arith.addi %add3A_57, %mul3A_56 : i32
      %dma_wait3A_59 = arith.constant 0 : i32
      %dma_wait3A_60 = arith.constant 0 : i32
      %dma_wait3A_61 = tpu.memref_slice %arg7[%dma_wait3A_59, %dma_wait3A_60] : memref<20x512xi32, #tpu.memory_space<vmem>> -> memref<1x512xi32, #tpu.memory_space<vmem>>
      %dma_wait3A_62 = tpu.memref_squeeze %dma_wait3A_61 : memref<1x512xi32, #tpu.memory_space<vmem>> -> memref<512xi32, #tpu.memory_space<vmem>>
      %dma_wait3A_63 = arith.constant 0 : i32
      %dma_wait3A_64 = arith.constant 0 : i32
      %dma_wait3A_65 = tpu.memref_slice %arg12[%dma_wait3A_63, %dma_wait3A_64] : memref<10240x64xf32, #tpu.memory_space<vmem_shared>> -> memref<10240x64xf32, #tpu.memory_space<vmem_shared>>
      tpu.wait_indirect_dma semaphore(%arg10 : memref<!tpu.dma_semaphore, #tpu.memory_space<semaphore_mem>>) src(%arg8 : memref<512x64xf32, #tpu.memory_space<vmem>>) dst(%dma_wait3A_65 : memref<10240x64xf32, #tpu.memory_space<vmem_shared>>)
      %add3A_66 = arith.constant 0 : i32
      %add3A_67 = arith.addi %add3A_58, %add3A_66 : i32
      "tpu.region"() ({
        %run_scoped3A_93 = tpu.sem_alloc : memref<!tpu.dma_semaphore, #tpu.memory_space<semaphore_mem>>
        %dma_start3A_94 = arith.constant 0 : i32
        %dma_start3A_95 = tpu.memref_slice %arg6[%add3A_67, %dma_start3A_94] : memref<20x512xi32, #tpu.memory_space<vmem>> -> memref<1x512xi32, #tpu.memory_space<vmem>>
        %dma_start3A_96 = tpu.memref_squeeze %dma_start3A_95 : memref<1x512xi32, #tpu.memory_space<vmem>> -> memref<512xi32, #tpu.memory_space<vmem>>
        %dma_start3A_97 = arith.constant 0 : i32
        %dma_start3A_98 = arith.constant 0 : i32
        %dma_start3A_99 = tpu.memref_slice %arg2[%dma_start3A_97, %dma_start3A_98] : memref<10240x64xf32, #tpu.memory_space<hbm>> -> memref<10240x64xf32, #tpu.memory_space<hbm>>
        tpu.enqueue_indirect_dma source(%dma_start3A_99 : memref<10240x64xf32, #tpu.memory_space<hbm>>) target(%arg8 : memref<512x64xf32, #tpu.memory_space<vmem>>) offsets(%dma_start3A_96 : memref<512xi32, #tpu.memory_space<vmem>>) semaphore(%run_scoped3A_93 : memref<!tpu.dma_semaphore, #tpu.memory_space<semaphore_mem>>)
        %dma_wait3A_100 = arith.constant 0 : i32
        %dma_wait3A_101 = tpu.memref_slice %arg6[%add3A_67, %dma_wait3A_100] : memref<20x512xi32, #tpu.memory_space<vmem>> -> memref<1x512xi32, #tpu.memory_space<vmem>>
        %dma_wait3A_102 = tpu.memref_squeeze %dma_wait3A_101 : memref<1x512xi32, #tpu.memory_space<vmem>> -> memref<512xi32, #tpu.memory_space<vmem>>
        %dma_wait3A_103 = arith.constant 0 : i32
        %dma_wait3A_104 = arith.constant 0 : i32
        %dma_wait3A_105 = tpu.memref_slice %arg2[%dma_wait3A_103, %dma_wait3A_104] : memref<10240x64xf32, #tpu.memory_space<hbm>> -> memref<10240x64xf32, #tpu.memory_space<hbm>>
        tpu.wait_indirect_dma semaphore(%run_scoped3A_93 : memref<!tpu.dma_semaphore, #tpu.memory_space<semaphore_mem>>) src(%dma_wait3A_105 : memref<10240x64xf32, #tpu.memory_space<hbm>>) dst(%arg8 : memref<512x64xf32, #tpu.memory_space<vmem>>)
        tpu.yield
      }) : () -> ()
      %add3A_68 = arith.constant 0 : i32
      %add3A_69 = arith.addi %add3A_58, %add3A_68 : i32
      %dma_start3A_70 = arith.constant 0 : i32
      %dma_start3A_71 = tpu.memref_slice %arg7[%add3A_69, %dma_start3A_70] : memref<20x512xi32, #tpu.memory_space<vmem>> -> memref<1x512xi32, #tpu.memory_space<vmem>>
      %dma_start3A_72 = tpu.memref_squeeze %dma_start3A_71 : memref<1x512xi32, #tpu.memory_space<vmem>> -> memref<512xi32, #tpu.memory_space<vmem>>
      %dma_start3A_73 = arith.constant 0 : i32
      %dma_start3A_74 = arith.constant 0 : i32
      %dma_start3A_75 = tpu.memref_slice %arg12[%dma_start3A_73, %dma_start3A_74] : memref<10240x64xf32, #tpu.memory_space<vmem_shared>> -> memref<10240x64xf32, #tpu.memory_space<vmem_shared>>
      tpu.enqueue_indirect_dma source(%arg8 : memref<512x64xf32, #tpu.memory_space<vmem>>) target(%dma_start3A_75 : memref<10240x64xf32, #tpu.memory_space<vmem_shared>>) offsets(%dma_start3A_72 : memref<512xi32, #tpu.memory_space<vmem>>) semaphore(%arg10 : memref<!tpu.dma_semaphore, #tpu.memory_space<semaphore_mem>>) {add = true}
      %dma_wait3A_76 = arith.constant 0 : i32
      %dma_wait3A_77 = arith.constant 0 : i32
      %dma_wait3A_78 = tpu.memref_slice %arg7[%dma_wait3A_76, %dma_wait3A_77] : memref<20x512xi32, #tpu.memory_space<vmem>> -> memref<1x512xi32, #tpu.memory_space<vmem>>
      %dma_wait3A_79 = tpu.memref_squeeze %dma_wait3A_78 : memref<1x512xi32, #tpu.memory_space<vmem>> -> memref<512xi32, #tpu.memory_space<vmem>>
      %dma_wait3A_80 = arith.constant 0 : i32
      %dma_wait3A_81 = arith.constant 0 : i32
      %dma_wait3A_82 = tpu.memref_slice %arg12[%dma_wait3A_80, %dma_wait3A_81] : memref<10240x64xf32, #tpu.memory_space<vmem_shared>> -> memref<10240x64xf32, #tpu.memory_space<vmem_shared>>
      tpu.wait_indirect_dma semaphore(%arg11 : memref<!tpu.dma_semaphore, #tpu.memory_space<semaphore_mem>>) src(%arg9 : memref<512x64xf32, #tpu.memory_space<vmem>>) dst(%dma_wait3A_82 : memref<10240x64xf32, #tpu.memory_space<vmem_shared>>)
      %add3A_83 = arith.constant 1 : i32
      %add3A_84 = arith.addi %add3A_58, %add3A_83 : i32
      "tpu.region"() ({
        %run_scoped3A_93 = tpu.sem_alloc : memref<!tpu.dma_semaphore, #tpu.memory_space<semaphore_mem>>
        %dma_start3A_94 = arith.constant 0 : i32
        %dma_start3A_95 = tpu.memref_slice %arg6[%add3A_84, %dma_start3A_94] : memref<20x512xi32, #tpu.memory_space<vmem>> -> memref<1x512xi32, #tpu.memory_space<vmem>>
        %dma_start3A_96 = tpu.memref_squeeze %dma_start3A_95 : memref<1x512xi32, #tpu.memory_space<vmem>> -> memref<512xi32, #tpu.memory_space<vmem>>
        %dma_start3A_97 = arith.constant 0 : i32
        %dma_start3A_98 = arith.constant 0 : i32
        %dma_start3A_99 = tpu.memref_slice %arg2[%dma_start3A_97, %dma_start3A_98] : memref<10240x64xf32, #tpu.memory_space<hbm>> -> memref<10240x64xf32, #tpu.memory_space<hbm>>
        tpu.enqueue_indirect_dma source(%dma_start3A_99 : memref<10240x64xf32, #tpu.memory_space<hbm>>) target(%arg9 : memref<512x64xf32, #tpu.memory_space<vmem>>) offsets(%dma_start3A_96 : memref<512xi32, #tpu.memory_space<vmem>>) semaphore(%run_scoped3A_93 : memref<!tpu.dma_semaphore, #tpu.memory_space<semaphore_mem>>)
        %dma_wait3A_100 = arith.constant 0 : i32
        %dma_wait3A_101 = tpu.memref_slice %arg6[%add3A_84, %dma_wait3A_100] : memref<20x512xi32, #tpu.memory_space<vmem>> -> memref<1x512xi32, #tpu.memory_space<vmem>>
        %dma_wait3A_102 = tpu.memref_squeeze %dma_wait3A_101 : memref<1x512xi32, #tpu.memory_space<vmem>> -> memref<512xi32, #tpu.memory_space<vmem>>
        %dma_wait3A_103 = arith.constant 0 : i32
        %dma_wait3A_104 = arith.constant 0 : i32
        %dma_wait3A_105 = tpu.memref_slice %arg2[%dma_wait3A_103, %dma_wait3A_104] : memref<10240x64xf32, #tpu.memory_space<hbm>> -> memref<10240x64xf32, #tpu.memory_space<hbm>>
        tpu.wait_indirect_dma semaphore(%run_scoped3A_93 : memref<!tpu.dma_semaphore, #tpu.memory_space<semaphore_mem>>) src(%dma_wait3A_105 : memref<10240x64xf32, #tpu.memory_space<hbm>>) dst(%arg9 : memref<512x64xf32, #tpu.memory_space<vmem>>)
        tpu.yield
      }) : () -> ()
      %add3A_85 = arith.constant 1 : i32
      %add3A_86 = arith.addi %add3A_58, %add3A_85 : i32
      %dma_start3A_87 = arith.constant 0 : i32
      %dma_start3A_88 = tpu.memref_slice %arg7[%add3A_86, %dma_start3A_87] : memref<20x512xi32, #tpu.memory_space<vmem>> -> memref<1x512xi32, #tpu.memory_space<vmem>>
      %dma_start3A_89 = tpu.memref_squeeze %dma_start3A_88 : memref<1x512xi32, #tpu.memory_space<vmem>> -> memref<512xi32, #tpu.memory_space<vmem>>
      %dma_start3A_90 = arith.constant 0 : i32
      %dma_start3A_91 = arith.constant 0 : i32
      %dma_start3A_92 = tpu.memref_slice %arg12[%dma_start3A_90, %dma_start3A_91] : memref<10240x64xf32, #tpu.memory_space<vmem_shared>> -> memref<10240x64xf32, #tpu.memory_space<vmem_shared>>
      tpu.enqueue_indirect_dma source(%arg9 : memref<512x64xf32, #tpu.memory_space<vmem>>) target(%dma_start3A_92 : memref<10240x64xf32, #tpu.memory_space<vmem_shared>>) offsets(%dma_start3A_89 : memref<512xi32, #tpu.memory_space<vmem>>) semaphore(%arg11 : memref<!tpu.dma_semaphore, #tpu.memory_space<semaphore_mem>>) {add = true}
    }
    %scan3A_39 = arith.constant 9 : i32
    %dma_wait3A = arith.constant 0 : i32
    %dma_wait3A_40 = arith.constant 0 : i32
    %dma_wait3A_41 = tpu.memref_slice %arg7[%dma_wait3A, %dma_wait3A_40] : memref<20x512xi32, #tpu.memory_space<vmem>> -> memref<1x512xi32, #tpu.memory_space<vmem>>
    %dma_wait3A_42 = tpu.memref_squeeze %dma_wait3A_41 : memref<1x512xi32, #tpu.memory_space<vmem>> -> memref<512xi32, #tpu.memory_space<vmem>>
    %dma_wait3A_43 = arith.constant 0 : i32
    %dma_wait3A_44 = arith.constant 0 : i32
    %dma_wait3A_45 = tpu.memref_slice %arg12[%dma_wait3A_43, %dma_wait3A_44] : memref<10240x64xf32, #tpu.memory_space<vmem_shared>> -> memref<10240x64xf32, #tpu.memory_space<vmem_shared>>
    tpu.wait_indirect_dma semaphore(%arg10 : memref<!tpu.dma_semaphore, #tpu.memory_space<semaphore_mem>>) src(%arg8 : memref<512x64xf32, #tpu.memory_space<vmem>>) dst(%dma_wait3A_45 : memref<10240x64xf32, #tpu.memory_space<vmem_shared>>)
    %dma_wait3A_46 = arith.constant 0 : i32
    %dma_wait3A_47 = arith.constant 0 : i32
    %dma_wait3A_48 = tpu.memref_slice %arg7[%dma_wait3A_46, %dma_wait3A_47] : memref<20x512xi32, #tpu.memory_space<vmem>> -> memref<1x512xi32, #tpu.memory_space<vmem>>
    %dma_wait3A_49 = tpu.memref_squeeze %dma_wait3A_48 : memref<1x512xi32, #tpu.memory_space<vmem>> -> memref<512xi32, #tpu.memory_space<vmem>>
    %dma_wait3A_50 = arith.constant 0 : i32
    %dma_wait3A_51 = arith.constant 0 : i32
    %dma_wait3A_52 = tpu.memref_slice %arg12[%dma_wait3A_50, %dma_wait3A_51] : memref<10240x64xf32, #tpu.memory_space<vmem_shared>> -> memref<10240x64xf32, #tpu.memory_space<vmem_shared>>
    tpu.wait_indirect_dma semaphore(%arg11 : memref<!tpu.dma_semaphore, #tpu.memory_space<semaphore_mem>>) src(%arg9 : memref<512x64xf32, #tpu.memory_space<vmem>>) dst(%dma_wait3A_52 : memref<10240x64xf32, #tpu.memory_space<vmem_shared>>)
    %barrier3A_53 = arith.constant 0 : index
    tpu.barrier barrier_id(%barrier3A_53)
    "tpu.region"() ({
      %run_scoped3A_54 = tpu.sem_alloc : memref<!tpu.dma_semaphore, #tpu.memory_space<semaphore_mem>>
      %dma_start3A_55 = arith.constant 0 : i32
      %dma_start3A_56 = tpu.memref_slice %arg5[%arg0, %mul3A_4, %dma_start3A_55] : memref<2x10240x64xf32, #tpu.memory_space<hbm>> -> memref<1x640x64xf32, #tpu.memory_space<hbm>>
      %dma_start3A_57 = tpu.memref_squeeze %dma_start3A_56 : memref<1x640x64xf32, #tpu.memory_space<hbm>> -> memref<640x64xf32, #tpu.memory_space<hbm>>
      %dma_start3A_58 = arith.constant 0 : i32
      %dma_start3A_59 = tpu.memref_slice %arg12[%mul3A_4, %dma_start3A_58] : memref<10240x64xf32, #tpu.memory_space<vmem_shared>> -> memref<640x64xf32, #tpu.memory_space<vmem_shared>>
      tpu.enqueue_dma source(%dma_start3A_59 : memref<640x64xf32, #tpu.memory_space<vmem_shared>>) target(%dma_start3A_57 : memref<640x64xf32, #tpu.memory_space<hbm>>) target_semaphore(%run_scoped3A_54 : memref<!tpu.dma_semaphore, #tpu.memory_space<semaphore_mem>>)
      %dma_wait3A_60 = arith.constant 0 : i32
      %dma_wait3A_61 = tpu.memref_slice %arg5[%arg0, %mul3A_4, %dma_wait3A_60] : memref<2x10240x64xf32, #tpu.memory_space<hbm>> -> memref<1x640x64xf32, #tpu.memory_space<hbm>>
      %dma_wait3A_62 = tpu.memref_squeeze %dma_wait3A_61 : memref<1x640x64xf32, #tpu.memory_space<hbm>> -> memref<640x64xf32, #tpu.memory_space<hbm>>
      %dma_wait3A_63 = arith.constant 0 : i32
      %dma_wait3A_64 = tpu.memref_slice %arg12[%mul3A_4, %dma_wait3A_63] : memref<10240x64xf32, #tpu.memory_space<vmem_shared>> -> memref<640x64xf32, #tpu.memory_space<vmem_shared>>
      tpu.wait_dma2 semaphore(%run_scoped3A_54 : memref<!tpu.dma_semaphore, #tpu.memory_space<semaphore_mem>>) src(%dma_wait3A_64 : memref<640x64xf32, #tpu.memory_space<vmem_shared>>) dst(%dma_wait3A_62 : memref<640x64xf32, #tpu.memory_space<hbm>>)
      tpu.yield
    }) : () -> ()
    return
  }
}

#map = affine_map<(d0, d1) -> (0, 0)>
#map1 = affine_map<(d0, d1) -> (0, 0, 0)>
module attributes {stable_mosaic.version = 14 : i64} {
  func.func @k(%arg0: i32, %arg1: i32, %arg2: memref<10240x64xf32, #tpu.memory_space<hbm>>, %arg3: memref<640x512xi32, #tpu.memory_space<hbm>>, %arg4: memref<640x512xi32, #tpu.memory_space<hbm>>, %arg5: memref<2x10240x64xf32, #tpu.memory_space<hbm>>, %arg6: memref<20x512xi32, #tpu.memory_space<vmem>>, %arg7: memref<20x512xi32, #tpu.memory_space<vmem>>, %arg8: memref<512x64xf32, #tpu.memory_space<vmem>>, %arg9: memref<512x64xf32, #tpu.memory_space<vmem>>, %arg10: memref<!tpu.dma_semaphore, #tpu.memory_space<semaphore_mem>>, %arg11: memref<!tpu.dma_semaphore, #tpu.memory_space<semaphore_mem>>, %arg12: memref<10240x64xf32, #tpu.memory_space<vmem_shared>>) attributes {dimension_semantics = [#tpu.dimension_semantics<core_parallel>, #tpu.dimension_semantics<subcore_parallel>], iteration_bounds = array<i64: 2, 16>, scalar_prefetch = 0 : i64, scratch_operands = 7 : i64, tpu.core_type = #tpu.core_type<sc_vector_subcore>, window_params = [{transform_indices = #map}, {transform_indices = #map}, {transform_indices = #map}, {transform_indices = #map1}]} {
    %scan3A = arith.constant 0 : i32
    %scan3A_0 = arith.constant 128 : i32
    %scan3A_1 = arith.addi %scan3A, %scan3A_0 : i32
    %scan3A_2 = arith.constant 1 : i32
    scf.for %scan3A_54 = %scan3A to %scan3A_1 step %scan3A_2  : i32 {
      %mul3A_55 = arith.constant 1 : i32
      %mul3A_56 = arith.muli %scan3A_54, %mul3A_55 : i32
      %add3A_57 = arith.constant 0 : i32
      %add3A_58 = arith.addi %add3A_57, %mul3A_56 : i32
      %scan3A_59 = arith.constant 0 : i32
      %scan3A_60 = arith.constant 4 : i32
      %scan3A_61 = arith.addi %scan3A_59, %scan3A_60 : i32
      %scan3A_62 = arith.constant 1 : i32
      scf.for %scan3A_64 = %scan3A_59 to %scan3A_61 step %scan3A_62  : i32 {
        %mul3A_65 = arith.constant 16 : i32
        %mul3A_66 = arith.muli %scan3A_64, %mul3A_65 : i32
        %add3A_67 = arith.constant 0 : i32
        %add3A_68 = arith.addi %add3A_67, %mul3A_66 : i32
        %broadcast_in_dim3A = arith.constant 0.000000e+00 : f32
        %broadcast_in_dim3A_69 = vector.broadcast %broadcast_in_dim3A : f32 to vector<16xf32>
        %swap3A = arith.index_cast %add3A_58 : i32 to index
        %swap3A_70 = arith.index_cast %add3A_68 : i32 to index
        %swap3A_71 = tpu.vector_load %arg8[%swap3A, %swap3A_70] {strides = array<i32>} : memref<512x64xf32, #tpu.memory_space<vmem>>, vector<1x16xf32>,
        %swap3A_72 = vector.shape_cast %swap3A_71 : vector<1x16xf32> to vector<16xf32>
        %swap3A_73 = vector.shape_cast %broadcast_in_dim3A_69 : vector<16xf32> to vector<1x16xf32>
        tpu.vector_store %arg8[%swap3A, %swap3A_70], %swap3A_73 {strides = array<i32>} : memref<512x64xf32, #tpu.memory_space<vmem>>, vector<1x16xf32>,
      }
      %scan3A_63 = arith.constant 4 : i32
    }
    %scan3A_3 = arith.constant 128 : i32
    %mul3A = arith.constant 640 : i32
    %mul3A_4 = arith.muli %arg1, %mul3A : i32
    %add3A = arith.constant 0 : i32
    %add3A_5 = arith.addi %mul3A_4, %add3A : i32
    "tpu.region"() ({
      %run_scoped3A_54 = tpu.sem_alloc : memref<!tpu.dma_semaphore, #tpu.memory_space<semaphore_mem>>
      %dma_start3A_55 = arith.constant 0 : i32
      %dma_start3A_56 = arith.constant 0 : i32
      %dma_start3A_57 = tpu.memref_slice %arg8[%dma_start3A_55, %dma_start3A_56] : memref<512x64xf32, #tpu.memory_space<vmem>> -> memref<128x64xf32, #tpu.memory_space<vmem>>
      %dma_start3A_58 = arith.constant 0 : i32
      %dma_start3A_59 = tpu.memref_slice %arg12[%add3A_5, %dma_start3A_58] : memref<10240x64xf32, #tpu.memory_space<vmem_shared>> -> memref<128x64xf32, #tpu.memory_space<vmem_shared>>
      %dma_start3A_60 = arith.constant 0 : i32
      %dma_start3A_61 = tpu.memref_slice %arg12[%add3A_5, %dma_start3A_60] : memref<10240x64xf32, #tpu.memory_space<vmem_shared>> -> memref<128x64xf32, #tpu.memory_space<vmem_shared>>
      %dma_start3A_62 = arith.constant 0 : i32
      %dma_start3A_63 = arith.constant 0 : i32
      %dma_start3A_64 = tpu.memref_slice %arg8[%dma_start3A_62, %dma_start3A_63] : memref<512x64xf32, #tpu.memory_space<vmem>> -> memref<128x64xf32, #tpu.memory_space<vmem>>
      tpu.enqueue_dma source(%dma_start3A_64 : memref<128x64xf32, #tpu.memory_space<vmem>>) target(%dma_start3A_61 : memref<128x64xf32, #tpu.memory_space<vmem_shared>>) target_semaphore(%run_scoped3A_54 : memref<!tpu.dma_semaphore, #tpu.memory_space<semaphore_mem>>)
      %dma_wait3A_65 = arith.constant 0 : i32
      %dma_wait3A_66 = arith.constant 0 : i32
      %dma_wait3A_67 = tpu.memref_slice %arg8[%dma_wait3A_65, %dma_wait3A_66] : memref<512x64xf32, #tpu.memory_space<vmem>> -> memref<128x64xf32, #tpu.memory_space<vmem>>
      %dma_wait3A_68 = arith.constant 0 : i32
      %dma_wait3A_69 = tpu.memref_slice %arg12[%add3A_5, %dma_wait3A_68] : memref<10240x64xf32, #tpu.memory_space<vmem_shared>> -> memref<128x64xf32, #tpu.memory_space<vmem_shared>>
      %dma_wait3A_70 = arith.constant 0 : i32
      %dma_wait3A_71 = tpu.memref_slice %arg12[%add3A_5, %dma_wait3A_70] : memref<10240x64xf32, #tpu.memory_space<vmem_shared>> -> memref<128x64xf32, #tpu.memory_space<vmem_shared>>
      %dma_wait3A_72 = arith.constant 0 : i32
      %dma_wait3A_73 = arith.constant 0 : i32
      %dma_wait3A_74 = tpu.memref_slice %arg8[%dma_wait3A_72, %dma_wait3A_73] : memref<512x64xf32, #tpu.memory_space<vmem>> -> memref<128x64xf32, #tpu.memory_space<vmem>>
      tpu.wait_dma2 semaphore(%run_scoped3A_54 : memref<!tpu.dma_semaphore, #tpu.memory_space<semaphore_mem>>) src(%dma_wait3A_74 : memref<128x64xf32, #tpu.memory_space<vmem>>) dst(%dma_wait3A_71 : memref<128x64xf32, #tpu.memory_space<vmem_shared>>)
      tpu.yield
    }) : () -> ()
    %add3A_6 = arith.constant 128 : i32
    %add3A_7 = arith.addi %mul3A_4, %add3A_6 : i32
    "tpu.region"() ({
      %run_scoped3A_54 = tpu.sem_alloc : memref<!tpu.dma_semaphore, #tpu.memory_space<semaphore_mem>>
      %dma_start3A_55 = arith.constant 0 : i32
      %dma_start3A_56 = arith.constant 0 : i32
      %dma_start3A_57 = tpu.memref_slice %arg8[%dma_start3A_55, %dma_start3A_56] : memref<512x64xf32, #tpu.memory_space<vmem>> -> memref<128x64xf32, #tpu.memory_space<vmem>>
      %dma_start3A_58 = arith.constant 0 : i32
      %dma_start3A_59 = tpu.memref_slice %arg12[%add3A_7, %dma_start3A_58] : memref<10240x64xf32, #tpu.memory_space<vmem_shared>> -> memref<128x64xf32, #tpu.memory_space<vmem_shared>>
      %dma_start3A_60 = arith.constant 0 : i32
      %dma_start3A_61 = tpu.memref_slice %arg12[%add3A_7, %dma_start3A_60] : memref<10240x64xf32, #tpu.memory_space<vmem_shared>> -> memref<128x64xf32, #tpu.memory_space<vmem_shared>>
      %dma_start3A_62 = arith.constant 0 : i32
      %dma_start3A_63 = arith.constant 0 : i32
      %dma_start3A_64 = tpu.memref_slice %arg8[%dma_start3A_62, %dma_start3A_63] : memref<512x64xf32, #tpu.memory_space<vmem>> -> memref<128x64xf32, #tpu.memory_space<vmem>>
      tpu.enqueue_dma source(%dma_start3A_64 : memref<128x64xf32, #tpu.memory_space<vmem>>) target(%dma_start3A_61 : memref<128x64xf32, #tpu.memory_space<vmem_shared>>) target_semaphore(%run_scoped3A_54 : memref<!tpu.dma_semaphore, #tpu.memory_space<semaphore_mem>>)
      %dma_wait3A_65 = arith.constant 0 : i32
      %dma_wait3A_66 = arith.constant 0 : i32
      %dma_wait3A_67 = tpu.memref_slice %arg8[%dma_wait3A_65, %dma_wait3A_66] : memref<512x64xf32, #tpu.memory_space<vmem>> -> memref<128x64xf32, #tpu.memory_space<vmem>>
      %dma_wait3A_68 = arith.constant 0 : i32
      %dma_wait3A_69 = tpu.memref_slice %arg12[%add3A_7, %dma_wait3A_68] : memref<10240x64xf32, #tpu.memory_space<vmem_shared>> -> memref<128x64xf32, #tpu.memory_space<vmem_shared>>
      %dma_wait3A_70 = arith.constant 0 : i32
      %dma_wait3A_71 = tpu.memref_slice %arg12[%add3A_7, %dma_wait3A_70] : memref<10240x64xf32, #tpu.memory_space<vmem_shared>> -> memref<128x64xf32, #tpu.memory_space<vmem_shared>>
      %dma_wait3A_72 = arith.constant 0 : i32
      %dma_wait3A_73 = arith.constant 0 : i32
      %dma_wait3A_74 = tpu.memref_slice %arg8[%dma_wait3A_72, %dma_wait3A_73] : memref<512x64xf32, #tpu.memory_space<vmem>> -> memref<128x64xf32, #tpu.memory_space<vmem>>
      tpu.wait_dma2 semaphore(%run_scoped3A_54 : memref<!tpu.dma_semaphore, #tpu.memory_space<semaphore_mem>>) src(%dma_wait3A_74 : memref<128x64xf32, #tpu.memory_space<vmem>>) dst(%dma_wait3A_71 : memref<128x64xf32, #tpu.memory_space<vmem_shared>>)
      tpu.yield
    }) : () -> ()
    %add3A_8 = arith.constant 256 : i32
    %add3A_9 = arith.addi %mul3A_4, %add3A_8 : i32
    "tpu.region"() ({
      %run_scoped3A_54 = tpu.sem_alloc : memref<!tpu.dma_semaphore, #tpu.memory_space<semaphore_mem>>
      %dma_start3A_55 = arith.constant 0 : i32
      %dma_start3A_56 = arith.constant 0 : i32
      %dma_start3A_57 = tpu.memref_slice %arg8[%dma_start3A_55, %dma_start3A_56] : memref<512x64xf32, #tpu.memory_space<vmem>> -> memref<128x64xf32, #tpu.memory_space<vmem>>
      %dma_start3A_58 = arith.constant 0 : i32
      %dma_start3A_59 = tpu.memref_slice %arg12[%add3A_9, %dma_start3A_58] : memref<10240x64xf32, #tpu.memory_space<vmem_shared>> -> memref<128x64xf32, #tpu.memory_space<vmem_shared>>
      %dma_start3A_60 = arith.constant 0 : i32
      %dma_start3A_61 = tpu.memref_slice %arg12[%add3A_9, %dma_start3A_60] : memref<10240x64xf32, #tpu.memory_space<vmem_shared>> -> memref<128x64xf32, #tpu.memory_space<vmem_shared>>
      %dma_start3A_62 = arith.constant 0 : i32
      %dma_start3A_63 = arith.constant 0 : i32
      %dma_start3A_64 = tpu.memref_slice %arg8[%dma_start3A_62, %dma_start3A_63] : memref<512x64xf32, #tpu.memory_space<vmem>> -> memref<128x64xf32, #tpu.memory_space<vmem>>
      tpu.enqueue_dma source(%dma_start3A_64 : memref<128x64xf32, #tpu.memory_space<vmem>>) target(%dma_start3A_61 : memref<128x64xf32, #tpu.memory_space<vmem_shared>>) target_semaphore(%run_scoped3A_54 : memref<!tpu.dma_semaphore, #tpu.memory_space<semaphore_mem>>)
      %dma_wait3A_65 = arith.constant 0 : i32
      %dma_wait3A_66 = arith.constant 0 : i32
      %dma_wait3A_67 = tpu.memref_slice %arg8[%dma_wait3A_65, %dma_wait3A_66] : memref<512x64xf32, #tpu.memory_space<vmem>> -> memref<128x64xf32, #tpu.memory_space<vmem>>
      %dma_wait3A_68 = arith.constant 0 : i32
      %dma_wait3A_69 = tpu.memref_slice %arg12[%add3A_9, %dma_wait3A_68] : memref<10240x64xf32, #tpu.memory_space<vmem_shared>> -> memref<128x64xf32, #tpu.memory_space<vmem_shared>>
      %dma_wait3A_70 = arith.constant 0 : i32
      %dma_wait3A_71 = tpu.memref_slice %arg12[%add3A_9, %dma_wait3A_70] : memref<10240x64xf32, #tpu.memory_space<vmem_shared>> -> memref<128x64xf32, #tpu.memory_space<vmem_shared>>
      %dma_wait3A_72 = arith.constant 0 : i32
      %dma_wait3A_73 = arith.constant 0 : i32
      %dma_wait3A_74 = tpu.memref_slice %arg8[%dma_wait3A_72, %dma_wait3A_73] : memref<512x64xf32, #tpu.memory_space<vmem>> -> memref<128x64xf32, #tpu.memory_space<vmem>>
      tpu.wait_dma2 semaphore(%run_scoped3A_54 : memref<!tpu.dma_semaphore, #tpu.memory_space<semaphore_mem>>) src(%dma_wait3A_74 : memref<128x64xf32, #tpu.memory_space<vmem>>) dst(%dma_wait3A_71 : memref<128x64xf32, #tpu.memory_space<vmem_shared>>)
      tpu.yield
    }) : () -> ()
    %add3A_10 = arith.constant 384 : i32
    %add3A_11 = arith.addi %mul3A_4, %add3A_10 : i32
    "tpu.region"() ({
      %run_scoped3A_54 = tpu.sem_alloc : memref<!tpu.dma_semaphore, #tpu.memory_space<semaphore_mem>>
      %dma_start3A_55 = arith.constant 0 : i32
      %dma_start3A_56 = arith.constant 0 : i32
      %dma_start3A_57 = tpu.memref_slice %arg8[%dma_start3A_55, %dma_start3A_56] : memref<512x64xf32, #tpu.memory_space<vmem>> -> memref<128x64xf32, #tpu.memory_space<vmem>>
      %dma_start3A_58 = arith.constant 0 : i32
      %dma_start3A_59 = tpu.memref_slice %arg12[%add3A_11, %dma_start3A_58] : memref<10240x64xf32, #tpu.memory_space<vmem_shared>> -> memref<128x64xf32, #tpu.memory_space<vmem_shared>>
      %dma_start3A_60 = arith.constant 0 : i32
      %dma_start3A_61 = tpu.memref_slice %arg12[%add3A_11, %dma_start3A_60] : memref<10240x64xf32, #tpu.memory_space<vmem_shared>> -> memref<128x64xf32, #tpu.memory_space<vmem_shared>>
      %dma_start3A_62 = arith.constant 0 : i32
      %dma_start3A_63 = arith.constant 0 : i32
      %dma_start3A_64 = tpu.memref_slice %arg8[%dma_start3A_62, %dma_start3A_63] : memref<512x64xf32, #tpu.memory_space<vmem>> -> memref<128x64xf32, #tpu.memory_space<vmem>>
      tpu.enqueue_dma source(%dma_start3A_64 : memref<128x64xf32, #tpu.memory_space<vmem>>) target(%dma_start3A_61 : memref<128x64xf32, #tpu.memory_space<vmem_shared>>) target_semaphore(%run_scoped3A_54 : memref<!tpu.dma_semaphore, #tpu.memory_space<semaphore_mem>>)
      %dma_wait3A_65 = arith.constant 0 : i32
      %dma_wait3A_66 = arith.constant 0 : i32
      %dma_wait3A_67 = tpu.memref_slice %arg8[%dma_wait3A_65, %dma_wait3A_66] : memref<512x64xf32, #tpu.memory_space<vmem>> -> memref<128x64xf32, #tpu.memory_space<vmem>>
      %dma_wait3A_68 = arith.constant 0 : i32
      %dma_wait3A_69 = tpu.memref_slice %arg12[%add3A_11, %dma_wait3A_68] : memref<10240x64xf32, #tpu.memory_space<vmem_shared>> -> memref<128x64xf32, #tpu.memory_space<vmem_shared>>
      %dma_wait3A_70 = arith.constant 0 : i32
      %dma_wait3A_71 = tpu.memref_slice %arg12[%add3A_11, %dma_wait3A_70] : memref<10240x64xf32, #tpu.memory_space<vmem_shared>> -> memref<128x64xf32, #tpu.memory_space<vmem_shared>>
      %dma_wait3A_72 = arith.constant 0 : i32
      %dma_wait3A_73 = arith.constant 0 : i32
      %dma_wait3A_74 = tpu.memref_slice %arg8[%dma_wait3A_72, %dma_wait3A_73] : memref<512x64xf32, #tpu.memory_space<vmem>> -> memref<128x64xf32, #tpu.memory_space<vmem>>
      tpu.wait_dma2 semaphore(%run_scoped3A_54 : memref<!tpu.dma_semaphore, #tpu.memory_space<semaphore_mem>>) src(%dma_wait3A_74 : memref<128x64xf32, #tpu.memory_space<vmem>>) dst(%dma_wait3A_71 : memref<128x64xf32, #tpu.memory_space<vmem_shared>>)
      tpu.yield
    }) : () -> ()
    %add3A_12 = arith.constant 512 : i32
    %add3A_13 = arith.addi %mul3A_4, %add3A_12 : i32
    "tpu.region"() ({
      %run_scoped3A_54 = tpu.sem_alloc : memref<!tpu.dma_semaphore, #tpu.memory_space<semaphore_mem>>
      %dma_start3A_55 = arith.constant 0 : i32
      %dma_start3A_56 = arith.constant 0 : i32
      %dma_start3A_57 = tpu.memref_slice %arg8[%dma_start3A_55, %dma_start3A_56] : memref<512x64xf32, #tpu.memory_space<vmem>> -> memref<128x64xf32, #tpu.memory_space<vmem>>
      %dma_start3A_58 = arith.constant 0 : i32
      %dma_start3A_59 = tpu.memref_slice %arg12[%add3A_13, %dma_start3A_58] : memref<10240x64xf32, #tpu.memory_space<vmem_shared>> -> memref<128x64xf32, #tpu.memory_space<vmem_shared>>
      %dma_start3A_60 = arith.constant 0 : i32
      %dma_start3A_61 = tpu.memref_slice %arg12[%add3A_13, %dma_start3A_60] : memref<10240x64xf32, #tpu.memory_space<vmem_shared>> -> memref<128x64xf32, #tpu.memory_space<vmem_shared>>
      %dma_start3A_62 = arith.constant 0 : i32
      %dma_start3A_63 = arith.constant 0 : i32
      %dma_start3A_64 = tpu.memref_slice %arg8[%dma_start3A_62, %dma_start3A_63] : memref<512x64xf32, #tpu.memory_space<vmem>> -> memref<128x64xf32, #tpu.memory_space<vmem>>
      tpu.enqueue_dma source(%dma_start3A_64 : memref<128x64xf32, #tpu.memory_space<vmem>>) target(%dma_start3A_61 : memref<128x64xf32, #tpu.memory_space<vmem_shared>>) target_semaphore(%run_scoped3A_54 : memref<!tpu.dma_semaphore, #tpu.memory_space<semaphore_mem>>)
      %dma_wait3A_65 = arith.constant 0 : i32
      %dma_wait3A_66 = arith.constant 0 : i32
      %dma_wait3A_67 = tpu.memref_slice %arg8[%dma_wait3A_65, %dma_wait3A_66] : memref<512x64xf32, #tpu.memory_space<vmem>> -> memref<128x64xf32, #tpu.memory_space<vmem>>
      %dma_wait3A_68 = arith.constant 0 : i32
      %dma_wait3A_69 = tpu.memref_slice %arg12[%add3A_13, %dma_wait3A_68] : memref<10240x64xf32, #tpu.memory_space<vmem_shared>> -> memref<128x64xf32, #tpu.memory_space<vmem_shared>>
      %dma_wait3A_70 = arith.constant 0 : i32
      %dma_wait3A_71 = tpu.memref_slice %arg12[%add3A_13, %dma_wait3A_70] : memref<10240x64xf32, #tpu.memory_space<vmem_shared>> -> memref<128x64xf32, #tpu.memory_space<vmem_shared>>
      %dma_wait3A_72 = arith.constant 0 : i32
      %dma_wait3A_73 = arith.constant 0 : i32
      %dma_wait3A_74 = tpu.memref_slice %arg8[%dma_wait3A_72, %dma_wait3A_73] : memref<512x64xf32, #tpu.memory_space<vmem>> -> memref<128x64xf32, #tpu.memory_space<vmem>>
      tpu.wait_dma2 semaphore(%run_scoped3A_54 : memref<!tpu.dma_semaphore, #tpu.memory_space<semaphore_mem>>) src(%dma_wait3A_74 : memref<128x64xf32, #tpu.memory_space<vmem>>) dst(%dma_wait3A_71 : memref<128x64xf32, #tpu.memory_space<vmem_shared>>)
      tpu.yield
    }) : () -> ()
    %mul3A_14 = arith.constant 16 : i32
    %mul3A_15 = arith.muli %arg0, %mul3A_14 : i32
    %add3A_16 = arith.addi %mul3A_15, %arg1 : i32
    %mul3A_17 = arith.constant 20 : i32
    %mul3A_18 = arith.muli %add3A_16, %mul3A_17 : i32
    "tpu.region"() ({
      %run_scoped3A_54 = tpu.sem_alloc : memref<!tpu.dma_semaphore, #tpu.memory_space<semaphore_mem>>
      %dma_start3A_55 = arith.constant 0 : i32
      %dma_start3A_56 = tpu.memref_slice %arg3[%mul3A_18, %dma_start3A_55] : memref<640x512xi32, #tpu.memory_space<hbm>> -> memref<20x512xi32, #tpu.memory_space<hbm>>
      %dma_start3A_57 = arith.constant 0 : i32
      %dma_start3A_58 = tpu.memref_slice %arg3[%mul3A_18, %dma_start3A_57] : memref<640x512xi32, #tpu.memory_space<hbm>> -> memref<20x512xi32, #tpu.memory_space<hbm>>
      tpu.enqueue_dma source(%dma_start3A_58 : memref<20x512xi32, #tpu.memory_space<hbm>>) target(%arg6 : memref<20x512xi32, #tpu.memory_space<vmem>>) target_semaphore(%run_scoped3A_54 : memref<!tpu.dma_semaphore, #tpu.memory_space<semaphore_mem>>)
      %dma_wait3A_59 = arith.constant 0 : i32
      %dma_wait3A_60 = tpu.memref_slice %arg3[%mul3A_18, %dma_wait3A_59] : memref<640x512xi32, #tpu.memory_space<hbm>> -> memref<20x512xi32, #tpu.memory_space<hbm>>
      %dma_wait3A_61 = arith.constant 0 : i32
      %dma_wait3A_62 = tpu.memref_slice %arg3[%mul3A_18, %dma_wait3A_61] : memref<640x512xi32, #tpu.memory_space<hbm>> -> memref<20x512xi32, #tpu.memory_space<hbm>>
      tpu.wait_dma2 semaphore(%run_scoped3A_54 : memref<!tpu.dma_semaphore, #tpu.memory_space<semaphore_mem>>) src(%dma_wait3A_62 : memref<20x512xi32, #tpu.memory_space<hbm>>) dst(%arg6 : memref<20x512xi32, #tpu.memory_space<vmem>>)
      tpu.yield
    }) : () -> ()
    %mul3A_19 = arith.constant 20 : i32
    %mul3A_20 = arith.muli %add3A_16, %mul3A_19 : i32
    "tpu.region"() ({
      %run_scoped3A_54 = tpu.sem_alloc : memref<!tpu.dma_semaphore, #tpu.memory_space<semaphore_mem>>
      %dma_start3A_55 = arith.constant 0 : i32
      %dma_start3A_56 = tpu.memref_slice %arg4[%mul3A_20, %dma_start3A_55] : memref<640x512xi32, #tpu.memory_space<hbm>> -> memref<20x512xi32, #tpu.memory_space<hbm>>
      %dma_start3A_57 = arith.constant 0 : i32
      %dma_start3A_58 = tpu.memref_slice %arg4[%mul3A_20, %dma_start3A_57] : memref<640x512xi32, #tpu.memory_space<hbm>> -> memref<20x512xi32, #tpu.memory_space<hbm>>
      tpu.enqueue_dma source(%dma_start3A_58 : memref<20x512xi32, #tpu.memory_space<hbm>>) target(%arg7 : memref<20x512xi32, #tpu.memory_space<vmem>>) target_semaphore(%run_scoped3A_54 : memref<!tpu.dma_semaphore, #tpu.memory_space<semaphore_mem>>)
      %dma_wait3A_59 = arith.constant 0 : i32
      %dma_wait3A_60 = tpu.memref_slice %arg4[%mul3A_20, %dma_wait3A_59] : memref<640x512xi32, #tpu.memory_space<hbm>> -> memref<20x512xi32, #tpu.memory_space<hbm>>
      %dma_wait3A_61 = arith.constant 0 : i32
      %dma_wait3A_62 = tpu.memref_slice %arg4[%mul3A_20, %dma_wait3A_61] : memref<640x512xi32, #tpu.memory_space<hbm>> -> memref<20x512xi32, #tpu.memory_space<hbm>>
      tpu.wait_dma2 semaphore(%run_scoped3A_54 : memref<!tpu.dma_semaphore, #tpu.memory_space<semaphore_mem>>) src(%dma_wait3A_62 : memref<20x512xi32, #tpu.memory_space<hbm>>) dst(%arg7 : memref<20x512xi32, #tpu.memory_space<vmem>>)
      tpu.yield
    }) : () -> ()
    %barrier3A = arith.constant 0 : index
    tpu.barrier barrier_id(%barrier3A)
    %run_scoped3A = arith.constant 0 : i32
    "tpu.region"() ({
      %run_scoped3A_54 = tpu.sem_alloc : memref<!tpu.dma_semaphore, #tpu.memory_space<semaphore_mem>>
      %dma_start3A_55 = arith.constant 0 : i32
      %dma_start3A_56 = tpu.memref_slice %arg6[%run_scoped3A, %dma_start3A_55] : memref<20x512xi32, #tpu.memory_space<vmem>> -> memref<1x512xi32, #tpu.memory_space<vmem>>
      %dma_start3A_57 = tpu.memref_squeeze %dma_start3A_56 : memref<1x512xi32, #tpu.memory_space<vmem>> -> memref<512xi32, #tpu.memory_space<vmem>>
      %dma_start3A_58 = arith.constant 0 : i32
      %dma_start3A_59 = arith.constant 0 : i32
      %dma_start3A_60 = tpu.memref_slice %arg2[%dma_start3A_58, %dma_start3A_59] : memref<10240x64xf32, #tpu.memory_space<hbm>> -> memref<10240x64xf32, #tpu.memory_space<hbm>>
      tpu.enqueue_indirect_dma source(%dma_start3A_60 : memref<10240x64xf32, #tpu.memory_space<hbm>>) target(%arg8 : memref<512x64xf32, #tpu.memory_space<vmem>>) offsets(%dma_start3A_57 : memref<512xi32, #tpu.memory_space<vmem>>) semaphore(%run_scoped3A_54 : memref<!tpu.dma_semaphore, #tpu.memory_space<semaphore_mem>>)
      %dma_wait3A_61 = arith.constant 0 : i32
      %dma_wait3A_62 = tpu.memref_slice %arg6[%run_scoped3A, %dma_wait3A_61] : memref<20x512xi32, #tpu.memory_space<vmem>> -> memref<1x512xi32, #tpu.memory_space<vmem>>
      %dma_wait3A_63 = tpu.memref_squeeze %dma_wait3A_62 : memref<1x512xi32, #tpu.memory_space<vmem>> -> memref<512xi32, #tpu.memory_space<vmem>>
      %dma_wait3A_64 = arith.constant 0 : i32
      %dma_wait3A_65 = arith.constant 0 : i32
      %dma_wait3A_66 = tpu.memref_slice %arg2[%dma_wait3A_64, %dma_wait3A_65] : memref<10240x64xf32, #tpu.memory_space<hbm>> -> memref<10240x64xf32, #tpu.memory_space<hbm>>
      tpu.wait_indirect_dma semaphore(%run_scoped3A_54 : memref<!tpu.dma_semaphore, #tpu.memory_space<semaphore_mem>>) src(%dma_wait3A_66 : memref<10240x64xf32, #tpu.memory_space<hbm>>) dst(%arg8 : memref<512x64xf32, #tpu.memory_space<vmem>>)
      tpu.yield
    }) : () -> ()
    %dma_start3A = arith.constant 0 : i32
    %dma_start3A_21 = arith.constant 0 : i32
    %dma_start3A_22 = tpu.memref_slice %arg7[%dma_start3A, %dma_start3A_21] : memref<20x512xi32, #tpu.memory_space<vmem>> -> memref<1x512xi32, #tpu.memory_space<vmem>>
    %dma_start3A_23 = tpu.memref_squeeze %dma_start3A_22 : memref<1x512xi32, #tpu.memory_space<vmem>> -> memref<512xi32, #tpu.memory_space<vmem>>
    %dma_start3A_24 = arith.constant 0 : i32
    %dma_start3A_25 = arith.constant 0 : i32
    %dma_start3A_26 = tpu.memref_slice %arg12[%dma_start3A_24, %dma_start3A_25] : memref<10240x64xf32, #tpu.memory_space<vmem_shared>> -> memref<10240x64xf32, #tpu.memory_space<vmem_shared>>
    tpu.enqueue_indirect_dma source(%arg8 : memref<512x64xf32, #tpu.memory_space<vmem>>) target(%dma_start3A_26 : memref<10240x64xf32, #tpu.memory_space<vmem_shared>>) offsets(%dma_start3A_23 : memref<512xi32, #tpu.memory_space<vmem>>) semaphore(%arg10 : memref<!tpu.dma_semaphore, #tpu.memory_space<semaphore_mem>>) {add = true}
    %run_scoped3A_27 = arith.constant 1 : i32
    "tpu.region"() ({
      %run_scoped3A_54 = tpu.sem_alloc : memref<!tpu.dma_semaphore, #tpu.memory_space<semaphore_mem>>
      %dma_start3A_55 = arith.constant 0 : i32
      %dma_start3A_56 = tpu.memref_slice %arg6[%run_scoped3A_27, %dma_start3A_55] : memref<20x512xi32, #tpu.memory_space<vmem>> -> memref<1x512xi32, #tpu.memory_space<vmem>>
      %dma_start3A_57 = tpu.memref_squeeze %dma_start3A_56 : memref<1x512xi32, #tpu.memory_space<vmem>> -> memref<512xi32, #tpu.memory_space<vmem>>
      %dma_start3A_58 = arith.constant 0 : i32
      %dma_start3A_59 = arith.constant 0 : i32
      %dma_start3A_60 = tpu.memref_slice %arg2[%dma_start3A_58, %dma_start3A_59] : memref<10240x64xf32, #tpu.memory_space<hbm>> -> memref<10240x64xf32, #tpu.memory_space<hbm>>
      tpu.enqueue_indirect_dma source(%dma_start3A_60 : memref<10240x64xf32, #tpu.memory_space<hbm>>) target(%arg9 : memref<512x64xf32, #tpu.memory_space<vmem>>) offsets(%dma_start3A_57 : memref<512xi32, #tpu.memory_space<vmem>>) semaphore(%run_scoped3A_54 : memref<!tpu.dma_semaphore, #tpu.memory_space<semaphore_mem>>)
      %dma_wait3A_61 = arith.constant 0 : i32
      %dma_wait3A_62 = tpu.memref_slice %arg6[%run_scoped3A_27, %dma_wait3A_61] : memref<20x512xi32, #tpu.memory_space<vmem>> -> memref<1x512xi32, #tpu.memory_space<vmem>>
      %dma_wait3A_63 = tpu.memref_squeeze %dma_wait3A_62 : memref<1x512xi32, #tpu.memory_space<vmem>> -> memref<512xi32, #tpu.memory_space<vmem>>
      %dma_wait3A_64 = arith.constant 0 : i32
      %dma_wait3A_65 = arith.constant 0 : i32
      %dma_wait3A_66 = tpu.memref_slice %arg2[%dma_wait3A_64, %dma_wait3A_65] : memref<10240x64xf32, #tpu.memory_space<hbm>> -> memref<10240x64xf32, #tpu.memory_space<hbm>>
      tpu.wait_indirect_dma semaphore(%run_scoped3A_54 : memref<!tpu.dma_semaphore, #tpu.memory_space<semaphore_mem>>) src(%dma_wait3A_66 : memref<10240x64xf32, #tpu.memory_space<hbm>>) dst(%arg9 : memref<512x64xf32, #tpu.memory_space<vmem>>)
      tpu.yield
    }) : () -> ()
    %dma_start3A_28 = arith.constant 1 : i32
    %dma_start3A_29 = arith.constant 0 : i32
    %dma_start3A_30 = tpu.memref_slice %arg7[%dma_start3A_28, %dma_start3A_29] : memref<20x512xi32, #tpu.memory_space<vmem>> -> memref<1x512xi32, #tpu.memory_space<vmem>>
    %dma_start3A_31 = tpu.memref_squeeze %dma_start3A_30 : memref<1x512xi32, #tpu.memory_space<vmem>> -> memref<512xi32, #tpu.memory_space<vmem>>
    %dma_start3A_32 = arith.constant 0 : i32
    %dma_start3A_33 = arith.constant 0 : i32
    %dma_start3A_34 = tpu.memref_slice %arg12[%dma_start3A_32, %dma_start3A_33] : memref<10240x64xf32, #tpu.memory_space<vmem_shared>> -> memref<10240x64xf32, #tpu.memory_space<vmem_shared>>
    tpu.enqueue_indirect_dma source(%arg9 : memref<512x64xf32, #tpu.memory_space<vmem>>) target(%dma_start3A_34 : memref<10240x64xf32, #tpu.memory_space<vmem_shared>>) offsets(%dma_start3A_31 : memref<512xi32, #tpu.memory_space<vmem>>) semaphore(%arg11 : memref<!tpu.dma_semaphore, #tpu.memory_space<semaphore_mem>>) {add = true}
    %scan3A_35 = arith.constant 0 : i32
    %scan3A_36 = arith.constant 9 : i32
    %scan3A_37 = arith.addi %scan3A_35, %scan3A_36 : i32
    %scan3A_38 = arith.constant 1 : i32
    scf.for %scan3A_54 = %scan3A_35 to %scan3A_37 step %scan3A_38  : i32 {
      %mul3A_55 = arith.constant 2 : i32
      %mul3A_56 = arith.muli %scan3A_54, %mul3A_55 : i32
      %add3A_57 = arith.constant 2 : i32
      %add3A_58 = arith.addi %add3A_57, %mul3A_56 : i32
      %dma_wait3A_59 = arith.constant 0 : i32
      %dma_wait3A_60 = arith.constant 0 : i32
      %dma_wait3A_61 = tpu.memref_slice %arg7[%dma_wait3A_59, %dma_wait3A_60] : memref<20x512xi32, #tpu.memory_space<vmem>> -> memref<1x512xi32, #tpu.memory_space<vmem>>
      %dma_wait3A_62 = tpu.memref_squeeze %dma_wait3A_61 : memref<1x512xi32, #tpu.memory_space<vmem>> -> memref<512xi32, #tpu.memory_space<vmem>>
      %dma_wait3A_63 = arith.constant 0 : i32
      %dma_wait3A_64 = arith.constant 0 : i32
      %dma_wait3A_65 = tpu.memref_slice %arg12[%dma_wait3A_63, %dma_wait3A_64] : memref<10240x64xf32, #tpu.memory_space<vmem_shared>> -> memref<10240x64xf32, #tpu.memory_space<vmem_shared>>
      tpu.wait_indirect_dma semaphore(%arg10 : memref<!tpu.dma_semaphore, #tpu.memory_space<semaphore_mem>>) src(%arg8 : memref<512x64xf32, #tpu.memory_space<vmem>>) dst(%dma_wait3A_65 : memref<10240x64xf32, #tpu.memory_space<vmem_shared>>)
      %add3A_66 = arith.constant 0 : i32
      %add3A_67 = arith.addi %add3A_58, %add3A_66 : i32
      "tpu.region"() ({
        %run_scoped3A_93 = tpu.sem_alloc : memref<!tpu.dma_semaphore, #tpu.memory_space<semaphore_mem>>
        %dma_start3A_94 = arith.constant 0 : i32
        %dma_start3A_95 = tpu.memref_slice %arg6[%add3A_67, %dma_start3A_94] : memref<20x512xi32, #tpu.memory_space<vmem>> -> memref<1x512xi32, #tpu.memory_space<vmem>>
        %dma_start3A_96 = tpu.memref_squeeze %dma_start3A_95 : memref<1x512xi32, #tpu.memory_space<vmem>> -> memref<512xi32, #tpu.memory_space<vmem>>
        %dma_start3A_97 = arith.constant 0 : i32
        %dma_start3A_98 = arith.constant 0 : i32
        %dma_start3A_99 = tpu.memref_slice %arg2[%dma_start3A_97, %dma_start3A_98] : memref<10240x64xf32, #tpu.memory_space<hbm>> -> memref<10240x64xf32, #tpu.memory_space<hbm>>
        tpu.enqueue_indirect_dma source(%dma_start3A_99 : memref<10240x64xf32, #tpu.memory_space<hbm>>) target(%arg8 : memref<512x64xf32, #tpu.memory_space<vmem>>) offsets(%dma_start3A_96 : memref<512xi32, #tpu.memory_space<vmem>>) semaphore(%run_scoped3A_93 : memref<!tpu.dma_semaphore, #tpu.memory_space<semaphore_mem>>)
        %dma_wait3A_100 = arith.constant 0 : i32
        %dma_wait3A_101 = tpu.memref_slice %arg6[%add3A_67, %dma_wait3A_100] : memref<20x512xi32, #tpu.memory_space<vmem>> -> memref<1x512xi32, #tpu.memory_space<vmem>>
        %dma_wait3A_102 = tpu.memref_squeeze %dma_wait3A_101 : memref<1x512xi32, #tpu.memory_space<vmem>> -> memref<512xi32, #tpu.memory_space<vmem>>
        %dma_wait3A_103 = arith.constant 0 : i32
        %dma_wait3A_104 = arith.constant 0 : i32
        %dma_wait3A_105 = tpu.memref_slice %arg2[%dma_wait3A_103, %dma_wait3A_104] : memref<10240x64xf32, #tpu.memory_space<hbm>> -> memref<10240x64xf32, #tpu.memory_space<hbm>>
        tpu.wait_indirect_dma semaphore(%run_scoped3A_93 : memref<!tpu.dma_semaphore, #tpu.memory_space<semaphore_mem>>) src(%dma_wait3A_105 : memref<10240x64xf32, #tpu.memory_space<hbm>>) dst(%arg8 : memref<512x64xf32, #tpu.memory_space<vmem>>)
        tpu.yield
      }) : () -> ()
      %add3A_68 = arith.constant 0 : i32
      %add3A_69 = arith.addi %add3A_58, %add3A_68 : i32
      %dma_start3A_70 = arith.constant 0 : i32
      %dma_start3A_71 = tpu.memref_slice %arg7[%add3A_69, %dma_start3A_70] : memref<20x512xi32, #tpu.memory_space<vmem>> -> memref<1x512xi32, #tpu.memory_space<vmem>>
      %dma_start3A_72 = tpu.memref_squeeze %dma_start3A_71 : memref<1x512xi32, #tpu.memory_space<vmem>> -> memref<512xi32, #tpu.memory_space<vmem>>
      %dma_start3A_73 = arith.constant 0 : i32
      %dma_start3A_74 = arith.constant 0 : i32
      %dma_start3A_75 = tpu.memref_slice %arg12[%dma_start3A_73, %dma_start3A_74] : memref<10240x64xf32, #tpu.memory_space<vmem_shared>> -> memref<10240x64xf32, #tpu.memory_space<vmem_shared>>
      tpu.enqueue_indirect_dma source(%arg8 : memref<512x64xf32, #tpu.memory_space<vmem>>) target(%dma_start3A_75 : memref<10240x64xf32, #tpu.memory_space<vmem_shared>>) offsets(%dma_start3A_72 : memref<512xi32, #tpu.memory_space<vmem>>) semaphore(%arg10 : memref<!tpu.dma_semaphore, #tpu.memory_space<semaphore_mem>>) {add = true}
      %dma_wait3A_76 = arith.constant 0 : i32
      %dma_wait3A_77 = arith.constant 0 : i32
      %dma_wait3A_78 = tpu.memref_slice %arg7[%dma_wait3A_76, %dma_wait3A_77] : memref<20x512xi32, #tpu.memory_space<vmem>> -> memref<1x512xi32, #tpu.memory_space<vmem>>
      %dma_wait3A_79 = tpu.memref_squeeze %dma_wait3A_78 : memref<1x512xi32, #tpu.memory_space<vmem>> -> memref<512xi32, #tpu.memory_space<vmem>>
      %dma_wait3A_80 = arith.constant 0 : i32
      %dma_wait3A_81 = arith.constant 0 : i32
      %dma_wait3A_82 = tpu.memref_slice %arg12[%dma_wait3A_80, %dma_wait3A_81] : memref<10240x64xf32, #tpu.memory_space<vmem_shared>> -> memref<10240x64xf32, #tpu.memory_space<vmem_shared>>
      tpu.wait_indirect_dma semaphore(%arg11 : memref<!tpu.dma_semaphore, #tpu.memory_space<semaphore_mem>>) src(%arg9 : memref<512x64xf32, #tpu.memory_space<vmem>>) dst(%dma_wait3A_82 : memref<10240x64xf32, #tpu.memory_space<vmem_shared>>)
      %add3A_83 = arith.constant 1 : i32
      %add3A_84 = arith.addi %add3A_58, %add3A_83 : i32
      "tpu.region"() ({
        %run_scoped3A_93 = tpu.sem_alloc : memref<!tpu.dma_semaphore, #tpu.memory_space<semaphore_mem>>
        %dma_start3A_94 = arith.constant 0 : i32
        %dma_start3A_95 = tpu.memref_slice %arg6[%add3A_84, %dma_start3A_94] : memref<20x512xi32, #tpu.memory_space<vmem>> -> memref<1x512xi32, #tpu.memory_space<vmem>>
        %dma_start3A_96 = tpu.memref_squeeze %dma_start3A_95 : memref<1x512xi32, #tpu.memory_space<vmem>> -> memref<512xi32, #tpu.memory_space<vmem>>
        %dma_start3A_97 = arith.constant 0 : i32
        %dma_start3A_98 = arith.constant 0 : i32
        %dma_start3A_99 = tpu.memref_slice %arg2[%dma_start3A_97, %dma_start3A_98] : memref<10240x64xf32, #tpu.memory_space<hbm>> -> memref<10240x64xf32, #tpu.memory_space<hbm>>
        tpu.enqueue_indirect_dma source(%dma_start3A_99 : memref<10240x64xf32, #tpu.memory_space<hbm>>) target(%arg9 : memref<512x64xf32, #tpu.memory_space<vmem>>) offsets(%dma_start3A_96 : memref<512xi32, #tpu.memory_space<vmem>>) semaphore(%run_scoped3A_93 : memref<!tpu.dma_semaphore, #tpu.memory_space<semaphore_mem>>)
        %dma_wait3A_100 = arith.constant 0 : i32
        %dma_wait3A_101 = tpu.memref_slice %arg6[%add3A_84, %dma_wait3A_100] : memref<20x512xi32, #tpu.memory_space<vmem>> -> memref<1x512xi32, #tpu.memory_space<vmem>>
        %dma_wait3A_102 = tpu.memref_squeeze %dma_wait3A_101 : memref<1x512xi32, #tpu.memory_space<vmem>> -> memref<512xi32, #tpu.memory_space<vmem>>
        %dma_wait3A_103 = arith.constant 0 : i32
        %dma_wait3A_104 = arith.constant 0 : i32
        %dma_wait3A_105 = tpu.memref_slice %arg2[%dma_wait3A_103, %dma_wait3A_104] : memref<10240x64xf32, #tpu.memory_space<hbm>> -> memref<10240x64xf32, #tpu.memory_space<hbm>>
        tpu.wait_indirect_dma semaphore(%run_scoped3A_93 : memref<!tpu.dma_semaphore, #tpu.memory_space<semaphore_mem>>) src(%dma_wait3A_105 : memref<10240x64xf32, #tpu.memory_space<hbm>>) dst(%arg9 : memref<512x64xf32, #tpu.memory_space<vmem>>)
        tpu.yield
      }) : () -> ()
      %add3A_85 = arith.constant 1 : i32
      %add3A_86 = arith.addi %add3A_58, %add3A_85 : i32
      %dma_start3A_87 = arith.constant 0 : i32
      %dma_start3A_88 = tpu.memref_slice %arg7[%add3A_86, %dma_start3A_87] : memref<20x512xi32, #tpu.memory_space<vmem>> -> memref<1x512xi32, #tpu.memory_space<vmem>>
      %dma_start3A_89 = tpu.memref_squeeze %dma_start3A_88 : memref<1x512xi32, #tpu.memory_space<vmem>> -> memref<512xi32, #tpu.memory_space<vmem>>
      %dma_start3A_90 = arith.constant 0 : i32
      %dma_start3A_91 = arith.constant 0 : i32
      %dma_start3A_92 = tpu.memref_slice %arg12[%dma_start3A_90, %dma_start3A_91] : memref<10240x64xf32, #tpu.memory_space<vmem_shared>> -> memref<10240x64xf32, #tpu.memory_space<vmem_shared>>
      tpu.enqueue_indirect_dma source(%arg9 : memref<512x64xf32, #tpu.memory_space<vmem>>) target(%dma_start3A_92 : memref<10240x64xf32, #tpu.memory_space<vmem_shared>>) offsets(%dma_start3A_89 : memref<512xi32, #tpu.memory_space<vmem>>) semaphore(%arg11 : memref<!tpu.dma_semaphore, #tpu.memory_space<semaphore_mem>>) {add = true}
    }
    %scan3A_39 = arith.constant 9 : i32
    %dma_wait3A = arith.constant 0 : i32
    %dma_wait3A_40 = arith.constant 0 : i32
    %dma_wait3A_41 = tpu.memref_slice %arg7[%dma_wait3A, %dma_wait3A_40] : memref<20x512xi32, #tpu.memory_space<vmem>> -> memref<1x512xi32, #tpu.memory_space<vmem>>
    %dma_wait3A_42 = tpu.memref_squeeze %dma_wait3A_41 : memref<1x512xi32, #tpu.memory_space<vmem>> -> memref<512xi32, #tpu.memory_space<vmem>>
    %dma_wait3A_43 = arith.constant 0 : i32
    %dma_wait3A_44 = arith.constant 0 : i32
    %dma_wait3A_45 = tpu.memref_slice %arg12[%dma_wait3A_43, %dma_wait3A_44] : memref<10240x64xf32, #tpu.memory_space<vmem_shared>> -> memref<10240x64xf32, #tpu.memory_space<vmem_shared>>
    tpu.wait_indirect_dma semaphore(%arg10 : memref<!tpu.dma_semaphore, #tpu.memory_space<semaphore_mem>>) src(%arg8 : memref<512x64xf32, #tpu.memory_space<vmem>>) dst(%dma_wait3A_45 : memref<10240x64xf32, #tpu.memory_space<vmem_shared>>)
    %dma_wait3A_46 = arith.constant 0 : i32
    %dma_wait3A_47 = arith.constant 0 : i32
    %dma_wait3A_48 = tpu.memref_slice %arg7[%dma_wait3A_46, %dma_wait3A_47] : memref<20x512xi32, #tpu.memory_space<vmem>> -> memref<1x512xi32, #tpu.memory_space<vmem>>
    %dma_wait3A_49 = tpu.memref_squeeze %dma_wait3A_48 : memref<1x512xi32, #tpu.memory_space<vmem>> -> memref<512xi32, #tpu.memory_space<vmem>>
    %dma_wait3A_50 = arith.constant 0 : i32
    %dma_wait3A_51 = arith.constant 0 : i32
    %dma_wait3A_52 = tpu.memref_slice %arg12[%dma_wait3A_50, %dma_wait3A_51] : memref<10240x64xf32, #tpu.memory_space<vmem_shared>> -> memref<10240x64xf32, #tpu.memory_space<vmem_shared>>
    tpu.wait_indirect_dma semaphore(%arg11 : memref<!tpu.dma_semaphore, #tpu.memory_space<semaphore_mem>>) src(%arg9 : memref<512x64xf32, #tpu.memory_space<vmem>>) dst(%dma_wait3A_52 : memref<10240x64xf32, #tpu.memory_space<vmem_shared>>)
    %barrier3A_53 = arith.constant 0 : index
    tpu.barrier barrier_id(%barrier3A_53)
    "tpu.region"() ({
      %run_scoped3A_54 = tpu.sem_alloc : memref<!tpu.dma_semaphore, #tpu.memory_space<semaphore_mem>>
      %dma_start3A_55 = arith.constant 0 : i32
      %dma_start3A_56 = tpu.memref_slice %arg5[%arg0, %mul3A_4, %dma_start3A_55] : memref<2x10240x64xf32, #tpu.memory_space<hbm>> -> memref<1x640x64xf32, #tpu.memory_space<hbm>>
      %dma_start3A_57 = tpu.memref_squeeze %dma_start3A_56 : memref<1x640x64xf32, #tpu.memory_space<hbm>> -> memref<640x64xf32, #tpu.memory_space<hbm>>
      %dma_start3A_58 = arith.constant 0 : i32
      %dma_start3A_59 = tpu.memref_slice %arg12[%mul3A_4, %dma_start3A_58] : memref<10240x64xf32, #tpu.memory_space<vmem_shared>> -> memref<640x64xf32, #tpu.memory_space<vmem_shared>>
      tpu.enqueue_dma source(%dma_start3A_59 : memref<640x64xf32, #tpu.memory_space<vmem_shared>>) target(%dma_start3A_57 : memref<640x64xf32, #tpu.memory_space<hbm>>) target_semaphore(%run_scoped3A_54 : memref<!tpu.dma_semaphore, #tpu.memory_space<semaphore_mem>>)
      %dma_wait3A_60 = arith.constant 0 : i32
      %dma_wait3A_61 = tpu.memref_slice %arg5[%arg0, %mul3A_4, %dma_wait3A_60] : memref<2x10240x64xf32, #tpu.memory_space<hbm>> -> memref<1x640x64xf32, #tpu.memory_space<hbm>>
      %dma_wait3A_62 = tpu.memref_squeeze %dma_wait3A_61 : memref<1x640x64xf32, #tpu.memory_space<hbm>> -> memref<640x64xf32, #tpu.memory_space<hbm>>
      %dma_wait3A_63 = arith.constant 0 : i32
      %dma_wait3A_64 = tpu.memref_slice %arg12[%mul3A_4, %dma_wait3A_63] : memref<10240x64xf32, #tpu.memory_space<vmem_shared>> -> memref<640x64xf32, #tpu.memory_space<vmem_shared>>
      tpu.wait_dma2 semaphore(%run_scoped3A_54 : memref<!tpu.dma_semaphore, #tpu.memory_space<semaphore_mem>>) src(%dma_wait3A_64 : memref<640x64xf32, #tpu.memory_space<vmem_shared>>) dst(%dma_wait3A_62 : memref<640x64xf32, #tpu.memory_space<hbm>>)
      tpu.yield
    }) : () -> ()
    return
  }
}

module attributes {stable_mosaic.version = 14 : i64} {
  func.func @body(%arg0: memref<5000x256xf32, #tpu.memory_space<vmem>>, %arg1: memref<128x128xf32, #tpu.memory_space<vmem>>, %arg2: memref<5000x256xf32, #tpu.memory_space<vmem>>) attributes {dimension_semantics = [], scalar_prefetch = 0 : i64, scratch_operands = 0 : i64, tpu.core_type = #tpu.core_type<tc>} {
    %get3A = arith.constant 0 : index
    %get3A_0 = arith.constant 0 : index
    %get3A_1 = vector.load %arg0[%get3A, %get3A_0] : memref<5000x256xf32, #tpu.memory_space<vmem>>, vector<5000x256xf32>
    %get3A_2 = arith.constant 0 : index
    %get3A_3 = arith.constant 0 : index
    %get3A_4 = vector.load %arg1[%get3A_2, %get3A_3] : memref<128x128xf32, #tpu.memory_space<vmem>>, vector<128x128xf32>
    %slice3A = vector.extract_strided_slice %get3A_1 {offsets = [0, 0], sizes = [5000, 128], strides = [1, 1]} : vector<5000x256xf32> to vector<5000x128xf32>
    %dot_general3A = arith.constant dense<0.000000e+00> : vector<5000x128xf32>
    %dot_general3A_5 = tpu.matmul %slice3A, %get3A_4, %dot_general3A {dimension_numbers = #tpu.dot_dimension_numbers<[1], [0], [0], [1], [0, 0, 1, 1], [], []>, transpose_lhs_hint = false} : vector<5000x128xf32>, vector<128x128xf32>, vector<5000x128xf32> -> vector<5000x128xf32>
    %slice3A_6 = vector.extract_strided_slice %get3A_1 {offsets = [0, 128], sizes = [5000, 128], strides = [1, 1]} : vector<5000x256xf32> to vector<5000x128xf32>
    %dot_general3A_7 = arith.constant dense<0.000000e+00> : vector<5000x128xf32>
    %dot_general3A_8 = tpu.matmul %slice3A_6, %get3A_4, %dot_general3A_7 {dimension_numbers = #tpu.dot_dimension_numbers<[1], [0], [0], [1], [0, 0, 1, 1], [], []>, transpose_lhs_hint = false} : vector<5000x128xf32>, vector<128x128xf32>, vector<5000x128xf32> -> vector<5000x128xf32>
    %concatenate3A = tpu.concatenate %dot_general3A_5, %dot_general3A_8 in 1 : vector<5000x128xf32>, vector<5000x128xf32> -> vector<5000x256xf32>
    %swap3A = arith.constant 0 : index
    %swap3A_9 = arith.constant 0 : index
    %swap3A_10 = vector.load %arg2[%swap3A, %swap3A_9] : memref<5000x256xf32, #tpu.memory_space<vmem>>, vector<5000x256xf32>
    tpu.vector_store %arg2[%swap3A, %swap3A_9], %concatenate3A {strides = array<i32>} : memref<5000x256xf32, #tpu.memory_space<vmem>>, vector<5000x256xf32>,
    return
  }
}

module attributes {stable_mosaic.version = 14 : i64} {
  func.func @body(%arg0: memref<5000x256xf32, #tpu.memory_space<vmem>>, %arg1: memref<2x5120x2xf32, #tpu.memory_space<vmem>>, %arg2: memref<5120x2xf32, #tpu.memory_space<vmem>>, %arg3: memref<5120x256xf32, #tpu.memory_space<vmem>>) attributes {dimension_semantics = [], scalar_prefetch = 0 : i64, scratch_operands = 0 : i64, tpu.core_type = #tpu.core_type<tc>} {
    %get3A = arith.constant 0 : index
    %get3A_0 = arith.constant 0 : index
    %get3A_1 = arith.constant 0 : index
    %get3A_2 = vector.load %arg1[%get3A, %get3A_0, %get3A_1] : memref<2x5120x2xf32, #tpu.memory_space<vmem>>, vector<1x5120x2xf32>
    %get3A_3 = vector.shape_cast %get3A_2 : vector<1x5120x2xf32> to vector<5120x2xf32>
    %get3A_4 = arith.constant 1 : index
    %get3A_5 = arith.constant 0 : index
    %get3A_6 = arith.constant 0 : index
    %get3A_7 = vector.load %arg1[%get3A_4, %get3A_5, %get3A_6] : memref<2x5120x2xf32, #tpu.memory_space<vmem>>, vector<1x5120x2xf32>
    %get3A_8 = vector.shape_cast %get3A_7 : vector<1x5120x2xf32> to vector<5120x2xf32>
    %add3A = arith.addf %get3A_3, %get3A_8 : vector<5120x2xf32>
    %add3A_9 = arith.constant 1.000000e+00 : f32
    %add3A_10 = vector.broadcast %add3A_9 : f32 to vector<5120x2xf32>
    %add3A_11 = arith.addf %add3A, %add3A_10 : vector<5120x2xf32>
    %rsqrt3A = math.rsqrt %add3A_11 : vector<5120x2xf32>
    %swap3A = arith.constant 0 : index
    %swap3A_12 = arith.constant 0 : index
    %swap3A_13 = vector.load %arg2[%swap3A, %swap3A_12] : memref<5120x2xf32, #tpu.memory_space<vmem>>, vector<5120x2xf32>
    tpu.vector_store %arg2[%swap3A, %swap3A_12], %rsqrt3A {strides = array<i32>} : memref<5120x2xf32, #tpu.memory_space<vmem>>, vector<5120x2xf32>,
    %get3A_14 = arith.constant 0 : index
    %get3A_15 = arith.constant 0 : index
    %get3A_16 = vector.load %arg0[%get3A_14, %get3A_15] : memref<5000x256xf32, #tpu.memory_space<vmem>>, vector<5000x256xf32>
    %slice3A = vector.extract_strided_slice %rsqrt3A {offsets = [0, 0], sizes = [5000, 1], strides = [1, 1]} : vector<5120x2xf32> to vector<5000x1xf32>
    %slice3A_17 = vector.extract_strided_slice %get3A_16 {offsets = [0, 0], sizes = [5000, 128], strides = [1, 1]} : vector<5000x256xf32> to vector<5000x128xf32>
    %mul3A = vector.broadcast %slice3A : vector<5000x1xf32> to vector<5000x128xf32>
    %mul3A_18 = arith.mulf %mul3A, %slice3A_17 : vector<5000x128xf32>
    %slice3A_19 = vector.extract_strided_slice %rsqrt3A {offsets = [0, 1], sizes = [5000, 1], strides = [1, 1]} : vector<5120x2xf32> to vector<5000x1xf32>
    %slice3A_20 = vector.extract_strided_slice %get3A_16 {offsets = [0, 128], sizes = [5000, 128], strides = [1, 1]} : vector<5000x256xf32> to vector<5000x128xf32>
    %mul3A_21 = vector.broadcast %slice3A_19 : vector<5000x1xf32> to vector<5000x128xf32>
    %mul3A_22 = arith.mulf %mul3A_21, %slice3A_20 : vector<5000x128xf32>
    %concatenate3A = tpu.concatenate %mul3A_18, %mul3A_22 in 1 : vector<5000x128xf32>, vector<5000x128xf32> -> vector<5000x256xf32>
    %swap3A_23 = arith.constant 0 : index
    %swap3A_24 = arith.constant 0 : index
    %swap3A_25 = vector.load %arg3[%swap3A_23, %swap3A_24] : memref<5120x256xf32, #tpu.memory_space<vmem>>, vector<5000x256xf32>
    tpu.vector_store %arg3[%swap3A_23, %swap3A_24], %concatenate3A {strides = array<i32>} : memref<5120x256xf32, #tpu.memory_space<vmem>>, vector<5000x256xf32>,
    %broadcast_in_dim3A = arith.constant 0.000000e+00 : f32
    %broadcast_in_dim3A_26 = vector.broadcast %broadcast_in_dim3A : f32 to vector<120x256xf32>
    %swap3A_27 = arith.constant 5000 : index
    %swap3A_28 = arith.constant 0 : index
    %swap3A_29 = vector.load %arg3[%swap3A_27, %swap3A_28] : memref<5120x256xf32, #tpu.memory_space<vmem>>, vector<120x256xf32>
    tpu.vector_store %arg3[%swap3A_27, %swap3A_28], %broadcast_in_dim3A_26 {strides = array<i32>} : memref<5120x256xf32, #tpu.memory_space<vmem>>, vector<120x256xf32>,
    return
  }
}

module attributes {stable_mosaic.version = 14 : i64} {
  func.func @body(%arg0: memref<2x5120x128xf32, #tpu.memory_space<vmem>>, %arg1: memref<2x5120x128xf32, #tpu.memory_space<vmem>>, %arg2: memref<5120x256xf32, #tpu.memory_space<vmem>>, %arg3: memref<5120x2xf32, #tpu.memory_space<vmem>>, %arg4: memref<1x128xf32, #tpu.memory_space<vmem>>, %arg5: memref<1x128xf32, #tpu.memory_space<vmem>>, %arg6: memref<1x128xf32, #tpu.memory_space<vmem>>, %arg7: memref<1x1xf32, #tpu.memory_space<vmem>>, %arg8: memref<128x64xf32, #tpu.memory_space<vmem>>, %arg9: memref<5120x128xf32, #tpu.memory_space<vmem>>) attributes {dimension_semantics = [], scalar_prefetch = 0 : i64, scratch_operands = 0 : i64, tpu.core_type = #tpu.core_type<tc>} {
    %get3A = arith.constant 0 : index
    %get3A_0 = arith.constant 0 : index
    %get3A_1 = arith.constant 0 : index
    %get3A_2 = vector.load %arg0[%get3A, %get3A_0, %get3A_1] : memref<2x5120x128xf32, #tpu.memory_space<vmem>>, vector<1x5120x128xf32>
    %get3A_3 = vector.shape_cast %get3A_2 : vector<1x5120x128xf32> to vector<5120x128xf32>
    %get3A_4 = arith.constant 1 : index
    %get3A_5 = arith.constant 0 : index
    %get3A_6 = arith.constant 0 : index
    %get3A_7 = vector.load %arg0[%get3A_4, %get3A_5, %get3A_6] : memref<2x5120x128xf32, #tpu.memory_space<vmem>>, vector<1x5120x128xf32>
    %get3A_8 = vector.shape_cast %get3A_7 : vector<1x5120x128xf32> to vector<5120x128xf32>
    %add3A = arith.addf %get3A_3, %get3A_8 : vector<5120x128xf32>
    %get3A_9 = arith.constant 0 : index
    %get3A_10 = arith.constant 0 : index
    %get3A_11 = arith.constant 0 : index
    %get3A_12 = vector.load %arg1[%get3A_9, %get3A_10, %get3A_11] : memref<2x5120x128xf32, #tpu.memory_space<vmem>>, vector<1x5120x128xf32>
    %get3A_13 = vector.shape_cast %get3A_12 : vector<1x5120x128xf32> to vector<5120x128xf32>
    %get3A_14 = arith.constant 1 : index
    %get3A_15 = arith.constant 0 : index
    %get3A_16 = arith.constant 0 : index
    %get3A_17 = vector.load %arg1[%get3A_14, %get3A_15, %get3A_16] : memref<2x5120x128xf32, #tpu.memory_space<vmem>>, vector<1x5120x128xf32>
    %get3A_18 = vector.shape_cast %get3A_17 : vector<1x5120x128xf32> to vector<5120x128xf32>
    %add3A_19 = arith.addf %get3A_13, %get3A_18 : vector<5120x128xf32>
    %slice3A = vector.extract_strided_slice %add3A {offsets = [0, 0], sizes = [5000, 64], strides = [1, 1]} : vector<5120x128xf32> to vector<5000x64xf32>
    %slice3A_20 = vector.extract_strided_slice %add3A_19 {offsets = [0, 0], sizes = [5000, 64], strides = [1, 1]} : vector<5120x128xf32> to vector<5000x64xf32>
    %concatenate3A = tpu.concatenate %slice3A, %slice3A_20 in 1 : vector<5000x64xf32>, vector<5000x64xf32> -> vector<5000x128xf32>
    %slice3A_21 = vector.extract_strided_slice %add3A {offsets = [0, 64], sizes = [5000, 64], strides = [1, 1]} : vector<5120x128xf32> to vector<5000x64xf32>
    %slice3A_22 = vector.extract_strided_slice %add3A_19 {offsets = [0, 64], sizes = [5000, 64], strides = [1, 1]} : vector<5120x128xf32> to vector<5000x64xf32>
    %concatenate3A_23 = tpu.concatenate %slice3A_21, %slice3A_22 in 1 : vector<5000x64xf32>, vector<5000x64xf32> -> vector<5000x128xf32>
    %get3A_24 = arith.constant 0 : index
    %get3A_25 = arith.constant 0 : index
    %get3A_26 = vector.load %arg2[%get3A_24, %get3A_25] : memref<5120x256xf32, #tpu.memory_space<vmem>>, vector<5120x256xf32>
    %get3A_27 = arith.constant 0 : index
    %get3A_28 = arith.constant 0 : index
    %get3A_29 = vector.load %arg3[%get3A_27, %get3A_28] : memref<5120x2xf32, #tpu.memory_space<vmem>>, vector<5120x2xf32>
    %slice3A_30 = vector.extract_strided_slice %get3A_29 {offsets = [0, 0], sizes = [5000, 1], strides = [1, 1]} : vector<5120x2xf32> to vector<5000x1xf32>
    %slice3A_31 = vector.extract_strided_slice %get3A_29 {offsets = [0, 1], sizes = [5000, 1], strides = [1, 1]} : vector<5120x2xf32> to vector<5000x1xf32>
    %get3A_32 = arith.constant 0 : index
    %get3A_33 = arith.constant 0 : index
    %get3A_34 = vector.load %arg4[%get3A_32, %get3A_33] : memref<1x128xf32, #tpu.memory_space<vmem>>, vector<1x128xf32>
    %slice3A_35 = vector.extract_strided_slice %get3A_26 {offsets = [0, 0], sizes = [5000, 128], strides = [1, 1]} : vector<5120x256xf32> to vector<5000x128xf32>
    %add3A_36 = arith.addf %concatenate3A, %slice3A_35 : vector<5000x128xf32>
    %mul3A = vector.broadcast %slice3A_30 : vector<5000x1xf32> to vector<5000x128xf32>
    %mul3A_37 = arith.mulf %mul3A, %add3A_36 : vector<5000x128xf32>
    %add3A_38 = vector.broadcast %get3A_34 : vector<1x128xf32> to vector<5000x128xf32>
    %add3A_39 = arith.addf %mul3A_37, %add3A_38 : vector<5000x128xf32>
    %slice3A_40 = vector.extract_strided_slice %get3A_26 {offsets = [0, 128], sizes = [5000, 128], strides = [1, 1]} : vector<5120x256xf32> to vector<5000x128xf32>
    %add3A_41 = arith.addf %concatenate3A_23, %slice3A_40 : vector<5000x128xf32>
    %mul3A_42 = vector.broadcast %slice3A_31 : vector<5000x1xf32> to vector<5000x128xf32>
    %mul3A_43 = arith.mulf %mul3A_42, %add3A_41 : vector<5000x128xf32>
    %add3A_44 = vector.broadcast %get3A_34 : vector<1x128xf32> to vector<5000x128xf32>
    %add3A_45 = arith.addf %mul3A_43, %add3A_44 : vector<5000x128xf32>
    %reduce_sum3A = arith.constant dense<0.000000e+00> : vector<128xf32>
    %reduce_sum3A_46 = vector.multi_reduction <add>, %add3A_39, %reduce_sum3A [0] : vector<5000x128xf32> to vector<128xf32>
    %broadcast_in_dim3A = vector.shape_cast %reduce_sum3A_46 : vector<128xf32> to vector<1x128xf32>
    %reduce_sum3A_47 = arith.constant dense<0.000000e+00> : vector<128xf32>
    %reduce_sum3A_48 = vector.multi_reduction <add>, %add3A_45, %reduce_sum3A_47 [0] : vector<5000x128xf32> to vector<128xf32>
    %broadcast_in_dim3A_49 = vector.shape_cast %reduce_sum3A_48 : vector<128xf32> to vector<1x128xf32>
    %add3A_50 = arith.addf %broadcast_in_dim3A, %broadcast_in_dim3A_49 : vector<1x128xf32>
    %div3A = arith.constant 1.000000e+04 : f32
    %div3A_51 = vector.broadcast %div3A : f32 to vector<1x128xf32>
    %div3A_52 = arith.divf %add3A_50, %div3A_51 : vector<1x128xf32>
    %mul3A_53 = arith.mulf %add3A_39, %add3A_39 : vector<5000x128xf32>
    %reduce_sum3A_54 = arith.constant dense<0.000000e+00> : vector<128xf32>
    %reduce_sum3A_55 = vector.multi_reduction <add>, %mul3A_53, %reduce_sum3A_54 [0] : vector<5000x128xf32> to vector<128xf32>
    %broadcast_in_dim3A_56 = vector.shape_cast %reduce_sum3A_55 : vector<128xf32> to vector<1x128xf32>
    %mul3A_57 = arith.mulf %add3A_45, %add3A_45 : vector<5000x128xf32>
    %reduce_sum3A_58 = arith.constant dense<0.000000e+00> : vector<128xf32>
    %reduce_sum3A_59 = vector.multi_reduction <add>, %mul3A_57, %reduce_sum3A_58 [0] : vector<5000x128xf32> to vector<128xf32>
    %broadcast_in_dim3A_60 = vector.shape_cast %reduce_sum3A_59 : vector<128xf32> to vector<1x128xf32>
    %add3A_61 = arith.addf %broadcast_in_dim3A_56, %broadcast_in_dim3A_60 : vector<1x128xf32>
    %div3A_62 = arith.constant 1.000000e+04 : f32
    %div3A_63 = vector.broadcast %div3A_62 : f32 to vector<1x128xf32>
    %div3A_64 = arith.divf %add3A_61, %div3A_63 : vector<1x128xf32>
    %mul3A_65 = arith.mulf %div3A_52, %div3A_52 : vector<1x128xf32>
    %sub3A = arith.subf %div3A_64, %mul3A_65 : vector<1x128xf32>
    %add3A_66 = arith.constant 9.99999974E-6 : f32
    %add3A_67 = vector.broadcast %add3A_66 : f32 to vector<1x128xf32>
    %add3A_68 = arith.addf %sub3A, %add3A_67 : vector<1x128xf32>
    %rsqrt3A = math.rsqrt %add3A_68 : vector<1x128xf32>
    %get3A_69 = arith.constant 0 : index
    %get3A_70 = arith.constant 0 : index
    %get3A_71 = vector.load %arg5[%get3A_69, %get3A_70] : memref<1x128xf32, #tpu.memory_space<vmem>>, vector<1x128xf32>
    %mul3A_72 = arith.mulf %rsqrt3A, %get3A_71 : vector<1x128xf32>
    %get3A_73 = arith.constant 0 : index
    %get3A_74 = arith.constant 0 : index
    %get3A_75 = vector.load %arg6[%get3A_73, %get3A_74] : memref<1x128xf32, #tpu.memory_space<vmem>>, vector<1x128xf32>
    %get3A_76 = arith.constant 0 : index
    %get3A_77 = arith.constant 0 : index
    %get3A_78 = vector.load %arg7[%get3A_76, %get3A_77] : memref<1x1xf32, #tpu.memory_space<vmem>>, vector<1x1xf32>
    %get3A_79 = vector.extract %get3A_78[0, 0] : f32 from vector<1x1xf32>
    %sub3A_80 = vector.broadcast %div3A_52 : vector<1x128xf32> to vector<5000x128xf32>
    %sub3A_81 = arith.subf %add3A_39, %sub3A_80 : vector<5000x128xf32>
    %mul3A_82 = vector.broadcast %mul3A_72 : vector<1x128xf32> to vector<5000x128xf32>
    %mul3A_83 = arith.mulf %sub3A_81, %mul3A_82 : vector<5000x128xf32>
    %add3A_84 = vector.broadcast %get3A_75 : vector<1x128xf32> to vector<5000x128xf32>
    %add3A_85 = arith.addf %mul3A_83, %add3A_84 : vector<5000x128xf32>
    %sub3A_86 = vector.broadcast %div3A_52 : vector<1x128xf32> to vector<5000x128xf32>
    %sub3A_87 = arith.subf %add3A_45, %sub3A_86 : vector<5000x128xf32>
    %mul3A_88 = vector.broadcast %mul3A_72 : vector<1x128xf32> to vector<5000x128xf32>
    %mul3A_89 = arith.mulf %sub3A_87, %mul3A_88 : vector<5000x128xf32>
    %add3A_90 = vector.broadcast %get3A_75 : vector<1x128xf32> to vector<5000x128xf32>
    %add3A_91 = arith.addf %mul3A_89, %add3A_90 : vector<5000x128xf32>
    %ge3A = arith.constant 0.000000e+00 : f32
    %ge3A_92 = vector.broadcast %ge3A : f32 to vector<5000x128xf32>
    %ge3A_93 = arith.cmpf oge, %add3A_85, %ge3A_92 : vector<5000x128xf32>
    %mul3A_94 = vector.broadcast %get3A_79 : f32 to vector<5000x128xf32>
    %mul3A_95 = arith.mulf %mul3A_94, %add3A_85 : vector<5000x128xf32>
    %select_n3A = arith.select %ge3A_93, %add3A_85, %mul3A_95 : vector<5000x128xi1>, vector<5000x128xf32>
    %ge3A_96 = arith.constant 0.000000e+00 : f32
    %ge3A_97 = vector.broadcast %ge3A_96 : f32 to vector<5000x128xf32>
    %ge3A_98 = arith.cmpf oge, %add3A_91, %ge3A_97 : vector<5000x128xf32>
    %mul3A_99 = vector.broadcast %get3A_79 : f32 to vector<5000x128xf32>
    %mul3A_100 = arith.mulf %mul3A_99, %add3A_91 : vector<5000x128xf32>
    %select_n3A_101 = arith.select %ge3A_98, %add3A_91, %mul3A_100 : vector<5000x128xi1>, vector<5000x128xf32>
    %get3A_102 = arith.constant 0 : index
    %get3A_103 = arith.constant 0 : index
    %get3A_104 = vector.load %arg8[%get3A_102, %get3A_103] : memref<128x64xf32, #tpu.memory_space<vmem>>, vector<128x64xf32>
    %dot_general3A = arith.constant dense<0.000000e+00> : vector<5000x64xf32>
    %dot_general3A_105 = tpu.matmul %select_n3A, %get3A_104, %dot_general3A {dimension_numbers = #tpu.dot_dimension_numbers<[1], [0], [0], [1], [0, 0, 1, 1], [], []>, transpose_lhs_hint = false} : vector<5000x128xf32>, vector<128x64xf32>, vector<5000x64xf32> -> vector<5000x64xf32>
    %dot_general3A_106 = arith.constant dense<0.000000e+00> : vector<5000x64xf32>
    %dot_general3A_107 = tpu.matmul %select_n3A_101, %get3A_104, %dot_general3A_106 {dimension_numbers = #tpu.dot_dimension_numbers<[1], [0], [0], [1], [0, 0, 1, 1], [], []>, transpose_lhs_hint = false} : vector<5000x128xf32>, vector<128x64xf32>, vector<5000x64xf32> -> vector<5000x64xf32>
    %mul3A_108 = vector.broadcast %slice3A_30 : vector<5000x1xf32> to vector<5000x64xf32>
    %mul3A_109 = arith.mulf %mul3A_108, %dot_general3A_105 : vector<5000x64xf32>
    %mul3A_110 = vector.broadcast %slice3A_31 : vector<5000x1xf32> to vector<5000x64xf32>
    %mul3A_111 = arith.mulf %mul3A_110, %dot_general3A_107 : vector<5000x64xf32>
    %concatenate3A_112 = tpu.concatenate %mul3A_109, %mul3A_111 in 1 : vector<5000x64xf32>, vector<5000x64xf32> -> vector<5000x128xf32>
    %swap3A = arith.constant 0 : index
    %swap3A_113 = arith.constant 0 : index
    %swap3A_114 = vector.load %arg9[%swap3A, %swap3A_113] : memref<5120x128xf32, #tpu.memory_space<vmem>>, vector<5000x128xf32>
    tpu.vector_store %arg9[%swap3A, %swap3A_113], %concatenate3A_112 {strides = array<i32>} : memref<5120x128xf32, #tpu.memory_space<vmem>>, vector<5000x128xf32>,
    %broadcast_in_dim3A_115 = arith.constant 0.000000e+00 : f32
    %broadcast_in_dim3A_116 = vector.broadcast %broadcast_in_dim3A_115 : f32 to vector<120x128xf32>
    %swap3A_117 = arith.constant 5000 : index
    %swap3A_118 = arith.constant 0 : index
    %swap3A_119 = vector.load %arg9[%swap3A_117, %swap3A_118] : memref<5120x128xf32, #tpu.memory_space<vmem>>, vector<120x128xf32>
    tpu.vector_store %arg9[%swap3A_117, %swap3A_118], %broadcast_in_dim3A_116 {strides = array<i32>} : memref<5120x128xf32, #tpu.memory_space<vmem>>, vector<120x128xf32>,
    return
  }
}

module attributes {stable_mosaic.version = 14 : i64} {
  func.func @body(%arg0: memref<2x5120x128xf32, #tpu.memory_space<vmem>>, %arg1: memref<5120x128xf32, #tpu.memory_space<vmem>>, %arg2: memref<5120x2xf32, #tpu.memory_space<vmem>>, %arg3: memref<1x64xf32, #tpu.memory_space<vmem>>, %arg4: memref<1x64xf32, #tpu.memory_space<vmem>>, %arg5: memref<1x64xf32, #tpu.memory_space<vmem>>, %arg6: memref<1x1xf32, #tpu.memory_space<vmem>>, %arg7: memref<64x64xf32, #tpu.memory_space<vmem>>, %arg8: memref<5120x128xf32, #tpu.memory_space<vmem>>) attributes {dimension_semantics = [], scalar_prefetch = 0 : i64, scratch_operands = 0 : i64, tpu.core_type = #tpu.core_type<tc>} {
    %get3A = arith.constant 0 : index
    %get3A_0 = arith.constant 0 : index
    %get3A_1 = arith.constant 0 : index
    %get3A_2 = vector.load %arg0[%get3A, %get3A_0, %get3A_1] : memref<2x5120x128xf32, #tpu.memory_space<vmem>>, vector<1x5120x128xf32>
    %get3A_3 = vector.shape_cast %get3A_2 : vector<1x5120x128xf32> to vector<5120x128xf32>
    %get3A_4 = arith.constant 1 : index
    %get3A_5 = arith.constant 0 : index
    %get3A_6 = arith.constant 0 : index
    %get3A_7 = vector.load %arg0[%get3A_4, %get3A_5, %get3A_6] : memref<2x5120x128xf32, #tpu.memory_space<vmem>>, vector<1x5120x128xf32>
    %get3A_8 = vector.shape_cast %get3A_7 : vector<1x5120x128xf32> to vector<5120x128xf32>
    %add3A = arith.addf %get3A_3, %get3A_8 : vector<5120x128xf32>
    %slice3A = vector.extract_strided_slice %add3A {offsets = [0, 0], sizes = [5000, 64], strides = [1, 1]} : vector<5120x128xf32> to vector<5000x64xf32>
    %slice3A_9 = vector.extract_strided_slice %add3A {offsets = [0, 64], sizes = [5000, 64], strides = [1, 1]} : vector<5120x128xf32> to vector<5000x64xf32>
    %get3A_10 = arith.constant 0 : index
    %get3A_11 = arith.constant 0 : index
    %get3A_12 = vector.load %arg1[%get3A_10, %get3A_11] : memref<5120x128xf32, #tpu.memory_space<vmem>>, vector<5120x128xf32>
    %get3A_13 = arith.constant 0 : index
    %get3A_14 = arith.constant 0 : index
    %get3A_15 = vector.load %arg2[%get3A_13, %get3A_14] : memref<5120x2xf32, #tpu.memory_space<vmem>>, vector<5120x2xf32>
    %slice3A_16 = vector.extract_strided_slice %get3A_15 {offsets = [0, 0], sizes = [5000, 1], strides = [1, 1]} : vector<5120x2xf32> to vector<5000x1xf32>
    %slice3A_17 = vector.extract_strided_slice %get3A_15 {offsets = [0, 1], sizes = [5000, 1], strides = [1, 1]} : vector<5120x2xf32> to vector<5000x1xf32>
    %get3A_18 = arith.constant 0 : index
    %get3A_19 = arith.constant 0 : index
    %get3A_20 = vector.load %arg3[%get3A_18, %get3A_19] : memref<1x64xf32, #tpu.memory_space<vmem>>, vector<1x64xf32>
    %slice3A_21 = vector.extract_strided_slice %get3A_12 {offsets = [0, 0], sizes = [5000, 64], strides = [1, 1]} : vector<5120x128xf32> to vector<5000x64xf32>
    %add3A_22 = arith.addf %slice3A, %slice3A_21 : vector<5000x64xf32>
    %mul3A = vector.broadcast %slice3A_16 : vector<5000x1xf32> to vector<5000x64xf32>
    %mul3A_23 = arith.mulf %mul3A, %add3A_22 : vector<5000x64xf32>
    %add3A_24 = vector.broadcast %get3A_20 : vector<1x64xf32> to vector<5000x64xf32>
    %add3A_25 = arith.addf %mul3A_23, %add3A_24 : vector<5000x64xf32>
    %slice3A_26 = vector.extract_strided_slice %get3A_12 {offsets = [0, 64], sizes = [5000, 64], strides = [1, 1]} : vector<5120x128xf32> to vector<5000x64xf32>
    %add3A_27 = arith.addf %slice3A_9, %slice3A_26 : vector<5000x64xf32>
    %mul3A_28 = vector.broadcast %slice3A_17 : vector<5000x1xf32> to vector<5000x64xf32>
    %mul3A_29 = arith.mulf %mul3A_28, %add3A_27 : vector<5000x64xf32>
    %add3A_30 = vector.broadcast %get3A_20 : vector<1x64xf32> to vector<5000x64xf32>
    %add3A_31 = arith.addf %mul3A_29, %add3A_30 : vector<5000x64xf32>
    %reduce_sum3A = arith.constant dense<0.000000e+00> : vector<64xf32>
    %reduce_sum3A_32 = vector.multi_reduction <add>, %add3A_25, %reduce_sum3A [0] : vector<5000x64xf32> to vector<64xf32>
    %broadcast_in_dim3A = vector.shape_cast %reduce_sum3A_32 : vector<64xf32> to vector<1x64xf32>
    %reduce_sum3A_33 = arith.constant dense<0.000000e+00> : vector<64xf32>
    %reduce_sum3A_34 = vector.multi_reduction <add>, %add3A_31, %reduce_sum3A_33 [0] : vector<5000x64xf32> to vector<64xf32>
    %broadcast_in_dim3A_35 = vector.shape_cast %reduce_sum3A_34 : vector<64xf32> to vector<1x64xf32>
    %add3A_36 = arith.addf %broadcast_in_dim3A, %broadcast_in_dim3A_35 : vector<1x64xf32>
    %div3A = arith.constant 1.000000e+04 : f32
    %div3A_37 = vector.broadcast %div3A : f32 to vector<1x64xf32>
    %div3A_38 = arith.divf %add3A_36, %div3A_37 : vector<1x64xf32>
    %mul3A_39 = arith.mulf %add3A_25, %add3A_25 : vector<5000x64xf32>
    %reduce_sum3A_40 = arith.constant dense<0.000000e+00> : vector<64xf32>
    %reduce_sum3A_41 = vector.multi_reduction <add>, %mul3A_39, %reduce_sum3A_40 [0] : vector<5000x64xf32> to vector<64xf32>
    %broadcast_in_dim3A_42 = vector.shape_cast %reduce_sum3A_41 : vector<64xf32> to vector<1x64xf32>
    %mul3A_43 = arith.mulf %add3A_31, %add3A_31 : vector<5000x64xf32>
    %reduce_sum3A_44 = arith.constant dense<0.000000e+00> : vector<64xf32>
    %reduce_sum3A_45 = vector.multi_reduction <add>, %mul3A_43, %reduce_sum3A_44 [0] : vector<5000x64xf32> to vector<64xf32>
    %broadcast_in_dim3A_46 = vector.shape_cast %reduce_sum3A_45 : vector<64xf32> to vector<1x64xf32>
    %add3A_47 = arith.addf %broadcast_in_dim3A_42, %broadcast_in_dim3A_46 : vector<1x64xf32>
    %div3A_48 = arith.constant 1.000000e+04 : f32
    %div3A_49 = vector.broadcast %div3A_48 : f32 to vector<1x64xf32>
    %div3A_50 = arith.divf %add3A_47, %div3A_49 : vector<1x64xf32>
    %mul3A_51 = arith.mulf %div3A_38, %div3A_38 : vector<1x64xf32>
    %sub3A = arith.subf %div3A_50, %mul3A_51 : vector<1x64xf32>
    %add3A_52 = arith.constant 9.99999974E-6 : f32
    %add3A_53 = vector.broadcast %add3A_52 : f32 to vector<1x64xf32>
    %add3A_54 = arith.addf %sub3A, %add3A_53 : vector<1x64xf32>
    %rsqrt3A = math.rsqrt %add3A_54 : vector<1x64xf32>
    %get3A_55 = arith.constant 0 : index
    %get3A_56 = arith.constant 0 : index
    %get3A_57 = vector.load %arg4[%get3A_55, %get3A_56] : memref<1x64xf32, #tpu.memory_space<vmem>>, vector<1x64xf32>
    %mul3A_58 = arith.mulf %rsqrt3A, %get3A_57 : vector<1x64xf32>
    %get3A_59 = arith.constant 0 : index
    %get3A_60 = arith.constant 0 : index
    %get3A_61 = vector.load %arg5[%get3A_59, %get3A_60] : memref<1x64xf32, #tpu.memory_space<vmem>>, vector<1x64xf32>
    %get3A_62 = arith.constant 0 : index
    %get3A_63 = arith.constant 0 : index
    %get3A_64 = vector.load %arg6[%get3A_62, %get3A_63] : memref<1x1xf32, #tpu.memory_space<vmem>>, vector<1x1xf32>
    %get3A_65 = vector.extract %get3A_64[0, 0] : f32 from vector<1x1xf32>
    %sub3A_66 = vector.broadcast %div3A_38 : vector<1x64xf32> to vector<5000x64xf32>
    %sub3A_67 = arith.subf %add3A_25, %sub3A_66 : vector<5000x64xf32>
    %mul3A_68 = vector.broadcast %mul3A_58 : vector<1x64xf32> to vector<5000x64xf32>
    %mul3A_69 = arith.mulf %sub3A_67, %mul3A_68 : vector<5000x64xf32>
    %add3A_70 = vector.broadcast %get3A_61 : vector<1x64xf32> to vector<5000x64xf32>
    %add3A_71 = arith.addf %mul3A_69, %add3A_70 : vector<5000x64xf32>
    %sub3A_72 = vector.broadcast %div3A_38 : vector<1x64xf32> to vector<5000x64xf32>
    %sub3A_73 = arith.subf %add3A_31, %sub3A_72 : vector<5000x64xf32>
    %mul3A_74 = vector.broadcast %mul3A_58 : vector<1x64xf32> to vector<5000x64xf32>
    %mul3A_75 = arith.mulf %sub3A_73, %mul3A_74 : vector<5000x64xf32>
    %add3A_76 = vector.broadcast %get3A_61 : vector<1x64xf32> to vector<5000x64xf32>
    %add3A_77 = arith.addf %mul3A_75, %add3A_76 : vector<5000x64xf32>
    %ge3A = arith.constant 0.000000e+00 : f32
    %ge3A_78 = vector.broadcast %ge3A : f32 to vector<5000x64xf32>
    %ge3A_79 = arith.cmpf oge, %add3A_71, %ge3A_78 : vector<5000x64xf32>
    %mul3A_80 = vector.broadcast %get3A_65 : f32 to vector<5000x64xf32>
    %mul3A_81 = arith.mulf %mul3A_80, %add3A_71 : vector<5000x64xf32>
    %select_n3A = arith.select %ge3A_79, %add3A_71, %mul3A_81 : vector<5000x64xi1>, vector<5000x64xf32>
    %ge3A_82 = arith.constant 0.000000e+00 : f32
    %ge3A_83 = vector.broadcast %ge3A_82 : f32 to vector<5000x64xf32>
    %ge3A_84 = arith.cmpf oge, %add3A_77, %ge3A_83 : vector<5000x64xf32>
    %mul3A_85 = vector.broadcast %get3A_65 : f32 to vector<5000x64xf32>
    %mul3A_86 = arith.mulf %mul3A_85, %add3A_77 : vector<5000x64xf32>
    %select_n3A_87 = arith.select %ge3A_84, %add3A_77, %mul3A_86 : vector<5000x64xi1>, vector<5000x64xf32>
    %get3A_88 = arith.constant 0 : index
    %get3A_89 = arith.constant 0 : index
    %get3A_90 = vector.load %arg7[%get3A_88, %get3A_89] : memref<64x64xf32, #tpu.memory_space<vmem>>, vector<64x64xf32>
    %dot_general3A = arith.constant dense<0.000000e+00> : vector<5000x64xf32>
    %dot_general3A_91 = tpu.matmul %select_n3A, %get3A_90, %dot_general3A {dimension_numbers = #tpu.dot_dimension_numbers<[1], [0], [0], [1], [0, 0, 1, 1], [], []>, transpose_lhs_hint = false} : vector<5000x64xf32>, vector<64x64xf32>, vector<5000x64xf32> -> vector<5000x64xf32>
    %dot_general3A_92 = arith.constant dense<0.000000e+00> : vector<5000x64xf32>
    %dot_general3A_93 = tpu.matmul %select_n3A_87, %get3A_90, %dot_general3A_92 {dimension_numbers = #tpu.dot_dimension_numbers<[1], [0], [0], [1], [0, 0, 1, 1], [], []>, transpose_lhs_hint = false} : vector<5000x64xf32>, vector<64x64xf32>, vector<5000x64xf32> -> vector<5000x64xf32>
    %mul3A_94 = vector.broadcast %slice3A_16 : vector<5000x1xf32> to vector<5000x64xf32>
    %mul3A_95 = arith.mulf %mul3A_94, %dot_general3A_91 : vector<5000x64xf32>
    %mul3A_96 = vector.broadcast %slice3A_17 : vector<5000x1xf32> to vector<5000x64xf32>
    %mul3A_97 = arith.mulf %mul3A_96, %dot_general3A_93 : vector<5000x64xf32>
    %concatenate3A = tpu.concatenate %mul3A_95, %mul3A_97 in 1 : vector<5000x64xf32>, vector<5000x64xf32> -> vector<5000x128xf32>
    %swap3A = arith.constant 0 : index
    %swap3A_98 = arith.constant 0 : index
    %swap3A_99 = vector.load %arg8[%swap3A, %swap3A_98] : memref<5120x128xf32, #tpu.memory_space<vmem>>, vector<5000x128xf32>
    tpu.vector_store %arg8[%swap3A, %swap3A_98], %concatenate3A {strides = array<i32>} : memref<5120x128xf32, #tpu.memory_space<vmem>>, vector<5000x128xf32>,
    %broadcast_in_dim3A_100 = arith.constant 0.000000e+00 : f32
    %broadcast_in_dim3A_101 = vector.broadcast %broadcast_in_dim3A_100 : f32 to vector<120x128xf32>
    %swap3A_102 = arith.constant 5000 : index
    %swap3A_103 = arith.constant 0 : index
    %swap3A_104 = vector.load %arg8[%swap3A_102, %swap3A_103] : memref<5120x128xf32, #tpu.memory_space<vmem>>, vector<120x128xf32>
    tpu.vector_store %arg8[%swap3A_102, %swap3A_103], %broadcast_in_dim3A_101 {strides = array<i32>} : memref<5120x128xf32, #tpu.memory_space<vmem>>, vector<120x128xf32>,
    return
  }
}

module attributes {stable_mosaic.version = 14 : i64} {
  func.func @body(%arg0: memref<2x5120x128xf32, #tpu.memory_space<vmem>>, %arg1: memref<5120x128xf32, #tpu.memory_space<vmem>>, %arg2: memref<5120x2xf32, #tpu.memory_space<vmem>>, %arg3: memref<1x64xf32, #tpu.memory_space<vmem>>, %arg4: memref<5000x80xf32, #tpu.memory_space<vmem>>) attributes {dimension_semantics = [], scalar_prefetch = 0 : i64, scratch_operands = 0 : i64, tpu.core_type = #tpu.core_type<tc>} {
    %get3A = arith.constant 0 : index
    %get3A_0 = arith.constant 0 : index
    %get3A_1 = arith.constant 0 : index
    %get3A_2 = vector.load %arg0[%get3A, %get3A_0, %get3A_1] : memref<2x5120x128xf32, #tpu.memory_space<vmem>>, vector<1x5120x128xf32>
    %get3A_3 = vector.shape_cast %get3A_2 : vector<1x5120x128xf32> to vector<5120x128xf32>
    %get3A_4 = arith.constant 1 : index
    %get3A_5 = arith.constant 0 : index
    %get3A_6 = arith.constant 0 : index
    %get3A_7 = vector.load %arg0[%get3A_4, %get3A_5, %get3A_6] : memref<2x5120x128xf32, #tpu.memory_space<vmem>>, vector<1x5120x128xf32>
    %get3A_8 = vector.shape_cast %get3A_7 : vector<1x5120x128xf32> to vector<5120x128xf32>
    %add3A = arith.addf %get3A_3, %get3A_8 : vector<5120x128xf32>
    %get3A_9 = arith.constant 0 : index
    %get3A_10 = arith.constant 0 : index
    %get3A_11 = vector.load %arg1[%get3A_9, %get3A_10] : memref<5120x128xf32, #tpu.memory_space<vmem>>, vector<5120x128xf32>
    %get3A_12 = arith.constant 0 : index
    %get3A_13 = arith.constant 0 : index
    %get3A_14 = vector.load %arg2[%get3A_12, %get3A_13] : memref<5120x2xf32, #tpu.memory_space<vmem>>, vector<5120x2xf32>
    %get3A_15 = arith.constant 0 : index
    %get3A_16 = arith.constant 0 : index
    %get3A_17 = vector.load %arg3[%get3A_15, %get3A_16] : memref<1x64xf32, #tpu.memory_space<vmem>>, vector<1x64xf32>
    %slice3A = vector.extract_strided_slice %get3A_14 {offsets = [0, 0], sizes = [5000, 1], strides = [1, 1]} : vector<5120x2xf32> to vector<5000x1xf32>
    %slice3A_18 = vector.extract_strided_slice %add3A {offsets = [0, 0], sizes = [5000, 64], strides = [1, 1]} : vector<5120x128xf32> to vector<5000x64xf32>
    %slice3A_19 = vector.extract_strided_slice %get3A_11 {offsets = [0, 0], sizes = [5000, 64], strides = [1, 1]} : vector<5120x128xf32> to vector<5000x64xf32>
    %add3A_20 = arith.addf %slice3A_18, %slice3A_19 : vector<5000x64xf32>
    %mul3A = vector.broadcast %slice3A : vector<5000x1xf32> to vector<5000x64xf32>
    %mul3A_21 = arith.mulf %mul3A, %add3A_20 : vector<5000x64xf32>
    %add3A_22 = vector.broadcast %get3A_17 : vector<1x64xf32> to vector<5000x64xf32>
    %add3A_23 = arith.addf %mul3A_21, %add3A_22 : vector<5000x64xf32>
    %slice3A_24 = vector.extract_strided_slice %get3A_14 {offsets = [0, 1], sizes = [5000, 1], strides = [1, 1]} : vector<5120x2xf32> to vector<5000x1xf32>
    %slice3A_25 = vector.extract_strided_slice %add3A {offsets = [0, 64], sizes = [5000, 64], strides = [1, 1]} : vector<5120x128xf32> to vector<5000x64xf32>
    %slice3A_26 = vector.extract_strided_slice %get3A_11 {offsets = [0, 64], sizes = [5000, 64], strides = [1, 1]} : vector<5120x128xf32> to vector<5000x64xf32>
    %add3A_27 = arith.addf %slice3A_25, %slice3A_26 : vector<5000x64xf32>
    %mul3A_28 = vector.broadcast %slice3A_24 : vector<5000x1xf32> to vector<5000x64xf32>
    %mul3A_29 = arith.mulf %mul3A_28, %add3A_27 : vector<5000x64xf32>
    %add3A_30 = vector.broadcast %get3A_17 : vector<1x64xf32> to vector<5000x64xf32>
    %add3A_31 = arith.addf %mul3A_29, %add3A_30 : vector<5000x64xf32>
    %slice3A_32 = vector.extract_strided_slice %add3A_23 {offsets = [0, 0], sizes = [5000, 40], strides = [1, 1]} : vector<5000x64xf32> to vector<5000x40xf32>
    %slice3A_33 = vector.extract_strided_slice %add3A_31 {offsets = [0, 0], sizes = [5000, 40], strides = [1, 1]} : vector<5000x64xf32> to vector<5000x40xf32>
    %reduce_max3A = arith.constant dense<0xFF800000> : vector<5000xf32>
    %reduce_max3A_34 = vector.multi_reduction <maximumf>, %slice3A_32, %reduce_max3A [1] : vector<5000x40xf32> to vector<5000xf32>
    %broadcast_in_dim3A = vector.shape_cast %reduce_max3A_34 : vector<5000xf32> to vector<5000x1xf32>
    %reduce_max3A_35 = arith.constant dense<0xFF800000> : vector<5000xf32>
    %reduce_max3A_36 = vector.multi_reduction <maximumf>, %slice3A_33, %reduce_max3A_35 [1] : vector<5000x40xf32> to vector<5000xf32>
    %broadcast_in_dim3A_37 = vector.shape_cast %reduce_max3A_36 : vector<5000xf32> to vector<5000x1xf32>
    %sub3A = vector.broadcast %broadcast_in_dim3A : vector<5000x1xf32> to vector<5000x40xf32>
    %sub3A_38 = arith.subf %slice3A_32, %sub3A : vector<5000x40xf32>
    %exp3A = math.exp %sub3A_38 : vector<5000x40xf32>
    %reduce_sum3A = arith.constant dense<0.000000e+00> : vector<5000xf32>
    %reduce_sum3A_39 = vector.multi_reduction <add>, %exp3A, %reduce_sum3A [1] : vector<5000x40xf32> to vector<5000xf32>
    %broadcast_in_dim3A_40 = vector.shape_cast %reduce_sum3A_39 : vector<5000xf32> to vector<5000x1xf32>
    %log3A = math.log %broadcast_in_dim3A_40 : vector<5000x1xf32>
    %sub3A_41 = vector.broadcast %broadcast_in_dim3A_37 : vector<5000x1xf32> to vector<5000x40xf32>
    %sub3A_42 = arith.subf %slice3A_33, %sub3A_41 : vector<5000x40xf32>
    %exp3A_43 = math.exp %sub3A_42 : vector<5000x40xf32>
    %reduce_sum3A_44 = arith.constant dense<0.000000e+00> : vector<5000xf32>
    %reduce_sum3A_45 = vector.multi_reduction <add>, %exp3A_43, %reduce_sum3A_44 [1] : vector<5000x40xf32> to vector<5000xf32>
    %broadcast_in_dim3A_46 = vector.shape_cast %reduce_sum3A_45 : vector<5000xf32> to vector<5000x1xf32>
    %log3A_47 = math.log %broadcast_in_dim3A_46 : vector<5000x1xf32>
    %sub3A_48 = vector.broadcast %broadcast_in_dim3A : vector<5000x1xf32> to vector<5000x40xf32>
    %sub3A_49 = arith.subf %slice3A_32, %sub3A_48 : vector<5000x40xf32>
    %sub3A_50 = vector.broadcast %log3A : vector<5000x1xf32> to vector<5000x40xf32>
    %sub3A_51 = arith.subf %sub3A_49, %sub3A_50 : vector<5000x40xf32>
    %sub3A_52 = vector.broadcast %broadcast_in_dim3A_37 : vector<5000x1xf32> to vector<5000x40xf32>
    %sub3A_53 = arith.subf %slice3A_33, %sub3A_52 : vector<5000x40xf32>
    %sub3A_54 = vector.broadcast %log3A_47 : vector<5000x1xf32> to vector<5000x40xf32>
    %sub3A_55 = arith.subf %sub3A_53, %sub3A_54 : vector<5000x40xf32>
    %concatenate3A = tpu.concatenate %sub3A_51, %sub3A_55 in 1 : vector<5000x40xf32>, vector<5000x40xf32> -> vector<5000x80xf32>
    %swap3A = arith.constant 0 : index
    %swap3A_56 = arith.constant 0 : index
    %swap3A_57 = vector.load %arg4[%swap3A, %swap3A_56] : memref<5000x80xf32, #tpu.memory_space<vmem>>, vector<5000x80xf32>
    tpu.vector_store %arg4[%swap3A, %swap3A_56], %concatenate3A {strides = array<i32>} : memref<5000x80xf32, #tpu.memory_space<vmem>>, vector<5000x80xf32>,
    return
  }
}

</mosaic_0001>

<sc_bundles>
// kernel: kernel.14.cloned.1.call-start
scs
__scs_entry_jumppad:
0x0: {  	(pc) =	sbr.rel $0x88, $3  }
0x1: {  	(tag) =	ssettag $0x0;
	lr =	simm.s32 $0x1  }
0x2: {  	[smem:$0x3F90] =	sst lr;
	_ =	strace $0xD0000000  }
0x3: {  	_ = 	snop  }
0x4: {  	_ = 	snop  }
0x5: {  	_ = 	snop  }
0x6: {  	_ = 	snop  }
0x7: {  	_ = 	snop  }
__scs_overlays_trampoline_lowered:
0x8: {  	[smem:$0x3F9F] =	sst s0  }
0x9: {  	[smem:$0x3FA0] =	sst s1  }
0xa: {  	[smem:$0x3FA1] =	sst s2  }
0xb: {  	[smem:$0x3FA2] =	sst s3  }
0xc: {  	[smem:$0x3FA3] =	sst s4  }
0xd: {  	[smem:$0x3FA4] =	sst s5  }
0xe: {  	[smem:$0x3FA5] =	sst s6  }
0xf: {  	[smem:$0x3FA6] =	sst s7  }
0x10: {  	[smem:$0x3FA7] =	sst s8  }
0x11: {  	[smem:$0x3FA8] =	sst s9;
	s0 =	simm.s32 @!p0 $0x0  }
0x12: {  	s1 =	sld [smem:$0x3F8E];
	s0 =	simm.s32 @p0 $0x1  }
0x13: {  	[smem:$0x3FA9] =	sst s0;
	s0 =	simm.s32 @!p1 $0x0  }
0x14: {  	s2 =	sld [smem:$0x3F8D];
	s0 =	simm.s32 @p1 $0x1  }
0x15: {  	[smem:$0x3FAA] =	sst s0;
	s0 =	simm.s32 @!p2 $0x0  }
0x16: {  	s3 =	sld [smem:$0x3FDB];
	s0 =	simm.s32 @p2 $0x1  }
0x17: {  	s4 =	simm.s32 $0x1BF5;
	[smem:$0x3FAC] =	sst s0  }
0x18: {  	s0 =	sld [smem:$0x3F8F];
	_ =	swait.ge [sflag:s4], $0x0  }
0x19: {  	s7 =	sld [smem:$0x3F90]  }
0x1a: {  	s8 =	sadd.s32 $0xFFFFE003, lr  }
0x1b: {  	s9 =	sadd.s32 $0xFFFFFEF7, lr;
	s5 =	simm.s32 $0xFFFFFFFF;
	p2 =	slt.u32 s8, $0xFFFFF086  }
0x1c: {  	p1 =	slt.u32 s9, $0xF7A;
	s5 =	simm.s32 @!p2 $0x0  }
0x1d: {  	s5 =	simm.s32 @p1 $0x1;
	p0 =	seq.s32 s7, s2  }
0x1e: {  	s7 =	smul.u32 @!p0 $0xF7A, s2;
	p2 =	seq.s32 @!p0 s5, $0x0  }
0x1f: {  	s9 =	smul.u32 $0xF7A, s1;
	s8 =	simm.s32 @!p0 $0x1BF5;
	p2 =	por !p2, p0  }
0x20: {  	[sflag:s8] =	ssyncset.s32 @!p0 $0xFFFFF086;
	s6 =	sadd.s32 @!p0 s3, s7;
	s7 =	simm.s32 @!p0 $0x108  }
0x21: {  	s3 =	sadd.s32 s3, s9;
	s6 =	sadd.s32 @!p0 $0x88, s6;
	s7 =	simm.s32 @p2 $0x1082  }
0x22: {  	[simem:s7], [sflag:s8] =	dma.local @!p0 [hbm:s6], $0xF7A  }
0x23: {  	s9 =	sor.u32 $0xD0000000, s2;
	s6 =	simm.s32 $0x108;
	_ =	swait.ge @!p0 [sflag:s8], $0x0  }
0x24: {  	s3 =	sadd.s32 $0x88, s3;
	s6 =	simm.s32 @!p1 $0x1082;
	[sflag:s4] =	ssyncset.s32 $0xFFFFF086  }
0x25: {  	[simem:s6], [sflag:s4] =	dma.local [hbm:s3], $0xF7A  }
0x26: {  	[smem:$0x3F90] =	sst s1;
	(tag) =	ssettag s2;
	_ =	strace s9  }
0x27: {  	s1 =	sld [smem:$0x3FA0]  }
0x28: {  	s2 =	sld [smem:$0x3FA1]  }
0x29: {  	s4 =	sld [smem:$0x3FA3]  }
0x2a: {  	p0 =	seq.s32 s5, $0x0;
	s5 =	sld [smem:$0x3FA4]  }
0x2b: {  	s6 =	sld [smem:$0x3FA5]  }
0x2c: {  	s7 =	sld [smem:$0x3FA6]  }
0x2d: {  	s3 =	simm.s32 $0x108;
	s8 =	sld [smem:$0x3FA7]  }
0x2e: {  	s3 =	simm.s32 @!p0 $0x1082;
	s9 =	sld [smem:$0x3FA8]  }
0x2f: {  	lr =	sadd.s32 s0, s3;
	s0 =	sld [smem:$0x3F9F]  }
0x30: {  	s3 =	sld [smem:$0x3FA2]  }
0x31: {  	[smem:$0x3FAB] =	sst s10  }
0x32: {  	s10 =	sld [smem:$0x3FA9];
	_ =	sdelay $0x3  }
0x33: {  	p0 =	seq.s32 s10, $0x1;
	s10 =	sld [smem:$0x3FAB];
	_ =	sdelay $0x3  }
0x34: {  	[smem:$0x3FAB] =	sst s10  }
0x35: {  	s10 =	sld [smem:$0x3FAA];
	_ =	sdelay $0x3  }
0x36: {  	p1 =	seq.s32 s10, $0x1;
	s10 =	sld [smem:$0x3FAB];
	_ =	sdelay $0x3  }
0x37: {  	[smem:$0x3FAB] =	sst s10  }
0x38: {  	s10 =	sld [smem:$0x3FAC]  }
0x39: {  	_ = 	snop;
	(pc) =	sbr.ind lr, $3  }
0x3a: {  	_ = 	snop  }
0x3b: {  	_ = 	snop  }
0x3c: {  	p2 =	seq.s32 s10, $0x1;
	s10 =	sld [smem:$0x3FAB]  }
0x3d: {  	_ =	shalt  }
0x3e: {  	_ =	shalt  }
0x3f: {  	_ =	shalt  }
0x40: {  	_ =	shalt  }
0x41: {  	_ =	shalt  }
0x42: {  	_ =	shalt  }
0x43: {  	_ =	shalt  }
0x44: {  	_ =	shalt  }
0x45: {  	_ =	shalt  }
0x46: {  	_ =	shalt  }
0x47: {  	_ =	shalt  }
0x48: {  	_ =	shalt  }
0x49: {  	_ =	shalt  }
0x4a: {  	_ =	shalt  }
0x4b: {  	_ =	shalt  }
0x4c: {  	_ =	shalt  }
0x4d: {  	_ =	shalt  }
0x4e: {  	_ =	shalt  }
0x4f: {  	_ =	shalt  }
0x50: {  	_ =	shalt  }
0x51: {  	_ =	shalt  }
0x52: {  	_ =	shalt  }
0x53: {  	_ =	shalt  }
0x54: {  	_ =	shalt  }
0x55: {  	_ =	shalt  }
0x56: {  	_ =	shalt  }
0x57: {  	_ =	shalt  }
0x58: {  	_ =	shalt  }
0x59: {  	_ =	shalt  }
0x5a: {  	_ =	shalt  }
0x5b: {  	_ =	shalt  }
0x5c: {  	_ =	shalt  }
0x5d: {  	_ =	shalt  }
0x5e: {  	_ =	shalt  }
0x5f: {  	_ =	shalt  }
0x60: {  	_ =	shalt  }
0x61: {  	_ =	shalt  }
0x62: {  	_ =	shalt  }
0x63: {  	_ =	shalt  }
0x64: {  	_ =	shalt  }
0x65: {  	_ =	shalt  }
0x66: {  	_ =	shalt  }
0x67: {  	_ =	shalt  }
0x68: {  	_ =	shalt  }
0x69: {  	_ =	shalt  }
0x6a: {  	_ =	shalt  }
0x6b: {  	_ =	shalt  }
0x6c: {  	_ =	shalt  }
0x6d: {  	_ =	shalt  }
0x6e: {  	_ =	shalt  }
0x6f: {  	_ =	shalt  }
0x70: {  	_ =	shalt  }
0x71: {  	_ =	shalt  }
0x72: {  	_ =	shalt  }
0x73: {  	_ =	shalt  }
0x74: {  	_ =	shalt  }
0x75: {  	_ =	shalt  }
0x76: {  	_ =	shalt  }
0x77: {  	_ =	shalt  }
0x78: {  	_ =	shalt  }
0x79: {  	_ =	shalt  }
0x7a: {  	_ =	shalt  }
0x7b: {  	_ =	shalt  }
0x7c: {  	_ =	shalt  }
0x7d: {  	_ =	shalt  }
0x7e: {  	_ =	shalt  }
0x7f: {  	_ =	shalt  }
0x80: {  	_ =	shalt  }
0x81: {  	_ =	shalt  }
0x82: {  	_ =	shalt  }
0x83: {  	_ =	shalt  }
0x84: {  	_ =	shalt  }
0x85: {  	_ =	shalt  }
0x86: {  	_ =	shalt  }
0x87: {  	_ =	shalt  }
.Lfunc_end0:
.L_simem_size_0:
called_computation_lowered:
.L_overlay_start_0:
0x88: {  	s2 =	sld [smem:$0x3FD9]  }
0x89: {  	s3 =	sld [smem:$0x3FFE];
	_ =	sdelay $0x1  }
0x8a: {  	s1 =	srdreg.scid  }
0x8b: {  	s0 =	sand.u32 $0x1, s1  }
0x8c: {  	s16 =	sshll.u32 s0, $0xA;
	s2 =	sadd.s32 s3, s2  }
0x8d: {  	s2 =	sadd.s32 s2, s16  }
0x8e: {  	[smem:$0x3FB7] =	sst s2  }
0x8f: {  	_ = 	snop  }
0x90: {  	(tm) =	ssettm $0x1  }
0x91: {  	s17 =	sld [smem:$0x3FFB];
	_ =	sdelay $0x3  }
0x92: {  	_ =	strace s17  }
0x93: {  	s2 =	sld [smem:$0x3FFC];
	_ =	sdelay $0x3  }
0x94: {  	_ =	strace s2  }
0x95: {  	s2 =	sld [smem:$0x3FFD];
	_ =	sdelay $0x3  }
0x96: {  	_ =	strace s2  }
0x97: {  	_ =	strace $0x8FFFFFFF  }
0x98: {  	s18 =	sld [smem:$0x3FDB];
	_ =	sdelay $0x1  }
0x99: {  	s19 =	simm.s32 $_scs_section_size  }
0x9a: {  	s4 =	simm.s32 $_size__tile_overlayer_lowered;
	s5 =	simm.s32 $_tile_overlayer_lowered  }
0x9b: {  	s22 =	simm.s32 $0x1BFF;
	s21 =	sshll.u32 s5, $0x1;
	s2 =	sadd.s32 s19, s18  }
0x9c: {  	s6 =	simm.s32 $0x0;
	s20 =	sshll.u32 s4, $0x1;
	s4 =	sadd.s32 s21, s2  }
0x9d: {  	[timem:s6], [sflag:s22] =	dma.local [hbm:s4], s20  }
0x9e: {  	_ =	swait.ge [sflag:s22], s20  }
0x9f: {  	s3 =	ssub.s32 $0x0, s20;
	[sflag:s22] =	ssyncset.done $0x0  }
0xa0: {  	[sflag:s22] =	ssyncadd.s32 s3;
	_ =	sdelay $0x1  }
0xa1: {  	s23 =	simm.s32 $0x1B8B  }
0xa2: {  	_ =	swait.ge [sflag:s23], $0x1  }
0xa3: {  	[sflag:s23] =	ssyncset.done $0x0  }
0xa4: {  	s25 =	simm.s32 $0x1B8E;
	s24 =	sld [smem:$0x3FFE];
	[sflag:s23] =	ssyncadd.s32 $0xFFFFFFFF  }
0xa5: {  	s26 =	simm.s32 $execute0_lowered;
	[smem:$0x3FD2] =	sst s25  }
0xa6: {  	s4 =	sshll.u32 s26, $0x1;
	_ =	strace $0x80000046;
	[dreg:$0x1] =	wrdreg $0xFFFFFFFF  }
0xa7: {  	s28 =	simm.s32 $_size_execute0_lowered;
	s2 =	sadd.s32 s2, s4;
	[dreg:$0x0] =	wrdreg $0x0  }
0xa8: {  	s4 =	sshll.u32 s28, $0x1;
	[dreg:$0x2] =	wrdreg s2  }
0xa9: {  	[dreg:$0x3] =	wrdreg s4  }
0xaa: {  	[dreg:$0x4] =	wrdreg $0xC0  }
0xab: {  	_ =	task [dreg:s6], $0x5FFFF  }
0xac: {  	[dreg:$0x1] =	wrdreg $0xFFFFFFFF  }
0xad: {  	[dreg:$0x0] =	wrdreg $0x60  }
0xae: {  	[dreg:$0x2] =	wrdreg s24  }
0xaf: {  	[dreg:$0x3] =	wrdreg $0x2C800  }
0xb0: {  	[dreg:$0x4] =	wrdreg $0x9  }
0xb1: {  	_ =	task.clear_ibuf [dreg:s6], $0x5FFFF;
	_ =	strace $0x90000046  }
0xb2: {  	s29 =	simm.s32 $0x9;
	_ =	strace $0x80000048  }
0xb3: {  	_ =	swait.ge [sflag:s29], $0x1  }
0xb4: {  	[sflag:s29] =	ssyncadd.s32 $0xFFFFFFFF  }
0xb5: {  	_ =	strace $0x90000048  }
0xb6: {  	_ =	sfence  }
0xb7: {  	s30 =	sld [smem:$0x0];
	_ =	sdelay $0x2  }
0xb8: {  	s31 =	sshll.u32 s1, $0xD;
	s1 =	sshrl.u32 s1, $0x2  }
0xb9: {  	s3 =	sand.u32 $0x4000, s31;
	s1 =	sadd.s32 s1, s30  }
0xba: {  	s0 =	sor.u32 s3, s0;
	s1 =	sshll.u32 s1, $0x11  }
0xbb: {  	s0 =	sor.u32 s1, s0  }
0xbc: {  	s0 =	sadd.s32 $0x8F2B, s0  }
0xbd: {  	[sflag:s0] =	ssyncadd.remote.s32 $0x1  }
0xbe: {  	_ =	sfence.sel $0xFFFF  }
0xbf: {  	[dreg:$0x0] =	wrdreg $0xFFFFFFFF;
	(pc) =	sbr.abs _section_cstart, $3  }
0xc0: {  	[dreg:$0x1] =	wrdreg $0xFFFFFFFF  }
0xc1: {  	_ =	task.clear_ibuf [dreg:s6], $0x2FFFF;
	_ =	strace $0x9FFFFFFF  }
0xc2: {  	(tm) =	ssettm $0x7FFFFFFF  }
0xc3: {  	_ =	shalt  }
tec
execute0_lowered:
.L_overlay_start_1:
0x0: {  	(tag) =	ssettag $0x1  }
0x1: {  	s4 =	rddreg [dreg:$0x0];
	s2 =	simm.s32 $0x0  }
0x2: {  	v0 =	vimm.f32 $1.000000000e+00;
	[smem:$0x7FF] =	sst s2  }
0x3: {  	s1 =	rddreg [dreg:$0x1];
	_ =	strace $0x80000047;
	[tilespmem:$0x2820] =	vst v0  }
0x4: {  	[tilespmem:$0x2830] =	vst v0  }
0x5: {  	[tilespmem:$0x2840] =	vst v0  }
0x6: {  	[tilespmem:$0x2850] =	vst v0  }
0x7: {  	[tilespmem:$0x2860] =	vst v0  }
0x8: {  	[tilespmem:$0x2870] =	vst v0  }
0x9: {  	[tilespmem:$0x2880] =	vst v0  }
0xa: {  	[tilespmem:$0x2890] =	vst v0  }
0xb: {  	[tilespmem:$0x28A0] =	vst v0  }
0xc: {  	[tilespmem:$0x28B0] =	vst v0  }
0xd: {  	[tilespmem:$0x28C0] =	vst v0  }
0xe: {  	[tilespmem:$0x28D0] =	vst v0  }
0xf: {  	[tilespmem:$0x28E0] =	vst v0  }
0x10: {  	[tilespmem:$0x28F0] =	vst v0  }
0x11: {  	[tilespmem:$0x2900] =	vst v0  }
0x12: {  	[tilespmem:$0x2910] =	vst v0  }
0x13: {  	[tilespmem:$0x2920] =	vst v0  }
0x14: {  	[tilespmem:$0x2930] =	vst v0  }
0x15: {  	[tilespmem:$0x2940] =	vst v0  }
0x16: {  	[tilespmem:$0x2950] =	vst v0  }
0x17: {  	[tilespmem:$0x2960] =	vst v0  }
0x18: {  	[tilespmem:$0x2970] =	vst v0  }
0x19: {  	[tilespmem:$0x2980] =	vst v0  }
0x1a: {  	[tilespmem:$0x2990] =	vst v0  }
0x1b: {  	[tilespmem:$0x29A0] =	vst v0  }
0x1c: {  	[tilespmem:$0x29B0] =	vst v0  }
0x1d: {  	[tilespmem:$0x29C0] =	vst v0  }
0x1e: {  	[tilespmem:$0x29D0] =	vst v0  }
0x1f: {  	[tilespmem:$0x29E0] =	vst v0  }
0x20: {  	v1 =	vimm.f32 $0.0e+00;
	[tilespmem:$0x29F0] =	vst v0  }
0x21: {  	[tilespmem:$0x2A00] =	vst v1  }
0x22: {  	[tilespmem:$0x2A10] =	vst v1  }
0x23: {  	[tilespmem:$0x2A20] =	vst v1  }
0x24: {  	[tilespmem:$0x2A30] =	vst v1  }
0x25: {  	[tilespmem:$0x2800] =	vst v0  }
0x26: {  	[tilespmem:$0x2C70] =	vst v1  }
0x27: {  	[tilespmem:$0x2C60] =	vst v1  }
0x28: {  	[tilespmem:$0x2C50] =	vst v1  }
0x29: {  	[tilespmem:$0x2C40] =	vst v1  }
0x2a: {  	[tilespmem:$0x2C30] =	vst v1  }
0x2b: {  	[tilespmem:$0x2C20] =	vst v1  }
0x2c: {  	[tilespmem:$0x2C10] =	vst v1  }
0x2d: {  	[tilespmem:$0x2C00] =	vst v1  }
0x2e: {  	[tilespmem:$0x2BF0] =	vst v1  }
0x2f: {  	[tilespmem:$0x2BE0] =	vst v1  }
0x30: {  	[tilespmem:$0x2BD0] =	vst v1  }
0x31: {  	[tilespmem:$0x2BC0] =	vst v1  }
0x32: {  	[tilespmem:$0x2BB0] =	vst v1  }
0x33: {  	[tilespmem:$0x2BA0] =	vst v1  }
0x34: {  	[tilespmem:$0x2B90] =	vst v1  }
0x35: {  	[tilespmem:$0x2B80] =	vst v1  }
0x36: {  	[tilespmem:$0x2B70] =	vst v1  }
0x37: {  	[tilespmem:$0x2B60] =	vst v1  }
0x38: {  	[tilespmem:$0x2B50] =	vst v1  }
0x39: {  	[tilespmem:$0x2B40] =	vst v1  }
0x3a: {  	[tilespmem:$0x2B30] =	vst v1  }
0x3b: {  	[tilespmem:$0x2B20] =	vst v1  }
0x3c: {  	[tilespmem:$0x2B10] =	vst v1  }
0x3d: {  	[tilespmem:$0x2B00] =	vst v1  }
0x3e: {  	[tilespmem:$0x2AF0] =	vst v1  }
0x3f: {  	[tilespmem:$0x2AE0] =	vst v1  }
0x40: {  	[tilespmem:$0x2AD0] =	vst v1  }
0x41: {  	[tilespmem:$0x2AC0] =	vst v1  }
0x42: {  	[tilespmem:$0x2AB0] =	vst v1  }
0x43: {  	s5 =	srdreg.scid;
	s3 =	stileid.u32;
	[tilespmem:$0x2AA0] =	vst v1  }
0x44: {  	s28 =	sand.u32 $0x1, s5;
	s6 =	smul.u32 $0x280, s3;
	[tilespmem:$0x2A90] =	vst v1  }
0x45: {  	s5 =	sshll.u32 s28, $0x4;
	s7 =	smul.u32 $0x2800, s28;
	[tilespmem:$0x2A80] =	vst v1  }
0x46: {  	[tilespmem:$0x2A70] =	vst v1;
	s5 =	sor.u32 s3, s5  }
0x47: {  	[tilespmem:$0x2A60] =	vst v1;
	s5 =	smul.u32 $0x500, s5;
	s7 =	sadd.s32 s6, s7  }
0x48: {  	[tilespmem:$0x2A50] =	vst v1;
	s7 =	sshrl.u32 s7, $0x3  }
0x49: {  	[tilespmem:$0x2A40] =	vst v1;
	s5 =	sadd.s32 s5, s4;
	s7 =	sadd.s32 s7, s4  }
0x4a: {  	[tilespmem:$0x2810] =	vst v0;
	s4 =	sadd.s32 s6, s1;
	s6 =	simm.s32 $0x2A00;
	s5 =	sadd.s32 $0x5000, s5  }
0x4b: {  	[spmem:s4] =	stream.linear.scatter [tilespmem:s6], [sflag:$0x1], $0x280, $0x38;
	[tilespmem:$0x2F00] =	vst v63  }
0x4c: {  	s26 =	sadd.s32 $0xF000, s7;
	[dreg:$0x3] =	wrdreg s5  }
0x4d: {  	[dreg:$0x4] =	wrdreg s26;
	s5 =	simm.s32 $0x1  }
0x4e: {  	_ =	swait.ge [sflag:s5], $0x280  }
0x4f: {  	[sflag:s5] =	ssyncset.done $0x0  }
0x50: {  	s31 =	rddreg [dreg:$0x3];
	[sflag:s5] =	ssyncadd.s32 $0xFFFFFD80  }
0x51: {  	[tilespmem:s2], [sflag:$0x1] =	stream.linear.gather [hbm4b:s31+s2], $0x2800, $0x38;
	[tilespmem:$0x2F00] =	vst v63  }
0x52: {  	_ =	swait.ge [sflag:s5], $0x2800  }
0x53: {  	[sflag:s5] =	ssyncset.done $0x0  }
0x54: {  	[sflag:s5] =	ssyncadd.s32 $0xFFFFD800  }
0x55: {  	s8 =	simm.s32 $0x2800;
	s7 =	simm.s32 $0x200;
	[bflag:$0x0] =	sbarrier.arrive $0xFFFF  }
0x56: {  	[spmem:s1] =	stream.indirect.scatter.add.f32 [tilespmem:s8], [sflag:$0x1], $0x1, s2, s7, $0xb8;
	[tilespmem:$0x2F00] =	vst v63  }
0x57: {  	_ =	swait.ge [sflag:s5], $0x200  }
0x58: {  	[sflag:s5] =	ssyncset.done $0x0  }
0x59: {  	[sflag:s5] =	ssyncadd.s32 $0xFFFFFE00  }
0x5a: {  	[spmem:s1] =	stream.indirect.scatter.add.f32 [tilespmem:s8], [sflag:$0x1], $0x1, s7, s7, $0xb8;
	[tilespmem:$0x2F00] =	vst v63  }
0x5b: {  	_ =	swait.ge [sflag:s5], $0x200  }
0x5c: {  	[sflag:s5] =	ssyncset.done $0x0  }
0x5d: {  	s9 =	simm.s32 $0x400;
	[sflag:s5] =	ssyncadd.s32 $0xFFFFFE00  }
0x5e: {  	[spmem:s1] =	stream.indirect.scatter.add.f32 [tilespmem:s8], [sflag:$0x1], $0x1, s9, s7, $0xb8;
	[tilespmem:$0x2F00] =	vst v63  }
0x5f: {  	_ =	swait.ge [sflag:s5], $0x200  }
0x60: {  	[sflag:s5] =	ssyncset.done $0x0  }
0x61: {  	s10 =	simm.s32 $0x600;
	[sflag:s5] =	ssyncadd.s32 $0xFFFFFE00  }
0x62: {  	[spmem:s1] =	stream.indirect.scatter.add.f32 [tilespmem:s8], [sflag:$0x1], $0x1, s10, s7, $0xb8;
	[tilespmem:$0x2F00] =	vst v63  }
0x63: {  	_ =	swait.ge [sflag:s5], $0x200  }
0x64: {  	[sflag:s5] =	ssyncset.done $0x0  }
0x65: {  	s11 =	simm.s32 $0x800;
	[sflag:s5] =	ssyncadd.s32 $0xFFFFFE00  }
0x66: {  	[spmem:s1] =	stream.indirect.scatter.add.f32 [tilespmem:s8], [sflag:$0x1], $0x1, s11, s7, $0xb8;
	[tilespmem:$0x2F00] =	vst v63  }
0x67: {  	_ =	swait.ge [sflag:s5], $0x200  }
0x68: {  	[sflag:s5] =	ssyncset.done $0x0  }
0x69: {  	s12 =	simm.s32 $0xA00;
	[sflag:s5] =	ssyncadd.s32 $0xFFFFFE00  }
0x6a: {  	[spmem:s1] =	stream.indirect.scatter.add.f32 [tilespmem:s8], [sflag:$0x1], $0x1, s12, s7, $0xb8;
	[tilespmem:$0x2F00] =	vst v63  }
0x6b: {  	_ =	swait.ge [sflag:s5], $0x200  }
0x6c: {  	[sflag:s5] =	ssyncset.done $0x0  }
0x6d: {  	s13 =	simm.s32 $0xC00;
	[sflag:s5] =	ssyncadd.s32 $0xFFFFFE00  }
0x6e: {  	[spmem:s1] =	stream.indirect.scatter.add.f32 [tilespmem:s8], [sflag:$0x1], $0x1, s13, s7, $0xb8;
	[tilespmem:$0x2F00] =	vst v63  }
0x6f: {  	_ =	swait.ge [sflag:s5], $0x200  }
0x70: {  	[sflag:s5] =	ssyncset.done $0x0  }
0x71: {  	s14 =	simm.s32 $0xE00;
	[sflag:s5] =	ssyncadd.s32 $0xFFFFFE00  }
0x72: {  	[spmem:s1] =	stream.indirect.scatter.add.f32 [tilespmem:s8], [sflag:$0x1], $0x1, s14, s7, $0xb8;
	[tilespmem:$0x2F00] =	vst v63  }
0x73: {  	_ =	swait.ge [sflag:s5], $0x200  }
0x74: {  	[sflag:s5] =	ssyncset.done $0x0  }
0x75: {  	s15 =	simm.s32 $0x1000;
	[sflag:s5] =	ssyncadd.s32 $0xFFFFFE00  }
0x76: {  	[spmem:s1] =	stream.indirect.scatter.add.f32 [tilespmem:s8], [sflag:$0x1], $0x1, s15, s7, $0xb8;
	[tilespmem:$0x2F00] =	vst v63  }
0x77: {  	_ =	swait.ge [sflag:s5], $0x200  }
0x78: {  	[sflag:s5] =	ssyncset.done $0x0  }
0x79: {  	s16 =	simm.s32 $0x1200;
	[sflag:s5] =	ssyncadd.s32 $0xFFFFFE00  }
0x7a: {  	[spmem:s1] =	stream.indirect.scatter.add.f32 [tilespmem:s8], [sflag:$0x1], $0x1, s16, s7, $0xb8;
	[tilespmem:$0x2F00] =	vst v63  }
0x7b: {  	_ =	swait.ge [sflag:s5], $0x200  }
0x7c: {  	[sflag:s5] =	ssyncset.done $0x0  }
0x7d: {  	s17 =	simm.s32 $0x1400;
	[sflag:s5] =	ssyncadd.s32 $0xFFFFFE00  }
0x7e: {  	[spmem:s1] =	stream.indirect.scatter.add.f32 [tilespmem:s8], [sflag:$0x1], $0x1, s17, s7, $0xb8;
	[tilespmem:$0x2F00] =	vst v63  }
0x7f: {  	_ =	swait.ge [sflag:s5], $0x200  }
0x80: {  	[sflag:s5] =	ssyncset.done $0x0  }
0x81: {  	s18 =	simm.s32 $0x1600;
	[sflag:s5] =	ssyncadd.s32 $0xFFFFFE00  }
0x82: {  	[spmem:s1] =	stream.indirect.scatter.add.f32 [tilespmem:s8], [sflag:$0x1], $0x1, s18, s7, $0xb8;
	[tilespmem:$0x2F00] =	vst v63  }
0x83: {  	_ =	swait.ge [sflag:s5], $0x200  }
0x84: {  	[sflag:s5] =	ssyncset.done $0x0  }
0x85: {  	s19 =	simm.s32 $0x1800;
	[sflag:s5] =	ssyncadd.s32 $0xFFFFFE00  }
0x86: {  	[spmem:s1] =	stream.indirect.scatter.add.f32 [tilespmem:s8], [sflag:$0x1], $0x1, s19, s7, $0xb8;
	[tilespmem:$0x2F00] =	vst v63  }
0x87: {  	_ =	swait.ge [sflag:s5], $0x200  }
0x88: {  	[sflag:s5] =	ssyncset.done $0x0  }
0x89: {  	s20 =	simm.s32 $0x1A00;
	[sflag:s5] =	ssyncadd.s32 $0xFFFFFE00  }
0x8a: {  	[spmem:s1] =	stream.indirect.scatter.add.f32 [tilespmem:s8], [sflag:$0x1], $0x1, s20, s7, $0xb8;
	[tilespmem:$0x2F00] =	vst v63  }
0x8b: {  	_ =	swait.ge [sflag:s5], $0x200  }
0x8c: {  	[sflag:s5] =	ssyncset.done $0x0  }
0x8d: {  	s21 =	simm.s32 $0x1C00;
	[sflag:s5] =	ssyncadd.s32 $0xFFFFFE00  }
0x8e: {  	[spmem:s1] =	stream.indirect.scatter.add.f32 [tilespmem:s8], [sflag:$0x1], $0x1, s21, s7, $0xb8;
	[tilespmem:$0x2F00] =	vst v63  }
0x8f: {  	_ =	swait.ge [sflag:s5], $0x200  }
0x90: {  	[sflag:s5] =	ssyncset.done $0x0  }
0x91: {  	s22 =	simm.s32 $0x1E00;
	[sflag:s5] =	ssyncadd.s32 $0xFFFFFE00  }
0x92: {  	[spmem:s1] =	stream.indirect.scatter.add.f32 [tilespmem:s8], [sflag:$0x1], $0x1, s22, s7, $0xb8;
	[tilespmem:$0x2F00] =	vst v63  }
0x93: {  	_ =	swait.ge [sflag:s5], $0x200  }
0x94: {  	[sflag:s5] =	ssyncset.done $0x0  }
0x95: {  	s23 =	simm.s32 $0x2000;
	[sflag:s5] =	ssyncadd.s32 $0xFFFFFE00  }
0x96: {  	[spmem:s1] =	stream.indirect.scatter.add.f32 [tilespmem:s8], [sflag:$0x1], $0x1, s23, s7, $0xb8;
	[tilespmem:$0x2F00] =	vst v63  }
0x97: {  	_ =	swait.ge [sflag:s5], $0x200  }
0x98: {  	[sflag:s5] =	ssyncset.done $0x0  }
0x99: {  	s24 =	simm.s32 $0x2200;
	[sflag:s5] =	ssyncadd.s32 $0xFFFFFE00  }
0x9a: {  	[spmem:s1] =	stream.indirect.scatter.add.f32 [tilespmem:s8], [sflag:$0x1], $0x1, s24, s7, $0xb8;
	[tilespmem:$0x2F00] =	vst v63  }
0x9b: {  	_ =	swait.ge [sflag:s5], $0x200  }
0x9c: {  	[sflag:s5] =	ssyncset.done $0x0  }
0x9d: {  	s25 =	simm.s32 $0x2400;
	[sflag:s5] =	ssyncadd.s32 $0xFFFFFE00  }
0x9e: {  	[spmem:s1] =	stream.indirect.scatter.add.f32 [tilespmem:s8], [sflag:$0x1], $0x1, s25, s7, $0xb8;
	[tilespmem:$0x2F00] =	vst v63  }
0x9f: {  	_ =	swait.ge [sflag:s5], $0x200  }
0xa0: {  	s28 =	ssub.s32 $0x2, s28;
	[sflag:s5] =	ssyncset.done $0x0  }
0xa1: {  	s29 =	sshrl.u32 s28, $0x1;
	s26 =	simm.s32 $0x2600;
	[sflag:s5] =	ssyncadd.s32 $0xFFFFFE00  }
0xa2: {  	[spmem:s1] =	stream.indirect.scatter.add.f32 [tilespmem:s8], [sflag:$0x1], $0x1, s26, s7, $0xb8;
	[tilespmem:$0x2F00] =	vst v63  }
0xa3: {  	s0 =	ssub.s32 s28, s29;
	_ =	swait.ge [sflag:s5], $0x200  }
0xa4: {  	s0 =	smax.u32 s0, $0x1;
	[sflag:s5] =	ssyncset.done $0x0  }
0xa5: {  	p0 =	sne.s32 s0, $0x1;
	[sflag:s5] =	ssyncadd.s32 $0xFFFFFE00  }
.Ltmp0:
0xa6: {  	s31 =	sshll.u32 s3, $0x6;
	[bflag:$0x0] =	sbarrier.arrive $0xFFFF;
	(pc) =	sbr.rel @!p0 .LBB2_2-.Ltmp0, $4  }
0xa7: {  	s29 =	sshrl.u32 s4, $0x3;
	s28 =	sor.u32 $0x1C01, s31;
	s30 =	rddreg [dreg:$0x4]  }
0xa8: {  	[hbm:s30], [sflag:s28] =	dma.local [spmem:s29], $0x50  }
0xa9: {  	_ =	swait.ge [sflag:s5], $0x50  }
0xaa: {  	s30 =	sadd.s32 $0xFFFFFFFF, s0;
	[sflag:s5] =	ssyncset.done $0x0  }
.LBB2_1:
0xab: {  	[sflag:s5] =	ssyncadd.s32 $0xFFFFFFB0  }
0xac: {  	[tilespmem:$0x2820] =	vst v0  }
0xad: {  	[tilespmem:$0x2830] =	vst v0  }
0xae: {  	[tilespmem:$0x2840] =	vst v0  }
0xaf: {  	[tilespmem:$0x2850] =	vst v0  }
0xb0: {  	[tilespmem:$0x2860] =	vst v0  }
0xb1: {  	[tilespmem:$0x2870] =	vst v0  }
0xb2: {  	[tilespmem:$0x2880] =	vst v0  }
0xb3: {  	[tilespmem:$0x2890] =	vst v0  }
0xb4: {  	[tilespmem:$0x28A0] =	vst v0  }
0xb5: {  	[tilespmem:$0x28B0] =	vst v0  }
0xb6: {  	[tilespmem:$0x28C0] =	vst v0  }
0xb7: {  	[tilespmem:$0x28D0] =	vst v0  }
0xb8: {  	[tilespmem:$0x28E0] =	vst v0  }
0xb9: {  	[tilespmem:$0x28F0] =	vst v0  }
0xba: {  	[tilespmem:$0x2900] =	vst v0  }
0xbb: {  	[tilespmem:$0x2910] =	vst v0  }
0xbc: {  	[tilespmem:$0x2920] =	vst v0  }
0xbd: {  	[tilespmem:$0x2930] =	vst v0  }
0xbe: {  	[tilespmem:$0x2940] =	vst v0  }
0xbf: {  	[tilespmem:$0x2950] =	vst v0  }
0xc0: {  	[tilespmem:$0x2960] =	vst v0  }
0xc1: {  	[tilespmem:$0x2970] =	vst v0  }
0xc2: {  	[tilespmem:$0x2980] =	vst v0  }
0xc3: {  	[tilespmem:$0x2990] =	vst v0  }
0xc4: {  	[tilespmem:$0x29A0] =	vst v0  }
0xc5: {  	[tilespmem:$0x29B0] =	vst v0  }
0xc6: {  	[tilespmem:$0x29C0] =	vst v0  }
0xc7: {  	[tilespmem:$0x29D0] =	vst v0  }
0xc8: {  	[tilespmem:$0x29E0] =	vst v0  }
0xc9: {  	[tilespmem:$0x29F0] =	vst v0  }
0xca: {  	[tilespmem:$0x2A00] =	vst v1  }
0xcb: {  	[tilespmem:$0x2A10] =	vst v1  }
0xcc: {  	[tilespmem:$0x2A20] =	vst v1  }
0xcd: {  	[tilespmem:$0x2A30] =	vst v1  }
0xce: {  	[tilespmem:$0x2800] =	vst v0  }
0xcf: {  	[tilespmem:$0x2C70] =	vst v1  }
0xd0: {  	[tilespmem:$0x2C60] =	vst v1  }
0xd1: {  	[tilespmem:$0x2C50] =	vst v1  }
0xd2: {  	[tilespmem:$0x2C40] =	vst v1  }
0xd3: {  	[tilespmem:$0x2C30] =	vst v1  }
0xd4: {  	[tilespmem:$0x2C20] =	vst v1  }
0xd5: {  	[tilespmem:$0x2C10] =	vst v1  }
0xd6: {  	[tilespmem:$0x2C00] =	vst v1  }
0xd7: {  	[tilespmem:$0x2BF0] =	vst v1  }
0xd8: {  	[tilespmem:$0x2BE0] =	vst v1  }
0xd9: {  	[tilespmem:$0x2BD0] =	vst v1  }
0xda: {  	[tilespmem:$0x2BC0] =	vst v1  }
0xdb: {  	[tilespmem:$0x2BB0] =	vst v1  }
0xdc: {  	[tilespmem:$0x2BA0] =	vst v1  }
0xdd: {  	[tilespmem:$0x2B90] =	vst v1  }
0xde: {  	[tilespmem:$0x2B80] =	vst v1  }
0xdf: {  	[tilespmem:$0x2B70] =	vst v1  }
0xe0: {  	[tilespmem:$0x2B60] =	vst v1  }
0xe1: {  	[tilespmem:$0x2B50] =	vst v1  }
0xe2: {  	[tilespmem:$0x2B40] =	vst v1  }
0xe3: {  	[tilespmem:$0x2B30] =	vst v1  }
0xe4: {  	[tilespmem:$0x2B20] =	vst v1  }
0xe5: {  	[tilespmem:$0x2B10] =	vst v1  }
0xe6: {  	[tilespmem:$0x2B00] =	vst v1  }
0xe7: {  	[tilespmem:$0x2AF0] =	vst v1  }
0xe8: {  	[tilespmem:$0x2AE0] =	vst v1  }
0xe9: {  	[tilespmem:$0x2AD0] =	vst v1  }
0xea: {  	[tilespmem:$0x2AC0] =	vst v1  }
0xeb: {  	[tilespmem:$0x2AB0] =	vst v1  }
0xec: {  	[tilespmem:$0x2AA0] =	vst v1  }
0xed: {  	[tilespmem:$0x2A90] =	vst v1  }
0xee: {  	[tilespmem:$0x2A80] =	vst v1  }
0xef: {  	[tilespmem:$0x2A70] =	vst v1  }
0xf0: {  	[tilespmem:$0x2A60] =	vst v1  }
0xf1: {  	[tilespmem:$0x2A50] =	vst v1  }
0xf2: {  	[tilespmem:$0x2A40] =	vst v1  }
0xf3: {  	[tilespmem:$0x2810] =	vst v0  }
0xf4: {  	[spmem:s4] =	stream.linear.scatter [tilespmem:s6], [sflag:$0x1], $0x280, $0x38;
	[tilespmem:$0x2F00] =	vst v63  }
0xf5: {  	_ =	swait.ge [sflag:s5], $0x280  }
0xf6: {  	[sflag:s5] =	ssyncset.done $0x0  }
0xf7: {  	s0 =	rddreg [dreg:$0x3];
	[sflag:s5] =	ssyncadd.s32 $0xFFFFFD80  }
0xf8: {  	[tilespmem:s2], [sflag:$0x1] =	stream.linear.gather [hbm4b:s0+s2], $0x2800, $0x38;
	[tilespmem:$0x2F00] =	vst v63  }
0xf9: {  	_ =	swait.ge [sflag:s5], $0x2800  }
0xfa: {  	[sflag:s5] =	ssyncset.done $0x0  }
0xfb: {  	[sflag:s5] =	ssyncadd.s32 $0xFFFFD800  }
0xfc: {  	[bflag:$0x0] =	sbarrier.arrive $0xFFFF  }
0xfd: {  	[spmem:s1] =	stream.indirect.scatter.add.f32 [tilespmem:s8], [sflag:$0x1], $0x1, s2, s7, $0xb8;
	[tilespmem:$0x2F00] =	vst v63  }
0xfe: {  	_ =	swait.ge [sflag:s5], $0x200  }
0xff: {  	[sflag:s5] =	ssyncset.done $0x0  }
0x100: {  	[sflag:s5] =	ssyncadd.s32 $0xFFFFFE00  }
0x101: {  	[spmem:s1] =	stream.indirect.scatter.add.f32 [tilespmem:s8], [sflag:$0x1], $0x1, s7, s7, $0xb8;
	[tilespmem:$0x2F00] =	vst v63  }
0x102: {  	_ =	swait.ge [sflag:s5], $0x200  }
0x103: {  	[sflag:s5] =	ssyncset.done $0x0  }
0x104: {  	[sflag:s5] =	ssyncadd.s32 $0xFFFFFE00  }
0x105: {  	[spmem:s1] =	stream.indirect.scatter.add.f32 [tilespmem:s8], [sflag:$0x1], $0x1, s9, s7, $0xb8;
	[tilespmem:$0x2F00] =	vst v63  }
0x106: {  	_ =	swait.ge [sflag:s5], $0x200  }
0x107: {  	[sflag:s5] =	ssyncset.done $0x0  }
0x108: {  	[sflag:s5] =	ssyncadd.s32 $0xFFFFFE00  }
0x109: {  	[spmem:s1] =	stream.indirect.scatter.add.f32 [tilespmem:s8], [sflag:$0x1], $0x1, s10, s7, $0xb8;
	[tilespmem:$0x2F00] =	vst v63  }
0x10a: {  	_ =	swait.ge [sflag:s5], $0x200  }
0x10b: {  	[sflag:s5] =	ssyncset.done $0x0  }
0x10c: {  	[sflag:s5] =	ssyncadd.s32 $0xFFFFFE00  }
0x10d: {  	[spmem:s1] =	stream.indirect.scatter.add.f32 [tilespmem:s8], [sflag:$0x1], $0x1, s11, s7, $0xb8;
	[tilespmem:$0x2F00] =	vst v63  }
0x10e: {  	_ =	swait.ge [sflag:s5], $0x200  }
0x10f: {  	[sflag:s5] =	ssyncset.done $0x0  }
0x110: {  	[sflag:s5] =	ssyncadd.s32 $0xFFFFFE00  }
0x111: {  	[spmem:s1] =	stream.indirect.scatter.add.f32 [tilespmem:s8], [sflag:$0x1], $0x1, s12, s7, $0xb8;
	[tilespmem:$0x2F00] =	vst v63  }
0x112: {  	_ =	swait.ge [sflag:s5], $0x200  }
0x113: {  	[sflag:s5] =	ssyncset.done $0x0  }
0x114: {  	[sflag:s5] =	ssyncadd.s32 $0xFFFFFE00  }
0x115: {  	[spmem:s1] =	stream.indirect.scatter.add.f32 [tilespmem:s8], [sflag:$0x1], $0x1, s13, s7, $0xb8;
	[tilespmem:$0x2F00] =	vst v63  }
0x116: {  	_ =	swait.ge [sflag:s5], $0x200  }
0x117: {  	[sflag:s5] =	ssyncset.done $0x0  }
0x118: {  	[sflag:s5] =	ssyncadd.s32 $0xFFFFFE00  }
0x119: {  	[spmem:s1] =	stream.indirect.scatter.add.f32 [tilespmem:s8], [sflag:$0x1], $0x1, s14, s7, $0xb8;
	[tilespmem:$0x2F00] =	vst v63  }
0x11a: {  	_ =	swait.ge [sflag:s5], $0x200  }
0x11b: {  	[sflag:s5] =	ssyncset.done $0x0  }
0x11c: {  	[sflag:s5] =	ssyncadd.s32 $0xFFFFFE00  }
0x11d: {  	[spmem:s1] =	stream.indirect.scatter.add.f32 [tilespmem:s8], [sflag:$0x1], $0x1, s15, s7, $0xb8;
	[tilespmem:$0x2F00] =	vst v63  }
0x11e: {  	_ =	swait.ge [sflag:s5], $0x200  }
0x11f: {  	[sflag:s5] =	ssyncset.done $0x0  }
0x120: {  	[sflag:s5] =	ssyncadd.s32 $0xFFFFFE00  }
0x121: {  	[spmem:s1] =	stream.indirect.scatter.add.f32 [tilespmem:s8], [sflag:$0x1], $0x1, s16, s7, $0xb8;
	[tilespmem:$0x2F00] =	vst v63  }
0x122: {  	_ =	swait.ge [sflag:s5], $0x200  }
0x123: {  	[sflag:s5] =	ssyncset.done $0x0  }
0x124: {  	[sflag:s5] =	ssyncadd.s32 $0xFFFFFE00  }
0x125: {  	[spmem:s1] =	stream.indirect.scatter.add.f32 [tilespmem:s8], [sflag:$0x1], $0x1, s17, s7, $0xb8;
	[tilespmem:$0x2F00] =	vst v63  }
0x126: {  	_ =	swait.ge [sflag:s5], $0x200  }
0x127: {  	[sflag:s5] =	ssyncset.done $0x0  }
0x128: {  	[sflag:s5] =	ssyncadd.s32 $0xFFFFFE00  }
0x129: {  	[spmem:s1] =	stream.indirect.scatter.add.f32 [tilespmem:s8], [sflag:$0x1], $0x1, s18, s7, $0xb8;
	[tilespmem:$0x2F00] =	vst v63  }
0x12a: {  	_ =	swait.ge [sflag:s5], $0x200  }
0x12b: {  	[sflag:s5] =	ssyncset.done $0x0  }
0x12c: {  	[sflag:s5] =	ssyncadd.s32 $0xFFFFFE00  }
0x12d: {  	[spmem:s1] =	stream.indirect.scatter.add.f32 [tilespmem:s8], [sflag:$0x1], $0x1, s19, s7, $0xb8;
	[tilespmem:$0x2F00] =	vst v63  }
0x12e: {  	_ =	swait.ge [sflag:s5], $0x200  }
0x12f: {  	[sflag:s5] =	ssyncset.done $0x0  }
0x130: {  	[sflag:s5] =	ssyncadd.s32 $0xFFFFFE00  }
0x131: {  	[spmem:s1] =	stream.indirect.scatter.add.f32 [tilespmem:s8], [sflag:$0x1], $0x1, s20, s7, $0xb8;
	[tilespmem:$0x2F00] =	vst v63  }
0x132: {  	_ =	swait.ge [sflag:s5], $0x200  }
0x133: {  	[sflag:s5] =	ssyncset.done $0x0  }
0x134: {  	[sflag:s5] =	ssyncadd.s32 $0xFFFFFE00  }
0x135: {  	[spmem:s1] =	stream.indirect.scatter.add.f32 [tilespmem:s8], [sflag:$0x1], $0x1, s21, s7, $0xb8;
	[tilespmem:$0x2F00] =	vst v63  }
0x136: {  	_ =	swait.ge [sflag:s5], $0x200  }
0x137: {  	[sflag:s5] =	ssyncset.done $0x0  }
0x138: {  	[sflag:s5] =	ssyncadd.s32 $0xFFFFFE00  }
0x139: {  	[spmem:s1] =	stream.indirect.scatter.add.f32 [tilespmem:s8], [sflag:$0x1], $0x1, s22, s7, $0xb8;
	[tilespmem:$0x2F00] =	vst v63  }
0x13a: {  	_ =	swait.ge [sflag:s5], $0x200  }
0x13b: {  	[sflag:s5] =	ssyncset.done $0x0  }
0x13c: {  	[sflag:s5] =	ssyncadd.s32 $0xFFFFFE00  }
0x13d: {  	[spmem:s1] =	stream.indirect.scatter.add.f32 [tilespmem:s8], [sflag:$0x1], $0x1, s23, s7, $0xb8;
	[tilespmem:$0x2F00] =	vst v63  }
0x13e: {  	_ =	swait.ge [sflag:s5], $0x200  }
0x13f: {  	[sflag:s5] =	ssyncset.done $0x0  }
0x140: {  	[sflag:s5] =	ssyncadd.s32 $0xFFFFFE00  }
0x141: {  	[spmem:s1] =	stream.indirect.scatter.add.f32 [tilespmem:s8], [sflag:$0x1], $0x1, s24, s7, $0xb8;
	[tilespmem:$0x2F00] =	vst v63  }
0x142: {  	_ =	swait.ge [sflag:s5], $0x200  }
0x143: {  	[sflag:s5] =	ssyncset.done $0x0  }
0x144: {  	[sflag:s5] =	ssyncadd.s32 $0xFFFFFE00  }
0x145: {  	[spmem:s1] =	stream.indirect.scatter.add.f32 [tilespmem:s8], [sflag:$0x1], $0x1, s25, s7, $0xb8;
	[tilespmem:$0x2F00] =	vst v63  }
0x146: {  	_ =	swait.ge [sflag:s5], $0x200  }
0x147: {  	[sflag:s5] =	ssyncset.done $0x0  }
0x148: {  	[sflag:s5] =	ssyncadd.s32 $0xFFFFFE00  }
0x149: {  	[spmem:s1] =	stream.indirect.scatter.add.f32 [tilespmem:s8], [sflag:$0x1], $0x1, s26, s7, $0xb8;
	[tilespmem:$0x2F00] =	vst v63  }
0x14a: {  	_ =	swait.ge [sflag:s5], $0x200  }
0x14b: {  	[sflag:s5] =	ssyncset.done $0x0  }
0x14c: {  	p0 =	sne.s32 s30, $0x1;
	[sflag:s5] =	ssyncadd.s32 $0xFFFFFE00  }
.Ltmp1:
0x14d: {  	[bflag:$0x0] =	sbarrier.arrive $0xFFFF;
	(pc) =	sbr.rel @p0 .LBB2_1-.Ltmp1, $4  }
0x14e: {  	s31 =	rddreg [dreg:$0x4]  }
0x14f: {  	[hbm:s31], [sflag:s28] =	dma.local [spmem:s29], $0x50  }
0x150: {  	_ =	swait.ge [sflag:s5], $0x50  }
0x151: {  	s30 =	sadd.s32 $0xFFFFFFFF, s30;
	[sflag:s5] =	ssyncset.done $0x0  }
.LBB2_2:
0x152: {  	[sflag:s5] =	ssyncadd.s32 $0xFFFFFFB0  }
0x153: {  	_ =	sfence.sel $0x180000  }
0x154: {  	[bflag:$0x0] =	sbarrier.arrive $0xFFFF  }
0x155: {  	_ =	strace $0x90000047  }
0x156: {  	[bflag:$0x2] =	sbarrier.arrive $0xFFFF  }
0x157: {  	p0 =	sne.s32 s3, $0x0;
	s0 =	rddreg [dreg:$0x2]  }
0x158: {  	s0 =	sadd.s32 @!p0 $0x100000, s0  }
0x159: {  	[sflag:s0] =	ssyncadd.tile.s32 @!p0 $0x1;
	_ =	shalt  }
.Lfunc_end2:
_tile_overlayer_lowered:
.L_overlay_start_2:
0x15a: {  	(tag) =	ssettag $0x2  }
0x15b: {  	s0 =	rddreg [dreg:$0x0];
	s2 =	stileid.u32  }
0x15c: {  	s1 =	rddreg [dreg:$0x1];
	p0 =	sne.s32 s2, $0x0  }
0x15d: {  	s3 =	rddreg [dreg:$0x2];
	[bflag:$0x3] =	sbarrier.arrive $0xFFFF;
	s2 =	simm.s32 @!p0 $0x1C01  }
0x15e: {  	[timem:s3], [sflag:s2] =	dma.local @!p0 [hbm:s0], s1  }
0x15f: {  	s0 =	simm.s32 @!p0 $0x1  }
0x160: {  	_ =	swait.ge @!p0 [sflag:s0], s1  }
0x161: {  	s1 =	ssub.s32 @!p0 $0x0, s1;
	[sflag:s0] =	ssyncset.done @!p0 $0x0  }
0x162: {  	[sflag:s0] =	ssyncadd.s32 @!p0 s1  }
0x163: {  	[bflag:$0x3] =	sbarrier.arrive $0xFFFF  }
0x164: {  	_ =	shalt  }

// kernel: kernel.17.cloned.1.call-start
scs
__scs_entry_jumppad:
0x0: {  	(pc) =	sbr.rel $0x88, $3  }
0x1: {  	(tag) =	ssettag $0x0;
	lr =	simm.s32 $0x1  }
0x2: {  	[smem:$0x3F90] =	sst lr;
	_ =	strace $0xD0000000  }
0x3: {  	_ = 	snop  }
0x4: {  	_ = 	snop  }
0x5: {  	_ = 	snop  }
0x6: {  	_ = 	snop  }
0x7: {  	_ = 	snop  }
__scs_overlays_trampoline_lowered:
0x8: {  	[smem:$0x3F9F] =	sst s0  }
0x9: {  	[smem:$0x3FA0] =	sst s1  }
0xa: {  	[smem:$0x3FA1] =	sst s2  }
0xb: {  	[smem:$0x3FA2] =	sst s3  }
0xc: {  	[smem:$0x3FA3] =	sst s4  }
0xd: {  	[smem:$0x3FA4] =	sst s5  }
0xe: {  	[smem:$0x3FA5] =	sst s6  }
0xf: {  	[smem:$0x3FA6] =	sst s7  }
0x10: {  	[smem:$0x3FA7] =	sst s8  }
0x11: {  	[smem:$0x3FA8] =	sst s9;
	s0 =	simm.s32 @!p0 $0x0  }
0x12: {  	s1 =	sld [smem:$0x3F8E];
	s0 =	simm.s32 @p0 $0x1  }
0x13: {  	[smem:$0x3FA9] =	sst s0;
	s0 =	simm.s32 @!p1 $0x0  }
0x14: {  	s2 =	sld [smem:$0x3F8D];
	s0 =	simm.s32 @p1 $0x1  }
0x15: {  	[smem:$0x3FAA] =	sst s0;
	s0 =	simm.s32 @!p2 $0x0  }
0x16: {  	s3 =	sld [smem:$0x3FDB];
	s0 =	simm.s32 @p2 $0x1  }
0x17: {  	s4 =	simm.s32 $0x1BF5;
	[smem:$0x3FAC] =	sst s0  }
0x18: {  	s0 =	sld [smem:$0x3F8F];
	_ =	swait.ge [sflag:s4], $0x0  }
0x19: {  	s7 =	sld [smem:$0x3F90]  }
0x1a: {  	s8 =	sadd.s32 $0xFFFFE003, lr  }
0x1b: {  	s9 =	sadd.s32 $0xFFFFFEF7, lr;
	s5 =	simm.s32 $0xFFFFFFFF;
	p2 =	slt.u32 s8, $0xFFFFF086  }
0x1c: {  	p1 =	slt.u32 s9, $0xF7A;
	s5 =	simm.s32 @!p2 $0x0  }
0x1d: {  	s5 =	simm.s32 @p1 $0x1;
	p0 =	seq.s32 s7, s2  }
0x1e: {  	s7 =	smul.u32 @!p0 $0xF7A, s2;
	p2 =	seq.s32 @!p0 s5, $0x0  }
0x1f: {  	s9 =	smul.u32 $0xF7A, s1;
	s8 =	simm.s32 @!p0 $0x1BF5;
	p2 =	por !p2, p0  }
0x20: {  	[sflag:s8] =	ssyncset.s32 @!p0 $0xFFFFF086;
	s6 =	sadd.s32 @!p0 s3, s7;
	s7 =	simm.s32 @!p0 $0x108  }
0x21: {  	s3 =	sadd.s32 s3, s9;
	s6 =	sadd.s32 @!p0 $0x88, s6;
	s7 =	simm.s32 @p2 $0x1082  }
0x22: {  	[simem:s7], [sflag:s8] =	dma.local @!p0 [hbm:s6], $0xF7A  }
0x23: {  	s9 =	sor.u32 $0xD0000000, s2;
	s6 =	simm.s32 $0x108;
	_ =	swait.ge @!p0 [sflag:s8], $0x0  }
0x24: {  	s3 =	sadd.s32 $0x88, s3;
	s6 =	simm.s32 @!p1 $0x1082;
	[sflag:s4] =	ssyncset.s32 $0xFFFFF086  }
0x25: {  	[simem:s6], [sflag:s4] =	dma.local [hbm:s3], $0xF7A  }
0x26: {  	[smem:$0x3F90] =	sst s1;
	(tag) =	ssettag s2;
	_ =	strace s9  }
0x27: {  	s1 =	sld [smem:$0x3FA0]  }
0x28: {  	s2 =	sld [smem:$0x3FA1]  }
0x29: {  	s4 =	sld [smem:$0x3FA3]  }
0x2a: {  	p0 =	seq.s32 s5, $0x0;
	s5 =	sld [smem:$0x3FA4]  }
0x2b: {  	s6 =	sld [smem:$0x3FA5]  }
0x2c: {  	s7 =	sld [smem:$0x3FA6]  }
0x2d: {  	s3 =	simm.s32 $0x108;
	s8 =	sld [smem:$0x3FA7]  }
0x2e: {  	s3 =	simm.s32 @!p0 $0x1082;
	s9 =	sld [smem:$0x3FA8]  }
0x2f: {  	lr =	sadd.s32 s0, s3;
	s0 =	sld [smem:$0x3F9F]  }
0x30: {  	s3 =	sld [smem:$0x3FA2]  }
0x31: {  	[smem:$0x3FAB] =	sst s10  }
0x32: {  	s10 =	sld [smem:$0x3FA9];
	_ =	sdelay $0x3  }
0x33: {  	p0 =	seq.s32 s10, $0x1;
	s10 =	sld [smem:$0x3FAB];
	_ =	sdelay $0x3  }
0x34: {  	[smem:$0x3FAB] =	sst s10  }
0x35: {  	s10 =	sld [smem:$0x3FAA];
	_ =	sdelay $0x3  }
0x36: {  	p1 =	seq.s32 s10, $0x1;
	s10 =	sld [smem:$0x3FAB];
	_ =	sdelay $0x3  }
0x37: {  	[smem:$0x3FAB] =	sst s10  }
0x38: {  	s10 =	sld [smem:$0x3FAC]  }
0x39: {  	_ = 	snop;
	(pc) =	sbr.ind lr, $3  }
0x3a: {  	_ = 	snop  }
0x3b: {  	_ = 	snop  }
0x3c: {  	p2 =	seq.s32 s10, $0x1;
	s10 =	sld [smem:$0x3FAB]  }
0x3d: {  	_ =	shalt  }
0x3e: {  	_ =	shalt  }
0x3f: {  	_ =	shalt  }
0x40: {  	_ =	shalt  }
0x41: {  	_ =	shalt  }
0x42: {  	_ =	shalt  }
0x43: {  	_ =	shalt  }
0x44: {  	_ =	shalt  }
0x45: {  	_ =	shalt  }
0x46: {  	_ =	shalt  }
0x47: {  	_ =	shalt  }
0x48: {  	_ =	shalt  }
0x49: {  	_ =	shalt  }
0x4a: {  	_ =	shalt  }
0x4b: {  	_ =	shalt  }
0x4c: {  	_ =	shalt  }
0x4d: {  	_ =	shalt  }
0x4e: {  	_ =	shalt  }
0x4f: {  	_ =	shalt  }
0x50: {  	_ =	shalt  }
0x51: {  	_ =	shalt  }
0x52: {  	_ =	shalt  }
0x53: {  	_ =	shalt  }
0x54: {  	_ =	shalt  }
0x55: {  	_ =	shalt  }
0x56: {  	_ =	shalt  }
0x57: {  	_ =	shalt  }
0x58: {  	_ =	shalt  }
0x59: {  	_ =	shalt  }
0x5a: {  	_ =	shalt  }
0x5b: {  	_ =	shalt  }
0x5c: {  	_ =	shalt  }
0x5d: {  	_ =	shalt  }
0x5e: {  	_ =	shalt  }
0x5f: {  	_ =	shalt  }
0x60: {  	_ =	shalt  }
0x61: {  	_ =	shalt  }
0x62: {  	_ =	shalt  }
0x63: {  	_ =	shalt  }
0x64: {  	_ =	shalt  }
0x65: {  	_ =	shalt  }
0x66: {  	_ =	shalt  }
0x67: {  	_ =	shalt  }
0x68: {  	_ =	shalt  }
0x69: {  	_ =	shalt  }
0x6a: {  	_ =	shalt  }
0x6b: {  	_ =	shalt  }
0x6c: {  	_ =	shalt  }
0x6d: {  	_ =	shalt  }
0x6e: {  	_ =	shalt  }
0x6f: {  	_ =	shalt  }
0x70: {  	_ =	shalt  }
0x71: {  	_ =	shalt  }
0x72: {  	_ =	shalt  }
0x73: {  	_ =	shalt  }
0x74: {  	_ =	shalt  }
0x75: {  	_ =	shalt  }
0x76: {  	_ =	shalt  }
0x77: {  	_ =	shalt  }
0x78: {  	_ =	shalt  }
0x79: {  	_ =	shalt  }
0x7a: {  	_ =	shalt  }
0x7b: {  	_ =	shalt  }
0x7c: {  	_ =	shalt  }
0x7d: {  	_ =	shalt  }
0x7e: {  	_ =	shalt  }
0x7f: {  	_ =	shalt  }
0x80: {  	_ =	shalt  }
0x81: {  	_ =	shalt  }
0x82: {  	_ =	shalt  }
0x83: {  	_ =	shalt  }
0x84: {  	_ =	shalt  }
0x85: {  	_ =	shalt  }
0x86: {  	_ =	shalt  }
0x87: {  	_ =	shalt  }
.Lfunc_end0:
.L_simem_size_0:
called_computation.1_lowered:
.L_overlay_start_0:
0x88: {  	s2 =	sld [smem:$0x3FD9]  }
0x89: {  	s3 =	sld [smem:$0x3FFE];
	_ =	sdelay $0x1  }
0x8a: {  	s1 =	srdreg.scid  }
0x8b: {  	s0 =	sand.u32 $0x1, s1  }
0x8c: {  	s17 =	sshll.u32 s0, $0xA;
	s2 =	sadd.s32 s3, s2  }
0x8d: {  	s2 =	sadd.s32 s2, s17  }
0x8e: {  	[smem:$0x3FB7] =	sst s2  }
0x8f: {  	_ = 	snop  }
0x90: {  	s18 =	sld [smem:$0x3FD0];
	(tm) =	ssettm $0x1  }
0x91: {  	s19 =	sld [smem:$0x3FFB];
	_ =	sdelay $0x3  }
0x92: {  	_ =	strace s19  }
0x93: {  	s2 =	sld [smem:$0x3FFC];
	_ =	sdelay $0x3  }
0x94: {  	_ =	strace s2  }
0x95: {  	s2 =	sld [smem:$0x3FFD];
	_ =	sdelay $0x3  }
0x96: {  	_ =	strace s2  }
0x97: {  	_ =	strace $0x8FFFFFFF  }
0x98: {  	s20 =	sld [smem:$0x3FDB];
	_ =	sdelay $0x1  }
0x99: {  	s4 =	simm.s32 $_scs_section_size  }
0x9a: {  	s5 =	simm.s32 $_size__tile_overlayer_lowered;
	s6 =	simm.s32 $_tile_overlayer_lowered  }
0x9b: {  	s7 =	simm.s32 $0x1BFF;
	s21 =	sshll.u32 s6, $0x1;
	s4 =	sadd.s32 s4, s20  }
0x9c: {  	s22 =	simm.s32 $0x0;
	s5 =	sshll.u32 s5, $0x1;
	s6 =	sadd.s32 s21, s4  }
0x9d: {  	[timem:s22], [sflag:s7] =	dma.local [hbm:s6], s5  }
0x9e: {  	_ =	swait.ge [sflag:s7], s5  }
0x9f: {  	s5 =	ssub.s32 $0x0, s5;
	[sflag:s7] =	ssyncset.done $0x0  }
0xa0: {  	[sflag:s7] =	ssyncadd.s32 s5;
	_ =	sdelay $0x1  }
0xa1: {  	s23 =	simm.s32 $0x1B8B  }
0xa2: {  	_ =	swait.ge [sflag:s23], $0x1  }
0xa3: {  	[sflag:s23] =	ssyncset.done $0x0  }
0xa4: {  	[sflag:s23] =	ssyncadd.s32 $0xFFFFFFFF  }
0xa5: {  	s5 =	sld [smem:$0x0]  }
0xa6: {  	s6 =	sand.u32 $0xFFFFFFFE, s1  }
0xa7: {  	p0 =	sne.s32 s1, s6  }
0xa8: {  	s6 =	sshll.u32 @p0 s6, $0xE  }
0xa9: {  	s6 =	sadd.s32 @p0 $0x11B8D, s6;
	s7 =	sshll.u32 @p0 s5, $0x11  }
0xaa: {  	s6 =	sor.u32 @p0 s7, s6  }
0xab: {  	[sflag:s6] =	ssyncadd.remote.s32 @p0 $0x1;
	_ =	sdelay $0x1  }
0xac: {  	s6 =	simm.s32 @p0 $0x1B8D  }
0xad: {  	_ =	swait.eq @p0 [sflag:s6], $0x1  }
0xae: {  	[sflag:s6] =	ssyncadd.s32 @p0 $0xFFFFFFFF  }
0xaf: {  	s7 =	sshll.u32 @!p0 s1, $0xE  }
0xb0: {  	s7 =	sor.u32 @!p0 $0x4000, s7;
	s6 =	simm.s32 @!p0 $0x1B8D  }
0xb1: {  	s5 =	sshll.u32 @!p0 s5, $0x11;
	s7 =	sadd.s32 @!p0 $0x11B8D, s7;
	_ =	swait.eq @!p0 [sflag:s6], $0x1  }
0xb2: {  	s5 =	sor.u32 @!p0 s5, s7;
	[sflag:s6] =	ssyncadd.s32 @!p0 $0xFFFFFFFF  }
0xb3: {  	s25 =	simm.s32 $0x1B8E;
	s24 =	sld [smem:$0x3FFE];
	[sflag:s5] =	ssyncadd.remote.s32 @!p0 $0x1  }
0xb4: {  	s26 =	simm.s32 $execute0_lowered;
	[smem:$0x3FD2] =	sst s25  }
0xb5: {  	s6 =	sshll.u32 s26, $0x1;
	_ =	strace $0x8000004C;
	[dreg:$0x1] =	wrdreg $0xFFFFFFFF  }
0xb6: {  	s28 =	simm.s32 $_size_execute0_lowered;
	s4 =	sadd.s32 s4, s6;
	[dreg:$0x0] =	wrdreg $0x0  }
0xb7: {  	s6 =	sshll.u32 s28, $0x1;
	[dreg:$0x2] =	wrdreg s4  }
0xb8: {  	[dreg:$0x3] =	wrdreg s6  }
0xb9: {  	[dreg:$0x4] =	wrdreg $0xC0  }
0xba: {  	_ =	task [dreg:s22], $0x5FFFF  }
0xbb: {  	[dreg:$0x1] =	wrdreg $0xFFFFFFFF  }
0xbc: {  	[dreg:$0x0] =	wrdreg $0x60  }
0xbd: {  	[dreg:$0x2] =	wrdreg s24  }
0xbe: {  	[dreg:$0x3] =	wrdreg s18  }
0xbf: {  	[dreg:$0x4] =	wrdreg $0x150000  }
0xc0: {  	[dreg:$0x5] =	wrdreg $0x9  }
0xc1: {  	_ =	task.clear_ibuf [dreg:s22], $0x6FFFF;
	_ =	strace $0x9000004C  }
0xc2: {  	s29 =	simm.s32 $0x9;
	_ =	strace $0x8000004E  }
0xc3: {  	_ =	swait.ge [sflag:s29], $0x1  }
0xc4: {  	[sflag:s29] =	ssyncadd.s32 $0xFFFFFFFF  }
0xc5: {  	_ =	strace $0x9000004E  }
0xc6: {  	_ =	sfence  }
0xc7: {  	s30 =	sld [smem:$0x0];
	_ =	sdelay $0x2  }
0xc8: {  	s31 =	sshll.u32 s1, $0xD;
	s1 =	sshrl.u32 s1, $0x2  }
0xc9: {  	s4 =	sand.u32 $0x4000, s31;
	s1 =	sadd.s32 s1, s30  }
0xca: {  	s0 =	sor.u32 s4, s0;
	s1 =	sshll.u32 s1, $0x11  }
0xcb: {  	s0 =	sor.u32 s1, s0  }
0xcc: {  	s0 =	sadd.s32 $0x8F2B, s0  }
0xcd: {  	[sflag:s0] =	ssyncadd.remote.s32 $0x1  }
0xce: {  	_ =	sfence.sel $0xFFFF  }
0xcf: {  	[dreg:$0x0] =	wrdreg $0xFFFFFFFF;
	(pc) =	sbr.abs _section_cstart, $3  }
0xd0: {  	[dreg:$0x1] =	wrdreg $0xFFFFFFFF  }
0xd1: {  	_ =	task.clear_ibuf [dreg:s22], $0x2FFFF;
	_ =	strace $0x9FFFFFFF  }
0xd2: {  	(tm) =	ssettm $0x7FFFFFFF  }
0xd3: {  	_ =	shalt  }
tec
execute0_lowered:
.L_overlay_start_1:
0x0: {  	(tag) =	ssettag $0x1  }
0x1: {  	s0 =	srdreg.scid;
	s1 =	rddreg [dreg:$0x0]  }
0x2: {  	s7 =	stileid.u32;
	s3 =	rddreg [dreg:$0x1];
	s26 =	simm.s32 $0x0  }
0x3: {  	s14 =	simm.s32 $0x5000;
	s15 =	simm.s32 $0x3;
	s16 =	simm.s32 $0x2800  }
0x4: {  	s17 =	simm.s32 $0x200;
	s18 =	simm.s32 $0xD000;
	s20 =	simm.s32 $0x1  }
0x5: {  	s23 =	simm.s32 $0x2;
	s24 =	simm.s32 $0x2000;
	s25 =	simm.s32 $0x4800  }
0x6: {  	s28 =	simm.s32 $0x4A00;
	s29 =	simm.s32 $0x2400;
	s30 =	simm.s32 $0x4C00  }
0x7: {  	s31 =	simm.s32 $0x2600;
	s0 =	sand.u32 $0x1, s0;
	s5 =	smul.u32 $0xA000, s7  }
0x8: {  	[smem:$0x7FF] =	sst s26;
	s26 =	simm.s32 $0x2200;
	s2 =	sshll.u32 s0, $0x4  }
0x9: {  	s6 =	smul.u32 $0xA0000, s0;
	s0 =	ssub.s32 $0x2, s0;
	s4 =	sor.u32 s7, s2  }
0xa: {  	s2 =	rddreg [dreg:$0x2];
	_ =	strace $0x8000004D;
	s7 =	smul.u32 $0x28000, s7  }
0xb: {  	s8 =	sshrl.u32 s0, $0x1;
	s10 =	smul.u32 $0x500, s4;
	s4 =	sadd.s32 $0xF000, s1  }
0xc: {  	s6 =	sadd.s32 s5, s6;
	s0 =	ssub.s32 s0, s8;
	s5 =	sadd.s32 s5, s2  }
0xd: {  	s6 =	sshrl.u32 s6, $0x3;
	s7 =	sshrl.u32 s7, $0x2;
	s13 =	smax.u32 s0, $0x1  }
0xe: {  	s11 =	sadd.s32 s10, s1;
	s1 =	sadd.s32 s6, s1;
	s9 =	sadd.s32 s7, s2  }
0xf: {  	s10 =	sadd.s32 s3, s10;
	s3 =	simm.s32 $0x0;
	s6 =	sadd.s32 $0x2000, s9  }
0x10: {  	s7 =	sadd.s32 $0x4000, s9;
	s8 =	sadd.s32 $0x6000, s9;
	s9 =	sadd.s32 $0x8000, s9  }
0x11: {  	v0 =	vimm.f32 $0.0e+00;
	s11 =	sadd.s32 $0x5000, s11;
	s12 =	sadd.s32 $0x5F000, s1;
	s1 =	simm.s32 $0x4E00  }
.LBB2_1:
0x12: {  	s19 =	simm.s32 $0x100;
	s0 =	simm.s32 $0x0  }
.LBB2_2:
0x13: {  	p0 =	sne.s32 s19, $0x7F00;
	[tilespmem:s0+$0x5030] =	vst v0;
	s21 =	smov.u32 s19;
	s19 =	sadd.s32 $0x100, s19  }
.Ltmp0:
0x14: {  	[tilespmem:s0+$0x5020] =	vst v0;
	(pc) =	sbr.rel @p0 .LBB2_2-.Ltmp0, $3  }
0x15: {  	[tilespmem:s0+$0x5000] =	vst v0  }
0x16: {  	[tilespmem:s0+$0x5010] =	vst v0;
	_ =	sdelay $0x1  }
0x17: {  	s0 =	sshra.s32 s21, $0x2  }
0x18: {  	[tilespmem:s0+$0x5030] =	vst v0  }
0x19: {  	[tilespmem:s0+$0x5020] =	vst v0  }
0x1a: {  	[tilespmem:s0+$0x5000] =	vst v0  }
0x1b: {  	[tilespmem:s0+$0x5010] =	vst v0  }
0x1c: {  	[spmem:s5] =	stream.linear.scatter [tilespmem:s14], [sflag:$0x3], $0x2000, $0x38;
	[tilespmem:$0x1F000] =	vst v63  }
0x1d: {  	_ =	swait.ge [sflag:s15], $0x2000  }
0x1e: {  	[sflag:s15] =	ssyncset.done $0x0  }
0x1f: {  	[sflag:s15] =	ssyncadd.s32 $0xFFFFE000  }
0x20: {  	[spmem:s6] =	stream.linear.scatter [tilespmem:s14], [sflag:$0x3], $0x2000, $0x38;
	[tilespmem:$0x1F000] =	vst v63  }
0x21: {  	_ =	swait.ge [sflag:s15], $0x2000  }
0x22: {  	[sflag:s15] =	ssyncset.done $0x0  }
0x23: {  	[sflag:s15] =	ssyncadd.s32 $0xFFFFE000  }
0x24: {  	[spmem:s7] =	stream.linear.scatter [tilespmem:s14], [sflag:$0x3], $0x2000, $0x38;
	[tilespmem:$0x1F000] =	vst v63  }
0x25: {  	_ =	swait.ge [sflag:s15], $0x2000  }
0x26: {  	[sflag:s15] =	ssyncset.done $0x0  }
0x27: {  	[sflag:s15] =	ssyncadd.s32 $0xFFFFE000  }
0x28: {  	[spmem:s8] =	stream.linear.scatter [tilespmem:s14], [sflag:$0x3], $0x2000, $0x38;
	[tilespmem:$0x1F000] =	vst v63  }
0x29: {  	_ =	swait.ge [sflag:s15], $0x2000  }
0x2a: {  	[sflag:s15] =	ssyncset.done $0x0  }
0x2b: {  	[sflag:s15] =	ssyncadd.s32 $0xFFFFE000  }
0x2c: {  	[spmem:s9] =	stream.linear.scatter [tilespmem:s14], [sflag:$0x3], $0x2000, $0x38;
	[tilespmem:$0x1F000] =	vst v63  }
0x2d: {  	_ =	swait.ge [sflag:s15], $0x2000  }
0x2e: {  	[sflag:s15] =	ssyncset.done $0x0  }
0x2f: {  	s0 =	simm.s32 $0x0;
	[sflag:s15] =	ssyncadd.s32 $0xFFFFE000  }
0x30: {  	[tilespmem:s0], [sflag:$0x3] =	stream.linear.gather [hbm4b:s10+s0], $0x2800, $0x38;
	[tilespmem:$0x1F000] =	vst v63  }
0x31: {  	_ =	swait.ge [sflag:s15], $0x2800  }
0x32: {  	[sflag:s15] =	ssyncset.done $0x0  }
0x33: {  	[sflag:s15] =	ssyncadd.s32 $0xFFFFD800  }
0x34: {  	[tilespmem:s16], [sflag:$0x3] =	stream.linear.gather [hbm4b:s11+s0], $0x2800, $0x38;
	[tilespmem:$0x1F000] =	vst v63  }
0x35: {  	_ =	swait.ge [sflag:s15], $0x2800  }
0x36: {  	[sflag:s15] =	ssyncset.done $0x0  }
0x37: {  	s19 =	simm.s32 $0x0;
	[sflag:s15] =	ssyncadd.s32 $0xFFFFD800  }
.LBB2_4:
0x38: {  	v1 =	vmov s0;
	_ =	sdelay $0x3  }
0x39: {  	s21 =	simm.s32 $0x0;
	s22 =	simm.s32 $0x40  }
.LBB2_5:
0x3a: {  	p0 =	sne.s32 s22, $0x7C0;
	v2 =	vld.idx.msk [tilespmem:v1+s21+$0x0 ss:$0x1], $0xffff;
	_ =	sdelay $0x2  }
.Ltmp1:
0x3b: {  	(pc) =	sbr.rel @p0 .LBB2_5-.Ltmp1, $3  }
0x3c: {  	_ =	sdelay $0x1  }
0x3d: {  	v2 =	vshll.u32 v2, $0x1  }
0x3e: {  	[tilespmem:v1+s21+$0x0 ss:$0x1] =	vst.idx.msk $0xffff, v2;
	s21 =	sshra.s32 s22, $0x2;
	s22 =	sadd.s32 $0x40, s22  }
0x3f: {  	_ =	sdelay $0x3  }
0x40: {  	v2 =	vld.idx.msk [tilespmem:v1+s21+$0x0 ss:$0x1], $0xffff;
	s19 =	sadd.s32 $0x1, s19  }
0x41: {  	p0 =	sne.s32 s19, $0x14  }
.Ltmp2:
0x42: {  	_ = 	snop;
	(pc) =	sbr.rel @p0 .LBB2_4-.Ltmp2, $3  }
0x43: {  	_ =	sdelay $0x1  }
0x44: {  	v2 =	vshll.u32 v2, $0x1  }
0x45: {  	s0 =	sadd.s32 $0x200, s0;
	[tilespmem:v1+s21+$0x0 ss:$0x1] =	vst.idx.msk $0xffff, v2  }
0x46: {  	[bflag:$0x0] =	sbarrier.arrive $0xFFFF;
	s0 =	simm.s32 $0x0  }
0x47: {  	[tilespmem:s14], [sflag:$0x3] =	stream.indirect.gather [hbm4b:s4+s17], $0x40, s0, s17, $0xb8;
	[tilespmem:$0x1F000] =	vst v63  }
0x48: {  	_ =	swait.ge [sflag:s15], $0x8000  }
0x49: {  	[sflag:s15] =	ssyncset.done $0x0  }
0x4a: {  	[sflag:s15] =	ssyncadd.s32 $0xFFFF8000  }
0x4b: {  	[spmem:s2] =	stream.indirect.scatter.add.f32 [tilespmem:s14], [sflag:$0x1], $0x40, s16, s17, $0xb8;
	[tilespmem:$0x1F000] =	vst v63  }
0x4c: {  	_ = 	snop  }
0x4d: {  	[tilespmem:s18], [sflag:$0x3] =	stream.indirect.gather [hbm4b:s4+s17], $0x40, s17, s17, $0xb8;
	[tilespmem:$0x1F000] =	vst v63  }
0x4e: {  	_ =	swait.ge [sflag:s15], $0x8000  }
0x4f: {  	[sflag:s15] =	ssyncset.done $0x0  }
0x50: {  	s19 =	simm.s32 $0x2A00;
	[sflag:s15] =	ssyncadd.s32 $0xFFFF8000  }
0x51: {  	[spmem:s2] =	stream.indirect.scatter.add.f32 [tilespmem:s18], [sflag:$0x2], $0x40, s19, s17, $0xb8;
	[tilespmem:$0x1F000] =	vst v63  }
0x52: {  	_ =	swait.ge [sflag:s20], $0x8000  }
0x53: {  	[sflag:s20] =	ssyncset.done $0x0  }
0x54: {  	s21 =	simm.s32 $0x400;
	[sflag:s20] =	ssyncadd.s32 $0xFFFF8000  }
0x55: {  	[tilespmem:s14], [sflag:$0x3] =	stream.indirect.gather [hbm4b:s4+s17], $0x40, s21, s17, $0xb8;
	[tilespmem:$0x1F000] =	vst v63  }
0x56: {  	_ =	swait.ge [sflag:s15], $0x8000  }
0x57: {  	[sflag:s15] =	ssyncset.done $0x0  }
0x58: {  	s22 =	simm.s32 $0x2C00;
	[sflag:s15] =	ssyncadd.s32 $0xFFFF8000  }
0x59: {  	[spmem:s2] =	stream.indirect.scatter.add.f32 [tilespmem:s14], [sflag:$0x1], $0x40, s22, s17, $0xb8;
	[tilespmem:$0x1F000] =	vst v63  }
0x5a: {  	_ =	swait.ge [sflag:s23], $0x8000  }
0x5b: {  	[sflag:s23] =	ssyncset.done $0x0  }
0x5c: {  	s19 =	simm.s32 $0x600;
	[sflag:s23] =	ssyncadd.s32 $0xFFFF8000  }
0x5d: {  	[tilespmem:s18], [sflag:$0x3] =	stream.indirect.gather [hbm4b:s4+s17], $0x40, s19, s17, $0xb8;
	[tilespmem:$0x1F000] =	vst v63  }
0x5e: {  	_ =	swait.ge [sflag:s15], $0x8000  }
0x5f: {  	[sflag:s15] =	ssyncset.done $0x0  }
0x60: {  	s21 =	simm.s32 $0x2E00;
	[sflag:s15] =	ssyncadd.s32 $0xFFFF8000  }
0x61: {  	[spmem:s2] =	stream.indirect.scatter.add.f32 [tilespmem:s18], [sflag:$0x2], $0x40, s21, s17, $0xb8;
	[tilespmem:$0x1F000] =	vst v63  }
0x62: {  	_ =	swait.ge [sflag:s20], $0x8000  }
0x63: {  	[sflag:s20] =	ssyncset.done $0x0  }
0x64: {  	s22 =	simm.s32 $0x800;
	[sflag:s20] =	ssyncadd.s32 $0xFFFF8000  }
0x65: {  	[tilespmem:s14], [sflag:$0x3] =	stream.indirect.gather [hbm4b:s4+s17], $0x40, s22, s17, $0xb8;
	[tilespmem:$0x1F000] =	vst v63  }
0x66: {  	_ =	swait.ge [sflag:s15], $0x8000  }
0x67: {  	[sflag:s15] =	ssyncset.done $0x0  }
0x68: {  	s19 =	simm.s32 $0x3000;
	[sflag:s15] =	ssyncadd.s32 $0xFFFF8000  }
0x69: {  	[spmem:s2] =	stream.indirect.scatter.add.f32 [tilespmem:s14], [sflag:$0x1], $0x40, s19, s17, $0xb8;
	[tilespmem:$0x1F000] =	vst v63  }
0x6a: {  	_ =	swait.ge [sflag:s23], $0x8000  }
0x6b: {  	[sflag:s23] =	ssyncset.done $0x0  }
0x6c: {  	s21 =	simm.s32 $0xA00;
	[sflag:s23] =	ssyncadd.s32 $0xFFFF8000  }
0x6d: {  	[tilespmem:s18], [sflag:$0x3] =	stream.indirect.gather [hbm4b:s4+s17], $0x40, s21, s17, $0xb8;
	[tilespmem:$0x1F000] =	vst v63  }
0x6e: {  	_ =	swait.ge [sflag:s15], $0x8000  }
0x6f: {  	[sflag:s15] =	ssyncset.done $0x0  }
0x70: {  	s22 =	simm.s32 $0x3200;
	[sflag:s15] =	ssyncadd.s32 $0xFFFF8000  }
0x71: {  	[spmem:s2] =	stream.indirect.scatter.add.f32 [tilespmem:s18], [sflag:$0x2], $0x40, s22, s17, $0xb8;
	[tilespmem:$0x1F000] =	vst v63  }
0x72: {  	_ =	swait.ge [sflag:s20], $0x8000  }
0x73: {  	[sflag:s20] =	ssyncset.done $0x0  }
0x74: {  	s19 =	simm.s32 $0xC00;
	[sflag:s20] =	ssyncadd.s32 $0xFFFF8000  }
0x75: {  	[tilespmem:s14], [sflag:$0x3] =	stream.indirect.gather [hbm4b:s4+s17], $0x40, s19, s17, $0xb8;
	[tilespmem:$0x1F000] =	vst v63  }
0x76: {  	_ =	swait.ge [sflag:s15], $0x8000  }
0x77: {  	[sflag:s15] =	ssyncset.done $0x0  }
0x78: {  	s21 =	simm.s32 $0x3400;
	[sflag:s15] =	ssyncadd.s32 $0xFFFF8000  }
0x79: {  	[spmem:s2] =	stream.indirect.scatter.add.f32 [tilespmem:s14], [sflag:$0x1], $0x40, s21, s17, $0xb8;
	[tilespmem:$0x1F000] =	vst v63  }
0x7a: {  	_ =	swait.ge [sflag:s23], $0x8000  }
0x7b: {  	[sflag:s23] =	ssyncset.done $0x0  }
0x7c: {  	s22 =	simm.s32 $0xE00;
	[sflag:s23] =	ssyncadd.s32 $0xFFFF8000  }
0x7d: {  	[tilespmem:s18], [sflag:$0x3] =	stream.indirect.gather [hbm4b:s4+s17], $0x40, s22, s17, $0xb8;
	[tilespmem:$0x1F000] =	vst v63  }
0x7e: {  	_ =	swait.ge [sflag:s15], $0x8000  }
0x7f: {  	[sflag:s15] =	ssyncset.done $0x0  }
0x80: {  	s19 =	simm.s32 $0x3600;
	[sflag:s15] =	ssyncadd.s32 $0xFFFF8000  }
0x81: {  	[spmem:s2] =	stream.indirect.scatter.add.f32 [tilespmem:s18], [sflag:$0x2], $0x40, s19, s17, $0xb8;
	[tilespmem:$0x1F000] =	vst v63  }
0x82: {  	_ =	swait.ge [sflag:s20], $0x8000  }
0x83: {  	[sflag:s20] =	ssyncset.done $0x0  }
0x84: {  	s21 =	simm.s32 $0x1000;
	[sflag:s20] =	ssyncadd.s32 $0xFFFF8000  }
0x85: {  	[tilespmem:s14], [sflag:$0x3] =	stream.indirect.gather [hbm4b:s4+s17], $0x40, s21, s17, $0xb8;
	[tilespmem:$0x1F000] =	vst v63  }
0x86: {  	_ =	swait.ge [sflag:s15], $0x8000  }
0x87: {  	[sflag:s15] =	ssyncset.done $0x0  }
0x88: {  	s22 =	simm.s32 $0x3800;
	[sflag:s15] =	ssyncadd.s32 $0xFFFF8000  }
0x89: {  	[spmem:s2] =	stream.indirect.scatter.add.f32 [tilespmem:s14], [sflag:$0x1], $0x40, s22, s17, $0xb8;
	[tilespmem:$0x1F000] =	vst v63  }
0x8a: {  	_ =	swait.ge [sflag:s23], $0x8000  }
0x8b: {  	[sflag:s23] =	ssyncset.done $0x0  }
0x8c: {  	s19 =	simm.s32 $0x1200;
	[sflag:s23] =	ssyncadd.s32 $0xFFFF8000  }
0x8d: {  	[tilespmem:s18], [sflag:$0x3] =	stream.indirect.gather [hbm4b:s4+s17], $0x40, s19, s17, $0xb8;
	[tilespmem:$0x1F000] =	vst v63  }
0x8e: {  	_ =	swait.ge [sflag:s15], $0x8000  }
0x8f: {  	[sflag:s15] =	ssyncset.done $0x0  }
0x90: {  	s21 =	simm.s32 $0x3A00;
	[sflag:s15] =	ssyncadd.s32 $0xFFFF8000  }
0x91: {  	[spmem:s2] =	stream.indirect.scatter.add.f32 [tilespmem:s18], [sflag:$0x2], $0x40, s21, s17, $0xb8;
	[tilespmem:$0x1F000] =	vst v63  }
0x92: {  	_ =	swait.ge [sflag:s20], $0x8000  }
0x93: {  	[sflag:s20] =	ssyncset.done $0x0  }
0x94: {  	s22 =	simm.s32 $0x1400;
	[sflag:s20] =	ssyncadd.s32 $0xFFFF8000  }
0x95: {  	[tilespmem:s14], [sflag:$0x3] =	stream.indirect.gather [hbm4b:s4+s17], $0x40, s22, s17, $0xb8;
	[tilespmem:$0x1F000] =	vst v63  }
0x96: {  	_ =	swait.ge [sflag:s15], $0x8000  }
0x97: {  	[sflag:s15] =	ssyncset.done $0x0  }
0x98: {  	s19 =	simm.s32 $0x3C00;
	[sflag:s15] =	ssyncadd.s32 $0xFFFF8000  }
0x99: {  	[spmem:s2] =	stream.indirect.scatter.add.f32 [tilespmem:s14], [sflag:$0x1], $0x40, s19, s17, $0xb8;
	[tilespmem:$0x1F000] =	vst v63  }
0x9a: {  	_ =	swait.ge [sflag:s23], $0x8000  }
0x9b: {  	[sflag:s23] =	ssyncset.done $0x0  }
0x9c: {  	s21 =	simm.s32 $0x1600;
	[sflag:s23] =	ssyncadd.s32 $0xFFFF8000  }
0x9d: {  	[tilespmem:s18], [sflag:$0x3] =	stream.indirect.gather [hbm4b:s4+s17], $0x40, s21, s17, $0xb8;
	[tilespmem:$0x1F000] =	vst v63  }
0x9e: {  	_ =	swait.ge [sflag:s15], $0x8000  }
0x9f: {  	[sflag:s15] =	ssyncset.done $0x0  }
0xa0: {  	s22 =	simm.s32 $0x3E00;
	[sflag:s15] =	ssyncadd.s32 $0xFFFF8000  }
0xa1: {  	[spmem:s2] =	stream.indirect.scatter.add.f32 [tilespmem:s18], [sflag:$0x2], $0x40, s22, s17, $0xb8;
	[tilespmem:$0x1F000] =	vst v63  }
0xa2: {  	_ =	swait.ge [sflag:s20], $0x8000  }
0xa3: {  	[sflag:s20] =	ssyncset.done $0x0  }
0xa4: {  	s19 =	simm.s32 $0x1800;
	[sflag:s20] =	ssyncadd.s32 $0xFFFF8000  }
0xa5: {  	[tilespmem:s14], [sflag:$0x3] =	stream.indirect.gather [hbm4b:s4+s17], $0x40, s19, s17, $0xb8;
	[tilespmem:$0x1F000] =	vst v63  }
0xa6: {  	_ =	swait.ge [sflag:s15], $0x8000  }
0xa7: {  	[sflag:s15] =	ssyncset.done $0x0  }
0xa8: {  	s21 =	simm.s32 $0x4000;
	[sflag:s15] =	ssyncadd.s32 $0xFFFF8000  }
0xa9: {  	[spmem:s2] =	stream.indirect.scatter.add.f32 [tilespmem:s14], [sflag:$0x1], $0x40, s21, s17, $0xb8;
	[tilespmem:$0x1F000] =	vst v63  }
0xaa: {  	_ =	swait.ge [sflag:s23], $0x8000  }
0xab: {  	[sflag:s23] =	ssyncset.done $0x0  }
0xac: {  	s22 =	simm.s32 $0x1A00;
	[sflag:s23] =	ssyncadd.s32 $0xFFFF8000  }
0xad: {  	[tilespmem:s18], [sflag:$0x3] =	stream.indirect.gather [hbm4b:s4+s17], $0x40, s22, s17, $0xb8;
	[tilespmem:$0x1F000] =	vst v63  }
0xae: {  	_ =	swait.ge [sflag:s15], $0x8000  }
0xaf: {  	[sflag:s15] =	ssyncset.done $0x0  }
0xb0: {  	s19 =	simm.s32 $0x4200;
	[sflag:s15] =	ssyncadd.s32 $0xFFFF8000  }
0xb1: {  	[spmem:s2] =	stream.indirect.scatter.add.f32 [tilespmem:s18], [sflag:$0x2], $0x40, s19, s17, $0xb8;
	[tilespmem:$0x1F000] =	vst v63  }
0xb2: {  	_ =	swait.ge [sflag:s20], $0x8000  }
0xb3: {  	[sflag:s20] =	ssyncset.done $0x0  }
0xb4: {  	s21 =	simm.s32 $0x1C00;
	[sflag:s20] =	ssyncadd.s32 $0xFFFF8000  }
0xb5: {  	[tilespmem:s14], [sflag:$0x3] =	stream.indirect.gather [hbm4b:s4+s17], $0x40, s21, s17, $0xb8;
	[tilespmem:$0x1F000] =	vst v63  }
0xb6: {  	_ =	swait.ge [sflag:s15], $0x8000  }
0xb7: {  	[sflag:s15] =	ssyncset.done $0x0  }
0xb8: {  	s22 =	simm.s32 $0x4400;
	[sflag:s15] =	ssyncadd.s32 $0xFFFF8000  }
0xb9: {  	[spmem:s2] =	stream.indirect.scatter.add.f32 [tilespmem:s14], [sflag:$0x1], $0x40, s22, s17, $0xb8;
	[tilespmem:$0x1F000] =	vst v63  }
0xba: {  	_ =	swait.ge [sflag:s23], $0x8000  }
0xbb: {  	[sflag:s23] =	ssyncset.done $0x0  }
0xbc: {  	s19 =	simm.s32 $0x1E00;
	[sflag:s23] =	ssyncadd.s32 $0xFFFF8000  }
0xbd: {  	[tilespmem:s18], [sflag:$0x3] =	stream.indirect.gather [hbm4b:s4+s17], $0x40, s19, s17, $0xb8;
	[tilespmem:$0x1F000] =	vst v63  }
0xbe: {  	_ =	swait.ge [sflag:s15], $0x8000  }
0xbf: {  	[sflag:s15] =	ssyncset.done $0x0  }
0xc0: {  	s21 =	simm.s32 $0x4600;
	[sflag:s15] =	ssyncadd.s32 $0xFFFF8000  }
0xc1: {  	[spmem:s2] =	stream.indirect.scatter.add.f32 [tilespmem:s18], [sflag:$0x2], $0x40, s21, s17, $0xb8;
	[tilespmem:$0x1F000] =	vst v63  }
0xc2: {  	_ =	swait.ge [sflag:s20], $0x8000  }
0xc3: {  	[sflag:s20] =	ssyncset.done $0x0  }
0xc4: {  	[sflag:s20] =	ssyncadd.s32 $0xFFFF8000  }
0xc5: {  	[tilespmem:s14], [sflag:$0x3] =	stream.indirect.gather [hbm4b:s4+s17], $0x40, s24, s17, $0xb8;
	[tilespmem:$0x1F000] =	vst v63  }
0xc6: {  	_ =	swait.ge [sflag:s15], $0x8000  }
0xc7: {  	[sflag:s15] =	ssyncset.done $0x0  }
0xc8: {  	[sflag:s15] =	ssyncadd.s32 $0xFFFF8000  }
0xc9: {  	[spmem:s2] =	stream.indirect.scatter.add.f32 [tilespmem:s14], [sflag:$0x1], $0x40, s25, s17, $0xb8;
	[tilespmem:$0x1F000] =	vst v63  }
0xca: {  	_ =	swait.ge [sflag:s23], $0x8000  }
0xcb: {  	[sflag:s23] =	ssyncset.done $0x0  }
0xcc: {  	[sflag:s23] =	ssyncadd.s32 $0xFFFF8000  }
0xcd: {  	[tilespmem:s18], [sflag:$0x3] =	stream.indirect.gather [hbm4b:s4+s17], $0x40, s26, s17, $0xb8;
	[tilespmem:$0x1F000] =	vst v63  }
0xce: {  	_ =	swait.ge [sflag:s15], $0x8000  }
0xcf: {  	[sflag:s15] =	ssyncset.done $0x0  }
0xd0: {  	[sflag:s15] =	ssyncadd.s32 $0xFFFF8000  }
0xd1: {  	[spmem:s2] =	stream.indirect.scatter.add.f32 [tilespmem:s18], [sflag:$0x2], $0x40, s28, s17, $0xb8;
	[tilespmem:$0x1F000] =	vst v63  }
0xd2: {  	_ =	swait.ge [sflag:s20], $0x8000  }
0xd3: {  	[sflag:s20] =	ssyncset.done $0x0  }
0xd4: {  	[sflag:s20] =	ssyncadd.s32 $0xFFFF8000  }
0xd5: {  	[tilespmem:s14], [sflag:$0x3] =	stream.indirect.gather [hbm4b:s4+s17], $0x40, s29, s17, $0xb8;
	[tilespmem:$0x1F000] =	vst v63  }
0xd6: {  	_ =	swait.ge [sflag:s15], $0x8000  }
0xd7: {  	[sflag:s15] =	ssyncset.done $0x0  }
0xd8: {  	[sflag:s15] =	ssyncadd.s32 $0xFFFF8000  }
0xd9: {  	[spmem:s2] =	stream.indirect.scatter.add.f32 [tilespmem:s14], [sflag:$0x1], $0x40, s30, s17, $0xb8;
	[tilespmem:$0x1F000] =	vst v63  }
0xda: {  	_ =	swait.ge [sflag:s23], $0x8000  }
0xdb: {  	[sflag:s23] =	ssyncset.done $0x0  }
0xdc: {  	[sflag:s23] =	ssyncadd.s32 $0xFFFF8000  }
0xdd: {  	[tilespmem:s18], [sflag:$0x3] =	stream.indirect.gather [hbm4b:s4+s17], $0x40, s31, s17, $0xb8;
	[tilespmem:$0x1F000] =	vst v63  }
0xde: {  	_ =	swait.ge [sflag:s15], $0x8000  }
0xdf: {  	[sflag:s15] =	ssyncset.done $0x0  }
0xe0: {  	[sflag:s15] =	ssyncadd.s32 $0xFFFF8000  }
0xe1: {  	[spmem:s2] =	stream.indirect.scatter.add.f32 [tilespmem:s18], [sflag:$0x2], $0x40, s1, s17, $0xb8;
	[tilespmem:$0x1F000] =	vst v63  }
0xe2: {  	_ =	swait.ge [sflag:s20], $0x8000  }
0xe3: {  	[sflag:s20] =	ssyncset.done $0x0  }
0xe4: {  	[sflag:s20] =	ssyncadd.s32 $0xFFFF8000  }
0xe5: {  	s22 =	stileid.u32;
	_ =	swait.ge [sflag:s23], $0x8000  }
0xe6: {  	s3 =	sadd.s32 $0x1, s3;
	s0 =	sshll.u32 s22, $0x6;
	[sflag:s23] =	ssyncset.done $0x0  }
0xe7: {  	p0 =	sne.s32 s3, s13;
	s0 =	sor.u32 $0x1C03, s0;
	[sflag:s23] =	ssyncadd.s32 $0xFFFF8000  }
.Ltmp3:
0xe8: {  	s19 =	sshrl.u32 s5, $0x3;
	[bflag:$0x0] =	sbarrier.arrive $0xFFFF;
	(pc) =	sbr.rel @p0 .LBB2_1-.Ltmp3, $4  }
0xe9: {  	[hbm:s12], [sflag:s0] =	dma.local [spmem:s19], $0x1400  }
0xea: {  	_ =	swait.ge [sflag:s15], $0x1400  }
0xeb: {  	[sflag:s15] =	ssyncset.done $0x0  }
0xec: {  	[sflag:s15] =	ssyncadd.s32 $0xFFFFEC00  }
0xed: {  	_ =	sfence.sel $0x180000  }
0xee: {  	[bflag:$0x0] =	sbarrier.arrive $0xFFFF  }
0xef: {  	_ =	strace $0x9000004D  }
0xf0: {  	s0 =	stileid.u32;
	[bflag:$0x2] =	sbarrier.arrive $0xFFFF  }
0xf1: {  	p0 =	sne.s32 s0, $0x0;
	s0 =	rddreg [dreg:$0x3]  }
0xf2: {  	s0 =	sadd.s32 @!p0 $0x100000, s0  }
0xf3: {  	[sflag:s0] =	ssyncadd.tile.s32 @!p0 $0x1;
	_ =	shalt  }
.Lfunc_end2:
_tile_overlayer_lowered:
.L_overlay_start_2:
0xf4: {  	(tag) =	ssettag $0x2  }
0xf5: {  	s0 =	rddreg [dreg:$0x0];
	s2 =	stileid.u32  }
0xf6: {  	s1 =	rddreg [dreg:$0x1];
	p0 =	sne.s32 s2, $0x0  }
0xf7: {  	s3 =	rddreg [dreg:$0x2];
	[bflag:$0x3] =	sbarrier.arrive $0xFFFF;
	s2 =	simm.s32 @!p0 $0x1C03  }
0xf8: {  	[timem:s3], [sflag:s2] =	dma.local @!p0 [hbm:s0], s1  }
0xf9: {  	s0 =	simm.s32 @!p0 $0x3  }
0xfa: {  	_ =	swait.ge @!p0 [sflag:s0], s1  }
0xfb: {  	s1 =	ssub.s32 @!p0 $0x0, s1;
	[sflag:s0] =	ssyncset.done @!p0 $0x0  }
0xfc: {  	[sflag:s0] =	ssyncadd.s32 @!p0 s1  }
0xfd: {  	[bflag:$0x3] =	sbarrier.arrive $0xFFFF  }
0xfe: {  	_ =	shalt  }

// kernel: kernel.20.cloned.1.call-start
scs
__scs_entry_jumppad:
0x0: {  	(pc) =	sbr.rel $0x88, $3  }
0x1: {  	(tag) =	ssettag $0x0;
	lr =	simm.s32 $0x1  }
0x2: {  	[smem:$0x3F90] =	sst lr;
	_ =	strace $0xD0000000  }
0x3: {  	_ = 	snop  }
0x4: {  	_ = 	snop  }
0x5: {  	_ = 	snop  }
0x6: {  	_ = 	snop  }
0x7: {  	_ = 	snop  }
__scs_overlays_trampoline_lowered:
0x8: {  	[smem:$0x3F9F] =	sst s0  }
0x9: {  	[smem:$0x3FA0] =	sst s1  }
0xa: {  	[smem:$0x3FA1] =	sst s2  }
0xb: {  	[smem:$0x3FA2] =	sst s3  }
0xc: {  	[smem:$0x3FA3] =	sst s4  }
0xd: {  	[smem:$0x3FA4] =	sst s5  }
0xe: {  	[smem:$0x3FA5] =	sst s6  }
0xf: {  	[smem:$0x3FA6] =	sst s7  }
0x10: {  	[smem:$0x3FA7] =	sst s8  }
0x11: {  	[smem:$0x3FA8] =	sst s9;
	s0 =	simm.s32 @!p0 $0x0  }
0x12: {  	s1 =	sld [smem:$0x3F8E];
	s0 =	simm.s32 @p0 $0x1  }
0x13: {  	[smem:$0x3FA9] =	sst s0;
	s0 =	simm.s32 @!p1 $0x0  }
0x14: {  	s2 =	sld [smem:$0x3F8D];
	s0 =	simm.s32 @p1 $0x1  }
0x15: {  	[smem:$0x3FAA] =	sst s0;
	s0 =	simm.s32 @!p2 $0x0  }
0x16: {  	s3 =	sld [smem:$0x3FDB];
	s0 =	simm.s32 @p2 $0x1  }
0x17: {  	s4 =	simm.s32 $0x1BF5;
	[smem:$0x3FAC] =	sst s0  }
0x18: {  	s0 =	sld [smem:$0x3F8F];
	_ =	swait.ge [sflag:s4], $0x0  }
0x19: {  	s7 =	sld [smem:$0x3F90]  }
0x1a: {  	s8 =	sadd.s32 $0xFFFFE003, lr  }
0x1b: {  	s9 =	sadd.s32 $0xFFFFFEF7, lr;
	s5 =	simm.s32 $0xFFFFFFFF;
	p2 =	slt.u32 s8, $0xFFFFF086  }
0x1c: {  	p1 =	slt.u32 s9, $0xF7A;
	s5 =	simm.s32 @!p2 $0x0  }
0x1d: {  	s5 =	simm.s32 @p1 $0x1;
	p0 =	seq.s32 s7, s2  }
0x1e: {  	s7 =	smul.u32 @!p0 $0xF7A, s2;
	p2 =	seq.s32 @!p0 s5, $0x0  }
0x1f: {  	s9 =	smul.u32 $0xF7A, s1;
	s8 =	simm.s32 @!p0 $0x1BF5;
	p2 =	por !p2, p0  }
0x20: {  	[sflag:s8] =	ssyncset.s32 @!p0 $0xFFFFF086;
	s6 =	sadd.s32 @!p0 s3, s7;
	s7 =	simm.s32 @!p0 $0x108  }
0x21: {  	s3 =	sadd.s32 s3, s9;
	s6 =	sadd.s32 @!p0 $0x88, s6;
	s7 =	simm.s32 @p2 $0x1082  }
0x22: {  	[simem:s7], [sflag:s8] =	dma.local @!p0 [hbm:s6], $0xF7A  }
0x23: {  	s9 =	sor.u32 $0xD0000000, s2;
	s6 =	simm.s32 $0x108;
	_ =	swait.ge @!p0 [sflag:s8], $0x0  }
0x24: {  	s3 =	sadd.s32 $0x88, s3;
	s6 =	simm.s32 @!p1 $0x1082;
	[sflag:s4] =	ssyncset.s32 $0xFFFFF086  }
0x25: {  	[simem:s6], [sflag:s4] =	dma.local [hbm:s3], $0xF7A  }
0x26: {  	[smem:$0x3F90] =	sst s1;
	(tag) =	ssettag s2;
	_ =	strace s9  }
0x27: {  	s1 =	sld [smem:$0x3FA0]  }
0x28: {  	s2 =	sld [smem:$0x3FA1]  }
0x29: {  	s4 =	sld [smem:$0x3FA3]  }
0x2a: {  	p0 =	seq.s32 s5, $0x0;
	s5 =	sld [smem:$0x3FA4]  }
0x2b: {  	s6 =	sld [smem:$0x3FA5]  }
0x2c: {  	s7 =	sld [smem:$0x3FA6]  }
0x2d: {  	s3 =	simm.s32 $0x108;
	s8 =	sld [smem:$0x3FA7]  }
0x2e: {  	s3 =	simm.s32 @!p0 $0x1082;
	s9 =	sld [smem:$0x3FA8]  }
0x2f: {  	lr =	sadd.s32 s0, s3;
	s0 =	sld [smem:$0x3F9F]  }
0x30: {  	s3 =	sld [smem:$0x3FA2]  }
0x31: {  	[smem:$0x3FAB] =	sst s10  }
0x32: {  	s10 =	sld [smem:$0x3FA9];
	_ =	sdelay $0x3  }
0x33: {  	p0 =	seq.s32 s10, $0x1;
	s10 =	sld [smem:$0x3FAB];
	_ =	sdelay $0x3  }
0x34: {  	[smem:$0x3FAB] =	sst s10  }
0x35: {  	s10 =	sld [smem:$0x3FAA];
	_ =	sdelay $0x3  }
0x36: {  	p1 =	seq.s32 s10, $0x1;
	s10 =	sld [smem:$0x3FAB];
	_ =	sdelay $0x3  }
0x37: {  	[smem:$0x3FAB] =	sst s10  }
0x38: {  	s10 =	sld [smem:$0x3FAC]  }
0x39: {  	_ = 	snop;
	(pc) =	sbr.ind lr, $3  }
0x3a: {  	_ = 	snop  }
0x3b: {  	_ = 	snop  }
0x3c: {  	p2 =	seq.s32 s10, $0x1;
	s10 =	sld [smem:$0x3FAB]  }
0x3d: {  	_ =	shalt  }
0x3e: {  	_ =	shalt  }
0x3f: {  	_ =	shalt  }
0x40: {  	_ =	shalt  }
0x41: {  	_ =	shalt  }
0x42: {  	_ =	shalt  }
0x43: {  	_ =	shalt  }
0x44: {  	_ =	shalt  }
0x45: {  	_ =	shalt  }
0x46: {  	_ =	shalt  }
0x47: {  	_ =	shalt  }
0x48: {  	_ =	shalt  }
0x49: {  	_ =	shalt  }
0x4a: {  	_ =	shalt  }
0x4b: {  	_ =	shalt  }
0x4c: {  	_ =	shalt  }
0x4d: {  	_ =	shalt  }
0x4e: {  	_ =	shalt  }
0x4f: {  	_ =	shalt  }
0x50: {  	_ =	shalt  }
0x51: {  	_ =	shalt  }
0x52: {  	_ =	shalt  }
0x53: {  	_ =	shalt  }
0x54: {  	_ =	shalt  }
0x55: {  	_ =	shalt  }
0x56: {  	_ =	shalt  }
0x57: {  	_ =	shalt  }
0x58: {  	_ =	shalt  }
0x59: {  	_ =	shalt  }
0x5a: {  	_ =	shalt  }
0x5b: {  	_ =	shalt  }
0x5c: {  	_ =	shalt  }
0x5d: {  	_ =	shalt  }
0x5e: {  	_ =	shalt  }
0x5f: {  	_ =	shalt  }
0x60: {  	_ =	shalt  }
0x61: {  	_ =	shalt  }
0x62: {  	_ =	shalt  }
0x63: {  	_ =	shalt  }
0x64: {  	_ =	shalt  }
0x65: {  	_ =	shalt  }
0x66: {  	_ =	shalt  }
0x67: {  	_ =	shalt  }
0x68: {  	_ =	shalt  }
0x69: {  	_ =	shalt  }
0x6a: {  	_ =	shalt  }
0x6b: {  	_ =	shalt  }
0x6c: {  	_ =	shalt  }
0x6d: {  	_ =	shalt  }
0x6e: {  	_ =	shalt  }
0x6f: {  	_ =	shalt  }
0x70: {  	_ =	shalt  }
0x71: {  	_ =	shalt  }
0x72: {  	_ =	shalt  }
0x73: {  	_ =	shalt  }
0x74: {  	_ =	shalt  }
0x75: {  	_ =	shalt  }
0x76: {  	_ =	shalt  }
0x77: {  	_ =	shalt  }
0x78: {  	_ =	shalt  }
0x79: {  	_ =	shalt  }
0x7a: {  	_ =	shalt  }
0x7b: {  	_ =	shalt  }
0x7c: {  	_ =	shalt  }
0x7d: {  	_ =	shalt  }
0x7e: {  	_ =	shalt  }
0x7f: {  	_ =	shalt  }
0x80: {  	_ =	shalt  }
0x81: {  	_ =	shalt  }
0x82: {  	_ =	shalt  }
0x83: {  	_ =	shalt  }
0x84: {  	_ =	shalt  }
0x85: {  	_ =	shalt  }
0x86: {  	_ =	shalt  }
0x87: {  	_ =	shalt  }
.Lfunc_end0:
.L_simem_size_0:
called_computation.2_lowered:
.L_overlay_start_0:
0x88: {  	s2 =	sld [smem:$0x3FD9]  }
0x89: {  	s3 =	sld [smem:$0x3FFE];
	_ =	sdelay $0x1  }
0x8a: {  	s1 =	srdreg.scid  }
0x8b: {  	s0 =	sand.u32 $0x1, s1  }
0x8c: {  	s17 =	sshll.u32 s0, $0xA;
	s2 =	sadd.s32 s3, s2  }
0x8d: {  	s2 =	sadd.s32 s2, s17  }
0x8e: {  	[smem:$0x3FB7] =	sst s2  }
0x8f: {  	_ = 	snop  }
0x90: {  	s2 =	sld [smem:$0x3FD0];
	(tm) =	ssettm $0x1  }
0x91: {  	s18 =	sld [smem:$0x3FFB];
	_ =	sdelay $0x3  }
0x92: {  	_ =	strace s18  }
0x93: {  	s3 =	sld [smem:$0x3FFC];
	_ =	sdelay $0x3  }
0x94: {  	_ =	strace s3  }
0x95: {  	s3 =	sld [smem:$0x3FFD];
	_ =	sdelay $0x3  }
0x96: {  	_ =	strace s3  }
0x97: {  	_ =	strace $0x8FFFFFFF  }
0x98: {  	s19 =	sld [smem:$0x3FDB];
	_ =	sdelay $0x1  }
0x99: {  	s4 =	simm.s32 $_scs_section_size  }
0x9a: {  	s5 =	simm.s32 $_size__tile_overlayer_lowered;
	s6 =	simm.s32 $_tile_overlayer_lowered  }
0x9b: {  	s22 =	simm.s32 $0x1BFF;
	s21 =	sshll.u32 s6, $0x1;
	s3 =	sadd.s32 s4, s19  }
0x9c: {  	s7 =	simm.s32 $0x0;
	s20 =	sshll.u32 s5, $0x1;
	s5 =	sadd.s32 s21, s3  }
0x9d: {  	[timem:s7], [sflag:s22] =	dma.local [hbm:s5], s20  }
0x9e: {  	_ =	swait.ge [sflag:s22], s20  }
0x9f: {  	s4 =	ssub.s32 $0x0, s20;
	[sflag:s22] =	ssyncset.done $0x0  }
0xa0: {  	[sflag:s22] =	ssyncadd.s32 s4;
	_ =	sdelay $0x1  }
0xa1: {  	s23 =	simm.s32 $0x1B8B  }
0xa2: {  	_ =	swait.ge [sflag:s23], $0x1  }
0xa3: {  	[sflag:s23] =	ssyncset.done $0x0  }
0xa4: {  	s25 =	simm.s32 $0x1B8E;
	s24 =	sld [smem:$0x3FFE];
	[sflag:s23] =	ssyncadd.s32 $0xFFFFFFFF  }
0xa5: {  	s26 =	simm.s32 $execute0_lowered;
	[smem:$0x3FD2] =	sst s25  }
0xa6: {  	s5 =	sshll.u32 s26, $0x1;
	_ =	strace $0x80000049;
	[dreg:$0x1] =	wrdreg $0xFFFFFFFF  }
0xa7: {  	s28 =	simm.s32 $_size_execute0_lowered;
	s3 =	sadd.s32 s3, s5;
	[dreg:$0x0] =	wrdreg $0x0  }
0xa8: {  	s5 =	sshll.u32 s28, $0x1;
	[dreg:$0x2] =	wrdreg s3  }
0xa9: {  	[dreg:$0x3] =	wrdreg s5  }
0xaa: {  	[dreg:$0x4] =	wrdreg $0xC0  }
0xab: {  	_ =	task [dreg:s7], $0x5FFFF  }
0xac: {  	[dreg:$0x1] =	wrdreg $0xFFFFFFFF  }
0xad: {  	[dreg:$0x0] =	wrdreg $0x60  }
0xae: {  	[dreg:$0x2] =	wrdreg s24  }
0xaf: {  	[dreg:$0x3] =	wrdreg s2  }
0xb0: {  	[dreg:$0x4] =	wrdreg $0x150000  }
0xb1: {  	[dreg:$0x5] =	wrdreg $0xA  }
0xb2: {  	_ =	task.clear_ibuf [dreg:s7], $0x6FFFF;
	_ =	strace $0x90000049  }
0xb3: {  	s29 =	simm.s32 $0xA;
	_ =	strace $0x8000004B  }
0xb4: {  	_ =	swait.ge [sflag:s29], $0x1  }
0xb5: {  	[sflag:s29] =	ssyncadd.s32 $0xFFFFFFFF  }
0xb6: {  	_ =	strace $0x9000004B  }
0xb7: {  	_ =	sfence  }
0xb8: {  	s30 =	sld [smem:$0x0];
	_ =	sdelay $0x2  }
0xb9: {  	s31 =	sshll.u32 s1, $0xD;
	s1 =	sshrl.u32 s1, $0x2  }
0xba: {  	s3 =	sand.u32 $0x4000, s31;
	s1 =	sadd.s32 s1, s30  }
0xbb: {  	s0 =	sor.u32 s3, s0;
	s1 =	sshll.u32 s1, $0x11  }
0xbc: {  	s0 =	sor.u32 s1, s0  }
0xbd: {  	s0 =	sadd.s32 $0x8F2B, s0  }
0xbe: {  	[sflag:s0] =	ssyncadd.remote.s32 $0x1  }
0xbf: {  	_ =	sfence.sel $0xFFFF  }
0xc0: {  	[dreg:$0x0] =	wrdreg $0xFFFFFFFF;
	(pc) =	sbr.abs _section_cstart, $3  }
0xc1: {  	[dreg:$0x1] =	wrdreg $0xFFFFFFFF  }
0xc2: {  	_ =	task.clear_ibuf [dreg:s7], $0x2FFFF;
	_ =	strace $0x9FFFFFFF  }
0xc3: {  	(tm) =	ssettm $0x7FFFFFFF  }
tec
execute0_lowered:
.L_overlay_start_1:
0x0: {  	(tag) =	ssettag $0x1  }
0x1: {  	s0 =	srdreg.scid;
	s1 =	rddreg [dreg:$0x0]  }
0x2: {  	s7 =	stileid.u32;
	s3 =	rddreg [dreg:$0x1];
	s26 =	simm.s32 $0x0  }
0x3: {  	s14 =	simm.s32 $0x5000;
	s15 =	simm.s32 $0x3;
	s16 =	simm.s32 $0x2800  }
0x4: {  	s17 =	simm.s32 $0x200;
	s18 =	simm.s32 $0xD000;
	s20 =	simm.s32 $0x1  }
0x5: {  	s23 =	simm.s32 $0x2;
	s24 =	simm.s32 $0x2000;
	s25 =	simm.s32 $0x4800  }
0x6: {  	s28 =	simm.s32 $0x4A00;
	s29 =	simm.s32 $0x2400;
	s30 =	simm.s32 $0x4C00  }
0x7: {  	s31 =	simm.s32 $0x2600;
	s0 =	sand.u32 $0x1, s0;
	s5 =	smul.u32 $0xA000, s7  }
0x8: {  	[smem:$0x7FF] =	sst s26;
	s26 =	simm.s32 $0x2200;
	s2 =	sshll.u32 s0, $0x4  }
0x9: {  	s6 =	smul.u32 $0xA0000, s0;
	s0 =	ssub.s32 $0x2, s0;
	s4 =	sor.u32 s7, s2  }
0xa: {  	s2 =	rddreg [dreg:$0x2];
	_ =	strace $0x8000004A;
	s7 =	smul.u32 $0x28000, s7  }
0xb: {  	s8 =	sshrl.u32 s0, $0x1;
	s10 =	smul.u32 $0x500, s4;
	s4 =	sadd.s32 $0xF000, s1  }
0xc: {  	s6 =	sadd.s32 s5, s6;
	s0 =	ssub.s32 s0, s8;
	s5 =	sadd.s32 s5, s2  }
0xd: {  	s6 =	sshrl.u32 s6, $0x3;
	s7 =	sshrl.u32 s7, $0x2;
	s13 =	smax.u32 s0, $0x1  }
0xe: {  	s11 =	sadd.s32 s10, s1;
	s1 =	sadd.s32 s6, s1;
	s9 =	sadd.s32 s7, s2  }
0xf: {  	s10 =	sadd.s32 s3, s10;
	s3 =	simm.s32 $0x0;
	s6 =	sadd.s32 $0x2000, s9  }
0x10: {  	s7 =	sadd.s32 $0x4000, s9;
	s8 =	sadd.s32 $0x6000, s9;
	s9 =	sadd.s32 $0x8000, s9  }
0x11: {  	v0 =	vimm.f32 $0.0e+00;
	s11 =	sadd.s32 $0x5000, s11;
	s12 =	sadd.s32 $0x37000, s1;
	s1 =	simm.s32 $0x4E00  }
.LBB2_1:
0x12: {  	s19 =	simm.s32 $0x100;
	s0 =	simm.s32 $0x0  }
.LBB2_2:
0x13: {  	p0 =	sne.s32 s19, $0x7F00;
	[tilespmem:s0+$0x5030] =	vst v0;
	s21 =	smov.u32 s19;
	s19 =	sadd.s32 $0x100, s19  }
.Ltmp0:
0x14: {  	[tilespmem:s0+$0x5020] =	vst v0;
	(pc) =	sbr.rel @p0 .LBB2_2-.Ltmp0, $3  }
0x15: {  	[tilespmem:s0+$0x5000] =	vst v0  }
0x16: {  	[tilespmem:s0+$0x5010] =	vst v0;
	_ =	sdelay $0x1  }
0x17: {  	s0 =	sshra.s32 s21, $0x2  }
0x18: {  	[tilespmem:s0+$0x5030] =	vst v0  }
0x19: {  	[tilespmem:s0+$0x5020] =	vst v0  }
0x1a: {  	[tilespmem:s0+$0x5000] =	vst v0  }
0x1b: {  	[tilespmem:s0+$0x5010] =	vst v0  }
0x1c: {  	[spmem:s5] =	stream.linear.scatter [tilespmem:s14], [sflag:$0x3], $0x2000, $0x38;
	[tilespmem:$0x1F000] =	vst v63  }
0x1d: {  	_ =	swait.ge [sflag:s15], $0x2000  }
0x1e: {  	[sflag:s15] =	ssyncset.done $0x0  }
0x1f: {  	[sflag:s15] =	ssyncadd.s32 $0xFFFFE000  }
0x20: {  	[spmem:s6] =	stream.linear.scatter [tilespmem:s14], [sflag:$0x3], $0x2000, $0x38;
	[tilespmem:$0x1F000] =	vst v63  }
0x21: {  	_ =	swait.ge [sflag:s15], $0x2000  }
0x22: {  	[sflag:s15] =	ssyncset.done $0x0  }
0x23: {  	[sflag:s15] =	ssyncadd.s32 $0xFFFFE000  }
0x24: {  	[spmem:s7] =	stream.linear.scatter [tilespmem:s14], [sflag:$0x3], $0x2000, $0x38;
	[tilespmem:$0x1F000] =	vst v63  }
0x25: {  	_ =	swait.ge [sflag:s15], $0x2000  }
0x26: {  	[sflag:s15] =	ssyncset.done $0x0  }
0x27: {  	[sflag:s15] =	ssyncadd.s32 $0xFFFFE000  }
0x28: {  	[spmem:s8] =	stream.linear.scatter [tilespmem:s14], [sflag:$0x3], $0x2000, $0x38;
	[tilespmem:$0x1F000] =	vst v63  }
0x29: {  	_ =	swait.ge [sflag:s15], $0x2000  }
0x2a: {  	[sflag:s15] =	ssyncset.done $0x0  }
0x2b: {  	[sflag:s15] =	ssyncadd.s32 $0xFFFFE000  }
0x2c: {  	[spmem:s9] =	stream.linear.scatter [tilespmem:s14], [sflag:$0x3], $0x2000, $0x38;
	[tilespmem:$0x1F000] =	vst v63  }
0x2d: {  	_ =	swait.ge [sflag:s15], $0x2000  }
0x2e: {  	[sflag:s15] =	ssyncset.done $0x0  }
0x2f: {  	s0 =	simm.s32 $0x0;
	[sflag:s15] =	ssyncadd.s32 $0xFFFFE000  }
0x30: {  	[tilespmem:s0], [sflag:$0x3] =	stream.linear.gather [hbm4b:s10+s0], $0x2800, $0x38;
	[tilespmem:$0x1F000] =	vst v63  }
0x31: {  	_ =	swait.ge [sflag:s15], $0x2800  }
0x32: {  	[sflag:s15] =	ssyncset.done $0x0  }
0x33: {  	[sflag:s15] =	ssyncadd.s32 $0xFFFFD800  }
0x34: {  	[tilespmem:s16], [sflag:$0x3] =	stream.linear.gather [hbm4b:s11+s0], $0x2800, $0x38;
	[tilespmem:$0x1F000] =	vst v63  }
0x35: {  	_ =	swait.ge [sflag:s15], $0x2800  }
0x36: {  	[sflag:s15] =	ssyncset.done $0x0  }
0x37: {  	s19 =	simm.s32 $0x0;
	[sflag:s15] =	ssyncadd.s32 $0xFFFFD800  }
.LBB2_4:
0x38: {  	v1 =	vmov s0;
	_ =	sdelay $0x3  }
0x39: {  	s21 =	simm.s32 $0x0;
	s22 =	simm.s32 $0x40  }
.LBB2_5:
0x3a: {  	p0 =	sne.s32 s22, $0x7C0;
	v2 =	vld.idx.msk [tilespmem:v1+s21+$0x0 ss:$0x1], $0xffff;
	_ =	sdelay $0x3  }
.Ltmp1:
0x3b: {  	(pc) =	sbr.rel @p0 .LBB2_5-.Ltmp1, $4  }
0x3c: {  	_ = 	snop  }
0x3d: {  	v2 =	vshll.u32 v2, $0x1  }
0x3e: {  	v2 =	vor.u32 $0x1, v2  }
0x3f: {  	[tilespmem:v1+s21+$0x0 ss:$0x1] =	vst.idx.msk $0xffff, v2;
	s21 =	sshra.s32 s22, $0x2;
	s22 =	sadd.s32 $0x40, s22  }
0x40: {  	_ =	sdelay $0x3  }
0x41: {  	v2 =	vld.idx.msk [tilespmem:v1+s21+$0x0 ss:$0x1], $0xffff  }
0x42: {  	s19 =	sadd.s32 $0x1, s19  }
0x43: {  	p0 =	sne.s32 s19, $0x14  }
.Ltmp2:
0x44: {  	_ = 	snop;
	(pc) =	sbr.rel @p0 .LBB2_4-.Ltmp2, $4  }
0x45: {  	_ = 	snop  }
0x46: {  	v2 =	vshll.u32 v2, $0x1  }
0x47: {  	v2 =	vor.u32 $0x1, v2  }
0x48: {  	s0 =	sadd.s32 $0x200, s0;
	[tilespmem:v1+s21+$0x0 ss:$0x1] =	vst.idx.msk $0xffff, v2  }
0x49: {  	[bflag:$0x0] =	sbarrier.arrive $0xFFFF;
	s0 =	simm.s32 $0x0  }
0x4a: {  	[tilespmem:s14], [sflag:$0x3] =	stream.indirect.gather [hbm4b:s4+s17], $0x40, s0, s17, $0xb8;
	[tilespmem:$0x1F000] =	vst v63  }
0x4b: {  	_ =	swait.ge [sflag:s15], $0x8000  }
0x4c: {  	[sflag:s15] =	ssyncset.done $0x0  }
0x4d: {  	[sflag:s15] =	ssyncadd.s32 $0xFFFF8000  }
0x4e: {  	[spmem:s2] =	stream.indirect.scatter.add.f32 [tilespmem:s14], [sflag:$0x1], $0x40, s16, s17, $0xb8;
	[tilespmem:$0x1F000] =	vst v63  }
0x4f: {  	_ = 	snop  }
0x50: {  	[tilespmem:s18], [sflag:$0x3] =	stream.indirect.gather [hbm4b:s4+s17], $0x40, s17, s17, $0xb8;
	[tilespmem:$0x1F000] =	vst v63  }
0x51: {  	_ =	swait.ge [sflag:s15], $0x8000  }
0x52: {  	[sflag:s15] =	ssyncset.done $0x0  }
0x53: {  	s19 =	simm.s32 $0x2A00;
	[sflag:s15] =	ssyncadd.s32 $0xFFFF8000  }
0x54: {  	[spmem:s2] =	stream.indirect.scatter.add.f32 [tilespmem:s18], [sflag:$0x2], $0x40, s19, s17, $0xb8;
	[tilespmem:$0x1F000] =	vst v63  }
0x55: {  	_ =	swait.ge [sflag:s20], $0x8000  }
0x56: {  	[sflag:s20] =	ssyncset.done $0x0  }
0x57: {  	s21 =	simm.s32 $0x400;
	[sflag:s20] =	ssyncadd.s32 $0xFFFF8000  }
0x58: {  	[tilespmem:s14], [sflag:$0x3] =	stream.indirect.gather [hbm4b:s4+s17], $0x40, s21, s17, $0xb8;
	[tilespmem:$0x1F000] =	vst v63  }
0x59: {  	_ =	swait.ge [sflag:s15], $0x8000  }
0x5a: {  	[sflag:s15] =	ssyncset.done $0x0  }
0x5b: {  	s22 =	simm.s32 $0x2C00;
	[sflag:s15] =	ssyncadd.s32 $0xFFFF8000  }
0x5c: {  	[spmem:s2] =	stream.indirect.scatter.add.f32 [tilespmem:s14], [sflag:$0x1], $0x40, s22, s17, $0xb8;
	[tilespmem:$0x1F000] =	vst v63  }
0x5d: {  	_ =	swait.ge [sflag:s23], $0x8000  }
0x5e: {  	[sflag:s23] =	ssyncset.done $0x0  }
0x5f: {  	s19 =	simm.s32 $0x600;
	[sflag:s23] =	ssyncadd.s32 $0xFFFF8000  }
0x60: {  	[tilespmem:s18], [sflag:$0x3] =	stream.indirect.gather [hbm4b:s4+s17], $0x40, s19, s17, $0xb8;
	[tilespmem:$0x1F000] =	vst v63  }
0x61: {  	_ =	swait.ge [sflag:s15], $0x8000  }
0x62: {  	[sflag:s15] =	ssyncset.done $0x0  }
0x63: {  	s21 =	simm.s32 $0x2E00;
	[sflag:s15] =	ssyncadd.s32 $0xFFFF8000  }
0x64: {  	[spmem:s2] =	stream.indirect.scatter.add.f32 [tilespmem:s18], [sflag:$0x2], $0x40, s21, s17, $0xb8;
	[tilespmem:$0x1F000] =	vst v63  }
0x65: {  	_ =	swait.ge [sflag:s20], $0x8000  }
0x66: {  	[sflag:s20] =	ssyncset.done $0x0  }
0x67: {  	s22 =	simm.s32 $0x800;
	[sflag:s20] =	ssyncadd.s32 $0xFFFF8000  }
0x68: {  	[tilespmem:s14], [sflag:$0x3] =	stream.indirect.gather [hbm4b:s4+s17], $0x40, s22, s17, $0xb8;
	[tilespmem:$0x1F000] =	vst v63  }
0x69: {  	_ =	swait.ge [sflag:s15], $0x8000  }
0x6a: {  	[sflag:s15] =	ssyncset.done $0x0  }
0x6b: {  	s19 =	simm.s32 $0x3000;
	[sflag:s15] =	ssyncadd.s32 $0xFFFF8000  }
0x6c: {  	[spmem:s2] =	stream.indirect.scatter.add.f32 [tilespmem:s14], [sflag:$0x1], $0x40, s19, s17, $0xb8;
	[tilespmem:$0x1F000] =	vst v63  }
0x6d: {  	_ =	swait.ge [sflag:s23], $0x8000  }
0x6e: {  	[sflag:s23] =	ssyncset.done $0x0  }
0x6f: {  	s21 =	simm.s32 $0xA00;
	[sflag:s23] =	ssyncadd.s32 $0xFFFF8000  }
0x70: {  	[tilespmem:s18], [sflag:$0x3] =	stream.indirect.gather [hbm4b:s4+s17], $0x40, s21, s17, $0xb8;
	[tilespmem:$0x1F000] =	vst v63  }
0x71: {  	_ =	swait.ge [sflag:s15], $0x8000  }
0x72: {  	[sflag:s15] =	ssyncset.done $0x0  }
0x73: {  	s22 =	simm.s32 $0x3200;
	[sflag:s15] =	ssyncadd.s32 $0xFFFF8000  }
0x74: {  	[spmem:s2] =	stream.indirect.scatter.add.f32 [tilespmem:s18], [sflag:$0x2], $0x40, s22, s17, $0xb8;
	[tilespmem:$0x1F000] =	vst v63  }
0x75: {  	_ =	swait.ge [sflag:s20], $0x8000  }
0x76: {  	[sflag:s20] =	ssyncset.done $0x0  }
0x77: {  	s19 =	simm.s32 $0xC00;
	[sflag:s20] =	ssyncadd.s32 $0xFFFF8000  }
0x78: {  	[tilespmem:s14], [sflag:$0x3] =	stream.indirect.gather [hbm4b:s4+s17], $0x40, s19, s17, $0xb8;
	[tilespmem:$0x1F000] =	vst v63  }
0x79: {  	_ =	swait.ge [sflag:s15], $0x8000  }
0x7a: {  	[sflag:s15] =	ssyncset.done $0x0  }
0x7b: {  	s21 =	simm.s32 $0x3400;
	[sflag:s15] =	ssyncadd.s32 $0xFFFF8000  }
0x7c: {  	[spmem:s2] =	stream.indirect.scatter.add.f32 [tilespmem:s14], [sflag:$0x1], $0x40, s21, s17, $0xb8;
	[tilespmem:$0x1F000] =	vst v63  }
0x7d: {  	_ =	swait.ge [sflag:s23], $0x8000  }
0x7e: {  	[sflag:s23] =	ssyncset.done $0x0  }
0x7f: {  	s22 =	simm.s32 $0xE00;
	[sflag:s23] =	ssyncadd.s32 $0xFFFF8000  }
0x80: {  	[tilespmem:s18], [sflag:$0x3] =	stream.indirect.gather [hbm4b:s4+s17], $0x40, s22, s17, $0xb8;
	[tilespmem:$0x1F000] =	vst v63  }
0x81: {  	_ =	swait.ge [sflag:s15], $0x8000  }
0x82: {  	[sflag:s15] =	ssyncset.done $0x0  }
0x83: {  	s19 =	simm.s32 $0x3600;
	[sflag:s15] =	ssyncadd.s32 $0xFFFF8000  }
0x84: {  	[spmem:s2] =	stream.indirect.scatter.add.f32 [tilespmem:s18], [sflag:$0x2], $0x40, s19, s17, $0xb8;
	[tilespmem:$0x1F000] =	vst v63  }
0x85: {  	_ =	swait.ge [sflag:s20], $0x8000  }
0x86: {  	[sflag:s20] =	ssyncset.done $0x0  }
0x87: {  	s21 =	simm.s32 $0x1000;
	[sflag:s20] =	ssyncadd.s32 $0xFFFF8000  }
0x88: {  	[tilespmem:s14], [sflag:$0x3] =	stream.indirect.gather [hbm4b:s4+s17], $0x40, s21, s17, $0xb8;
	[tilespmem:$0x1F000] =	vst v63  }
0x89: {  	_ =	swait.ge [sflag:s15], $0x8000  }
0x8a: {  	[sflag:s15] =	ssyncset.done $0x0  }
0x8b: {  	s22 =	simm.s32 $0x3800;
	[sflag:s15] =	ssyncadd.s32 $0xFFFF8000  }
0x8c: {  	[spmem:s2] =	stream.indirect.scatter.add.f32 [tilespmem:s14], [sflag:$0x1], $0x40, s22, s17, $0xb8;
	[tilespmem:$0x1F000] =	vst v63  }
0x8d: {  	_ =	swait.ge [sflag:s23], $0x8000  }
0x8e: {  	[sflag:s23] =	ssyncset.done $0x0  }
0x8f: {  	s19 =	simm.s32 $0x1200;
	[sflag:s23] =	ssyncadd.s32 $0xFFFF8000  }
0x90: {  	[tilespmem:s18], [sflag:$0x3] =	stream.indirect.gather [hbm4b:s4+s17], $0x40, s19, s17, $0xb8;
	[tilespmem:$0x1F000] =	vst v63  }
0x91: {  	_ =	swait.ge [sflag:s15], $0x8000  }
0x92: {  	[sflag:s15] =	ssyncset.done $0x0  }
0x93: {  	s21 =	simm.s32 $0x3A00;
	[sflag:s15] =	ssyncadd.s32 $0xFFFF8000  }
0x94: {  	[spmem:s2] =	stream.indirect.scatter.add.f32 [tilespmem:s18], [sflag:$0x2], $0x40, s21, s17, $0xb8;
	[tilespmem:$0x1F000] =	vst v63  }
0x95: {  	_ =	swait.ge [sflag:s20], $0x8000  }
0x96: {  	[sflag:s20] =	ssyncset.done $0x0  }
0x97: {  	s22 =	simm.s32 $0x1400;
	[sflag:s20] =	ssyncadd.s32 $0xFFFF8000  }
0x98: {  	[tilespmem:s14], [sflag:$0x3] =	stream.indirect.gather [hbm4b:s4+s17], $0x40, s22, s17, $0xb8;
	[tilespmem:$0x1F000] =	vst v63  }
0x99: {  	_ =	swait.ge [sflag:s15], $0x8000  }
0x9a: {  	[sflag:s15] =	ssyncset.done $0x0  }
0x9b: {  	s19 =	simm.s32 $0x3C00;
	[sflag:s15] =	ssyncadd.s32 $0xFFFF8000  }
0x9c: {  	[spmem:s2] =	stream.indirect.scatter.add.f32 [tilespmem:s14], [sflag:$0x1], $0x40, s19, s17, $0xb8;
	[tilespmem:$0x1F000] =	vst v63  }
0x9d: {  	_ =	swait.ge [sflag:s23], $0x8000  }
0x9e: {  	[sflag:s23] =	ssyncset.done $0x0  }
0x9f: {  	s21 =	simm.s32 $0x1600;
	[sflag:s23] =	ssyncadd.s32 $0xFFFF8000  }
0xa0: {  	[tilespmem:s18], [sflag:$0x3] =	stream.indirect.gather [hbm4b:s4+s17], $0x40, s21, s17, $0xb8;
	[tilespmem:$0x1F000] =	vst v63  }
0xa1: {  	_ =	swait.ge [sflag:s15], $0x8000  }
0xa2: {  	[sflag:s15] =	ssyncset.done $0x0  }
0xa3: {  	s22 =	simm.s32 $0x3E00;
	[sflag:s15] =	ssyncadd.s32 $0xFFFF8000  }
0xa4: {  	[spmem:s2] =	stream.indirect.scatter.add.f32 [tilespmem:s18], [sflag:$0x2], $0x40, s22, s17, $0xb8;
	[tilespmem:$0x1F000] =	vst v63  }
0xa5: {  	_ =	swait.ge [sflag:s20], $0x8000  }
0xa6: {  	[sflag:s20] =	ssyncset.done $0x0  }
0xa7: {  	s19 =	simm.s32 $0x1800;
	[sflag:s20] =	ssyncadd.s32 $0xFFFF8000  }
0xa8: {  	[tilespmem:s14], [sflag:$0x3] =	stream.indirect.gather [hbm4b:s4+s17], $0x40, s19, s17, $0xb8;
	[tilespmem:$0x1F000] =	vst v63  }
0xa9: {  	_ =	swait.ge [sflag:s15], $0x8000  }
0xaa: {  	[sflag:s15] =	ssyncset.done $0x0  }
0xab: {  	s21 =	simm.s32 $0x4000;
	[sflag:s15] =	ssyncadd.s32 $0xFFFF8000  }
0xac: {  	[spmem:s2] =	stream.indirect.scatter.add.f32 [tilespmem:s14], [sflag:$0x1], $0x40, s21, s17, $0xb8;
	[tilespmem:$0x1F000] =	vst v63  }
0xad: {  	_ =	swait.ge [sflag:s23], $0x8000  }
0xae: {  	[sflag:s23] =	ssyncset.done $0x0  }
0xaf: {  	s22 =	simm.s32 $0x1A00;
	[sflag:s23] =	ssyncadd.s32 $0xFFFF8000  }
0xb0: {  	[tilespmem:s18], [sflag:$0x3] =	stream.indirect.gather [hbm4b:s4+s17], $0x40, s22, s17, $0xb8;
	[tilespmem:$0x1F000] =	vst v63  }
0xb1: {  	_ =	swait.ge [sflag:s15], $0x8000  }
0xb2: {  	[sflag:s15] =	ssyncset.done $0x0  }
0xb3: {  	s19 =	simm.s32 $0x4200;
	[sflag:s15] =	ssyncadd.s32 $0xFFFF8000  }
0xb4: {  	[spmem:s2] =	stream.indirect.scatter.add.f32 [tilespmem:s18], [sflag:$0x2], $0x40, s19, s17, $0xb8;
	[tilespmem:$0x1F000] =	vst v63  }
0xb5: {  	_ =	swait.ge [sflag:s20], $0x8000  }
0xb6: {  	[sflag:s20] =	ssyncset.done $0x0  }
0xb7: {  	s21 =	simm.s32 $0x1C00;
	[sflag:s20] =	ssyncadd.s32 $0xFFFF8000  }
0xb8: {  	[tilespmem:s14], [sflag:$0x3] =	stream.indirect.gather [hbm4b:s4+s17], $0x40, s21, s17, $0xb8;
	[tilespmem:$0x1F000] =	vst v63  }
0xb9: {  	_ =	swait.ge [sflag:s15], $0x8000  }
0xba: {  	[sflag:s15] =	ssyncset.done $0x0  }
0xbb: {  	s22 =	simm.s32 $0x4400;
	[sflag:s15] =	ssyncadd.s32 $0xFFFF8000  }
0xbc: {  	[spmem:s2] =	stream.indirect.scatter.add.f32 [tilespmem:s14], [sflag:$0x1], $0x40, s22, s17, $0xb8;
	[tilespmem:$0x1F000] =	vst v63  }
0xbd: {  	_ =	swait.ge [sflag:s23], $0x8000  }
0xbe: {  	[sflag:s23] =	ssyncset.done $0x0  }
0xbf: {  	s19 =	simm.s32 $0x1E00;
	[sflag:s23] =	ssyncadd.s32 $0xFFFF8000  }
0xc0: {  	[tilespmem:s18], [sflag:$0x3] =	stream.indirect.gather [hbm4b:s4+s17], $0x40, s19, s17, $0xb8;
	[tilespmem:$0x1F000] =	vst v63  }
0xc1: {  	_ =	swait.ge [sflag:s15], $0x8000  }
0xc2: {  	[sflag:s15] =	ssyncset.done $0x0  }
0xc3: {  	s21 =	simm.s32 $0x4600;
	[sflag:s15] =	ssyncadd.s32 $0xFFFF8000  }
0xc4: {  	[spmem:s2] =	stream.indirect.scatter.add.f32 [tilespmem:s18], [sflag:$0x2], $0x40, s21, s17, $0xb8;
	[tilespmem:$0x1F000] =	vst v63  }
0xc5: {  	_ =	swait.ge [sflag:s20], $0x8000  }
0xc6: {  	[sflag:s20] =	ssyncset.done $0x0  }
0xc7: {  	[sflag:s20] =	ssyncadd.s32 $0xFFFF8000  }
0xc8: {  	[tilespmem:s14], [sflag:$0x3] =	stream.indirect.gather [hbm4b:s4+s17], $0x40, s24, s17, $0xb8;
	[tilespmem:$0x1F000] =	vst v63  }
0xc9: {  	_ =	swait.ge [sflag:s15], $0x8000  }
0xca: {  	[sflag:s15] =	ssyncset.done $0x0  }
0xcb: {  	[sflag:s15] =	ssyncadd.s32 $0xFFFF8000  }
0xcc: {  	[spmem:s2] =	stream.indirect.scatter.add.f32 [tilespmem:s14], [sflag:$0x1], $0x40, s25, s17, $0xb8;
	[tilespmem:$0x1F000] =	vst v63  }
0xcd: {  	_ =	swait.ge [sflag:s23], $0x8000  }
0xce: {  	[sflag:s23] =	ssyncset.done $0x0  }
0xcf: {  	[sflag:s23] =	ssyncadd.s32 $0xFFFF8000  }
0xd0: {  	[tilespmem:s18], [sflag:$0x3] =	stream.indirect.gather [hbm4b:s4+s17], $0x40, s26, s17, $0xb8;
	[tilespmem:$0x1F000] =	vst v63  }
0xd1: {  	_ =	swait.ge [sflag:s15], $0x8000  }
0xd2: {  	[sflag:s15] =	ssyncset.done $0x0  }
0xd3: {  	[sflag:s15] =	ssyncadd.s32 $0xFFFF8000  }
0xd4: {  	[spmem:s2] =	stream.indirect.scatter.add.f32 [tilespmem:s18], [sflag:$0x2], $0x40, s28, s17, $0xb8;
	[tilespmem:$0x1F000] =	vst v63  }
0xd5: {  	_ =	swait.ge [sflag:s20], $0x8000  }
0xd6: {  	[sflag:s20] =	ssyncset.done $0x0  }
0xd7: {  	[sflag:s20] =	ssyncadd.s32 $0xFFFF8000  }
0xd8: {  	[tilespmem:s14], [sflag:$0x3] =	stream.indirect.gather [hbm4b:s4+s17], $0x40, s29, s17, $0xb8;
	[tilespmem:$0x1F000] =	vst v63  }
0xd9: {  	_ =	swait.ge [sflag:s15], $0x8000  }
0xda: {  	[sflag:s15] =	ssyncset.done $0x0  }
0xdb: {  	[sflag:s15] =	ssyncadd.s32 $0xFFFF8000  }
0xdc: {  	[spmem:s2] =	stream.indirect.scatter.add.f32 [tilespmem:s14], [sflag:$0x1], $0x40, s30, s17, $0xb8;
	[tilespmem:$0x1F000] =	vst v63  }
0xdd: {  	_ =	swait.ge [sflag:s23], $0x8000  }
0xde: {  	[sflag:s23] =	ssyncset.done $0x0  }
0xdf: {  	[sflag:s23] =	ssyncadd.s32 $0xFFFF8000  }
0xe0: {  	[tilespmem:s18], [sflag:$0x3] =	stream.indirect.gather [hbm4b:s4+s17], $0x40, s31, s17, $0xb8;
	[tilespmem:$0x1F000] =	vst v63  }
0xe1: {  	_ =	swait.ge [sflag:s15], $0x8000  }
0xe2: {  	[sflag:s15] =	ssyncset.done $0x0  }
0xe3: {  	[sflag:s15] =	ssyncadd.s32 $0xFFFF8000  }
0xe4: {  	[spmem:s2] =	stream.indirect.scatter.add.f32 [tilespmem:s18], [sflag:$0x2], $0x40, s1, s17, $0xb8;
	[tilespmem:$0x1F000] =	vst v63  }
0xe5: {  	_ =	swait.ge [sflag:s20], $0x8000  }
0xe6: {  	[sflag:s20] =	ssyncset.done $0x0  }
0xe7: {  	[sflag:s20] =	ssyncadd.s32 $0xFFFF8000  }
0xe8: {  	s22 =	stileid.u32;
	_ =	swait.ge [sflag:s23], $0x8000  }
0xe9: {  	s3 =	sadd.s32 $0x1, s3;
	s0 =	sshll.u32 s22, $0x6;
	[sflag:s23] =	ssyncset.done $0x0  }
0xea: {  	p0 =	sne.s32 s3, s13;
	s0 =	sor.u32 $0x1C03, s0;
	[sflag:s23] =	ssyncadd.s32 $0xFFFF8000  }
.Ltmp3:
0xeb: {  	s19 =	sshrl.u32 s5, $0x3;
	[bflag:$0x0] =	sbarrier.arrive $0xFFFF;
	(pc) =	sbr.rel @p0 .LBB2_1-.Ltmp3, $4  }
0xec: {  	[hbm:s12], [sflag:s0] =	dma.local [spmem:s19], $0x1400  }
0xed: {  	_ =	swait.ge [sflag:s15], $0x1400  }
0xee: {  	[sflag:s15] =	ssyncset.done $0x0  }
0xef: {  	[sflag:s15] =	ssyncadd.s32 $0xFFFFEC00  }
0xf0: {  	_ =	sfence.sel $0x180000  }
0xf1: {  	[bflag:$0x0] =	sbarrier.arrive $0xFFFF  }
0xf2: {  	_ =	strace $0x9000004A  }
0xf3: {  	s0 =	stileid.u32;
	[bflag:$0x2] =	sbarrier.arrive $0xFFFF  }
0xf4: {  	p0 =	sne.s32 s0, $0x0;
	s0 =	rddreg [dreg:$0x3]  }
0xf5: {  	s0 =	sadd.s32 @!p0 $0x100000, s0  }
0xf6: {  	[sflag:s0] =	ssyncadd.tile.s32 @!p0 $0x1;
	_ =	shalt  }
.Lfunc_end2:
_tile_overlayer_lowered:
.L_overlay_start_2:
0xf7: {  	(tag) =	ssettag $0x2  }
0xf8: {  	s0 =	rddreg [dreg:$0x0];
	s2 =	stileid.u32  }
0xf9: {  	s1 =	rddreg [dreg:$0x1];
	p0 =	sne.s32 s2, $0x0  }
0xfa: {  	s3 =	rddreg [dreg:$0x2];
	[bflag:$0x3] =	sbarrier.arrive $0xFFFF;
	s2 =	simm.s32 @!p0 $0x1C03  }
0xfb: {  	[timem:s3], [sflag:s2] =	dma.local @!p0 [hbm:s0], s1  }
0xfc: {  	s0 =	simm.s32 @!p0 $0x3  }
0xfd: {  	_ =	swait.ge @!p0 [sflag:s0], s1  }
0xfe: {  	s1 =	ssub.s32 @!p0 $0x0, s1;
	[sflag:s0] =	ssyncset.done @!p0 $0x0  }
0xff: {  	[sflag:s0] =	ssyncadd.s32 @!p0 s1  }
0x100: {  	[bflag:$0x3] =	sbarrier.arrive $0xFFFF  }
0x101: {  	_ =	shalt  }

// kernel: kernel.23.cloned.1.call-start
scs
__scs_entry_jumppad:
0x0: {  	(pc) =	sbr.rel $0x88, $3  }
0x1: {  	(tag) =	ssettag $0x0;
	lr =	simm.s32 $0x1  }
0x2: {  	[smem:$0x3F90] =	sst lr;
	_ =	strace $0xD0000000  }
0x3: {  	_ = 	snop  }
0x4: {  	_ = 	snop  }
0x5: {  	_ = 	snop  }
0x6: {  	_ = 	snop  }
0x7: {  	_ = 	snop  }
__scs_overlays_trampoline_lowered:
0x8: {  	[smem:$0x3F9F] =	sst s0  }
0x9: {  	[smem:$0x3FA0] =	sst s1  }
0xa: {  	[smem:$0x3FA1] =	sst s2  }
0xb: {  	[smem:$0x3FA2] =	sst s3  }
0xc: {  	[smem:$0x3FA3] =	sst s4  }
0xd: {  	[smem:$0x3FA4] =	sst s5  }
0xe: {  	[smem:$0x3FA5] =	sst s6  }
0xf: {  	[smem:$0x3FA6] =	sst s7  }
0x10: {  	[smem:$0x3FA7] =	sst s8  }
0x11: {  	[smem:$0x3FA8] =	sst s9;
	s0 =	simm.s32 @!p0 $0x0  }
0x12: {  	s1 =	sld [smem:$0x3F8E];
	s0 =	simm.s32 @p0 $0x1  }
0x13: {  	[smem:$0x3FA9] =	sst s0;
	s0 =	simm.s32 @!p1 $0x0  }
0x14: {  	s2 =	sld [smem:$0x3F8D];
	s0 =	simm.s32 @p1 $0x1  }
0x15: {  	[smem:$0x3FAA] =	sst s0;
	s0 =	simm.s32 @!p2 $0x0  }
0x16: {  	s3 =	sld [smem:$0x3FDB];
	s0 =	simm.s32 @p2 $0x1  }
0x17: {  	s4 =	simm.s32 $0x1BF5;
	[smem:$0x3FAC] =	sst s0  }
0x18: {  	s0 =	sld [smem:$0x3F8F];
	_ =	swait.ge [sflag:s4], $0x0  }
0x19: {  	s7 =	sld [smem:$0x3F90]  }
0x1a: {  	s8 =	sadd.s32 $0xFFFFE003, lr  }
0x1b: {  	s9 =	sadd.s32 $0xFFFFFEF7, lr;
	s5 =	simm.s32 $0xFFFFFFFF;
	p2 =	slt.u32 s8, $0xFFFFF086  }
0x1c: {  	p1 =	slt.u32 s9, $0xF7A;
	s5 =	simm.s32 @!p2 $0x0  }
0x1d: {  	s5 =	simm.s32 @p1 $0x1;
	p0 =	seq.s32 s7, s2  }
0x1e: {  	s7 =	smul.u32 @!p0 $0xF7A, s2;
	p2 =	seq.s32 @!p0 s5, $0x0  }
0x1f: {  	s9 =	smul.u32 $0xF7A, s1;
	s8 =	simm.s32 @!p0 $0x1BF5;
	p2 =	por !p2, p0  }
0x20: {  	[sflag:s8] =	ssyncset.s32 @!p0 $0xFFFFF086;
	s6 =	sadd.s32 @!p0 s3, s7;
	s7 =	simm.s32 @!p0 $0x108  }
0x21: {  	s3 =	sadd.s32 s3, s9;
	s6 =	sadd.s32 @!p0 $0x88, s6;
	s7 =	simm.s32 @p2 $0x1082  }
0x22: {  	[simem:s7], [sflag:s8] =	dma.local @!p0 [hbm:s6], $0xF7A  }
0x23: {  	s9 =	sor.u32 $0xD0000000, s2;
	s6 =	simm.s32 $0x108;
	_ =	swait.ge @!p0 [sflag:s8], $0x0  }
0x24: {  	s3 =	sadd.s32 $0x88, s3;
	s6 =	simm.s32 @!p1 $0x1082;
	[sflag:s4] =	ssyncset.s32 $0xFFFFF086  }
0x25: {  	[simem:s6], [sflag:s4] =	dma.local [hbm:s3], $0xF7A  }
0x26: {  	[smem:$0x3F90] =	sst s1;
	(tag) =	ssettag s2;
	_ =	strace s9  }
0x27: {  	s1 =	sld [smem:$0x3FA0]  }
0x28: {  	s2 =	sld [smem:$0x3FA1]  }
0x29: {  	s4 =	sld [smem:$0x3FA3]  }
0x2a: {  	p0 =	seq.s32 s5, $0x0;
	s5 =	sld [smem:$0x3FA4]  }
0x2b: {  	s6 =	sld [smem:$0x3FA5]  }
0x2c: {  	s7 =	sld [smem:$0x3FA6]  }
0x2d: {  	s3 =	simm.s32 $0x108;
	s8 =	sld [smem:$0x3FA7]  }
0x2e: {  	s3 =	simm.s32 @!p0 $0x1082;
	s9 =	sld [smem:$0x3FA8]  }
0x2f: {  	lr =	sadd.s32 s0, s3;
	s0 =	sld [smem:$0x3F9F]  }
0x30: {  	s3 =	sld [smem:$0x3FA2]  }
0x31: {  	[smem:$0x3FAB] =	sst s10  }
0x32: {  	s10 =	sld [smem:$0x3FA9];
	_ =	sdelay $0x3  }
0x33: {  	p0 =	seq.s32 s10, $0x1;
	s10 =	sld [smem:$0x3FAB];
	_ =	sdelay $0x3  }
0x34: {  	[smem:$0x3FAB] =	sst s10  }
0x35: {  	s10 =	sld [smem:$0x3FAA];
	_ =	sdelay $0x3  }
0x36: {  	p1 =	seq.s32 s10, $0x1;
	s10 =	sld [smem:$0x3FAB];
	_ =	sdelay $0x3  }
0x37: {  	[smem:$0x3FAB] =	sst s10  }
0x38: {  	s10 =	sld [smem:$0x3FAC]  }
0x39: {  	_ = 	snop;
	(pc) =	sbr.ind lr, $3  }
0x3a: {  	_ = 	snop  }
0x3b: {  	_ = 	snop  }
0x3c: {  	p2 =	seq.s32 s10, $0x1;
	s10 =	sld [smem:$0x3FAB]  }
0x3d: {  	_ =	shalt  }
0x3e: {  	_ =	shalt  }
0x3f: {  	_ =	shalt  }
0x40: {  	_ =	shalt  }
0x41: {  	_ =	shalt  }
0x42: {  	_ =	shalt  }
0x43: {  	_ =	shalt  }
0x44: {  	_ =	shalt  }
0x45: {  	_ =	shalt  }
0x46: {  	_ =	shalt  }
0x47: {  	_ =	shalt  }
0x48: {  	_ =	shalt  }
0x49: {  	_ =	shalt  }
0x4a: {  	_ =	shalt  }
0x4b: {  	_ =	shalt  }
0x4c: {  	_ =	shalt  }
0x4d: {  	_ =	shalt  }
0x4e: {  	_ =	shalt  }
0x4f: {  	_ =	shalt  }
0x50: {  	_ =	shalt  }
0x51: {  	_ =	shalt  }
0x52: {  	_ =	shalt  }
0x53: {  	_ =	shalt  }
0x54: {  	_ =	shalt  }
0x55: {  	_ =	shalt  }
0x56: {  	_ =	shalt  }
0x57: {  	_ =	shalt  }
0x58: {  	_ =	shalt  }
0x59: {  	_ =	shalt  }
0x5a: {  	_ =	shalt  }
0x5b: {  	_ =	shalt  }
0x5c: {  	_ =	shalt  }
0x5d: {  	_ =	shalt  }
0x5e: {  	_ =	shalt  }
0x5f: {  	_ =	shalt  }
0x60: {  	_ =	shalt  }
0x61: {  	_ =	shalt  }
0x62: {  	_ =	shalt  }
0x63: {  	_ =	shalt  }
0x64: {  	_ =	shalt  }
0x65: {  	_ =	shalt  }
0x66: {  	_ =	shalt  }
0x67: {  	_ =	shalt  }
0x68: {  	_ =	shalt  }
0x69: {  	_ =	shalt  }
0x6a: {  	_ =	shalt  }
0x6b: {  	_ =	shalt  }
0x6c: {  	_ =	shalt  }
0x6d: {  	_ =	shalt  }
0x6e: {  	_ =	shalt  }
0x6f: {  	_ =	shalt  }
0x70: {  	_ =	shalt  }
0x71: {  	_ =	shalt  }
0x72: {  	_ =	shalt  }
0x73: {  	_ =	shalt  }
0x74: {  	_ =	shalt  }
0x75: {  	_ =	shalt  }
0x76: {  	_ =	shalt  }
0x77: {  	_ =	shalt  }
0x78: {  	_ =	shalt  }
0x79: {  	_ =	shalt  }
0x7a: {  	_ =	shalt  }
0x7b: {  	_ =	shalt  }
0x7c: {  	_ =	shalt  }
0x7d: {  	_ =	shalt  }
0x7e: {  	_ =	shalt  }
0x7f: {  	_ =	shalt  }
0x80: {  	_ =	shalt  }
0x81: {  	_ =	shalt  }
0x82: {  	_ =	shalt  }
0x83: {  	_ =	shalt  }
0x84: {  	_ =	shalt  }
0x85: {  	_ =	shalt  }
0x86: {  	_ =	shalt  }
0x87: {  	_ =	shalt  }
.Lfunc_end0:
.L_simem_size_0:
called_computation.3_lowered:
.L_overlay_start_0:
0x88: {  	s2 =	sld [smem:$0x3FD9]  }
0x89: {  	s3 =	sld [smem:$0x3FFE];
	_ =	sdelay $0x1  }
0x8a: {  	s1 =	srdreg.scid  }
0x8b: {  	s0 =	sand.u32 $0x1, s1  }
0x8c: {  	s17 =	sshll.u32 s0, $0xA;
	s2 =	sadd.s32 s3, s2  }
0x8d: {  	s2 =	sadd.s32 s2, s17  }
0x8e: {  	[smem:$0x3FB7] =	sst s2  }
0x8f: {  	_ = 	snop  }
0x90: {  	s2 =	sld [smem:$0x3FD0];
	(tm) =	ssettm $0x1  }
0x91: {  	s18 =	sld [smem:$0x3FFB];
	_ =	sdelay $0x3  }
0x92: {  	_ =	strace s18  }
0x93: {  	s3 =	sld [smem:$0x3FFC];
	_ =	sdelay $0x3  }
0x94: {  	_ =	strace s3  }
0x95: {  	s3 =	sld [smem:$0x3FFD];
	_ =	sdelay $0x3  }
0x96: {  	_ =	strace s3  }
0x97: {  	_ =	strace $0x8FFFFFFF  }
0x98: {  	s19 =	sld [smem:$0x3FDB];
	_ =	sdelay $0x1  }
0x99: {  	s4 =	simm.s32 $_scs_section_size  }
0x9a: {  	s5 =	simm.s32 $_size__tile_overlayer_lowered;
	s6 =	simm.s32 $_tile_overlayer_lowered  }
0x9b: {  	s22 =	simm.s32 $0x1BFF;
	s21 =	sshll.u32 s6, $0x1;
	s3 =	sadd.s32 s4, s19  }
0x9c: {  	s7 =	simm.s32 $0x0;
	s20 =	sshll.u32 s5, $0x1;
	s5 =	sadd.s32 s21, s3  }
0x9d: {  	[timem:s7], [sflag:s22] =	dma.local [hbm:s5], s20  }
0x9e: {  	_ =	swait.ge [sflag:s22], s20  }
0x9f: {  	s4 =	ssub.s32 $0x0, s20;
	[sflag:s22] =	ssyncset.done $0x0  }
0xa0: {  	[sflag:s22] =	ssyncadd.s32 s4;
	_ =	sdelay $0x1  }
0xa1: {  	s23 =	simm.s32 $0x1B8B  }
0xa2: {  	_ =	swait.ge [sflag:s23], $0x1  }
0xa3: {  	[sflag:s23] =	ssyncset.done $0x0  }
0xa4: {  	s25 =	simm.s32 $0x1B8E;
	s24 =	sld [smem:$0x3FFE];
	[sflag:s23] =	ssyncadd.s32 $0xFFFFFFFF  }
0xa5: {  	s26 =	simm.s32 $execute0_lowered;
	[smem:$0x3FD2] =	sst s25  }
0xa6: {  	s5 =	sshll.u32 s26, $0x1;
	_ =	strace $0x8000004F;
	[dreg:$0x1] =	wrdreg $0xFFFFFFFF  }
0xa7: {  	s28 =	simm.s32 $_size_execute0_lowered;
	s3 =	sadd.s32 s3, s5;
	[dreg:$0x0] =	wrdreg $0x0  }
0xa8: {  	s5 =	sshll.u32 s28, $0x1;
	[dreg:$0x2] =	wrdreg s3  }
0xa9: {  	[dreg:$0x3] =	wrdreg s5  }
0xaa: {  	[dreg:$0x4] =	wrdreg $0xC0  }
0xab: {  	_ =	task [dreg:s7], $0x5FFFF  }
0xac: {  	[dreg:$0x1] =	wrdreg $0xFFFFFFFF  }
0xad: {  	[dreg:$0x0] =	wrdreg $0x60  }
0xae: {  	[dreg:$0x2] =	wrdreg s24  }
0xaf: {  	[dreg:$0x3] =	wrdreg s2  }
0xb0: {  	[dreg:$0x4] =	wrdreg $0x150000  }
0xb1: {  	[dreg:$0x5] =	wrdreg $0x9  }
0xb2: {  	_ =	task.clear_ibuf [dreg:s7], $0x6FFFF;
	_ =	strace $0x9000004F  }
0xb3: {  	s29 =	simm.s32 $0x9;
	_ =	strace $0x80000051  }
0xb4: {  	_ =	swait.ge [sflag:s29], $0x1  }
0xb5: {  	[sflag:s29] =	ssyncadd.s32 $0xFFFFFFFF  }
0xb6: {  	_ =	strace $0x90000051  }
0xb7: {  	_ =	sfence  }
0xb8: {  	s30 =	sld [smem:$0x0];
	_ =	sdelay $0x2  }
0xb9: {  	s31 =	sshll.u32 s1, $0xD;
	s1 =	sshrl.u32 s1, $0x2  }
0xba: {  	s3 =	sand.u32 $0x4000, s31;
	s1 =	sadd.s32 s1, s30  }
0xbb: {  	s0 =	sor.u32 s3, s0;
	s1 =	sshll.u32 s1, $0x11  }
0xbc: {  	s0 =	sor.u32 s1, s0  }
0xbd: {  	s0 =	sadd.s32 $0x8F2B, s0  }
0xbe: {  	[sflag:s0] =	ssyncadd.remote.s32 $0x1  }
0xbf: {  	_ =	sfence.sel $0xFFFF  }
0xc0: {  	[dreg:$0x0] =	wrdreg $0xFFFFFFFF;
	(pc) =	sbr.abs _section_cstart, $3  }
0xc1: {  	[dreg:$0x1] =	wrdreg $0xFFFFFFFF  }
0xc2: {  	_ =	task.clear_ibuf [dreg:s7], $0x2FFFF;
	_ =	strace $0x9FFFFFFF  }
0xc3: {  	(tm) =	ssettm $0x7FFFFFFF  }
tec
execute0_lowered:
.L_overlay_start_1:
0x0: {  	(tag) =	ssettag $0x1  }
0x1: {  	s0 =	srdreg.scid;
	s1 =	rddreg [dreg:$0x0]  }
0x2: {  	s7 =	stileid.u32;
	s10 =	rddreg [dreg:$0x1];
	s14 =	simm.s32 $0x5000  }
0x3: {  	s15 =	simm.s32 $0x3;
	s16 =	simm.s32 $0x2800;
	s17 =	simm.s32 $0x200  }
0x4: {  	s18 =	simm.s32 $0xD000;
	s20 =	simm.s32 $0x1;
	s23 =	simm.s32 $0x2  }
0x5: {  	s26 =	simm.s32 $0x2000;
	s28 =	simm.s32 $0x4800;
	s29 =	simm.s32 $0x2200  }
0x6: {  	s30 =	simm.s32 $0x4A00;
	s31 =	simm.s32 $0x2400;
	s19 =	simm.s32 $0x4E00  }
0x7: {  	s21 =	simm.s32 $0x0;
	s0 =	sand.u32 $0x1, s0;
	s5 =	smul.u32 $0xA000, s7  }
0x8: {  	s4 =	sadd.s32 $0xF000, s1;
	s2 =	sshll.u32 s0, $0x4;
	s6 =	smul.u32 $0xA0000, s0  }
0x9: {  	s0 =	ssub.s32 $0x2, s0;
	s3 =	sor.u32 s7, s2;
	s7 =	smul.u32 $0x28000, s7  }
0xa: {  	s2 =	rddreg [dreg:$0x2];
	s8 =	sshrl.u32 s0, $0x1;
	s11 =	smul.u32 $0x500, s3  }
0xb: {  	s3 =	simm.s32 $0x0;
	s6 =	sadd.s32 s5, s6;
	s0 =	ssub.s32 s0, s8  }
0xc: {  	s5 =	sadd.s32 s5, s2;
	[smem:$0x7FF] =	sst s3;
	s6 =	sshrl.u32 s6, $0x3  }
0xd: {  	s7 =	sshrl.u32 s7, $0x2;
	s13 =	smax.u32 s0, $0x1;
	s0 =	simm.s32 $0x2600  }
0xe: {  	_ =	strace $0x80000050;
	s12 =	sadd.s32 s11, s1;
	s9 =	sadd.s32 s7, s2  }
0xf: {  	s1 =	sadd.s32 s6, s1;
	s10 =	sadd.s32 s10, s11;
	s6 =	sadd.s32 $0x2000, s9  }
0x10: {  	s7 =	sadd.s32 $0x4000, s9;
	s8 =	sadd.s32 $0x6000, s9;
	s9 =	sadd.s32 $0x8000, s9  }
0x11: {  	v0 =	vimm.f32 $0.0e+00;
	s11 =	sadd.s32 $0x5000, s12;
	s12 =	sadd.s32 $0x23000, s1;
	s1 =	simm.s32 $0x4C00  }
.LBB2_1:
0x12: {  	s24 =	simm.s32 $0x100;
	s22 =	simm.s32 $0x0  }
.LBB2_2:
0x13: {  	p0 =	sne.s32 s24, $0x7F00;
	[tilespmem:s22+$0x5030] =	vst v0;
	s25 =	smov.u32 s24;
	s24 =	sadd.s32 $0x100, s24  }
.Ltmp0:
0x14: {  	[tilespmem:s22+$0x5020] =	vst v0;
	(pc) =	sbr.rel @p0 .LBB2_2-.Ltmp0, $3  }
0x15: {  	[tilespmem:s22+$0x5000] =	vst v0  }
0x16: {  	[tilespmem:s22+$0x5010] =	vst v0;
	_ =	sdelay $0x1  }
0x17: {  	s22 =	sshra.s32 s25, $0x2  }
0x18: {  	[tilespmem:s22+$0x5030] =	vst v0  }
0x19: {  	[tilespmem:s22+$0x5020] =	vst v0  }
0x1a: {  	[tilespmem:s22+$0x5000] =	vst v0  }
0x1b: {  	[tilespmem:s22+$0x5010] =	vst v0  }
0x1c: {  	[spmem:s5] =	stream.linear.scatter [tilespmem:s14], [sflag:$0x3], $0x2000, $0x38;
	[tilespmem:$0x1F000] =	vst v63  }
0x1d: {  	_ =	swait.ge [sflag:s15], $0x2000  }
0x1e: {  	[sflag:s15] =	ssyncset.done $0x0  }
0x1f: {  	[sflag:s15] =	ssyncadd.s32 $0xFFFFE000  }
0x20: {  	[spmem:s6] =	stream.linear.scatter [tilespmem:s14], [sflag:$0x3], $0x2000, $0x38;
	[tilespmem:$0x1F000] =	vst v63  }
0x21: {  	_ =	swait.ge [sflag:s15], $0x2000  }
0x22: {  	[sflag:s15] =	ssyncset.done $0x0  }
0x23: {  	[sflag:s15] =	ssyncadd.s32 $0xFFFFE000  }
0x24: {  	[spmem:s7] =	stream.linear.scatter [tilespmem:s14], [sflag:$0x3], $0x2000, $0x38;
	[tilespmem:$0x1F000] =	vst v63  }
0x25: {  	_ =	swait.ge [sflag:s15], $0x2000  }
0x26: {  	[sflag:s15] =	ssyncset.done $0x0  }
0x27: {  	[sflag:s15] =	ssyncadd.s32 $0xFFFFE000  }
0x28: {  	[spmem:s8] =	stream.linear.scatter [tilespmem:s14], [sflag:$0x3], $0x2000, $0x38;
	[tilespmem:$0x1F000] =	vst v63  }
0x29: {  	_ =	swait.ge [sflag:s15], $0x2000  }
0x2a: {  	[sflag:s15] =	ssyncset.done $0x0  }
0x2b: {  	[sflag:s15] =	ssyncadd.s32 $0xFFFFE000  }
0x2c: {  	[spmem:s9] =	stream.linear.scatter [tilespmem:s14], [sflag:$0x3], $0x2000, $0x38;
	[tilespmem:$0x1F000] =	vst v63  }
0x2d: {  	_ =	swait.ge [sflag:s15], $0x2000  }
0x2e: {  	[sflag:s15] =	ssyncset.done $0x0  }
0x2f: {  	[sflag:s15] =	ssyncadd.s32 $0xFFFFE000  }
0x30: {  	[tilespmem:s3], [sflag:$0x3] =	stream.linear.gather [hbm4b:s10+s3], $0x2800, $0x38;
	[tilespmem:$0x1F000] =	vst v63  }
0x31: {  	_ =	swait.ge [sflag:s15], $0x2800  }
0x32: {  	[sflag:s15] =	ssyncset.done $0x0  }
0x33: {  	[sflag:s15] =	ssyncadd.s32 $0xFFFFD800  }
0x34: {  	[tilespmem:s16], [sflag:$0x3] =	stream.linear.gather [hbm4b:s11+s3], $0x2800, $0x38;
	[tilespmem:$0x1F000] =	vst v63  }
0x35: {  	_ =	swait.ge [sflag:s15], $0x2800  }
0x36: {  	[sflag:s15] =	ssyncset.done $0x0  }
0x37: {  	[sflag:s15] =	ssyncadd.s32 $0xFFFFD800  }
0x38: {  	[bflag:$0x0] =	sbarrier.arrive $0xFFFF  }
0x39: {  	[tilespmem:s14], [sflag:$0x3] =	stream.indirect.gather [hbm4b:s4+s17], $0x40, s3, s17, $0xb8;
	[tilespmem:$0x1F000] =	vst v63  }
0x3a: {  	_ =	swait.ge [sflag:s15], $0x8000  }
0x3b: {  	[sflag:s15] =	ssyncset.done $0x0  }
0x3c: {  	[sflag:s15] =	ssyncadd.s32 $0xFFFF8000  }
0x3d: {  	[spmem:s2] =	stream.indirect.scatter.add.f32 [tilespmem:s14], [sflag:$0x1], $0x40, s16, s17, $0xb8;
	[tilespmem:$0x1F000] =	vst v63  }
0x3e: {  	_ = 	snop  }
0x3f: {  	[tilespmem:s18], [sflag:$0x3] =	stream.indirect.gather [hbm4b:s4+s17], $0x40, s17, s17, $0xb8;
	[tilespmem:$0x1F000] =	vst v63  }
0x40: {  	_ =	swait.ge [sflag:s15], $0x8000  }
0x41: {  	[sflag:s15] =	ssyncset.done $0x0  }
0x42: {  	s24 =	simm.s32 $0x2A00;
	[sflag:s15] =	ssyncadd.s32 $0xFFFF8000  }
0x43: {  	[spmem:s2] =	stream.indirect.scatter.add.f32 [tilespmem:s18], [sflag:$0x2], $0x40, s24, s17, $0xb8;
	[tilespmem:$0x1F000] =	vst v63  }
0x44: {  	_ =	swait.ge [sflag:s20], $0x8000  }
0x45: {  	[sflag:s20] =	ssyncset.done $0x0  }
0x46: {  	s25 =	simm.s32 $0x400;
	[sflag:s20] =	ssyncadd.s32 $0xFFFF8000  }
0x47: {  	[tilespmem:s14], [sflag:$0x3] =	stream.indirect.gather [hbm4b:s4+s17], $0x40, s25, s17, $0xb8;
	[tilespmem:$0x1F000] =	vst v63  }
0x48: {  	_ =	swait.ge [sflag:s15], $0x8000  }
0x49: {  	[sflag:s15] =	ssyncset.done $0x0  }
0x4a: {  	s24 =	simm.s32 $0x2C00;
	[sflag:s15] =	ssyncadd.s32 $0xFFFF8000  }
0x4b: {  	[spmem:s2] =	stream.indirect.scatter.add.f32 [tilespmem:s14], [sflag:$0x1], $0x40, s24, s17, $0xb8;
	[tilespmem:$0x1F000] =	vst v63  }
0x4c: {  	_ =	swait.ge [sflag:s23], $0x8000  }
0x4d: {  	[sflag:s23] =	ssyncset.done $0x0  }
0x4e: {  	s25 =	simm.s32 $0x600;
	[sflag:s23] =	ssyncadd.s32 $0xFFFF8000  }
0x4f: {  	[tilespmem:s18], [sflag:$0x3] =	stream.indirect.gather [hbm4b:s4+s17], $0x40, s25, s17, $0xb8;
	[tilespmem:$0x1F000] =	vst v63  }
0x50: {  	_ =	swait.ge [sflag:s15], $0x8000  }
0x51: {  	[sflag:s15] =	ssyncset.done $0x0  }
0x52: {  	s24 =	simm.s32 $0x2E00;
	[sflag:s15] =	ssyncadd.s32 $0xFFFF8000  }
0x53: {  	[spmem:s2] =	stream.indirect.scatter.add.f32 [tilespmem:s18], [sflag:$0x2], $0x40, s24, s17, $0xb8;
	[tilespmem:$0x1F000] =	vst v63  }
0x54: {  	_ =	swait.ge [sflag:s20], $0x8000  }
0x55: {  	[sflag:s20] =	ssyncset.done $0x0  }
0x56: {  	s25 =	simm.s32 $0x800;
	[sflag:s20] =	ssyncadd.s32 $0xFFFF8000  }
0x57: {  	[tilespmem:s14], [sflag:$0x3] =	stream.indirect.gather [hbm4b:s4+s17], $0x40, s25, s17, $0xb8;
	[tilespmem:$0x1F000] =	vst v63  }
0x58: {  	_ =	swait.ge [sflag:s15], $0x8000  }
0x59: {  	[sflag:s15] =	ssyncset.done $0x0  }
0x5a: {  	s24 =	simm.s32 $0x3000;
	[sflag:s15] =	ssyncadd.s32 $0xFFFF8000  }
0x5b: {  	[spmem:s2] =	stream.indirect.scatter.add.f32 [tilespmem:s14], [sflag:$0x1], $0x40, s24, s17, $0xb8;
	[tilespmem:$0x1F000] =	vst v63  }
0x5c: {  	_ =	swait.ge [sflag:s23], $0x8000  }
0x5d: {  	[sflag:s23] =	ssyncset.done $0x0  }
0x5e: {  	s25 =	simm.s32 $0xA00;
	[sflag:s23] =	ssyncadd.s32 $0xFFFF8000  }
0x5f: {  	[tilespmem:s18], [sflag:$0x3] =	stream.indirect.gather [hbm4b:s4+s17], $0x40, s25, s17, $0xb8;
	[tilespmem:$0x1F000] =	vst v63  }
0x60: {  	_ =	swait.ge [sflag:s15], $0x8000  }
0x61: {  	[sflag:s15] =	ssyncset.done $0x0  }
0x62: {  	s24 =	simm.s32 $0x3200;
	[sflag:s15] =	ssyncadd.s32 $0xFFFF8000  }
0x63: {  	[spmem:s2] =	stream.indirect.scatter.add.f32 [tilespmem:s18], [sflag:$0x2], $0x40, s24, s17, $0xb8;
	[tilespmem:$0x1F000] =	vst v63  }
0x64: {  	_ =	swait.ge [sflag:s20], $0x8000  }
0x65: {  	[sflag:s20] =	ssyncset.done $0x0  }
0x66: {  	s25 =	simm.s32 $0xC00;
	[sflag:s20] =	ssyncadd.s32 $0xFFFF8000  }
0x67: {  	[tilespmem:s14], [sflag:$0x3] =	stream.indirect.gather [hbm4b:s4+s17], $0x40, s25, s17, $0xb8;
	[tilespmem:$0x1F000] =	vst v63  }
0x68: {  	_ =	swait.ge [sflag:s15], $0x8000  }
0x69: {  	[sflag:s15] =	ssyncset.done $0x0  }
0x6a: {  	s24 =	simm.s32 $0x3400;
	[sflag:s15] =	ssyncadd.s32 $0xFFFF8000  }
0x6b: {  	[spmem:s2] =	stream.indirect.scatter.add.f32 [tilespmem:s14], [sflag:$0x1], $0x40, s24, s17, $0xb8;
	[tilespmem:$0x1F000] =	vst v63  }
0x6c: {  	_ =	swait.ge [sflag:s23], $0x8000  }
0x6d: {  	[sflag:s23] =	ssyncset.done $0x0  }
0x6e: {  	s25 =	simm.s32 $0xE00;
	[sflag:s23] =	ssyncadd.s32 $0xFFFF8000  }
0x6f: {  	[tilespmem:s18], [sflag:$0x3] =	stream.indirect.gather [hbm4b:s4+s17], $0x40, s25, s17, $0xb8;
	[tilespmem:$0x1F000] =	vst v63  }
0x70: {  	_ =	swait.ge [sflag:s15], $0x8000  }
0x71: {  	[sflag:s15] =	ssyncset.done $0x0  }
0x72: {  	s24 =	simm.s32 $0x3600;
	[sflag:s15] =	ssyncadd.s32 $0xFFFF8000  }
0x73: {  	[spmem:s2] =	stream.indirect.scatter.add.f32 [tilespmem:s18], [sflag:$0x2], $0x40, s24, s17, $0xb8;
	[tilespmem:$0x1F000] =	vst v63  }
0x74: {  	_ =	swait.ge [sflag:s20], $0x8000  }
0x75: {  	[sflag:s20] =	ssyncset.done $0x0  }
0x76: {  	s25 =	simm.s32 $0x1000;
	[sflag:s20] =	ssyncadd.s32 $0xFFFF8000  }
0x77: {  	[tilespmem:s14], [sflag:$0x3] =	stream.indirect.gather [hbm4b:s4+s17], $0x40, s25, s17, $0xb8;
	[tilespmem:$0x1F000] =	vst v63  }
0x78: {  	_ =	swait.ge [sflag:s15], $0x8000  }
0x79: {  	[sflag:s15] =	ssyncset.done $0x0  }
0x7a: {  	s24 =	simm.s32 $0x3800;
	[sflag:s15] =	ssyncadd.s32 $0xFFFF8000  }
0x7b: {  	[spmem:s2] =	stream.indirect.scatter.add.f32 [tilespmem:s14], [sflag:$0x1], $0x40, s24, s17, $0xb8;
	[tilespmem:$0x1F000] =	vst v63  }
0x7c: {  	_ =	swait.ge [sflag:s23], $0x8000  }
0x7d: {  	[sflag:s23] =	ssyncset.done $0x0  }
0x7e: {  	s25 =	simm.s32 $0x1200;
	[sflag:s23] =	ssyncadd.s32 $0xFFFF8000  }
0x7f: {  	[tilespmem:s18], [sflag:$0x3] =	stream.indirect.gather [hbm4b:s4+s17], $0x40, s25, s17, $0xb8;
	[tilespmem:$0x1F000] =	vst v63  }
0x80: {  	_ =	swait.ge [sflag:s15], $0x8000  }
0x81: {  	[sflag:s15] =	ssyncset.done $0x0  }
0x82: {  	s24 =	simm.s32 $0x3A00;
	[sflag:s15] =	ssyncadd.s32 $0xFFFF8000  }
0x83: {  	[spmem:s2] =	stream.indirect.scatter.add.f32 [tilespmem:s18], [sflag:$0x2], $0x40, s24, s17, $0xb8;
	[tilespmem:$0x1F000] =	vst v63  }
0x84: {  	_ =	swait.ge [sflag:s20], $0x8000  }
0x85: {  	[sflag:s20] =	ssyncset.done $0x0  }
0x86: {  	s25 =	simm.s32 $0x1400;
	[sflag:s20] =	ssyncadd.s32 $0xFFFF8000  }
0x87: {  	[tilespmem:s14], [sflag:$0x3] =	stream.indirect.gather [hbm4b:s4+s17], $0x40, s25, s17, $0xb8;
	[tilespmem:$0x1F000] =	vst v63  }
0x88: {  	_ =	swait.ge [sflag:s15], $0x8000  }
0x89: {  	[sflag:s15] =	ssyncset.done $0x0  }
0x8a: {  	s24 =	simm.s32 $0x3C00;
	[sflag:s15] =	ssyncadd.s32 $0xFFFF8000  }
0x8b: {  	[spmem:s2] =	stream.indirect.scatter.add.f32 [tilespmem:s14], [sflag:$0x1], $0x40, s24, s17, $0xb8;
	[tilespmem:$0x1F000] =	vst v63  }
0x8c: {  	_ =	swait.ge [sflag:s23], $0x8000  }
0x8d: {  	[sflag:s23] =	ssyncset.done $0x0  }
0x8e: {  	s25 =	simm.s32 $0x1600;
	[sflag:s23] =	ssyncadd.s32 $0xFFFF8000  }
0x8f: {  	[tilespmem:s18], [sflag:$0x3] =	stream.indirect.gather [hbm4b:s4+s17], $0x40, s25, s17, $0xb8;
	[tilespmem:$0x1F000] =	vst v63  }
0x90: {  	_ =	swait.ge [sflag:s15], $0x8000  }
0x91: {  	[sflag:s15] =	ssyncset.done $0x0  }
0x92: {  	s24 =	simm.s32 $0x3E00;
	[sflag:s15] =	ssyncadd.s32 $0xFFFF8000  }
0x93: {  	[spmem:s2] =	stream.indirect.scatter.add.f32 [tilespmem:s18], [sflag:$0x2], $0x40, s24, s17, $0xb8;
	[tilespmem:$0x1F000] =	vst v63  }
0x94: {  	_ =	swait.ge [sflag:s20], $0x8000  }
0x95: {  	[sflag:s20] =	ssyncset.done $0x0  }
0x96: {  	s25 =	simm.s32 $0x1800;
	[sflag:s20] =	ssyncadd.s32 $0xFFFF8000  }
0x97: {  	[tilespmem:s14], [sflag:$0x3] =	stream.indirect.gather [hbm4b:s4+s17], $0x40, s25, s17, $0xb8;
	[tilespmem:$0x1F000] =	vst v63  }
0x98: {  	_ =	swait.ge [sflag:s15], $0x8000  }
0x99: {  	[sflag:s15] =	ssyncset.done $0x0  }
0x9a: {  	s24 =	simm.s32 $0x4000;
	[sflag:s15] =	ssyncadd.s32 $0xFFFF8000  }
0x9b: {  	[spmem:s2] =	stream.indirect.scatter.add.f32 [tilespmem:s14], [sflag:$0x1], $0x40, s24, s17, $0xb8;
	[tilespmem:$0x1F000] =	vst v63  }
0x9c: {  	_ =	swait.ge [sflag:s23], $0x8000  }
0x9d: {  	[sflag:s23] =	ssyncset.done $0x0  }
0x9e: {  	s25 =	simm.s32 $0x1A00;
	[sflag:s23] =	ssyncadd.s32 $0xFFFF8000  }
0x9f: {  	[tilespmem:s18], [sflag:$0x3] =	stream.indirect.gather [hbm4b:s4+s17], $0x40, s25, s17, $0xb8;
	[tilespmem:$0x1F000] =	vst v63  }
0xa0: {  	_ =	swait.ge [sflag:s15], $0x8000  }
0xa1: {  	[sflag:s15] =	ssyncset.done $0x0  }
0xa2: {  	s24 =	simm.s32 $0x4200;
	[sflag:s15] =	ssyncadd.s32 $0xFFFF8000  }
0xa3: {  	[spmem:s2] =	stream.indirect.scatter.add.f32 [tilespmem:s18], [sflag:$0x2], $0x40, s24, s17, $0xb8;
	[tilespmem:$0x1F000] =	vst v63  }
0xa4: {  	_ =	swait.ge [sflag:s20], $0x8000  }
0xa5: {  	[sflag:s20] =	ssyncset.done $0x0  }
0xa6: {  	s25 =	simm.s32 $0x1C00;
	[sflag:s20] =	ssyncadd.s32 $0xFFFF8000  }
0xa7: {  	[tilespmem:s14], [sflag:$0x3] =	stream.indirect.gather [hbm4b:s4+s17], $0x40, s25, s17, $0xb8;
	[tilespmem:$0x1F000] =	vst v63  }
0xa8: {  	_ =	swait.ge [sflag:s15], $0x8000  }
0xa9: {  	[sflag:s15] =	ssyncset.done $0x0  }
0xaa: {  	s24 =	simm.s32 $0x4400;
	[sflag:s15] =	ssyncadd.s32 $0xFFFF8000  }
0xab: {  	[spmem:s2] =	stream.indirect.scatter.add.f32 [tilespmem:s14], [sflag:$0x1], $0x40, s24, s17, $0xb8;
	[tilespmem:$0x1F000] =	vst v63  }
0xac: {  	_ =	swait.ge [sflag:s23], $0x8000  }
0xad: {  	[sflag:s23] =	ssyncset.done $0x0  }
0xae: {  	s25 =	simm.s32 $0x1E00;
	[sflag:s23] =	ssyncadd.s32 $0xFFFF8000  }
0xaf: {  	[tilespmem:s18], [sflag:$0x3] =	stream.indirect.gather [hbm4b:s4+s17], $0x40, s25, s17, $0xb8;
	[tilespmem:$0x1F000] =	vst v63  }
0xb0: {  	_ =	swait.ge [sflag:s15], $0x8000  }
0xb1: {  	[sflag:s15] =	ssyncset.done $0x0  }
0xb2: {  	s24 =	simm.s32 $0x4600;
	[sflag:s15] =	ssyncadd.s32 $0xFFFF8000  }
0xb3: {  	[spmem:s2] =	stream.indirect.scatter.add.f32 [tilespmem:s18], [sflag:$0x2], $0x40, s24, s17, $0xb8;
	[tilespmem:$0x1F000] =	vst v63  }
0xb4: {  	_ =	swait.ge [sflag:s20], $0x8000  }
0xb5: {  	[sflag:s20] =	ssyncset.done $0x0  }
0xb6: {  	[sflag:s20] =	ssyncadd.s32 $0xFFFF8000  }
0xb7: {  	[tilespmem:s14], [sflag:$0x3] =	stream.indirect.gather [hbm4b:s4+s17], $0x40, s26, s17, $0xb8;
	[tilespmem:$0x1F000] =	vst v63  }
0xb8: {  	_ =	swait.ge [sflag:s15], $0x8000  }
0xb9: {  	[sflag:s15] =	ssyncset.done $0x0  }
0xba: {  	[sflag:s15] =	ssyncadd.s32 $0xFFFF8000  }
0xbb: {  	[spmem:s2] =	stream.indirect.scatter.add.f32 [tilespmem:s14], [sflag:$0x1], $0x40, s28, s17, $0xb8;
	[tilespmem:$0x1F000] =	vst v63  }
0xbc: {  	_ =	swait.ge [sflag:s23], $0x8000  }
0xbd: {  	[sflag:s23] =	ssyncset.done $0x0  }
0xbe: {  	[sflag:s23] =	ssyncadd.s32 $0xFFFF8000  }
0xbf: {  	[tilespmem:s18], [sflag:$0x3] =	stream.indirect.gather [hbm4b:s4+s17], $0x40, s29, s17, $0xb8;
	[tilespmem:$0x1F000] =	vst v63  }
0xc0: {  	_ =	swait.ge [sflag:s15], $0x8000  }
0xc1: {  	[sflag:s15] =	ssyncset.done $0x0  }
0xc2: {  	[sflag:s15] =	ssyncadd.s32 $0xFFFF8000  }
0xc3: {  	[spmem:s2] =	stream.indirect.scatter.add.f32 [tilespmem:s18], [sflag:$0x2], $0x40, s30, s17, $0xb8;
	[tilespmem:$0x1F000] =	vst v63  }
0xc4: {  	_ =	swait.ge [sflag:s20], $0x8000  }
0xc5: {  	[sflag:s20] =	ssyncset.done $0x0  }
0xc6: {  	[sflag:s20] =	ssyncadd.s32 $0xFFFF8000  }
0xc7: {  	[tilespmem:s14], [sflag:$0x3] =	stream.indirect.gather [hbm4b:s4+s17], $0x40, s31, s17, $0xb8;
	[tilespmem:$0x1F000] =	vst v63  }
0xc8: {  	_ =	swait.ge [sflag:s15], $0x8000  }
0xc9: {  	[sflag:s15] =	ssyncset.done $0x0  }
0xca: {  	[sflag:s15] =	ssyncadd.s32 $0xFFFF8000  }
0xcb: {  	[spmem:s2] =	stream.indirect.scatter.add.f32 [tilespmem:s14], [sflag:$0x1], $0x40, s1, s17, $0xb8;
	[tilespmem:$0x1F000] =	vst v63  }
0xcc: {  	_ =	swait.ge [sflag:s23], $0x8000  }
0xcd: {  	[sflag:s23] =	ssyncset.done $0x0  }
0xce: {  	[sflag:s23] =	ssyncadd.s32 $0xFFFF8000  }
0xcf: {  	[tilespmem:s18], [sflag:$0x3] =	stream.indirect.gather [hbm4b:s4+s17], $0x40, s0, s17, $0xb8;
	[tilespmem:$0x1F000] =	vst v63  }
0xd0: {  	_ =	swait.ge [sflag:s15], $0x8000  }
0xd1: {  	[sflag:s15] =	ssyncset.done $0x0  }
0xd2: {  	[sflag:s15] =	ssyncadd.s32 $0xFFFF8000  }
0xd3: {  	[spmem:s2] =	stream.indirect.scatter.add.f32 [tilespmem:s18], [sflag:$0x2], $0x40, s19, s17, $0xb8;
	[tilespmem:$0x1F000] =	vst v63  }
0xd4: {  	_ =	swait.ge [sflag:s20], $0x8000  }
0xd5: {  	[sflag:s20] =	ssyncset.done $0x0  }
0xd6: {  	[sflag:s20] =	ssyncadd.s32 $0xFFFF8000  }
0xd7: {  	s25 =	stileid.u32;
	_ =	swait.ge [sflag:s23], $0x8000  }
0xd8: {  	s21 =	sadd.s32 $0x1, s21;
	s22 =	sshll.u32 s25, $0x6;
	[sflag:s23] =	ssyncset.done $0x0  }
0xd9: {  	p0 =	sne.s32 s21, s13;
	s22 =	sor.u32 $0x1C03, s22;
	[sflag:s23] =	ssyncadd.s32 $0xFFFF8000  }
.Ltmp1:
0xda: {  	s24 =	sshrl.u32 s5, $0x3;
	[bflag:$0x0] =	sbarrier.arrive $0xFFFF;
	(pc) =	sbr.rel @p0 .LBB2_1-.Ltmp1, $4  }
0xdb: {  	[hbm:s12], [sflag:s22] =	dma.local [spmem:s24], $0x1400  }
0xdc: {  	_ =	swait.ge [sflag:s15], $0x1400  }
0xdd: {  	[sflag:s15] =	ssyncset.done $0x0  }
0xde: {  	[sflag:s15] =	ssyncadd.s32 $0xFFFFEC00  }
0xdf: {  	_ =	sfence.sel $0x180000  }
0xe0: {  	[bflag:$0x0] =	sbarrier.arrive $0xFFFF  }
0xe1: {  	_ =	strace $0x90000050  }
0xe2: {  	s0 =	stileid.u32;
	[bflag:$0x2] =	sbarrier.arrive $0xFFFF  }
0xe3: {  	p0 =	sne.s32 s0, $0x0;
	s0 =	rddreg [dreg:$0x3]  }
0xe4: {  	s0 =	sadd.s32 @!p0 $0x100000, s0  }
0xe5: {  	[sflag:s0] =	ssyncadd.tile.s32 @!p0 $0x1;
	_ =	shalt  }
.Lfunc_end2:
_tile_overlayer_lowered:
.L_overlay_start_2:
0xe6: {  	(tag) =	ssettag $0x2  }
0xe7: {  	s0 =	rddreg [dreg:$0x0];
	s2 =	stileid.u32  }
0xe8: {  	s1 =	rddreg [dreg:$0x1];
	p0 =	sne.s32 s2, $0x0  }
0xe9: {  	s3 =	rddreg [dreg:$0x2];
	[bflag:$0x3] =	sbarrier.arrive $0xFFFF;
	s2 =	simm.s32 @!p0 $0x1C03  }
0xea: {  	[timem:s3], [sflag:s2] =	dma.local @!p0 [hbm:s0], s1  }
0xeb: {  	s0 =	simm.s32 @!p0 $0x3  }
0xec: {  	_ =	swait.ge @!p0 [sflag:s0], s1  }
0xed: {  	s1 =	ssub.s32 @!p0 $0x0, s1;
	[sflag:s0] =	ssyncset.done @!p0 $0x0  }
0xee: {  	[sflag:s0] =	ssyncadd.s32 @!p0 s1  }
0xef: {  	[bflag:$0x3] =	sbarrier.arrive $0xFFFF  }
0xf0: {  	_ =	shalt  }

// kernel: kernel.26.cloned.1.call-start
scs
__scs_entry_jumppad:
0x0: {  	(pc) =	sbr.rel $0x88, $3  }
0x1: {  	(tag) =	ssettag $0x0;
	lr =	simm.s32 $0x1  }
0x2: {  	[smem:$0x3F90] =	sst lr;
	_ =	strace $0xD0000000  }
0x3: {  	_ = 	snop  }
0x4: {  	_ = 	snop  }
0x5: {  	_ = 	snop  }
0x6: {  	_ = 	snop  }
0x7: {  	_ = 	snop  }
__scs_overlays_trampoline_lowered:
0x8: {  	[smem:$0x3F9F] =	sst s0  }
0x9: {  	[smem:$0x3FA0] =	sst s1  }
0xa: {  	[smem:$0x3FA1] =	sst s2  }
0xb: {  	[smem:$0x3FA2] =	sst s3  }
0xc: {  	[smem:$0x3FA3] =	sst s4  }
0xd: {  	[smem:$0x3FA4] =	sst s5  }
0xe: {  	[smem:$0x3FA5] =	sst s6  }
0xf: {  	[smem:$0x3FA6] =	sst s7  }
0x10: {  	[smem:$0x3FA7] =	sst s8  }
0x11: {  	[smem:$0x3FA8] =	sst s9;
	s0 =	simm.s32 @!p0 $0x0  }
0x12: {  	s1 =	sld [smem:$0x3F8E];
	s0 =	simm.s32 @p0 $0x1  }
0x13: {  	[smem:$0x3FA9] =	sst s0;
	s0 =	simm.s32 @!p1 $0x0  }
0x14: {  	s2 =	sld [smem:$0x3F8D];
	s0 =	simm.s32 @p1 $0x1  }
0x15: {  	[smem:$0x3FAA] =	sst s0;
	s0 =	simm.s32 @!p2 $0x0  }
0x16: {  	s3 =	sld [smem:$0x3FDB];
	s0 =	simm.s32 @p2 $0x1  }
0x17: {  	s4 =	simm.s32 $0x1BF5;
	[smem:$0x3FAC] =	sst s0  }
0x18: {  	s0 =	sld [smem:$0x3F8F];
	_ =	swait.ge [sflag:s4], $0x0  }
0x19: {  	s7 =	sld [smem:$0x3F90]  }
0x1a: {  	s8 =	sadd.s32 $0xFFFFE003, lr  }
0x1b: {  	s9 =	sadd.s32 $0xFFFFFEF7, lr;
	s5 =	simm.s32 $0xFFFFFFFF;
	p2 =	slt.u32 s8, $0xFFFFF086  }
0x1c: {  	p1 =	slt.u32 s9, $0xF7A;
	s5 =	simm.s32 @!p2 $0x0  }
0x1d: {  	s5 =	simm.s32 @p1 $0x1;
	p0 =	seq.s32 s7, s2  }
0x1e: {  	s7 =	smul.u32 @!p0 $0xF7A, s2;
	p2 =	seq.s32 @!p0 s5, $0x0  }
0x1f: {  	s9 =	smul.u32 $0xF7A, s1;
	s8 =	simm.s32 @!p0 $0x1BF5;
	p2 =	por !p2, p0  }
0x20: {  	[sflag:s8] =	ssyncset.s32 @!p0 $0xFFFFF086;
	s6 =	sadd.s32 @!p0 s3, s7;
	s7 =	simm.s32 @!p0 $0x108  }
0x21: {  	s3 =	sadd.s32 s3, s9;
	s6 =	sadd.s32 @!p0 $0x88, s6;
	s7 =	simm.s32 @p2 $0x1082  }
0x22: {  	[simem:s7], [sflag:s8] =	dma.local @!p0 [hbm:s6], $0xF7A  }
0x23: {  	s9 =	sor.u32 $0xD0000000, s2;
	s6 =	simm.s32 $0x108;
	_ =	swait.ge @!p0 [sflag:s8], $0x0  }
0x24: {  	s3 =	sadd.s32 $0x88, s3;
	s6 =	simm.s32 @!p1 $0x1082;
	[sflag:s4] =	ssyncset.s32 $0xFFFFF086  }
0x25: {  	[simem:s6], [sflag:s4] =	dma.local [hbm:s3], $0xF7A  }
0x26: {  	[smem:$0x3F90] =	sst s1;
	(tag) =	ssettag s2;
	_ =	strace s9  }
0x27: {  	s1 =	sld [smem:$0x3FA0]  }
0x28: {  	s2 =	sld [smem:$0x3FA1]  }
0x29: {  	s4 =	sld [smem:$0x3FA3]  }
0x2a: {  	p0 =	seq.s32 s5, $0x0;
	s5 =	sld [smem:$0x3FA4]  }
0x2b: {  	s6 =	sld [smem:$0x3FA5]  }
0x2c: {  	s7 =	sld [smem:$0x3FA6]  }
0x2d: {  	s3 =	simm.s32 $0x108;
	s8 =	sld [smem:$0x3FA7]  }
0x2e: {  	s3 =	simm.s32 @!p0 $0x1082;
	s9 =	sld [smem:$0x3FA8]  }
0x2f: {  	lr =	sadd.s32 s0, s3;
	s0 =	sld [smem:$0x3F9F]  }
0x30: {  	s3 =	sld [smem:$0x3FA2]  }
0x31: {  	[smem:$0x3FAB] =	sst s10  }
0x32: {  	s10 =	sld [smem:$0x3FA9];
	_ =	sdelay $0x3  }
0x33: {  	p0 =	seq.s32 s10, $0x1;
	s10 =	sld [smem:$0x3FAB];
	_ =	sdelay $0x3  }
0x34: {  	[smem:$0x3FAB] =	sst s10  }
0x35: {  	s10 =	sld [smem:$0x3FAA];
	_ =	sdelay $0x3  }
0x36: {  	p1 =	seq.s32 s10, $0x1;
	s10 =	sld [smem:$0x3FAB];
	_ =	sdelay $0x3  }
0x37: {  	[smem:$0x3FAB] =	sst s10  }
0x38: {  	s10 =	sld [smem:$0x3FAC]  }
0x39: {  	_ = 	snop;
	(pc) =	sbr.ind lr, $3  }
0x3a: {  	_ = 	snop  }
0x3b: {  	_ = 	snop  }
0x3c: {  	p2 =	seq.s32 s10, $0x1;
	s10 =	sld [smem:$0x3FAB]  }
0x3d: {  	_ =	shalt  }
0x3e: {  	_ =	shalt  }
0x3f: {  	_ =	shalt  }
0x40: {  	_ =	shalt  }
0x41: {  	_ =	shalt  }
0x42: {  	_ =	shalt  }
0x43: {  	_ =	shalt  }
0x44: {  	_ =	shalt  }
0x45: {  	_ =	shalt  }
0x46: {  	_ =	shalt  }
0x47: {  	_ =	shalt  }
0x48: {  	_ =	shalt  }
0x49: {  	_ =	shalt  }
0x4a: {  	_ =	shalt  }
0x4b: {  	_ =	shalt  }
0x4c: {  	_ =	shalt  }
0x4d: {  	_ =	shalt  }
0x4e: {  	_ =	shalt  }
0x4f: {  	_ =	shalt  }
0x50: {  	_ =	shalt  }
0x51: {  	_ =	shalt  }
0x52: {  	_ =	shalt  }
0x53: {  	_ =	shalt  }
0x54: {  	_ =	shalt  }
0x55: {  	_ =	shalt  }
0x56: {  	_ =	shalt  }
0x57: {  	_ =	shalt  }
0x58: {  	_ =	shalt  }
0x59: {  	_ =	shalt  }
0x5a: {  	_ =	shalt  }
0x5b: {  	_ =	shalt  }
0x5c: {  	_ =	shalt  }
0x5d: {  	_ =	shalt  }
0x5e: {  	_ =	shalt  }
0x5f: {  	_ =	shalt  }
0x60: {  	_ =	shalt  }
0x61: {  	_ =	shalt  }
0x62: {  	_ =	shalt  }
0x63: {  	_ =	shalt  }
0x64: {  	_ =	shalt  }
0x65: {  	_ =	shalt  }
0x66: {  	_ =	shalt  }
0x67: {  	_ =	shalt  }
0x68: {  	_ =	shalt  }
0x69: {  	_ =	shalt  }
0x6a: {  	_ =	shalt  }
0x6b: {  	_ =	shalt  }
0x6c: {  	_ =	shalt  }
0x6d: {  	_ =	shalt  }
0x6e: {  	_ =	shalt  }
0x6f: {  	_ =	shalt  }
0x70: {  	_ =	shalt  }
0x71: {  	_ =	shalt  }
0x72: {  	_ =	shalt  }
0x73: {  	_ =	shalt  }
0x74: {  	_ =	shalt  }
0x75: {  	_ =	shalt  }
0x76: {  	_ =	shalt  }
0x77: {  	_ =	shalt  }
0x78: {  	_ =	shalt  }
0x79: {  	_ =	shalt  }
0x7a: {  	_ =	shalt  }
0x7b: {  	_ =	shalt  }
0x7c: {  	_ =	shalt  }
0x7d: {  	_ =	shalt  }
0x7e: {  	_ =	shalt  }
0x7f: {  	_ =	shalt  }
0x80: {  	_ =	shalt  }
0x81: {  	_ =	shalt  }
0x82: {  	_ =	shalt  }
0x83: {  	_ =	shalt  }
0x84: {  	_ =	shalt  }
0x85: {  	_ =	shalt  }
0x86: {  	_ =	shalt  }
0x87: {  	_ =	shalt  }
.Lfunc_end0:
.L_simem_size_0:
called_computation.4_lowered:
.L_overlay_start_0:
0x88: {  	s2 =	sld [smem:$0x3FD9]  }
0x89: {  	s3 =	sld [smem:$0x3FFE];
	_ =	sdelay $0x1  }
0x8a: {  	s1 =	srdreg.scid  }
0x8b: {  	s0 =	sand.u32 $0x1, s1  }
0x8c: {  	s17 =	sshll.u32 s0, $0xA;
	s2 =	sadd.s32 s3, s2  }
0x8d: {  	s2 =	sadd.s32 s2, s17  }
0x8e: {  	[smem:$0x3FB7] =	sst s2  }
0x8f: {  	_ = 	snop  }
0x90: {  	s2 =	sld [smem:$0x3FD0];
	(tm) =	ssettm $0x1  }
0x91: {  	s18 =	sld [smem:$0x3FFB];
	_ =	sdelay $0x3  }
0x92: {  	_ =	strace s18  }
0x93: {  	s3 =	sld [smem:$0x3FFC];
	_ =	sdelay $0x3  }
0x94: {  	_ =	strace s3  }
0x95: {  	s3 =	sld [smem:$0x3FFD];
	_ =	sdelay $0x3  }
0x96: {  	_ =	strace s3  }
0x97: {  	_ =	strace $0x8FFFFFFF  }
0x98: {  	s19 =	sld [smem:$0x3FDB];
	_ =	sdelay $0x1  }
0x99: {  	s4 =	simm.s32 $_scs_section_size  }
0x9a: {  	s5 =	simm.s32 $_size__tile_overlayer_lowered;
	s6 =	simm.s32 $_tile_overlayer_lowered  }
0x9b: {  	s22 =	simm.s32 $0x1BFF;
	s21 =	sshll.u32 s6, $0x1;
	s3 =	sadd.s32 s4, s19  }
0x9c: {  	s7 =	simm.s32 $0x0;
	s20 =	sshll.u32 s5, $0x1;
	s5 =	sadd.s32 s21, s3  }
0x9d: {  	[timem:s7], [sflag:s22] =	dma.local [hbm:s5], s20  }
0x9e: {  	_ =	swait.ge [sflag:s22], s20  }
0x9f: {  	s4 =	ssub.s32 $0x0, s20;
	[sflag:s22] =	ssyncset.done $0x0  }
0xa0: {  	[sflag:s22] =	ssyncadd.s32 s4;
	_ =	sdelay $0x1  }
0xa1: {  	s23 =	simm.s32 $0x1B8B  }
0xa2: {  	_ =	swait.ge [sflag:s23], $0x1  }
0xa3: {  	[sflag:s23] =	ssyncset.done $0x0  }
0xa4: {  	s25 =	simm.s32 $0x1B8E;
	s24 =	sld [smem:$0x3FFE];
	[sflag:s23] =	ssyncadd.s32 $0xFFFFFFFF  }
0xa5: {  	s26 =	simm.s32 $execute0_lowered;
	[smem:$0x3FD2] =	sst s25  }
0xa6: {  	s5 =	sshll.u32 s26, $0x1;
	_ =	strace $0x80000052;
	[dreg:$0x1] =	wrdreg $0xFFFFFFFF  }
0xa7: {  	s28 =	simm.s32 $_size_execute0_lowered;
	s3 =	sadd.s32 s3, s5;
	[dreg:$0x0] =	wrdreg $0x0  }
0xa8: {  	s5 =	sshll.u32 s28, $0x1;
	[dreg:$0x2] =	wrdreg s3  }
0xa9: {  	[dreg:$0x3] =	wrdreg s5  }
0xaa: {  	[dreg:$0x4] =	wrdreg $0xC0  }
0xab: {  	_ =	task [dreg:s7], $0x5FFFF  }
0xac: {  	[dreg:$0x1] =	wrdreg $0xFFFFFFFF  }
0xad: {  	[dreg:$0x0] =	wrdreg $0x60  }
0xae: {  	[dreg:$0x2] =	wrdreg s24  }
0xaf: {  	[dreg:$0x3] =	wrdreg s2  }
0xb0: {  	[dreg:$0x4] =	wrdreg $0x150000  }
0xb1: {  	[dreg:$0x5] =	wrdreg $0x9  }
0xb2: {  	_ =	task.clear_ibuf [dreg:s7], $0x6FFFF;
	_ =	strace $0x90000052  }
0xb3: {  	s29 =	simm.s32 $0x9;
	_ =	strace $0x80000054  }
0xb4: {  	_ =	swait.ge [sflag:s29], $0x1  }
0xb5: {  	[sflag:s29] =	ssyncadd.s32 $0xFFFFFFFF  }
0xb6: {  	_ =	strace $0x90000054  }
0xb7: {  	_ =	sfence  }
0xb8: {  	s30 =	sld [smem:$0x0];
	_ =	sdelay $0x2  }
0xb9: {  	s31 =	sshll.u32 s1, $0xD;
	s1 =	sshrl.u32 s1, $0x2  }
0xba: {  	s3 =	sand.u32 $0x4000, s31;
	s1 =	sadd.s32 s1, s30  }
0xbb: {  	s0 =	sor.u32 s3, s0;
	s1 =	sshll.u32 s1, $0x11  }
0xbc: {  	s0 =	sor.u32 s1, s0  }
0xbd: {  	s0 =	sadd.s32 $0x8F2B, s0  }
0xbe: {  	[sflag:s0] =	ssyncadd.remote.s32 $0x1  }
0xbf: {  	_ =	sfence.sel $0xFFFF  }
0xc0: {  	[dreg:$0x0] =	wrdreg $0xFFFFFFFF;
	(pc) =	sbr.abs _section_cstart, $3  }
0xc1: {  	[dreg:$0x1] =	wrdreg $0xFFFFFFFF  }
0xc2: {  	_ =	task.clear_ibuf [dreg:s7], $0x2FFFF;
	_ =	strace $0x9FFFFFFF  }
0xc3: {  	(tm) =	ssettm $0x7FFFFFFF  }
tec
execute0_lowered:
.L_overlay_start_1:
0x0: {  	(tag) =	ssettag $0x1  }
0x1: {  	s0 =	srdreg.scid;
	s1 =	rddreg [dreg:$0x0]  }
0x2: {  	s7 =	stileid.u32;
	s10 =	rddreg [dreg:$0x1];
	s14 =	simm.s32 $0x5000  }
0x3: {  	s15 =	simm.s32 $0x3;
	s16 =	simm.s32 $0x2800;
	s17 =	simm.s32 $0x200  }
0x4: {  	s18 =	simm.s32 $0xD000;
	s20 =	simm.s32 $0x1;
	s23 =	simm.s32 $0x2  }
0x5: {  	s26 =	simm.s32 $0x2000;
	s28 =	simm.s32 $0x4800;
	s29 =	simm.s32 $0x2200  }
0x6: {  	s30 =	simm.s32 $0x4A00;
	s31 =	simm.s32 $0x2400;
	s19 =	simm.s32 $0x4E00  }
0x7: {  	s21 =	simm.s32 $0x0;
	s0 =	sand.u32 $0x1, s0;
	s5 =	smul.u32 $0xA000, s7  }
0x8: {  	s4 =	sadd.s32 $0xF000, s1;
	s2 =	sshll.u32 s0, $0x4;
	s6 =	smul.u32 $0xA0000, s0  }
0x9: {  	s0 =	ssub.s32 $0x2, s0;
	s3 =	sor.u32 s7, s2;
	s7 =	smul.u32 $0x28000, s7  }
0xa: {  	s2 =	rddreg [dreg:$0x2];
	s8 =	sshrl.u32 s0, $0x1;
	s11 =	smul.u32 $0x500, s3  }
0xb: {  	s3 =	simm.s32 $0x0;
	s6 =	sadd.s32 s5, s6;
	s0 =	ssub.s32 s0, s8  }
0xc: {  	s5 =	sadd.s32 s5, s2;
	[smem:$0x7FF] =	sst s3;
	s6 =	sshrl.u32 s6, $0x3  }
0xd: {  	s7 =	sshrl.u32 s7, $0x2;
	s13 =	smax.u32 s0, $0x1;
	s0 =	simm.s32 $0x2600  }
0xe: {  	_ =	strace $0x80000053;
	s12 =	sadd.s32 s11, s1;
	s9 =	sadd.s32 s7, s2  }
0xf: {  	s1 =	sadd.s32 s6, s1;
	s10 =	sadd.s32 s10, s11;
	s6 =	sadd.s32 $0x2000, s9  }
0x10: {  	s7 =	sadd.s32 $0x4000, s9;
	s8 =	sadd.s32 $0x6000, s9;
	s9 =	sadd.s32 $0x8000, s9  }
0x11: {  	v0 =	vimm.f32 $0.0e+00;
	s11 =	sadd.s32 $0x5000, s12;
	s12 =	sadd.s32 $0x23000, s1;
	s1 =	simm.s32 $0x4C00  }
.LBB2_1:
0x12: {  	s24 =	simm.s32 $0x100;
	s22 =	simm.s32 $0x0  }
.LBB2_2:
0x13: {  	p0 =	sne.s32 s24, $0x7F00;
	[tilespmem:s22+$0x5030] =	vst v0;
	s25 =	smov.u32 s24;
	s24 =	sadd.s32 $0x100, s24  }
.Ltmp0:
0x14: {  	[tilespmem:s22+$0x5020] =	vst v0;
	(pc) =	sbr.rel @p0 .LBB2_2-.Ltmp0, $3  }
0x15: {  	[tilespmem:s22+$0x5000] =	vst v0  }
0x16: {  	[tilespmem:s22+$0x5010] =	vst v0;
	_ =	sdelay $0x1  }
0x17: {  	s22 =	sshra.s32 s25, $0x2  }
0x18: {  	[tilespmem:s22+$0x5030] =	vst v0  }
0x19: {  	[tilespmem:s22+$0x5020] =	vst v0  }
0x1a: {  	[tilespmem:s22+$0x5000] =	vst v0  }
0x1b: {  	[tilespmem:s22+$0x5010] =	vst v0  }
0x1c: {  	[spmem:s5] =	stream.linear.scatter [tilespmem:s14], [sflag:$0x3], $0x2000, $0x38;
	[tilespmem:$0x1F000] =	vst v63  }
0x1d: {  	_ =	swait.ge [sflag:s15], $0x2000  }
0x1e: {  	[sflag:s15] =	ssyncset.done $0x0  }
0x1f: {  	[sflag:s15] =	ssyncadd.s32 $0xFFFFE000  }
0x20: {  	[spmem:s6] =	stream.linear.scatter [tilespmem:s14], [sflag:$0x3], $0x2000, $0x38;
	[tilespmem:$0x1F000] =	vst v63  }
0x21: {  	_ =	swait.ge [sflag:s15], $0x2000  }
0x22: {  	[sflag:s15] =	ssyncset.done $0x0  }
0x23: {  	[sflag:s15] =	ssyncadd.s32 $0xFFFFE000  }
0x24: {  	[spmem:s7] =	stream.linear.scatter [tilespmem:s14], [sflag:$0x3], $0x2000, $0x38;
	[tilespmem:$0x1F000] =	vst v63  }
0x25: {  	_ =	swait.ge [sflag:s15], $0x2000  }
0x26: {  	[sflag:s15] =	ssyncset.done $0x0  }
0x27: {  	[sflag:s15] =	ssyncadd.s32 $0xFFFFE000  }
0x28: {  	[spmem:s8] =	stream.linear.scatter [tilespmem:s14], [sflag:$0x3], $0x2000, $0x38;
	[tilespmem:$0x1F000] =	vst v63  }
0x29: {  	_ =	swait.ge [sflag:s15], $0x2000  }
0x2a: {  	[sflag:s15] =	ssyncset.done $0x0  }
0x2b: {  	[sflag:s15] =	ssyncadd.s32 $0xFFFFE000  }
0x2c: {  	[spmem:s9] =	stream.linear.scatter [tilespmem:s14], [sflag:$0x3], $0x2000, $0x38;
	[tilespmem:$0x1F000] =	vst v63  }
0x2d: {  	_ =	swait.ge [sflag:s15], $0x2000  }
0x2e: {  	[sflag:s15] =	ssyncset.done $0x0  }
0x2f: {  	[sflag:s15] =	ssyncadd.s32 $0xFFFFE000  }
0x30: {  	[tilespmem:s3], [sflag:$0x3] =	stream.linear.gather [hbm4b:s10+s3], $0x2800, $0x38;
	[tilespmem:$0x1F000] =	vst v63  }
0x31: {  	_ =	swait.ge [sflag:s15], $0x2800  }
0x32: {  	[sflag:s15] =	ssyncset.done $0x0  }
0x33: {  	[sflag:s15] =	ssyncadd.s32 $0xFFFFD800  }
0x34: {  	[tilespmem:s16], [sflag:$0x3] =	stream.linear.gather [hbm4b:s11+s3], $0x2800, $0x38;
	[tilespmem:$0x1F000] =	vst v63  }
0x35: {  	_ =	swait.ge [sflag:s15], $0x2800  }
0x36: {  	[sflag:s15] =	ssyncset.done $0x0  }
0x37: {  	[sflag:s15] =	ssyncadd.s32 $0xFFFFD800  }
0x38: {  	[bflag:$0x0] =	sbarrier.arrive $0xFFFF  }
0x39: {  	[tilespmem:s14], [sflag:$0x3] =	stream.indirect.gather [hbm4b:s4+s17], $0x40, s3, s17, $0xb8;
	[tilespmem:$0x1F000] =	vst v63  }
0x3a: {  	_ =	swait.ge [sflag:s15], $0x8000  }
0x3b: {  	[sflag:s15] =	ssyncset.done $0x0  }
0x3c: {  	[sflag:s15] =	ssyncadd.s32 $0xFFFF8000  }
0x3d: {  	[spmem:s2] =	stream.indirect.scatter.add.f32 [tilespmem:s14], [sflag:$0x1], $0x40, s16, s17, $0xb8;
	[tilespmem:$0x1F000] =	vst v63  }
0x3e: {  	_ = 	snop  }
0x3f: {  	[tilespmem:s18], [sflag:$0x3] =	stream.indirect.gather [hbm4b:s4+s17], $0x40, s17, s17, $0xb8;
	[tilespmem:$0x1F000] =	vst v63  }
0x40: {  	_ =	swait.ge [sflag:s15], $0x8000  }
0x41: {  	[sflag:s15] =	ssyncset.done $0x0  }
0x42: {  	s24 =	simm.s32 $0x2A00;
	[sflag:s15] =	ssyncadd.s32 $0xFFFF8000  }
0x43: {  	[spmem:s2] =	stream.indirect.scatter.add.f32 [tilespmem:s18], [sflag:$0x2], $0x40, s24, s17, $0xb8;
	[tilespmem:$0x1F000] =	vst v63  }
0x44: {  	_ =	swait.ge [sflag:s20], $0x8000  }
0x45: {  	[sflag:s20] =	ssyncset.done $0x0  }
0x46: {  	s25 =	simm.s32 $0x400;
	[sflag:s20] =	ssyncadd.s32 $0xFFFF8000  }
0x47: {  	[tilespmem:s14], [sflag:$0x3] =	stream.indirect.gather [hbm4b:s4+s17], $0x40, s25, s17, $0xb8;
	[tilespmem:$0x1F000] =	vst v63  }
0x48: {  	_ =	swait.ge [sflag:s15], $0x8000  }
0x49: {  	[sflag:s15] =	ssyncset.done $0x0  }
0x4a: {  	s24 =	simm.s32 $0x2C00;
	[sflag:s15] =	ssyncadd.s32 $0xFFFF8000  }
0x4b: {  	[spmem:s2] =	stream.indirect.scatter.add.f32 [tilespmem:s14], [sflag:$0x1], $0x40, s24, s17, $0xb8;
	[tilespmem:$0x1F000] =	vst v63  }
0x4c: {  	_ =	swait.ge [sflag:s23], $0x8000  }
0x4d: {  	[sflag:s23] =	ssyncset.done $0x0  }
0x4e: {  	s25 =	simm.s32 $0x600;
	[sflag:s23] =	ssyncadd.s32 $0xFFFF8000  }
0x4f: {  	[tilespmem:s18], [sflag:$0x3] =	stream.indirect.gather [hbm4b:s4+s17], $0x40, s25, s17, $0xb8;
	[tilespmem:$0x1F000] =	vst v63  }
0x50: {  	_ =	swait.ge [sflag:s15], $0x8000  }
0x51: {  	[sflag:s15] =	ssyncset.done $0x0  }
0x52: {  	s24 =	simm.s32 $0x2E00;
	[sflag:s15] =	ssyncadd.s32 $0xFFFF8000  }
0x53: {  	[spmem:s2] =	stream.indirect.scatter.add.f32 [tilespmem:s18], [sflag:$0x2], $0x40, s24, s17, $0xb8;
	[tilespmem:$0x1F000] =	vst v63  }
0x54: {  	_ =	swait.ge [sflag:s20], $0x8000  }
0x55: {  	[sflag:s20] =	ssyncset.done $0x0  }
0x56: {  	s25 =	simm.s32 $0x800;
	[sflag:s20] =	ssyncadd.s32 $0xFFFF8000  }
0x57: {  	[tilespmem:s14], [sflag:$0x3] =	stream.indirect.gather [hbm4b:s4+s17], $0x40, s25, s17, $0xb8;
	[tilespmem:$0x1F000] =	vst v63  }
0x58: {  	_ =	swait.ge [sflag:s15], $0x8000  }
0x59: {  	[sflag:s15] =	ssyncset.done $0x0  }
0x5a: {  	s24 =	simm.s32 $0x3000;
	[sflag:s15] =	ssyncadd.s32 $0xFFFF8000  }
0x5b: {  	[spmem:s2] =	stream.indirect.scatter.add.f32 [tilespmem:s14], [sflag:$0x1], $0x40, s24, s17, $0xb8;
	[tilespmem:$0x1F000] =	vst v63  }
0x5c: {  	_ =	swait.ge [sflag:s23], $0x8000  }
0x5d: {  	[sflag:s23] =	ssyncset.done $0x0  }
0x5e: {  	s25 =	simm.s32 $0xA00;
	[sflag:s23] =	ssyncadd.s32 $0xFFFF8000  }
0x5f: {  	[tilespmem:s18], [sflag:$0x3] =	stream.indirect.gather [hbm4b:s4+s17], $0x40, s25, s17, $0xb8;
	[tilespmem:$0x1F000] =	vst v63  }
0x60: {  	_ =	swait.ge [sflag:s15], $0x8000  }
0x61: {  	[sflag:s15] =	ssyncset.done $0x0  }
0x62: {  	s24 =	simm.s32 $0x3200;
	[sflag:s15] =	ssyncadd.s32 $0xFFFF8000  }
0x63: {  	[spmem:s2] =	stream.indirect.scatter.add.f32 [tilespmem:s18], [sflag:$0x2], $0x40, s24, s17, $0xb8;
	[tilespmem:$0x1F000] =	vst v63  }
0x64: {  	_ =	swait.ge [sflag:s20], $0x8000  }
0x65: {  	[sflag:s20] =	ssyncset.done $0x0  }
0x66: {  	s25 =	simm.s32 $0xC00;
	[sflag:s20] =	ssyncadd.s32 $0xFFFF8000  }
0x67: {  	[tilespmem:s14], [sflag:$0x3] =	stream.indirect.gather [hbm4b:s4+s17], $0x40, s25, s17, $0xb8;
	[tilespmem:$0x1F000] =	vst v63  }
0x68: {  	_ =	swait.ge [sflag:s15], $0x8000  }
0x69: {  	[sflag:s15] =	ssyncset.done $0x0  }
0x6a: {  	s24 =	simm.s32 $0x3400;
	[sflag:s15] =	ssyncadd.s32 $0xFFFF8000  }
0x6b: {  	[spmem:s2] =	stream.indirect.scatter.add.f32 [tilespmem:s14], [sflag:$0x1], $0x40, s24, s17, $0xb8;
	[tilespmem:$0x1F000] =	vst v63  }
0x6c: {  	_ =	swait.ge [sflag:s23], $0x8000  }
0x6d: {  	[sflag:s23] =	ssyncset.done $0x0  }
0x6e: {  	s25 =	simm.s32 $0xE00;
	[sflag:s23] =	ssyncadd.s32 $0xFFFF8000  }
0x6f: {  	[tilespmem:s18], [sflag:$0x3] =	stream.indirect.gather [hbm4b:s4+s17], $0x40, s25, s17, $0xb8;
	[tilespmem:$0x1F000] =	vst v63  }
0x70: {  	_ =	swait.ge [sflag:s15], $0x8000  }
0x71: {  	[sflag:s15] =	ssyncset.done $0x0  }
0x72: {  	s24 =	simm.s32 $0x3600;
	[sflag:s15] =	ssyncadd.s32 $0xFFFF8000  }
0x73: {  	[spmem:s2] =	stream.indirect.scatter.add.f32 [tilespmem:s18], [sflag:$0x2], $0x40, s24, s17, $0xb8;
	[tilespmem:$0x1F000] =	vst v63  }
0x74: {  	_ =	swait.ge [sflag:s20], $0x8000  }
0x75: {  	[sflag:s20] =	ssyncset.done $0x0  }
0x76: {  	s25 =	simm.s32 $0x1000;
	[sflag:s20] =	ssyncadd.s32 $0xFFFF8000  }
0x77: {  	[tilespmem:s14], [sflag:$0x3] =	stream.indirect.gather [hbm4b:s4+s17], $0x40, s25, s17, $0xb8;
	[tilespmem:$0x1F000] =	vst v63  }
0x78: {  	_ =	swait.ge [sflag:s15], $0x8000  }
0x79: {  	[sflag:s15] =	ssyncset.done $0x0  }
0x7a: {  	s24 =	simm.s32 $0x3800;
	[sflag:s15] =	ssyncadd.s32 $0xFFFF8000  }
0x7b: {  	[spmem:s2] =	stream.indirect.scatter.add.f32 [tilespmem:s14], [sflag:$0x1], $0x40, s24, s17, $0xb8;
	[tilespmem:$0x1F000] =	vst v63  }
0x7c: {  	_ =	swait.ge [sflag:s23], $0x8000  }
0x7d: {  	[sflag:s23] =	ssyncset.done $0x0  }
0x7e: {  	s25 =	simm.s32 $0x1200;
	[sflag:s23] =	ssyncadd.s32 $0xFFFF8000  }
0x7f: {  	[tilespmem:s18], [sflag:$0x3] =	stream.indirect.gather [hbm4b:s4+s17], $0x40, s25, s17, $0xb8;
	[tilespmem:$0x1F000] =	vst v63  }
0x80: {  	_ =	swait.ge [sflag:s15], $0x8000  }
0x81: {  	[sflag:s15] =	ssyncset.done $0x0  }
0x82: {  	s24 =	simm.s32 $0x3A00;
	[sflag:s15] =	ssyncadd.s32 $0xFFFF8000  }
0x83: {  	[spmem:s2] =	stream.indirect.scatter.add.f32 [tilespmem:s18], [sflag:$0x2], $0x40, s24, s17, $0xb8;
	[tilespmem:$0x1F000] =	vst v63  }
0x84: {  	_ =	swait.ge [sflag:s20], $0x8000  }
0x85: {  	[sflag:s20] =	ssyncset.done $0x0  }
0x86: {  	s25 =	simm.s32 $0x1400;
	[sflag:s20] =	ssyncadd.s32 $0xFFFF8000  }
0x87: {  	[tilespmem:s14], [sflag:$0x3] =	stream.indirect.gather [hbm4b:s4+s17], $0x40, s25, s17, $0xb8;
	[tilespmem:$0x1F000] =	vst v63  }
0x88: {  	_ =	swait.ge [sflag:s15], $0x8000  }
0x89: {  	[sflag:s15] =	ssyncset.done $0x0  }
0x8a: {  	s24 =	simm.s32 $0x3C00;
	[sflag:s15] =	ssyncadd.s32 $0xFFFF8000  }
0x8b: {  	[spmem:s2] =	stream.indirect.scatter.add.f32 [tilespmem:s14], [sflag:$0x1], $0x40, s24, s17, $0xb8;
	[tilespmem:$0x1F000] =	vst v63  }
0x8c: {  	_ =	swait.ge [sflag:s23], $0x8000  }
0x8d: {  	[sflag:s23] =	ssyncset.done $0x0  }
0x8e: {  	s25 =	simm.s32 $0x1600;
	[sflag:s23] =	ssyncadd.s32 $0xFFFF8000  }
0x8f: {  	[tilespmem:s18], [sflag:$0x3] =	stream.indirect.gather [hbm4b:s4+s17], $0x40, s25, s17, $0xb8;
	[tilespmem:$0x1F000] =	vst v63  }
0x90: {  	_ =	swait.ge [sflag:s15], $0x8000  }
0x91: {  	[sflag:s15] =	ssyncset.done $0x0  }
0x92: {  	s24 =	simm.s32 $0x3E00;
	[sflag:s15] =	ssyncadd.s32 $0xFFFF8000  }
0x93: {  	[spmem:s2] =	stream.indirect.scatter.add.f32 [tilespmem:s18], [sflag:$0x2], $0x40, s24, s17, $0xb8;
	[tilespmem:$0x1F000] =	vst v63  }
0x94: {  	_ =	swait.ge [sflag:s20], $0x8000  }
0x95: {  	[sflag:s20] =	ssyncset.done $0x0  }
0x96: {  	s25 =	simm.s32 $0x1800;
	[sflag:s20] =	ssyncadd.s32 $0xFFFF8000  }
0x97: {  	[tilespmem:s14], [sflag:$0x3] =	stream.indirect.gather [hbm4b:s4+s17], $0x40, s25, s17, $0xb8;
	[tilespmem:$0x1F000] =	vst v63  }
0x98: {  	_ =	swait.ge [sflag:s15], $0x8000  }
0x99: {  	[sflag:s15] =	ssyncset.done $0x0  }
0x9a: {  	s24 =	simm.s32 $0x4000;
	[sflag:s15] =	ssyncadd.s32 $0xFFFF8000  }
0x9b: {  	[spmem:s2] =	stream.indirect.scatter.add.f32 [tilespmem:s14], [sflag:$0x1], $0x40, s24, s17, $0xb8;
	[tilespmem:$0x1F000] =	vst v63  }
0x9c: {  	_ =	swait.ge [sflag:s23], $0x8000  }
0x9d: {  	[sflag:s23] =	ssyncset.done $0x0  }
0x9e: {  	s25 =	simm.s32 $0x1A00;
	[sflag:s23] =	ssyncadd.s32 $0xFFFF8000  }
0x9f: {  	[tilespmem:s18], [sflag:$0x3] =	stream.indirect.gather [hbm4b:s4+s17], $0x40, s25, s17, $0xb8;
	[tilespmem:$0x1F000] =	vst v63  }
0xa0: {  	_ =	swait.ge [sflag:s15], $0x8000  }
0xa1: {  	[sflag:s15] =	ssyncset.done $0x0  }
0xa2: {  	s24 =	simm.s32 $0x4200;
	[sflag:s15] =	ssyncadd.s32 $0xFFFF8000  }
0xa3: {  	[spmem:s2] =	stream.indirect.scatter.add.f32 [tilespmem:s18], [sflag:$0x2], $0x40, s24, s17, $0xb8;
	[tilespmem:$0x1F000] =	vst v63  }
0xa4: {  	_ =	swait.ge [sflag:s20], $0x8000  }
0xa5: {  	[sflag:s20] =	ssyncset.done $0x0  }
0xa6: {  	s25 =	simm.s32 $0x1C00;
	[sflag:s20] =	ssyncadd.s32 $0xFFFF8000  }
0xa7: {  	[tilespmem:s14], [sflag:$0x3] =	stream.indirect.gather [hbm4b:s4+s17], $0x40, s25, s17, $0xb8;
	[tilespmem:$0x1F000] =	vst v63  }
0xa8: {  	_ =	swait.ge [sflag:s15], $0x8000  }
0xa9: {  	[sflag:s15] =	ssyncset.done $0x0  }
0xaa: {  	s24 =	simm.s32 $0x4400;
	[sflag:s15] =	ssyncadd.s32 $0xFFFF8000  }
0xab: {  	[spmem:s2] =	stream.indirect.scatter.add.f32 [tilespmem:s14], [sflag:$0x1], $0x40, s24, s17, $0xb8;
	[tilespmem:$0x1F000] =	vst v63  }
0xac: {  	_ =	swait.ge [sflag:s23], $0x8000  }
0xad: {  	[sflag:s23] =	ssyncset.done $0x0  }
0xae: {  	s25 =	simm.s32 $0x1E00;
	[sflag:s23] =	ssyncadd.s32 $0xFFFF8000  }
0xaf: {  	[tilespmem:s18], [sflag:$0x3] =	stream.indirect.gather [hbm4b:s4+s17], $0x40, s25, s17, $0xb8;
	[tilespmem:$0x1F000] =	vst v63  }
0xb0: {  	_ =	swait.ge [sflag:s15], $0x8000  }
0xb1: {  	[sflag:s15] =	ssyncset.done $0x0  }
0xb2: {  	s24 =	simm.s32 $0x4600;
	[sflag:s15] =	ssyncadd.s32 $0xFFFF8000  }
0xb3: {  	[spmem:s2] =	stream.indirect.scatter.add.f32 [tilespmem:s18], [sflag:$0x2], $0x40, s24, s17, $0xb8;
	[tilespmem:$0x1F000] =	vst v63  }
0xb4: {  	_ =	swait.ge [sflag:s20], $0x8000  }
0xb5: {  	[sflag:s20] =	ssyncset.done $0x0  }
0xb6: {  	[sflag:s20] =	ssyncadd.s32 $0xFFFF8000  }
0xb7: {  	[tilespmem:s14], [sflag:$0x3] =	stream.indirect.gather [hbm4b:s4+s17], $0x40, s26, s17, $0xb8;
	[tilespmem:$0x1F000] =	vst v63  }
0xb8: {  	_ =	swait.ge [sflag:s15], $0x8000  }
0xb9: {  	[sflag:s15] =	ssyncset.done $0x0  }
0xba: {  	[sflag:s15] =	ssyncadd.s32 $0xFFFF8000  }
0xbb: {  	[spmem:s2] =	stream.indirect.scatter.add.f32 [tilespmem:s14], [sflag:$0x1], $0x40, s28, s17, $0xb8;
	[tilespmem:$0x1F000] =	vst v63  }
0xbc: {  	_ =	swait.ge [sflag:s23], $0x8000  }
0xbd: {  	[sflag:s23] =	ssyncset.done $0x0  }
0xbe: {  	[sflag:s23] =	ssyncadd.s32 $0xFFFF8000  }
0xbf: {  	[tilespmem:s18], [sflag:$0x3] =	stream.indirect.gather [hbm4b:s4+s17], $0x40, s29, s17, $0xb8;
	[tilespmem:$0x1F000] =	vst v63  }
0xc0: {  	_ =	swait.ge [sflag:s15], $0x8000  }
0xc1: {  	[sflag:s15] =	ssyncset.done $0x0  }
0xc2: {  	[sflag:s15] =	ssyncadd.s32 $0xFFFF8000  }
0xc3: {  	[spmem:s2] =	stream.indirect.scatter.add.f32 [tilespmem:s18], [sflag:$0x2], $0x40, s30, s17, $0xb8;
	[tilespmem:$0x1F000] =	vst v63  }
0xc4: {  	_ =	swait.ge [sflag:s20], $0x8000  }
0xc5: {  	[sflag:s20] =	ssyncset.done $0x0  }
0xc6: {  	[sflag:s20] =	ssyncadd.s32 $0xFFFF8000  }
0xc7: {  	[tilespmem:s14], [sflag:$0x3] =	stream.indirect.gather [hbm4b:s4+s17], $0x40, s31, s17, $0xb8;
	[tilespmem:$0x1F000] =	vst v63  }
0xc8: {  	_ =	swait.ge [sflag:s15], $0x8000  }
0xc9: {  	[sflag:s15] =	ssyncset.done $0x0  }
0xca: {  	[sflag:s15] =	ssyncadd.s32 $0xFFFF8000  }
0xcb: {  	[spmem:s2] =	stream.indirect.scatter.add.f32 [tilespmem:s14], [sflag:$0x1], $0x40, s1, s17, $0xb8;
	[tilespmem:$0x1F000] =	vst v63  }
0xcc: {  	_ =	swait.ge [sflag:s23], $0x8000  }
0xcd: {  	[sflag:s23] =	ssyncset.done $0x0  }
0xce: {  	[sflag:s23] =	ssyncadd.s32 $0xFFFF8000  }
0xcf: {  	[tilespmem:s18], [sflag:$0x3] =	stream.indirect.gather [hbm4b:s4+s17], $0x40, s0, s17, $0xb8;
	[tilespmem:$0x1F000] =	vst v63  }
0xd0: {  	_ =	swait.ge [sflag:s15], $0x8000  }
0xd1: {  	[sflag:s15] =	ssyncset.done $0x0  }
0xd2: {  	[sflag:s15] =	ssyncadd.s32 $0xFFFF8000  }
0xd3: {  	[spmem:s2] =	stream.indirect.scatter.add.f32 [tilespmem:s18], [sflag:$0x2], $0x40, s19, s17, $0xb8;
	[tilespmem:$0x1F000] =	vst v63  }
0xd4: {  	_ =	swait.ge [sflag:s20], $0x8000  }
0xd5: {  	[sflag:s20] =	ssyncset.done $0x0  }
0xd6: {  	[sflag:s20] =	ssyncadd.s32 $0xFFFF8000  }
0xd7: {  	s25 =	stileid.u32;
	_ =	swait.ge [sflag:s23], $0x8000  }
0xd8: {  	s21 =	sadd.s32 $0x1, s21;
	s22 =	sshll.u32 s25, $0x6;
	[sflag:s23] =	ssyncset.done $0x0  }
0xd9: {  	p0 =	sne.s32 s21, s13;
	s22 =	sor.u32 $0x1C03, s22;
	[sflag:s23] =	ssyncadd.s32 $0xFFFF8000  }
.Ltmp1:
0xda: {  	s24 =	sshrl.u32 s5, $0x3;
	[bflag:$0x0] =	sbarrier.arrive $0xFFFF;
	(pc) =	sbr.rel @p0 .LBB2_1-.Ltmp1, $4  }
0xdb: {  	[hbm:s12], [sflag:s22] =	dma.local [spmem:s24], $0x1400  }
0xdc: {  	_ =	swait.ge [sflag:s15], $0x1400  }
0xdd: {  	[sflag:s15] =	ssyncset.done $0x0  }
0xde: {  	[sflag:s15] =	ssyncadd.s32 $0xFFFFEC00  }
0xdf: {  	_ =	sfence.sel $0x180000  }
0xe0: {  	[bflag:$0x0] =	sbarrier.arrive $0xFFFF  }
0xe1: {  	_ =	strace $0x90000053  }
0xe2: {  	s0 =	stileid.u32;
	[bflag:$0x2] =	sbarrier.arrive $0xFFFF  }
0xe3: {  	p0 =	sne.s32 s0, $0x0;
	s0 =	rddreg [dreg:$0x3]  }
0xe4: {  	s0 =	sadd.s32 @!p0 $0x100000, s0  }
0xe5: {  	[sflag:s0] =	ssyncadd.tile.s32 @!p0 $0x1;
	_ =	shalt  }
.Lfunc_end2:
_tile_overlayer_lowered:
.L_overlay_start_2:
0xe6: {  	(tag) =	ssettag $0x2  }
0xe7: {  	s0 =	rddreg [dreg:$0x0];
	s2 =	stileid.u32  }
0xe8: {  	s1 =	rddreg [dreg:$0x1];
	p0 =	sne.s32 s2, $0x0  }
0xe9: {  	s3 =	rddreg [dreg:$0x2];
	[bflag:$0x3] =	sbarrier.arrive $0xFFFF;
	s2 =	simm.s32 @!p0 $0x1C03  }
0xea: {  	[timem:s3], [sflag:s2] =	dma.local @!p0 [hbm:s0], s1  }
0xeb: {  	s0 =	simm.s32 @!p0 $0x3  }
0xec: {  	_ =	swait.ge @!p0 [sflag:s0], s1  }
0xed: {  	s1 =	ssub.s32 @!p0 $0x0, s1;
	[sflag:s0] =	ssyncset.done @!p0 $0x0  }
0xee: {  	[sflag:s0] =	ssyncadd.s32 @!p0 s1  }
0xef: {  	[bflag:$0x3] =	sbarrier.arrive $0xFFFF  }
0xf0: {  	_ =	shalt  }

// kernel: kernel.29.cloned.1.call-start
scs
__scs_entry_jumppad:
0x0: {  	(pc) =	sbr.rel $0x88, $3  }
0x1: {  	(tag) =	ssettag $0x0;
	lr =	simm.s32 $0x1  }
0x2: {  	[smem:$0x3F90] =	sst lr;
	_ =	strace $0xD0000000  }
0x3: {  	_ = 	snop  }
0x4: {  	_ = 	snop  }
0x5: {  	_ = 	snop  }
0x6: {  	_ = 	snop  }
0x7: {  	_ = 	snop  }
__scs_overlays_trampoline_lowered:
0x8: {  	[smem:$0x3F9F] =	sst s0  }
0x9: {  	[smem:$0x3FA0] =	sst s1  }
0xa: {  	[smem:$0x3FA1] =	sst s2  }
0xb: {  	[smem:$0x3FA2] =	sst s3  }
0xc: {  	[smem:$0x3FA3] =	sst s4  }
0xd: {  	[smem:$0x3FA4] =	sst s5  }
0xe: {  	[smem:$0x3FA5] =	sst s6  }
0xf: {  	[smem:$0x3FA6] =	sst s7  }
0x10: {  	[smem:$0x3FA7] =	sst s8  }
0x11: {  	[smem:$0x3FA8] =	sst s9;
	s0 =	simm.s32 @!p0 $0x0  }
0x12: {  	s1 =	sld [smem:$0x3F8E];
	s0 =	simm.s32 @p0 $0x1  }
0x13: {  	[smem:$0x3FA9] =	sst s0;
	s0 =	simm.s32 @!p1 $0x0  }
0x14: {  	s2 =	sld [smem:$0x3F8D];
	s0 =	simm.s32 @p1 $0x1  }
0x15: {  	[smem:$0x3FAA] =	sst s0;
	s0 =	simm.s32 @!p2 $0x0  }
0x16: {  	s3 =	sld [smem:$0x3FDB];
	s0 =	simm.s32 @p2 $0x1  }
0x17: {  	s4 =	simm.s32 $0x1BF5;
	[smem:$0x3FAC] =	sst s0  }
0x18: {  	s0 =	sld [smem:$0x3F8F];
	_ =	swait.ge [sflag:s4], $0x0  }
0x19: {  	s7 =	sld [smem:$0x3F90]  }
0x1a: {  	s8 =	sadd.s32 $0xFFFFE003, lr  }
0x1b: {  	s9 =	sadd.s32 $0xFFFFFEF7, lr;
	s5 =	simm.s32 $0xFFFFFFFF;
	p2 =	slt.u32 s8, $0xFFFFF086  }
0x1c: {  	p1 =	slt.u32 s9, $0xF7A;
	s5 =	simm.s32 @!p2 $0x0  }
0x1d: {  	s5 =	simm.s32 @p1 $0x1;
	p0 =	seq.s32 s7, s2  }
0x1e: {  	s7 =	smul.u32 @!p0 $0xF7A, s2;
	p2 =	seq.s32 @!p0 s5, $0x0  }
0x1f: {  	s9 =	smul.u32 $0xF7A, s1;
	s8 =	simm.s32 @!p0 $0x1BF5;
	p2 =	por !p2, p0  }
0x20: {  	[sflag:s8] =	ssyncset.s32 @!p0 $0xFFFFF086;
	s6 =	sadd.s32 @!p0 s3, s7;
	s7 =	simm.s32 @!p0 $0x108  }
0x21: {  	s3 =	sadd.s32 s3, s9;
	s6 =	sadd.s32 @!p0 $0x88, s6;
	s7 =	simm.s32 @p2 $0x1082  }
0x22: {  	[simem:s7], [sflag:s8] =	dma.local @!p0 [hbm:s6], $0xF7A  }
0x23: {  	s9 =	sor.u32 $0xD0000000, s2;
	s6 =	simm.s32 $0x108;
	_ =	swait.ge @!p0 [sflag:s8], $0x0  }
0x24: {  	s3 =	sadd.s32 $0x88, s3;
	s6 =	simm.s32 @!p1 $0x1082;
	[sflag:s4] =	ssyncset.s32 $0xFFFFF086  }
0x25: {  	[simem:s6], [sflag:s4] =	dma.local [hbm:s3], $0xF7A  }
0x26: {  	[smem:$0x3F90] =	sst s1;
	(tag) =	ssettag s2;
	_ =	strace s9  }
0x27: {  	s1 =	sld [smem:$0x3FA0]  }
0x28: {  	s2 =	sld [smem:$0x3FA1]  }
0x29: {  	s4 =	sld [smem:$0x3FA3]  }
0x2a: {  	p0 =	seq.s32 s5, $0x0;
	s5 =	sld [smem:$0x3FA4]  }
0x2b: {  	s6 =	sld [smem:$0x3FA5]  }
0x2c: {  	s7 =	sld [smem:$0x3FA6]  }
0x2d: {  	s3 =	simm.s32 $0x108;
	s8 =	sld [smem:$0x3FA7]  }
0x2e: {  	s3 =	simm.s32 @!p0 $0x1082;
	s9 =	sld [smem:$0x3FA8]  }
0x2f: {  	lr =	sadd.s32 s0, s3;
	s0 =	sld [smem:$0x3F9F]  }
0x30: {  	s3 =	sld [smem:$0x3FA2]  }
0x31: {  	[smem:$0x3FAB] =	sst s10  }
0x32: {  	s10 =	sld [smem:$0x3FA9];
	_ =	sdelay $0x3  }
0x33: {  	p0 =	seq.s32 s10, $0x1;
	s10 =	sld [smem:$0x3FAB];
	_ =	sdelay $0x3  }
0x34: {  	[smem:$0x3FAB] =	sst s10  }
0x35: {  	s10 =	sld [smem:$0x3FAA];
	_ =	sdelay $0x3  }
0x36: {  	p1 =	seq.s32 s10, $0x1;
	s10 =	sld [smem:$0x3FAB];
	_ =	sdelay $0x3  }
0x37: {  	[smem:$0x3FAB] =	sst s10  }
0x38: {  	s10 =	sld [smem:$0x3FAC]  }
0x39: {  	_ = 	snop;
	(pc) =	sbr.ind lr, $3  }
0x3a: {  	_ = 	snop  }
0x3b: {  	_ = 	snop  }
0x3c: {  	p2 =	seq.s32 s10, $0x1;
	s10 =	sld [smem:$0x3FAB]  }
0x3d: {  	_ =	shalt  }
0x3e: {  	_ =	shalt  }
0x3f: {  	_ =	shalt  }
0x40: {  	_ =	shalt  }
0x41: {  	_ =	shalt  }
0x42: {  	_ =	shalt  }
0x43: {  	_ =	shalt  }
0x44: {  	_ =	shalt  }
0x45: {  	_ =	shalt  }
0x46: {  	_ =	shalt  }
0x47: {  	_ =	shalt  }
0x48: {  	_ =	shalt  }
0x49: {  	_ =	shalt  }
0x4a: {  	_ =	shalt  }
0x4b: {  	_ =	shalt  }
0x4c: {  	_ =	shalt  }
0x4d: {  	_ =	shalt  }
0x4e: {  	_ =	shalt  }
0x4f: {  	_ =	shalt  }
0x50: {  	_ =	shalt  }
0x51: {  	_ =	shalt  }
0x52: {  	_ =	shalt  }
0x53: {  	_ =	shalt  }
0x54: {  	_ =	shalt  }
0x55: {  	_ =	shalt  }
0x56: {  	_ =	shalt  }
0x57: {  	_ =	shalt  }
0x58: {  	_ =	shalt  }
0x59: {  	_ =	shalt  }
0x5a: {  	_ =	shalt  }
0x5b: {  	_ =	shalt  }
0x5c: {  	_ =	shalt  }
0x5d: {  	_ =	shalt  }
0x5e: {  	_ =	shalt  }
0x5f: {  	_ =	shalt  }
0x60: {  	_ =	shalt  }
0x61: {  	_ =	shalt  }
0x62: {  	_ =	shalt  }
0x63: {  	_ =	shalt  }
0x64: {  	_ =	shalt  }
0x65: {  	_ =	shalt  }
0x66: {  	_ =	shalt  }
0x67: {  	_ =	shalt  }
0x68: {  	_ =	shalt  }
0x69: {  	_ =	shalt  }
0x6a: {  	_ =	shalt  }
0x6b: {  	_ =	shalt  }
0x6c: {  	_ =	shalt  }
0x6d: {  	_ =	shalt  }
0x6e: {  	_ =	shalt  }
0x6f: {  	_ =	shalt  }
0x70: {  	_ =	shalt  }
0x71: {  	_ =	shalt  }
0x72: {  	_ =	shalt  }
0x73: {  	_ =	shalt  }
0x74: {  	_ =	shalt  }
0x75: {  	_ =	shalt  }
0x76: {  	_ =	shalt  }
0x77: {  	_ =	shalt  }
0x78: {  	_ =	shalt  }
0x79: {  	_ =	shalt  }
0x7a: {  	_ =	shalt  }
0x7b: {  	_ =	shalt  }
0x7c: {  	_ =	shalt  }
0x7d: {  	_ =	shalt  }
0x7e: {  	_ =	shalt  }
0x7f: {  	_ =	shalt  }
0x80: {  	_ =	shalt  }
0x81: {  	_ =	shalt  }
0x82: {  	_ =	shalt  }
0x83: {  	_ =	shalt  }
0x84: {  	_ =	shalt  }
0x85: {  	_ =	shalt  }
0x86: {  	_ =	shalt  }
0x87: {  	_ =	shalt  }
.Lfunc_end0:
.L_simem_size_0:
called_computation.5_lowered:
.L_overlay_start_0:
0x88: {  	s2 =	sld [smem:$0x3FD9]  }
0x89: {  	s3 =	sld [smem:$0x3FFE];
	_ =	sdelay $0x1  }
0x8a: {  	s1 =	srdreg.scid  }
0x8b: {  	s0 =	sand.u32 $0x1, s1  }
0x8c: {  	s17 =	sshll.u32 s0, $0xA;
	s2 =	sadd.s32 s3, s2  }
0x8d: {  	s2 =	sadd.s32 s2, s17  }
0x8e: {  	[smem:$0x3FB7] =	sst s2  }
0x8f: {  	_ = 	snop  }
0x90: {  	s2 =	sld [smem:$0x3FD0];
	(tm) =	ssettm $0x1  }
0x91: {  	s18 =	sld [smem:$0x3FFB];
	_ =	sdelay $0x3  }
0x92: {  	_ =	strace s18  }
0x93: {  	s3 =	sld [smem:$0x3FFC];
	_ =	sdelay $0x3  }
0x94: {  	_ =	strace s3  }
0x95: {  	s3 =	sld [smem:$0x3FFD];
	_ =	sdelay $0x3  }
0x96: {  	_ =	strace s3  }
0x97: {  	_ =	strace $0x8FFFFFFF  }
0x98: {  	s19 =	sld [smem:$0x3FDB];
	_ =	sdelay $0x1  }
0x99: {  	s4 =	simm.s32 $_scs_section_size  }
0x9a: {  	s5 =	simm.s32 $_size__tile_overlayer_lowered;
	s6 =	simm.s32 $_tile_overlayer_lowered  }
0x9b: {  	s22 =	simm.s32 $0x1BFF;
	s21 =	sshll.u32 s6, $0x1;
	s3 =	sadd.s32 s4, s19  }
0x9c: {  	s7 =	simm.s32 $0x0;
	s20 =	sshll.u32 s5, $0x1;
	s5 =	sadd.s32 s21, s3  }
0x9d: {  	[timem:s7], [sflag:s22] =	dma.local [hbm:s5], s20  }
0x9e: {  	_ =	swait.ge [sflag:s22], s20  }
0x9f: {  	s4 =	ssub.s32 $0x0, s20;
	[sflag:s22] =	ssyncset.done $0x0  }
0xa0: {  	[sflag:s22] =	ssyncadd.s32 s4;
	_ =	sdelay $0x1  }
0xa1: {  	s23 =	simm.s32 $0x1B8B  }
0xa2: {  	_ =	swait.ge [sflag:s23], $0x1  }
0xa3: {  	[sflag:s23] =	ssyncset.done $0x0  }
0xa4: {  	s25 =	simm.s32 $0x1B8E;
	s24 =	sld [smem:$0x3FFE];
	[sflag:s23] =	ssyncadd.s32 $0xFFFFFFFF  }
0xa5: {  	s26 =	simm.s32 $execute0_lowered;
	[smem:$0x3FD2] =	sst s25  }
0xa6: {  	s5 =	sshll.u32 s26, $0x1;
	_ =	strace $0x80000055;
	[dreg:$0x1] =	wrdreg $0xFFFFFFFF  }
0xa7: {  	s28 =	simm.s32 $_size_execute0_lowered;
	s3 =	sadd.s32 s3, s5;
	[dreg:$0x0] =	wrdreg $0x0  }
0xa8: {  	s5 =	sshll.u32 s28, $0x1;
	[dreg:$0x2] =	wrdreg s3  }
0xa9: {  	[dreg:$0x3] =	wrdreg s5  }
0xaa: {  	[dreg:$0x4] =	wrdreg $0xC0  }
0xab: {  	_ =	task [dreg:s7], $0x5FFFF  }
0xac: {  	[dreg:$0x1] =	wrdreg $0xFFFFFFFF  }
0xad: {  	[dreg:$0x0] =	wrdreg $0x60  }
0xae: {  	[dreg:$0x2] =	wrdreg s24  }
0xaf: {  	[dreg:$0x3] =	wrdreg s2  }
0xb0: {  	[dreg:$0x4] =	wrdreg $0x150000  }
0xb1: {  	[dreg:$0x5] =	wrdreg $0x9  }
0xb2: {  	_ =	task.clear_ibuf [dreg:s7], $0x6FFFF;
	_ =	strace $0x90000055  }
0xb3: {  	s29 =	simm.s32 $0x9;
	_ =	strace $0x80000057  }
0xb4: {  	_ =	swait.ge [sflag:s29], $0x1  }
0xb5: {  	[sflag:s29] =	ssyncadd.s32 $0xFFFFFFFF  }
0xb6: {  	_ =	strace $0x90000057  }
0xb7: {  	_ =	sfence  }
0xb8: {  	s30 =	sld [smem:$0x0];
	_ =	sdelay $0x2  }
0xb9: {  	s31 =	sshll.u32 s1, $0xD;
	s1 =	sshrl.u32 s1, $0x2  }
0xba: {  	s3 =	sand.u32 $0x4000, s31;
	s1 =	sadd.s32 s1, s30  }
0xbb: {  	s0 =	sor.u32 s3, s0;
	s1 =	sshll.u32 s1, $0x11  }
0xbc: {  	s0 =	sor.u32 s1, s0  }
0xbd: {  	s0 =	sadd.s32 $0x8F2B, s0  }
0xbe: {  	[sflag:s0] =	ssyncadd.remote.s32 $0x1  }
0xbf: {  	_ =	sfence.sel $0xFFFF  }
0xc0: {  	[dreg:$0x0] =	wrdreg $0xFFFFFFFF;
	(pc) =	sbr.abs _section_cstart, $3  }
0xc1: {  	[dreg:$0x1] =	wrdreg $0xFFFFFFFF  }
0xc2: {  	_ =	task.clear_ibuf [dreg:s7], $0x2FFFF;
	_ =	strace $0x9FFFFFFF  }
0xc3: {  	(tm) =	ssettm $0x7FFFFFFF  }
tec
execute0_lowered:
.L_overlay_start_1:
0x0: {  	(tag) =	ssettag $0x1  }
0x1: {  	s0 =	srdreg.scid;
	s1 =	rddreg [dreg:$0x0]  }
0x2: {  	s7 =	stileid.u32;
	s10 =	rddreg [dreg:$0x1];
	s14 =	simm.s32 $0x5000  }
0x3: {  	s15 =	simm.s32 $0x3;
	s16 =	simm.s32 $0x2800;
	s17 =	simm.s32 $0x200  }
0x4: {  	s18 =	simm.s32 $0xD000;
	s20 =	simm.s32 $0x1;
	s23 =	simm.s32 $0x2  }
0x5: {  	s26 =	simm.s32 $0x2000;
	s28 =	simm.s32 $0x4800;
	s29 =	simm.s32 $0x2200  }
0x6: {  	s30 =	simm.s32 $0x4A00;
	s31 =	simm.s32 $0x2400;
	s19 =	simm.s32 $0x4E00  }
0x7: {  	s21 =	simm.s32 $0x0;
	s0 =	sand.u32 $0x1, s0;
	s5 =	smul.u32 $0xA000, s7  }
0x8: {  	s4 =	sadd.s32 $0xF000, s1;
	s2 =	sshll.u32 s0, $0x4;
	s6 =	smul.u32 $0xA0000, s0  }
0x9: {  	s0 =	ssub.s32 $0x2, s0;
	s3 =	sor.u32 s7, s2;
	s7 =	smul.u32 $0x28000, s7  }
0xa: {  	s2 =	rddreg [dreg:$0x2];
	s8 =	sshrl.u32 s0, $0x1;
	s11 =	smul.u32 $0x500, s3  }
0xb: {  	s3 =	simm.s32 $0x0;
	s6 =	sadd.s32 s5, s6;
	s0 =	ssub.s32 s0, s8  }
0xc: {  	s5 =	sadd.s32 s5, s2;
	[smem:$0x7FF] =	sst s3;
	s6 =	sshrl.u32 s6, $0x3  }
0xd: {  	s7 =	sshrl.u32 s7, $0x2;
	s13 =	smax.u32 s0, $0x1;
	s0 =	simm.s32 $0x2600  }
0xe: {  	_ =	strace $0x80000056;
	s12 =	sadd.s32 s11, s1;
	s9 =	sadd.s32 s7, s2  }
0xf: {  	s1 =	sadd.s32 s6, s1;
	s10 =	sadd.s32 s10, s11;
	s6 =	sadd.s32 $0x2000, s9  }
0x10: {  	s7 =	sadd.s32 $0x4000, s9;
	s8 =	sadd.s32 $0x6000, s9;
	s9 =	sadd.s32 $0x8000, s9  }
0x11: {  	v0 =	vimm.f32 $0.0e+00;
	s11 =	sadd.s32 $0x5000, s12;
	s12 =	sadd.s32 $0x23000, s1;
	s1 =	simm.s32 $0x4C00  }
.LBB2_1:
0x12: {  	s24 =	simm.s32 $0x100;
	s22 =	simm.s32 $0x0  }
.LBB2_2:
0x13: {  	p0 =	sne.s32 s24, $0x7F00;
	[tilespmem:s22+$0x5030] =	vst v0;
	s25 =	smov.u32 s24;
	s24 =	sadd.s32 $0x100, s24  }
.Ltmp0:
0x14: {  	[tilespmem:s22+$0x5020] =	vst v0;
	(pc) =	sbr.rel @p0 .LBB2_2-.Ltmp0, $3  }
0x15: {  	[tilespmem:s22+$0x5000] =	vst v0  }
0x16: {  	[tilespmem:s22+$0x5010] =	vst v0;
	_ =	sdelay $0x1  }
0x17: {  	s22 =	sshra.s32 s25, $0x2  }
0x18: {  	[tilespmem:s22+$0x5030] =	vst v0  }
0x19: {  	[tilespmem:s22+$0x5020] =	vst v0  }
0x1a: {  	[tilespmem:s22+$0x5000] =	vst v0  }
0x1b: {  	[tilespmem:s22+$0x5010] =	vst v0  }
0x1c: {  	[spmem:s5] =	stream.linear.scatter [tilespmem:s14], [sflag:$0x3], $0x2000, $0x38;
	[tilespmem:$0x1F000] =	vst v63  }
0x1d: {  	_ =	swait.ge [sflag:s15], $0x2000  }
0x1e: {  	[sflag:s15] =	ssyncset.done $0x0  }
0x1f: {  	[sflag:s15] =	ssyncadd.s32 $0xFFFFE000  }
0x20: {  	[spmem:s6] =	stream.linear.scatter [tilespmem:s14], [sflag:$0x3], $0x2000, $0x38;
	[tilespmem:$0x1F000] =	vst v63  }
0x21: {  	_ =	swait.ge [sflag:s15], $0x2000  }
0x22: {  	[sflag:s15] =	ssyncset.done $0x0  }
0x23: {  	[sflag:s15] =	ssyncadd.s32 $0xFFFFE000  }
0x24: {  	[spmem:s7] =	stream.linear.scatter [tilespmem:s14], [sflag:$0x3], $0x2000, $0x38;
	[tilespmem:$0x1F000] =	vst v63  }
0x25: {  	_ =	swait.ge [sflag:s15], $0x2000  }
0x26: {  	[sflag:s15] =	ssyncset.done $0x0  }
0x27: {  	[sflag:s15] =	ssyncadd.s32 $0xFFFFE000  }
0x28: {  	[spmem:s8] =	stream.linear.scatter [tilespmem:s14], [sflag:$0x3], $0x2000, $0x38;
	[tilespmem:$0x1F000] =	vst v63  }
0x29: {  	_ =	swait.ge [sflag:s15], $0x2000  }
0x2a: {  	[sflag:s15] =	ssyncset.done $0x0  }
0x2b: {  	[sflag:s15] =	ssyncadd.s32 $0xFFFFE000  }
0x2c: {  	[spmem:s9] =	stream.linear.scatter [tilespmem:s14], [sflag:$0x3], $0x2000, $0x38;
	[tilespmem:$0x1F000] =	vst v63  }
0x2d: {  	_ =	swait.ge [sflag:s15], $0x2000  }
0x2e: {  	[sflag:s15] =	ssyncset.done $0x0  }
0x2f: {  	[sflag:s15] =	ssyncadd.s32 $0xFFFFE000  }
0x30: {  	[tilespmem:s3], [sflag:$0x3] =	stream.linear.gather [hbm4b:s10+s3], $0x2800, $0x38;
	[tilespmem:$0x1F000] =	vst v63  }
0x31: {  	_ =	swait.ge [sflag:s15], $0x2800  }
0x32: {  	[sflag:s15] =	ssyncset.done $0x0  }
0x33: {  	[sflag:s15] =	ssyncadd.s32 $0xFFFFD800  }
0x34: {  	[tilespmem:s16], [sflag:$0x3] =	stream.linear.gather [hbm4b:s11+s3], $0x2800, $0x38;
	[tilespmem:$0x1F000] =	vst v63  }
0x35: {  	_ =	swait.ge [sflag:s15], $0x2800  }
0x36: {  	[sflag:s15] =	ssyncset.done $0x0  }
0x37: {  	[sflag:s15] =	ssyncadd.s32 $0xFFFFD800  }
0x38: {  	[bflag:$0x0] =	sbarrier.arrive $0xFFFF  }
0x39: {  	[tilespmem:s14], [sflag:$0x3] =	stream.indirect.gather [hbm4b:s4+s17], $0x40, s3, s17, $0xb8;
	[tilespmem:$0x1F000] =	vst v63  }
0x3a: {  	_ =	swait.ge [sflag:s15], $0x8000  }
0x3b: {  	[sflag:s15] =	ssyncset.done $0x0  }
0x3c: {  	[sflag:s15] =	ssyncadd.s32 $0xFFFF8000  }
0x3d: {  	[spmem:s2] =	stream.indirect.scatter.add.f32 [tilespmem:s14], [sflag:$0x1], $0x40, s16, s17, $0xb8;
	[tilespmem:$0x1F000] =	vst v63  }
0x3e: {  	_ = 	snop  }
0x3f: {  	[tilespmem:s18], [sflag:$0x3] =	stream.indirect.gather [hbm4b:s4+s17], $0x40, s17, s17, $0xb8;
	[tilespmem:$0x1F000] =	vst v63  }
0x40: {  	_ =	swait.ge [sflag:s15], $0x8000  }
0x41: {  	[sflag:s15] =	ssyncset.done $0x0  }
0x42: {  	s24 =	simm.s32 $0x2A00;
	[sflag:s15] =	ssyncadd.s32 $0xFFFF8000  }
0x43: {  	[spmem:s2] =	stream.indirect.scatter.add.f32 [tilespmem:s18], [sflag:$0x2], $0x40, s24, s17, $0xb8;
	[tilespmem:$0x1F000] =	vst v63  }
0x44: {  	_ =	swait.ge [sflag:s20], $0x8000  }
0x45: {  	[sflag:s20] =	ssyncset.done $0x0  }
0x46: {  	s25 =	simm.s32 $0x400;
	[sflag:s20] =	ssyncadd.s32 $0xFFFF8000  }
0x47: {  	[tilespmem:s14], [sflag:$0x3] =	stream.indirect.gather [hbm4b:s4+s17], $0x40, s25, s17, $0xb8;
	[tilespmem:$0x1F000] =	vst v63  }
0x48: {  	_ =	swait.ge [sflag:s15], $0x8000  }
0x49: {  	[sflag:s15] =	ssyncset.done $0x0  }
0x4a: {  	s24 =	simm.s32 $0x2C00;
	[sflag:s15] =	ssyncadd.s32 $0xFFFF8000  }
0x4b: {  	[spmem:s2] =	stream.indirect.scatter.add.f32 [tilespmem:s14], [sflag:$0x1], $0x40, s24, s17, $0xb8;
	[tilespmem:$0x1F000] =	vst v63  }
0x4c: {  	_ =	swait.ge [sflag:s23], $0x8000  }
0x4d: {  	[sflag:s23] =	ssyncset.done $0x0  }
0x4e: {  	s25 =	simm.s32 $0x600;
	[sflag:s23] =	ssyncadd.s32 $0xFFFF8000  }
0x4f: {  	[tilespmem:s18], [sflag:$0x3] =	stream.indirect.gather [hbm4b:s4+s17], $0x40, s25, s17, $0xb8;
	[tilespmem:$0x1F000] =	vst v63  }
0x50: {  	_ =	swait.ge [sflag:s15], $0x8000  }
0x51: {  	[sflag:s15] =	ssyncset.done $0x0  }
0x52: {  	s24 =	simm.s32 $0x2E00;
	[sflag:s15] =	ssyncadd.s32 $0xFFFF8000  }
0x53: {  	[spmem:s2] =	stream.indirect.scatter.add.f32 [tilespmem:s18], [sflag:$0x2], $0x40, s24, s17, $0xb8;
	[tilespmem:$0x1F000] =	vst v63  }
0x54: {  	_ =	swait.ge [sflag:s20], $0x8000  }
0x55: {  	[sflag:s20] =	ssyncset.done $0x0  }
0x56: {  	s25 =	simm.s32 $0x800;
	[sflag:s20] =	ssyncadd.s32 $0xFFFF8000  }
0x57: {  	[tilespmem:s14], [sflag:$0x3] =	stream.indirect.gather [hbm4b:s4+s17], $0x40, s25, s17, $0xb8;
	[tilespmem:$0x1F000] =	vst v63  }
0x58: {  	_ =	swait.ge [sflag:s15], $0x8000  }
0x59: {  	[sflag:s15] =	ssyncset.done $0x0  }
0x5a: {  	s24 =	simm.s32 $0x3000;
	[sflag:s15] =	ssyncadd.s32 $0xFFFF8000  }
0x5b: {  	[spmem:s2] =	stream.indirect.scatter.add.f32 [tilespmem:s14], [sflag:$0x1], $0x40, s24, s17, $0xb8;
	[tilespmem:$0x1F000] =	vst v63  }
0x5c: {  	_ =	swait.ge [sflag:s23], $0x8000  }
0x5d: {  	[sflag:s23] =	ssyncset.done $0x0  }
0x5e: {  	s25 =	simm.s32 $0xA00;
	[sflag:s23] =	ssyncadd.s32 $0xFFFF8000  }
0x5f: {  	[tilespmem:s18], [sflag:$0x3] =	stream.indirect.gather [hbm4b:s4+s17], $0x40, s25, s17, $0xb8;
	[tilespmem:$0x1F000] =	vst v63  }
0x60: {  	_ =	swait.ge [sflag:s15], $0x8000  }
0x61: {  	[sflag:s15] =	ssyncset.done $0x0  }
0x62: {  	s24 =	simm.s32 $0x3200;
	[sflag:s15] =	ssyncadd.s32 $0xFFFF8000  }
0x63: {  	[spmem:s2] =	stream.indirect.scatter.add.f32 [tilespmem:s18], [sflag:$0x2], $0x40, s24, s17, $0xb8;
	[tilespmem:$0x1F000] =	vst v63  }
0x64: {  	_ =	swait.ge [sflag:s20], $0x8000  }
0x65: {  	[sflag:s20] =	ssyncset.done $0x0  }
0x66: {  	s25 =	simm.s32 $0xC00;
	[sflag:s20] =	ssyncadd.s32 $0xFFFF8000  }
0x67: {  	[tilespmem:s14], [sflag:$0x3] =	stream.indirect.gather [hbm4b:s4+s17], $0x40, s25, s17, $0xb8;
	[tilespmem:$0x1F000] =	vst v63  }
0x68: {  	_ =	swait.ge [sflag:s15], $0x8000  }
0x69: {  	[sflag:s15] =	ssyncset.done $0x0  }
0x6a: {  	s24 =	simm.s32 $0x3400;
	[sflag:s15] =	ssyncadd.s32 $0xFFFF8000  }
0x6b: {  	[spmem:s2] =	stream.indirect.scatter.add.f32 [tilespmem:s14], [sflag:$0x1], $0x40, s24, s17, $0xb8;
	[tilespmem:$0x1F000] =	vst v63  }
0x6c: {  	_ =	swait.ge [sflag:s23], $0x8000  }
0x6d: {  	[sflag:s23] =	ssyncset.done $0x0  }
0x6e: {  	s25 =	simm.s32 $0xE00;
	[sflag:s23] =	ssyncadd.s32 $0xFFFF8000  }
0x6f: {  	[tilespmem:s18], [sflag:$0x3] =	stream.indirect.gather [hbm4b:s4+s17], $0x40, s25, s17, $0xb8;
	[tilespmem:$0x1F000] =	vst v63  }
0x70: {  	_ =	swait.ge [sflag:s15], $0x8000  }
0x71: {  	[sflag:s15] =	ssyncset.done $0x0  }
0x72: {  	s24 =	simm.s32 $0x3600;
	[sflag:s15] =	ssyncadd.s32 $0xFFFF8000  }
0x73: {  	[spmem:s2] =	stream.indirect.scatter.add.f32 [tilespmem:s18], [sflag:$0x2], $0x40, s24, s17, $0xb8;
	[tilespmem:$0x1F000] =	vst v63  }
0x74: {  	_ =	swait.ge [sflag:s20], $0x8000  }
0x75: {  	[sflag:s20] =	ssyncset.done $0x0  }
0x76: {  	s25 =	simm.s32 $0x1000;
	[sflag:s20] =	ssyncadd.s32 $0xFFFF8000  }
0x77: {  	[tilespmem:s14], [sflag:$0x3] =	stream.indirect.gather [hbm4b:s4+s17], $0x40, s25, s17, $0xb8;
	[tilespmem:$0x1F000] =	vst v63  }
0x78: {  	_ =	swait.ge [sflag:s15], $0x8000  }
0x79: {  	[sflag:s15] =	ssyncset.done $0x0  }
0x7a: {  	s24 =	simm.s32 $0x3800;
	[sflag:s15] =	ssyncadd.s32 $0xFFFF8000  }
0x7b: {  	[spmem:s2] =	stream.indirect.scatter.add.f32 [tilespmem:s14], [sflag:$0x1], $0x40, s24, s17, $0xb8;
	[tilespmem:$0x1F000] =	vst v63  }
0x7c: {  	_ =	swait.ge [sflag:s23], $0x8000  }
0x7d: {  	[sflag:s23] =	ssyncset.done $0x0  }
0x7e: {  	s25 =	simm.s32 $0x1200;
	[sflag:s23] =	ssyncadd.s32 $0xFFFF8000  }
0x7f: {  	[tilespmem:s18], [sflag:$0x3] =	stream.indirect.gather [hbm4b:s4+s17], $0x40, s25, s17, $0xb8;
	[tilespmem:$0x1F000] =	vst v63  }
0x80: {  	_ =	swait.ge [sflag:s15], $0x8000  }
0x81: {  	[sflag:s15] =	ssyncset.done $0x0  }
0x82: {  	s24 =	simm.s32 $0x3A00;
	[sflag:s15] =	ssyncadd.s32 $0xFFFF8000  }
0x83: {  	[spmem:s2] =	stream.indirect.scatter.add.f32 [tilespmem:s18], [sflag:$0x2], $0x40, s24, s17, $0xb8;
	[tilespmem:$0x1F000] =	vst v63  }
0x84: {  	_ =	swait.ge [sflag:s20], $0x8000  }
0x85: {  	[sflag:s20] =	ssyncset.done $0x0  }
0x86: {  	s25 =	simm.s32 $0x1400;
	[sflag:s20] =	ssyncadd.s32 $0xFFFF8000  }
0x87: {  	[tilespmem:s14], [sflag:$0x3] =	stream.indirect.gather [hbm4b:s4+s17], $0x40, s25, s17, $0xb8;
	[tilespmem:$0x1F000] =	vst v63  }
0x88: {  	_ =	swait.ge [sflag:s15], $0x8000  }
0x89: {  	[sflag:s15] =	ssyncset.done $0x0  }
0x8a: {  	s24 =	simm.s32 $0x3C00;
	[sflag:s15] =	ssyncadd.s32 $0xFFFF8000  }
0x8b: {  	[spmem:s2] =	stream.indirect.scatter.add.f32 [tilespmem:s14], [sflag:$0x1], $0x40, s24, s17, $0xb8;
	[tilespmem:$0x1F000] =	vst v63  }
0x8c: {  	_ =	swait.ge [sflag:s23], $0x8000  }
0x8d: {  	[sflag:s23] =	ssyncset.done $0x0  }
0x8e: {  	s25 =	simm.s32 $0x1600;
	[sflag:s23] =	ssyncadd.s32 $0xFFFF8000  }
0x8f: {  	[tilespmem:s18], [sflag:$0x3] =	stream.indirect.gather [hbm4b:s4+s17], $0x40, s25, s17, $0xb8;
	[tilespmem:$0x1F000] =	vst v63  }
0x90: {  	_ =	swait.ge [sflag:s15], $0x8000  }
0x91: {  	[sflag:s15] =	ssyncset.done $0x0  }
0x92: {  	s24 =	simm.s32 $0x3E00;
	[sflag:s15] =	ssyncadd.s32 $0xFFFF8000  }
0x93: {  	[spmem:s2] =	stream.indirect.scatter.add.f32 [tilespmem:s18], [sflag:$0x2], $0x40, s24, s17, $0xb8;
	[tilespmem:$0x1F000] =	vst v63  }
0x94: {  	_ =	swait.ge [sflag:s20], $0x8000  }
0x95: {  	[sflag:s20] =	ssyncset.done $0x0  }
0x96: {  	s25 =	simm.s32 $0x1800;
	[sflag:s20] =	ssyncadd.s32 $0xFFFF8000  }
0x97: {  	[tilespmem:s14], [sflag:$0x3] =	stream.indirect.gather [hbm4b:s4+s17], $0x40, s25, s17, $0xb8;
	[tilespmem:$0x1F000] =	vst v63  }
0x98: {  	_ =	swait.ge [sflag:s15], $0x8000  }
0x99: {  	[sflag:s15] =	ssyncset.done $0x0  }
0x9a: {  	s24 =	simm.s32 $0x4000;
	[sflag:s15] =	ssyncadd.s32 $0xFFFF8000  }
0x9b: {  	[spmem:s2] =	stream.indirect.scatter.add.f32 [tilespmem:s14], [sflag:$0x1], $0x40, s24, s17, $0xb8;
	[tilespmem:$0x1F000] =	vst v63  }
0x9c: {  	_ =	swait.ge [sflag:s23], $0x8000  }
0x9d: {  	[sflag:s23] =	ssyncset.done $0x0  }
0x9e: {  	s25 =	simm.s32 $0x1A00;
	[sflag:s23] =	ssyncadd.s32 $0xFFFF8000  }
0x9f: {  	[tilespmem:s18], [sflag:$0x3] =	stream.indirect.gather [hbm4b:s4+s17], $0x40, s25, s17, $0xb8;
	[tilespmem:$0x1F000] =	vst v63  }
0xa0: {  	_ =	swait.ge [sflag:s15], $0x8000  }
0xa1: {  	[sflag:s15] =	ssyncset.done $0x0  }
0xa2: {  	s24 =	simm.s32 $0x4200;
	[sflag:s15] =	ssyncadd.s32 $0xFFFF8000  }
0xa3: {  	[spmem:s2] =	stream.indirect.scatter.add.f32 [tilespmem:s18], [sflag:$0x2], $0x40, s24, s17, $0xb8;
	[tilespmem:$0x1F000] =	vst v63  }
0xa4: {  	_ =	swait.ge [sflag:s20], $0x8000  }
0xa5: {  	[sflag:s20] =	ssyncset.done $0x0  }
0xa6: {  	s25 =	simm.s32 $0x1C00;
	[sflag:s20] =	ssyncadd.s32 $0xFFFF8000  }
0xa7: {  	[tilespmem:s14], [sflag:$0x3] =	stream.indirect.gather [hbm4b:s4+s17], $0x40, s25, s17, $0xb8;
	[tilespmem:$0x1F000] =	vst v63  }
0xa8: {  	_ =	swait.ge [sflag:s15], $0x8000  }
0xa9: {  	[sflag:s15] =	ssyncset.done $0x0  }
0xaa: {  	s24 =	simm.s32 $0x4400;
	[sflag:s15] =	ssyncadd.s32 $0xFFFF8000  }
0xab: {  	[spmem:s2] =	stream.indirect.scatter.add.f32 [tilespmem:s14], [sflag:$0x1], $0x40, s24, s17, $0xb8;
	[tilespmem:$0x1F000] =	vst v63  }
0xac: {  	_ =	swait.ge [sflag:s23], $0x8000  }
0xad: {  	[sflag:s23] =	ssyncset.done $0x0  }
0xae: {  	s25 =	simm.s32 $0x1E00;
	[sflag:s23] =	ssyncadd.s32 $0xFFFF8000  }
0xaf: {  	[tilespmem:s18], [sflag:$0x3] =	stream.indirect.gather [hbm4b:s4+s17], $0x40, s25, s17, $0xb8;
	[tilespmem:$0x1F000] =	vst v63  }
0xb0: {  	_ =	swait.ge [sflag:s15], $0x8000  }
0xb1: {  	[sflag:s15] =	ssyncset.done $0x0  }
0xb2: {  	s24 =	simm.s32 $0x4600;
	[sflag:s15] =	ssyncadd.s32 $0xFFFF8000  }
0xb3: {  	[spmem:s2] =	stream.indirect.scatter.add.f32 [tilespmem:s18], [sflag:$0x2], $0x40, s24, s17, $0xb8;
	[tilespmem:$0x1F000] =	vst v63  }
0xb4: {  	_ =	swait.ge [sflag:s20], $0x8000  }
0xb5: {  	[sflag:s20] =	ssyncset.done $0x0  }
0xb6: {  	[sflag:s20] =	ssyncadd.s32 $0xFFFF8000  }
0xb7: {  	[tilespmem:s14], [sflag:$0x3] =	stream.indirect.gather [hbm4b:s4+s17], $0x40, s26, s17, $0xb8;
	[tilespmem:$0x1F000] =	vst v63  }
0xb8: {  	_ =	swait.ge [sflag:s15], $0x8000  }
0xb9: {  	[sflag:s15] =	ssyncset.done $0x0  }
0xba: {  	[sflag:s15] =	ssyncadd.s32 $0xFFFF8000  }
0xbb: {  	[spmem:s2] =	stream.indirect.scatter.add.f32 [tilespmem:s14], [sflag:$0x1], $0x40, s28, s17, $0xb8;
	[tilespmem:$0x1F000] =	vst v63  }
0xbc: {  	_ =	swait.ge [sflag:s23], $0x8000  }
0xbd: {  	[sflag:s23] =	ssyncset.done $0x0  }
0xbe: {  	[sflag:s23] =	ssyncadd.s32 $0xFFFF8000  }
0xbf: {  	[tilespmem:s18], [sflag:$0x3] =	stream.indirect.gather [hbm4b:s4+s17], $0x40, s29, s17, $0xb8;
	[tilespmem:$0x1F000] =	vst v63  }
0xc0: {  	_ =	swait.ge [sflag:s15], $0x8000  }
0xc1: {  	[sflag:s15] =	ssyncset.done $0x0  }
0xc2: {  	[sflag:s15] =	ssyncadd.s32 $0xFFFF8000  }
0xc3: {  	[spmem:s2] =	stream.indirect.scatter.add.f32 [tilespmem:s18], [sflag:$0x2], $0x40, s30, s17, $0xb8;
	[tilespmem:$0x1F000] =	vst v63  }
0xc4: {  	_ =	swait.ge [sflag:s20], $0x8000  }
0xc5: {  	[sflag:s20] =	ssyncset.done $0x0  }
0xc6: {  	[sflag:s20] =	ssyncadd.s32 $0xFFFF8000  }
0xc7: {  	[tilespmem:s14], [sflag:$0x3] =	stream.indirect.gather [hbm4b:s4+s17], $0x40, s31, s17, $0xb8;
	[tilespmem:$0x1F000] =	vst v63  }
0xc8: {  	_ =	swait.ge [sflag:s15], $0x8000  }
0xc9: {  	[sflag:s15] =	ssyncset.done $0x0  }
0xca: {  	[sflag:s15] =	ssyncadd.s32 $0xFFFF8000  }
0xcb: {  	[spmem:s2] =	stream.indirect.scatter.add.f32 [tilespmem:s14], [sflag:$0x1], $0x40, s1, s17, $0xb8;
	[tilespmem:$0x1F000] =	vst v63  }
0xcc: {  	_ =	swait.ge [sflag:s23], $0x8000  }
0xcd: {  	[sflag:s23] =	ssyncset.done $0x0  }
0xce: {  	[sflag:s23] =	ssyncadd.s32 $0xFFFF8000  }
0xcf: {  	[tilespmem:s18], [sflag:$0x3] =	stream.indirect.gather [hbm4b:s4+s17], $0x40, s0, s17, $0xb8;
	[tilespmem:$0x1F000] =	vst v63  }
0xd0: {  	_ =	swait.ge [sflag:s15], $0x8000  }
0xd1: {  	[sflag:s15] =	ssyncset.done $0x0  }
0xd2: {  	[sflag:s15] =	ssyncadd.s32 $0xFFFF8000  }
0xd3: {  	[spmem:s2] =	stream.indirect.scatter.add.f32 [tilespmem:s18], [sflag:$0x2], $0x40, s19, s17, $0xb8;
	[tilespmem:$0x1F000] =	vst v63  }
0xd4: {  	_ =	swait.ge [sflag:s20], $0x8000  }
0xd5: {  	[sflag:s20] =	ssyncset.done $0x0  }
0xd6: {  	[sflag:s20] =	ssyncadd.s32 $0xFFFF8000  }
0xd7: {  	s25 =	stileid.u32;
	_ =	swait.ge [sflag:s23], $0x8000  }
0xd8: {  	s21 =	sadd.s32 $0x1, s21;
	s22 =	sshll.u32 s25, $0x6;
	[sflag:s23] =	ssyncset.done $0x0  }
0xd9: {  	p0 =	sne.s32 s21, s13;
	s22 =	sor.u32 $0x1C03, s22;
	[sflag:s23] =	ssyncadd.s32 $0xFFFF8000  }
.Ltmp1:
0xda: {  	s24 =	sshrl.u32 s5, $0x3;
	[bflag:$0x0] =	sbarrier.arrive $0xFFFF;
	(pc) =	sbr.rel @p0 .LBB2_1-.Ltmp1, $4  }
0xdb: {  	[hbm:s12], [sflag:s22] =	dma.local [spmem:s24], $0x1400  }
0xdc: {  	_ =	swait.ge [sflag:s15], $0x1400  }
0xdd: {  	[sflag:s15] =	ssyncset.done $0x0  }
0xde: {  	[sflag:s15] =	ssyncadd.s32 $0xFFFFEC00  }
0xdf: {  	_ =	sfence.sel $0x180000  }
0xe0: {  	[bflag:$0x0] =	sbarrier.arrive $0xFFFF  }
0xe1: {  	_ =	strace $0x90000056  }
0xe2: {  	s0 =	stileid.u32;
	[bflag:$0x2] =	sbarrier.arrive $0xFFFF  }
0xe3: {  	p0 =	sne.s32 s0, $0x0;
	s0 =	rddreg [dreg:$0x3]  }
0xe4: {  	s0 =	sadd.s32 @!p0 $0x100000, s0  }
0xe5: {  	[sflag:s0] =	ssyncadd.tile.s32 @!p0 $0x1;
	_ =	shalt  }
.Lfunc_end2:
_tile_overlayer_lowered:
.L_overlay_start_2:
0xe6: {  	(tag) =	ssettag $0x2  }
0xe7: {  	s0 =	rddreg [dreg:$0x0];
	s2 =	stileid.u32  }
0xe8: {  	s1 =	rddreg [dreg:$0x1];
	p0 =	sne.s32 s2, $0x0  }
0xe9: {  	s3 =	rddreg [dreg:$0x2];
	[bflag:$0x3] =	sbarrier.arrive $0xFFFF;
	s2 =	simm.s32 @!p0 $0x1C03  }
0xea: {  	[timem:s3], [sflag:s2] =	dma.local @!p0 [hbm:s0], s1  }
0xeb: {  	s0 =	simm.s32 @!p0 $0x3  }
0xec: {  	_ =	swait.ge @!p0 [sflag:s0], s1  }
0xed: {  	s1 =	ssub.s32 @!p0 $0x0, s1;
	[sflag:s0] =	ssyncset.done @!p0 $0x0  }
0xee: {  	[sflag:s0] =	ssyncadd.s32 @!p0 s1  }
0xef: {  	[bflag:$0x3] =	sbarrier.arrive $0xFFFF  }
0xf0: {  	_ =	shalt  }

</sc_bundles>
